<compile_context>
chip_gen: v7x
topology: tpu7x:2x2x1
jax: 0.10.2.dev20260603
libtpu: 0.0.44.dev20260713+nightly
codegen_flags: <defaults>
</compile_context>

<pallas_src>
import functools

import jax
import jax.numpy as jnp
from jax import lax
from jax.experimental import pallas as pl
from jax.experimental.pallas import tpu as pltpu
from jax.experimental.pallas import tpu_sc as plsc

N_NODES = 10000
N_PAD = 10240
E_EDGES = 320000
NUM_CORES = 2
NUM_SUBCORES = 16
CHUNK = 128
NCHUNKS = E_EDGES // CHUNK
NCHUNKS_PAD = 2560
CPW_MAX = 80
SLICE = N_PAD // NUM_SUBCORES
LANES = 16
F32 = jnp.float32

_MESH = plsc.VectorSubcoreMesh(core_axis_name="c", subcore_axis_name="s")


def _worker_chunks(wid):
    nch = jnp.where(wid < 31, 80, 20)
    crow = pl.multiple_of(wid * CPW_MAX, 8)
    return crow, nch


def _rsqrt16(d):
    s = jnp.full((LANES,), 1.0, F32)
    for _ in range(10):
        s = jnp.where(d * s * s >= 2.0, s * 0.5, s)
    y = s
    for _ in range(6):
        y = y * (1.5 - 0.5 * d * y * y)
    return y


@functools.partial(
    pl.kernel,
    out_type=(
        jax.ShapeDtypeStruct((NUM_CORES, N_PAD), F32),
        jax.ShapeDtypeStruct((NUM_CORES, N_PAD), F32),
    ),
    mesh=_MESH,
    scratch_types=(
        pltpu.VMEM((CPW_MAX, CHUNK), jnp.int32),
        pltpu.VMEM((CPW_MAX, CHUNK), jnp.int32),
        pltpu.VMEM((CHUNK,), F32),
        pltpu.VMEM((N_PAD,), F32),
        pltpu.VMEM_SHARED((N_PAD,), F32),
        pltpu.VMEM_SHARED((N_PAD,), F32),
        pltpu.SemaphoreType.DMA,
    ),
)
def _deg_kernel(e_h, zeros_h, ones_h, dop_h, dip_h, sidx_v, didx_v,
                ones_v, buf_v, acc_o, acc_i, ssem):
    c = lax.axis_index("c")
    s = lax.axis_index("s")
    wid = c * NUM_SUBCORES + s
    crow, nch = _worker_chunks(wid)

    pltpu.sync_copy(ones_h, ones_v)

    @pl.when(s == 0)
    def _():
        pltpu.sync_copy(zeros_h, buf_v)
        pltpu.sync_copy(buf_v, acc_o)
        pltpu.sync_copy(buf_v, acc_i)
    plsc.subcore_barrier()

    pltpu.sync_copy(e_h.at[0, pl.ds(crow, CPW_MAX)], sidx_v)
    pltpu.sync_copy(e_h.at[1, pl.ds(crow, CPW_MAX)], didx_v)

    def scat(j, _):
        pltpu.async_copy(ones_v, acc_o.at[sidx_v.at[j]], ssem, add=True)
        pltpu.async_copy(ones_v, acc_i.at[didx_v.at[j]], ssem, add=True)
        return 0
    lax.fori_loop(0, nch, scat, 0)

    def drain(j, _):
        pltpu.make_async_copy(ones_v, acc_o.at[sidx_v.at[0]], ssem).wait()
        return 0
    lax.fori_loop(0, 2 * nch, drain, 0)
    plsc.subcore_barrier()

    @pl.when(s == 0)
    def _():
        pltpu.sync_copy(acc_o, buf_v)
        pltpu.sync_copy(buf_v, dop_h.at[c])
        pltpu.sync_copy(acc_i, buf_v)
        pltpu.sync_copy(buf_v, dip_h.at[c])


def _edge_pass(e_h, sidx_v, didx_v, vals_v, tbl_s, acc_s, gsem, ssem,
               crow, nch):
    pltpu.sync_copy(e_h.at[0, pl.ds(crow, CPW_MAX)], sidx_v)
    pltpu.sync_copy(e_h.at[1, pl.ds(crow, CPW_MAX)], didx_v)

    def gath(j, _):
        pltpu.async_copy(tbl_s.at[didx_v.at[j]], vals_v.at[j], gsem)
        return 0
    lax.fori_loop(0, nch, gath, 0)

    def gdrain(j, _):
        pltpu.make_async_copy(tbl_s.at[didx_v.at[0]], vals_v.at[0], gsem).wait()
        return 0
    lax.fori_loop(0, nch, gdrain, 0)

    def scat(j, _):
        pltpu.async_copy(vals_v.at[j], acc_s.at[sidx_v.at[j]], ssem, add=True)
        return 0
    lax.fori_loop(0, nch, scat, 0)

    def sdrain(j, _):
        pltpu.make_async_copy(vals_v.at[0], acc_s.at[sidx_v.at[0]], ssem).wait()
        return 0
    lax.fori_loop(0, nch, sdrain, 0)


@functools.partial(
    pl.kernel,
    out_type=(
        jax.ShapeDtypeStruct((NUM_CORES, N_PAD), F32),
        jax.ShapeDtypeStruct((N_PAD,), F32),
        jax.ShapeDtypeStruct((N_PAD,), F32),
    ),
    mesh=_MESH,
    scratch_types=(
        pltpu.VMEM((CPW_MAX, CHUNK), jnp.int32),
        pltpu.VMEM((CPW_MAX, CHUNK), jnp.int32),
        pltpu.VMEM((CPW_MAX, CHUNK), F32),
        pltpu.VMEM((N_PAD,), F32),
        pltpu.VMEM((SLICE,), F32),
        pltpu.VMEM((SLICE,), F32),
        pltpu.VMEM((SLICE,), F32),
        pltpu.VMEM((SLICE,), F32),
        pltpu.VMEM_SHARED((N_PAD,), F32),
        pltpu.VMEM_SHARED((N_PAD,), F32),
        pltpu.SemaphoreType.DMA,
        pltpu.SemaphoreType.DMA,
    ),
)
def _w_kernel(e_h, dop_h, dip_h, zeros_h, wp_h, ns_h, nd_h,
              sidx_v, didx_v, vals_v, buf_v, t0, t1, ns_sl, nd_sl,
              tbl_s, acc_s, gsem, ssem):
    c = lax.axis_index("c")
    s = lax.axis_index("s")
    wid = c * NUM_SUBCORES + s
    crow, nch = _worker_chunks(wid)
    base = pl.multiple_of(s * SLICE, 8)

    @pl.when(s == 0)
    def _():
        pltpu.sync_copy(zeros_h, buf_v)
        pltpu.sync_copy(buf_v, acc_s)

    pltpu.sync_copy(dop_h.at[0, pl.ds(base, SLICE)], t0)
    pltpu.sync_copy(dop_h.at[1, pl.ds(base, SLICE)], t1)

    def mk_ns(i, _):
        sl = pl.ds(i * LANES, LANES)
        d = jnp.maximum(t0[sl] + t1[sl], 1.0)
        ns_sl[sl] = _rsqrt16(d)
        return 0
    lax.fori_loop(0, SLICE // LANES, mk_ns, 0)

    pltpu.sync_copy(dip_h.at[0, pl.ds(base, SLICE)], t0)
    pltpu.sync_copy(dip_h.at[1, pl.ds(base, SLICE)], t1)

    def mk_nd(i, _):
        sl = pl.ds(i * LANES, LANES)
        d = jnp.maximum(t0[sl] + t1[sl], 1.0)
        nd_sl[sl] = _rsqrt16(d)
        return 0
    lax.fori_loop(0, SLICE // LANES, mk_nd, 0)

    pltpu.sync_copy(nd_sl, tbl_s.at[pl.ds(base, SLICE)])

    @pl.when(c == 0)
    def _():
        pltpu.sync_copy(ns_sl, ns_h.at[pl.ds(base, SLICE)])
        pltpu.sync_copy(nd_sl, nd_h.at[pl.ds(base, SLICE)])
    plsc.subcore_barrier()

    _edge_pass(e_h, sidx_v, didx_v, vals_v, tbl_s, acc_s, gsem, ssem,
               crow, nch)
    plsc.subcore_barrier()

    @pl.when(s == 0)
    def _():
        pltpu.sync_copy(acc_s, buf_v)
        pltpu.sync_copy(buf_v, wp_h.at[c])


@functools.partial(
    pl.kernel,
    out_type=jax.ShapeDtypeStruct((NUM_CORES, N_PAD), F32),
    mesh=_MESH,
    scratch_types=(
        pltpu.VMEM((CPW_MAX, CHUNK), jnp.int32),
        pltpu.VMEM((CPW_MAX, CHUNK), jnp.int32),
        pltpu.VMEM((CPW_MAX, CHUNK), F32),
        pltpu.VMEM((N_PAD,), F32),
        pltpu.VMEM((SLICE,), F32),
        pltpu.VMEM((SLICE,), F32),
        pltpu.VMEM((SLICE,), F32),
        pltpu.VMEM((SLICE,), F32),
        pltpu.VMEM_SHARED((N_PAD,), F32),
        pltpu.VMEM_SHARED((N_PAD,), F32),
        pltpu.SemaphoreType.DMA,
        pltpu.SemaphoreType.DMA,
    ),
)
def _v_kernel(e_h, wp_h, ns_h, nd_h, zeros_h, vp_h,
              sidx_v, didx_v, vals_v, buf_v, t0, t1, ns_sl, nd_sl,
              tbl_s, acc_s, gsem, ssem):
    c = lax.axis_index("c")
    s = lax.axis_index("s")
    wid = c * NUM_SUBCORES + s
    crow, nch = _worker_chunks(wid)
    base = pl.multiple_of(s * SLICE, 8)

    @pl.when(s == 0)
    def _():
        pltpu.sync_copy(zeros_h, buf_v)
        pltpu.sync_copy(buf_v, acc_s)

    pltpu.sync_copy(wp_h.at[0, pl.ds(base, SLICE)], t0)
    pltpu.sync_copy(wp_h.at[1, pl.ds(base, SLICE)], t1)
    pltpu.sync_copy(ns_h.at[pl.ds(base, SLICE)], ns_sl)
    pltpu.sync_copy(nd_h.at[pl.ds(base, SLICE)], nd_sl)

    def mk_u(i, _):
        sl = pl.ds(i * LANES, LANES)
        t0[sl] = nd_sl[sl] * (ns_sl[sl] * (t0[sl] + t1[sl]))
        return 0
    lax.fori_loop(0, SLICE // LANES, mk_u, 0)

    pltpu.sync_copy(t0, tbl_s.at[pl.ds(base, SLICE)])
    plsc.subcore_barrier()

    _edge_pass(e_h, sidx_v, didx_v, vals_v, tbl_s, acc_s, gsem, ssem,
               crow, nch)
    plsc.subcore_barrier()

    @pl.when(s == 0)
    def _():
        pltpu.sync_copy(acc_s, buf_v)
        pltpu.sync_copy(buf_v, vp_h.at[c])


ROWS = N_PAD // 128


def _final_body(vp_ref, wp_ref, ns_ref, x_ref, w1_ref, b1_ref, w2_ref,
                b2_ref, out_ref):
    nsb = ns_ref[...]
    w = nsb * (wp_ref[0] + wp_ref[1])
    v = nsb * (vp_ref[0] + vp_ref[1])
    sw = jnp.sum(w)
    y = jnp.zeros((1, 128), F32)
    for k in range(ROWS):
        vrow = lax.slice(v, (k, 0), (k + 1, 128))
        xblk = x_ref[pl.ds(k * 128, 128), :]
        y = y + jnp.dot(vrow, xblk, preferred_element_type=F32)
    t = jnp.dot(y, w1_ref[...], preferred_element_type=F32)
    t = jnp.dot(t, w2_ref[...], preferred_element_type=F32)
    bias = sw * jnp.dot(b1_ref[...], w2_ref[...], preferred_element_type=F32)
    out_ref[...] = (t + bias) * (1.0 / N_NODES) + b2_ref[...]


_final_call = pl.pallas_call(
    _final_body,
    out_shape=jax.ShapeDtypeStruct((1, 64), F32),
)


def kernel(x, edge_index, W1, b1, W2, b2):
    e3 = edge_index.reshape(2, NCHUNKS, CHUNK)
    e_pad = jnp.pad(e3, ((0, 0), (0, NCHUNKS_PAD - NCHUNKS), (0, 0)))

    zeros = jnp.zeros((N_PAD,), F32)
    ones = jnp.ones((CHUNK,), F32)

    dop, dip = _deg_kernel(e_pad, zeros, ones)
    wp, ns, nd = _w_kernel(e_pad, dop, dip, zeros)
    vp = _v_kernel(e_pad, wp, ns, nd, zeros)

    xp = jnp.pad(x, ((0, N_PAD - N_NODES), (0, 0)))
    out = _final_call(
        vp.reshape(2, ROWS, 128), wp.reshape(2, ROWS, 128),
        ns.reshape(ROWS, 128), xp, W1, b1.reshape(1, -1), W2,
        b2.reshape(1, -1))
    return out

# --- scband reference (transcript-rebuilt; emitter-appended) ---
"""Pipeline reference for scband-gcn-12618613916107 (READ-ONLY COPY).

The authoritative reference and input builder live on the scoring server;
editing this copy changes nothing except your own understanding.
"""

import jax, jax.numpy as jnp
import numpy as np

N = 10000
E = 320000
D_IN = 128
H1 = 128
H2 = 64


def setup_inputs(seed: int = 0) -> dict:
    key = jax.random.key(seed)
    k1, k2, k3, k4, k5, k6 = jax.random.split(key, 6)
    x = jax.random.normal(k1, (N, D_IN), dtype=jnp.float32)
    edge_index = jax.random.randint(k2, (2, E), 0, N, dtype=jnp.int32)
    W1 = jax.random.normal(k3, (D_IN, H1), dtype=jnp.float32) * (1.0 / np.sqrt(D_IN))
    b1 = jnp.zeros((H1,), dtype=jnp.float32)
    W2 = jax.random.normal(k4, (H1, H2), dtype=jnp.float32) * (1.0 / np.sqrt(H1))
    b2 = jnp.zeros((H2,), dtype=jnp.float32)
    return {"x": x, "edge_index": edge_index, "W1": W1, "b1": b1, "W2": W2, "b2": b2}


def _gcn_layer(x, src, dst, W, b):
    # DGL GraphConv with norm='both': D_out^{-1/2} A D_in^{-1/2} X W + b
    ones = jnp.ones((E,), dtype=jnp.float32)
    deg_out = jax.ops.segment_sum(ones, src, num_segments=N)
    deg_in = jax.ops.segment_sum(ones, dst, num_segments=N)
    norm_src = 1.0 / jnp.sqrt(jnp.clip(deg_out, 1.0))
    norm_dst = 1.0 / jnp.sqrt(jnp.clip(deg_in, 1.0))
    h = x * norm_src[:, None]
    h = h @ W
    msg = jnp.take(h, src, axis=0)
    agg = jax.ops.segment_sum(msg, dst, num_segments=N)
    return agg * norm_dst[:, None] + b


def reference(x, edge_index, W1, b1, W2, b2):
    src = edge_index[0]
    dst = edge_index[1]
    h = _gcn_layer(x, src, dst, W1, b1)
    h = _gcn_layer(h, src, dst, W2, b2)
    # dgl.mean_nodes: graph-level mean readout over all nodes (single graph)
    return jnp.mean(h, axis=0, keepdims=True)

if __name__ == "__main__":
    import jax
    _d = setup_inputs()
    print(jax.jit(kernel)(*tuple(_d.values())))

</pallas_src>

<mosaic_0001>
#map = affine_map<(d0, d1) -> (0, 0, 0)>
#map1 = affine_map<(d0, d1) -> (0, 0)>
#map2 = affine_map<(d0, d1) -> (0)>
module attributes {stable_mosaic.version = 14 : i64} {
  func.func @_w_kernel(%arg0: i32, %arg1: i32, %arg2: memref<2x2560x128xi32, #tpu.memory_space<hbm>>, %arg3: memref<2x10240xf32, #tpu.memory_space<hbm>>, %arg4: memref<2x10240xf32, #tpu.memory_space<hbm>>, %arg5: memref<10240xf32, #tpu.memory_space<hbm>>, %arg6: memref<2x10240xf32, #tpu.memory_space<hbm>>, %arg7: memref<10240xf32, #tpu.memory_space<hbm>>, %arg8: memref<10240xf32, #tpu.memory_space<hbm>>, %arg9: memref<80x128xi32, #tpu.memory_space<vmem>>, %arg10: memref<80x128xi32, #tpu.memory_space<vmem>>, %arg11: memref<80x128xf32, #tpu.memory_space<vmem>>, %arg12: memref<10240xf32, #tpu.memory_space<vmem>>, %arg13: memref<640xf32, #tpu.memory_space<vmem>>, %arg14: memref<640xf32, #tpu.memory_space<vmem>>, %arg15: memref<640xf32, #tpu.memory_space<vmem>>, %arg16: memref<640xf32, #tpu.memory_space<vmem>>, %arg17: memref<10240xf32, #tpu.memory_space<vmem_shared>>, %arg18: memref<10240xf32, #tpu.memory_space<vmem_shared>>, %arg19: memref<!tpu.dma_semaphore, #tpu.memory_space<semaphore_mem>>, %arg20: memref<!tpu.dma_semaphore, #tpu.memory_space<semaphore_mem>>) attributes {dimension_semantics = [#tpu.dimension_semantics<core_parallel>, #tpu.dimension_semantics<subcore_parallel>], iteration_bounds = array<i64: 2, 16>, scalar_prefetch = 0 : i64, scratch_operands = 12 : i64, tpu.core_type = #tpu.core_type<sc_vector_subcore>, window_params = [{transform_indices = #map}, {transform_indices = #map1}, {transform_indices = #map1}, {transform_indices = #map2}, {transform_indices = #map1}, {transform_indices = #map2}, {transform_indices = #map2}]} {
    %mul3A = arith.constant 16 : i32
    %mul3A_0 = arith.muli %arg0, %mul3A : i32
    %add3A = arith.addi %mul3A_0, %arg1 : i32
    %lt3A = arith.constant 31 : i32
    %lt3A_1 = arith.cmpi slt, %add3A, %lt3A : i32
    %jit3A = arith.constant 80 : i32
    %jit3A_2 = arith.constant 20 : i32
    %select_n3A = arith.select %lt3A_1, %jit3A, %jit3A_2 : i32
    %mul3A_3 = arith.constant 80 : i32
    %mul3A_4 = arith.muli %add3A, %mul3A_3 : i32
    %multiple_of3A = tpu.assume_multiple %mul3A_4, 8 : i32
    %mul3A_5 = arith.constant 640 : i32
    %mul3A_6 = arith.muli %arg1, %mul3A_5 : i32
    %multiple_of3A_7 = tpu.assume_multiple %mul3A_6, 8 : i32
    %eq3A = arith.constant 0 : i32
    %eq3A_8 = arith.cmpi eq, %arg1, %eq3A : i32
    %convert_element_type3A = arith.extui %eq3A_8 : i1 to i32
    %cond3A = arith.constant 0 : i32
    %cond3A_9 = arith.cmpi ne, %convert_element_type3A, %cond3A : i32
    scf.if %cond3A_9 {
      "tpu.region"() ({
        %run_scoped3A_86 = tpu.sem_alloc : memref<!tpu.dma_semaphore, #tpu.memory_space<semaphore_mem>>
        tpu.enqueue_dma source(%arg5 : memref<10240xf32, #tpu.memory_space<hbm>>) target(%arg12 : memref<10240xf32, #tpu.memory_space<vmem>>) target_semaphore(%run_scoped3A_86 : memref<!tpu.dma_semaphore, #tpu.memory_space<semaphore_mem>>)
        tpu.wait_dma2 semaphore(%run_scoped3A_86 : memref<!tpu.dma_semaphore, #tpu.memory_space<semaphore_mem>>) src(%arg5 : memref<10240xf32, #tpu.memory_space<hbm>>) dst(%arg12 : memref<10240xf32, #tpu.memory_space<vmem>>)
        tpu.yield
      }) : () -> ()
      "tpu.region"() ({
        %run_scoped3A_86 = tpu.sem_alloc : memref<!tpu.dma_semaphore, #tpu.memory_space<semaphore_mem>>
        tpu.enqueue_dma source(%arg12 : memref<10240xf32, #tpu.memory_space<vmem>>) target(%arg18 : memref<10240xf32, #tpu.memory_space<vmem_shared>>) target_semaphore(%run_scoped3A_86 : memref<!tpu.dma_semaphore, #tpu.memory_space<semaphore_mem>>)
        tpu.wait_dma2 semaphore(%run_scoped3A_86 : memref<!tpu.dma_semaphore, #tpu.memory_space<semaphore_mem>>) src(%arg12 : memref<10240xf32, #tpu.memory_space<vmem>>) dst(%arg18 : memref<10240xf32, #tpu.memory_space<vmem_shared>>)
        tpu.yield
      }) : () -> ()
    } else {
    }
    %run_scoped3A = arith.constant 0 : i32
    "tpu.region"() ({
      %run_scoped3A_86 = tpu.sem_alloc : memref<!tpu.dma_semaphore, #tpu.memory_space<semaphore_mem>>
      %dma_start3A = tpu.memref_slice %arg3[%run_scoped3A, %multiple_of3A_7] : memref<2x10240xf32, #tpu.memory_space<hbm>> -> memref<1x640xf32, #tpu.memory_space<hbm>>
      %dma_start3A_87 = tpu.memref_squeeze %dma_start3A : memref<1x640xf32, #tpu.memory_space<hbm>> -> memref<640xf32, #tpu.memory_space<hbm>>
      %dma_start3A_88 = tpu.memref_slice %arg3[%run_scoped3A, %multiple_of3A_7] : memref<2x10240xf32, #tpu.memory_space<hbm>> -> memref<1x640xf32, #tpu.memory_space<hbm>>
      %dma_start3A_89 = tpu.memref_squeeze %dma_start3A_88 : memref<1x640xf32, #tpu.memory_space<hbm>> -> memref<640xf32, #tpu.memory_space<hbm>>
      tpu.enqueue_dma source(%dma_start3A_89 : memref<640xf32, #tpu.memory_space<hbm>>) target(%arg13 : memref<640xf32, #tpu.memory_space<vmem>>) target_semaphore(%run_scoped3A_86 : memref<!tpu.dma_semaphore, #tpu.memory_space<semaphore_mem>>)
      %dma_wait3A = tpu.memref_slice %arg3[%run_scoped3A, %multiple_of3A_7] : memref<2x10240xf32, #tpu.memory_space<hbm>> -> memref<1x640xf32, #tpu.memory_space<hbm>>
      %dma_wait3A_90 = tpu.memref_squeeze %dma_wait3A : memref<1x640xf32, #tpu.memory_space<hbm>> -> memref<640xf32, #tpu.memory_space<hbm>>
      %dma_wait3A_91 = tpu.memref_slice %arg3[%run_scoped3A, %multiple_of3A_7] : memref<2x10240xf32, #tpu.memory_space<hbm>> -> memref<1x640xf32, #tpu.memory_space<hbm>>
      %dma_wait3A_92 = tpu.memref_squeeze %dma_wait3A_91 : memref<1x640xf32, #tpu.memory_space<hbm>> -> memref<640xf32, #tpu.memory_space<hbm>>
      tpu.wait_dma2 semaphore(%run_scoped3A_86 : memref<!tpu.dma_semaphore, #tpu.memory_space<semaphore_mem>>) src(%dma_wait3A_92 : memref<640xf32, #tpu.memory_space<hbm>>) dst(%arg13 : memref<640xf32, #tpu.memory_space<vmem>>)
      tpu.yield
    }) : () -> ()
    %run_scoped3A_10 = arith.constant 1 : i32
    "tpu.region"() ({
      %run_scoped3A_86 = tpu.sem_alloc : memref<!tpu.dma_semaphore, #tpu.memory_space<semaphore_mem>>
      %dma_start3A = tpu.memref_slice %arg3[%run_scoped3A_10, %multiple_of3A_7] : memref<2x10240xf32, #tpu.memory_space<hbm>> -> memref<1x640xf32, #tpu.memory_space<hbm>>
      %dma_start3A_87 = tpu.memref_squeeze %dma_start3A : memref<1x640xf32, #tpu.memory_space<hbm>> -> memref<640xf32, #tpu.memory_space<hbm>>
      %dma_start3A_88 = tpu.memref_slice %arg3[%run_scoped3A_10, %multiple_of3A_7] : memref<2x10240xf32, #tpu.memory_space<hbm>> -> memref<1x640xf32, #tpu.memory_space<hbm>>
      %dma_start3A_89 = tpu.memref_squeeze %dma_start3A_88 : memref<1x640xf32, #tpu.memory_space<hbm>> -> memref<640xf32, #tpu.memory_space<hbm>>
      tpu.enqueue_dma source(%dma_start3A_89 : memref<640xf32, #tpu.memory_space<hbm>>) target(%arg14 : memref<640xf32, #tpu.memory_space<vmem>>) target_semaphore(%run_scoped3A_86 : memref<!tpu.dma_semaphore, #tpu.memory_space<semaphore_mem>>)
      %dma_wait3A = tpu.memref_slice %arg3[%run_scoped3A_10, %multiple_of3A_7] : memref<2x10240xf32, #tpu.memory_space<hbm>> -> memref<1x640xf32, #tpu.memory_space<hbm>>
      %dma_wait3A_90 = tpu.memref_squeeze %dma_wait3A : memref<1x640xf32, #tpu.memory_space<hbm>> -> memref<640xf32, #tpu.memory_space<hbm>>
      %dma_wait3A_91 = tpu.memref_slice %arg3[%run_scoped3A_10, %multiple_of3A_7] : memref<2x10240xf32, #tpu.memory_space<hbm>> -> memref<1x640xf32, #tpu.memory_space<hbm>>
      %dma_wait3A_92 = tpu.memref_squeeze %dma_wait3A_91 : memref<1x640xf32, #tpu.memory_space<hbm>> -> memref<640xf32, #tpu.memory_space<hbm>>
      tpu.wait_dma2 semaphore(%run_scoped3A_86 : memref<!tpu.dma_semaphore, #tpu.memory_space<semaphore_mem>>) src(%dma_wait3A_92 : memref<640xf32, #tpu.memory_space<hbm>>) dst(%arg14 : memref<640xf32, #tpu.memory_space<vmem>>)
      tpu.yield
    }) : () -> ()
    %scan3A = arith.constant 0 : i32
    %scan3A_11 = arith.constant 0 : i32
    %scan3A_12 = arith.constant 40 : i32
    %scan3A_13 = arith.addi %scan3A_11, %scan3A_12 : i32
    %scan3A_14 = arith.constant 1 : i32
    %scan3A_15 = scf.for %scan3A_86 = %scan3A_11 to %scan3A_13 step %scan3A_14 iter_args(%scan3A_87 = %scan3A) -> (i32)  : i32 {
      %mul3A_88 = arith.constant 16 : i32
      %mul3A_89 = arith.muli %scan3A_86, %mul3A_88 : i32
      %get3A = arith.index_cast %mul3A_89 : i32 to index
      %get3A_90 = tpu.vector_load %arg13[%get3A] {strides = array<i32>} : memref<640xf32, #tpu.memory_space<vmem>>, vector<16xf32>,
      %get3A_91 = vector.shape_cast %get3A_90 : vector<16xf32> to vector<16xf32>
      %get3A_92 = arith.index_cast %mul3A_89 : i32 to index
      %get3A_93 = tpu.vector_load %arg14[%get3A_92] {strides = array<i32>} : memref<640xf32, #tpu.memory_space<vmem>>, vector<16xf32>,
      %get3A_94 = vector.shape_cast %get3A_93 : vector<16xf32> to vector<16xf32>
      %add3A_95 = arith.addf %get3A_91, %get3A_94 : vector<16xf32>
      %max3A = arith.constant 1.000000e+00 : f32
      %max3A_96 = vector.broadcast %max3A : f32 to vector<16xf32>
      %max3A_97 = arith.maximumf %add3A_95, %max3A_96 : vector<16xf32>
      %broadcast_in_dim3A = arith.constant 1.000000e+00 : f32
      %broadcast_in_dim3A_98 = vector.broadcast %broadcast_in_dim3A : f32 to vector<16xf32>
      %mul3A_99 = arith.mulf %max3A_97, %broadcast_in_dim3A_98 : vector<16xf32>
      %mul3A_100 = arith.mulf %mul3A_99, %broadcast_in_dim3A_98 : vector<16xf32>
      %ge3A = arith.constant 2.000000e+00 : f32
      %ge3A_101 = vector.broadcast %ge3A : f32 to vector<16xf32>
      %ge3A_102 = arith.cmpf oge, %mul3A_100, %ge3A_101 : vector<16xf32>
      %mul3A_103 = arith.constant 5.000000e-01 : f32
      %mul3A_104 = vector.broadcast %mul3A_103 : f32 to vector<16xf32>
      %mul3A_105 = arith.mulf %broadcast_in_dim3A_98, %mul3A_104 : vector<16xf32>
      %select_n3A_106 = arith.select %ge3A_102, %mul3A_105, %broadcast_in_dim3A_98 : vector<16xi1>, vector<16xf32>
      %mul3A_107 = arith.mulf %max3A_97, %select_n3A_106 : vector<16xf32>
      %mul3A_108 = arith.mulf %mul3A_107, %select_n3A_106 : vector<16xf32>
      %ge3A_109 = arith.constant 2.000000e+00 : f32
      %ge3A_110 = vector.broadcast %ge3A_109 : f32 to vector<16xf32>
      %ge3A_111 = arith.cmpf oge, %mul3A_108, %ge3A_110 : vector<16xf32>
      %mul3A_112 = arith.constant 5.000000e-01 : f32
      %mul3A_113 = vector.broadcast %mul3A_112 : f32 to vector<16xf32>
      %mul3A_114 = arith.mulf %select_n3A_106, %mul3A_113 : vector<16xf32>
      %select_n3A_115 = arith.select %ge3A_111, %mul3A_114, %select_n3A_106 : vector<16xi1>, vector<16xf32>
      %mul3A_116 = arith.mulf %max3A_97, %select_n3A_115 : vector<16xf32>
      %mul3A_117 = arith.mulf %mul3A_116, %select_n3A_115 : vector<16xf32>
      %ge3A_118 = arith.constant 2.000000e+00 : f32
      %ge3A_119 = vector.broadcast %ge3A_118 : f32 to vector<16xf32>
      %ge3A_120 = arith.cmpf oge, %mul3A_117, %ge3A_119 : vector<16xf32>
      %mul3A_121 = arith.constant 5.000000e-01 : f32
      %mul3A_122 = vector.broadcast %mul3A_121 : f32 to vector<16xf32>
      %mul3A_123 = arith.mulf %select_n3A_115, %mul3A_122 : vector<16xf32>
      %select_n3A_124 = arith.select %ge3A_120, %mul3A_123, %select_n3A_115 : vector<16xi1>, vector<16xf32>
      %mul3A_125 = arith.mulf %max3A_97, %select_n3A_124 : vector<16xf32>
      %mul3A_126 = arith.mulf %mul3A_125, %select_n3A_124 : vector<16xf32>
      %ge3A_127 = arith.constant 2.000000e+00 : f32
      %ge3A_128 = vector.broadcast %ge3A_127 : f32 to vector<16xf32>
      %ge3A_129 = arith.cmpf oge, %mul3A_126, %ge3A_128 : vector<16xf32>
      %mul3A_130 = arith.constant 5.000000e-01 : f32
      %mul3A_131 = vector.broadcast %mul3A_130 : f32 to vector<16xf32>
      %mul3A_132 = arith.mulf %select_n3A_124, %mul3A_131 : vector<16xf32>
      %select_n3A_133 = arith.select %ge3A_129, %mul3A_132, %select_n3A_124 : vector<16xi1>, vector<16xf32>
      %mul3A_134 = arith.mulf %max3A_97, %select_n3A_133 : vector<16xf32>
      %mul3A_135 = arith.mulf %mul3A_134, %select_n3A_133 : vector<16xf32>
      %ge3A_136 = arith.constant 2.000000e+00 : f32
      %ge3A_137 = vector.broadcast %ge3A_136 : f32 to vector<16xf32>
      %ge3A_138 = arith.cmpf oge, %mul3A_135, %ge3A_137 : vector<16xf32>
      %mul3A_139 = arith.constant 5.000000e-01 : f32
      %mul3A_140 = vector.broadcast %mul3A_139 : f32 to vector<16xf32>
      %mul3A_141 = arith.mulf %select_n3A_133, %mul3A_140 : vector<16xf32>
      %select_n3A_142 = arith.select %ge3A_138, %mul3A_141, %select_n3A_133 : vector<16xi1>, vector<16xf32>
      %mul3A_143 = arith.mulf %max3A_97, %select_n3A_142 : vector<16xf32>
      %mul3A_144 = arith.mulf %mul3A_143, %select_n3A_142 : vector<16xf32>
      %ge3A_145 = arith.constant 2.000000e+00 : f32
      %ge3A_146 = vector.broadcast %ge3A_145 : f32 to vector<16xf32>
      %ge3A_147 = arith.cmpf oge, %mul3A_144, %ge3A_146 : vector<16xf32>
      %mul3A_148 = arith.constant 5.000000e-01 : f32
      %mul3A_149 = vector.broadcast %mul3A_148 : f32 to vector<16xf32>
      %mul3A_150 = arith.mulf %select_n3A_142, %mul3A_149 : vector<16xf32>
      %select_n3A_151 = arith.select %ge3A_147, %mul3A_150, %select_n3A_142 : vector<16xi1>, vector<16xf32>
      %mul3A_152 = arith.mulf %max3A_97, %select_n3A_151 : vector<16xf32>
      %mul3A_153 = arith.mulf %mul3A_152, %select_n3A_151 : vector<16xf32>
      %ge3A_154 = arith.constant 2.000000e+00 : f32
      %ge3A_155 = vector.broadcast %ge3A_154 : f32 to vector<16xf32>
      %ge3A_156 = arith.cmpf oge, %mul3A_153, %ge3A_155 : vector<16xf32>
      %mul3A_157 = arith.constant 5.000000e-01 : f32
      %mul3A_158 = vector.broadcast %mul3A_157 : f32 to vector<16xf32>
      %mul3A_159 = arith.mulf %select_n3A_151, %mul3A_158 : vector<16xf32>
      %select_n3A_160 = arith.select %ge3A_156, %mul3A_159, %select_n3A_151 : vector<16xi1>, vector<16xf32>
      %mul3A_161 = arith.mulf %max3A_97, %select_n3A_160 : vector<16xf32>
      %mul3A_162 = arith.mulf %mul3A_161, %select_n3A_160 : vector<16xf32>
      %ge3A_163 = arith.constant 2.000000e+00 : f32
      %ge3A_164 = vector.broadcast %ge3A_163 : f32 to vector<16xf32>
      %ge3A_165 = arith.cmpf oge, %mul3A_162, %ge3A_164 : vector<16xf32>
      %mul3A_166 = arith.constant 5.000000e-01 : f32
      %mul3A_167 = vector.broadcast %mul3A_166 : f32 to vector<16xf32>
      %mul3A_168 = arith.mulf %select_n3A_160, %mul3A_167 : vector<16xf32>
      %select_n3A_169 = arith.select %ge3A_165, %mul3A_168, %select_n3A_160 : vector<16xi1>, vector<16xf32>
      %mul3A_170 = arith.mulf %max3A_97, %select_n3A_169 : vector<16xf32>
      %mul3A_171 = arith.mulf %mul3A_170, %select_n3A_169 : vector<16xf32>
      %ge3A_172 = arith.constant 2.000000e+00 : f32
      %ge3A_173 = vector.broadcast %ge3A_172 : f32 to vector<16xf32>
      %ge3A_174 = arith.cmpf oge, %mul3A_171, %ge3A_173 : vector<16xf32>
      %mul3A_175 = arith.constant 5.000000e-01 : f32
      %mul3A_176 = vector.broadcast %mul3A_175 : f32 to vector<16xf32>
      %mul3A_177 = arith.mulf %select_n3A_169, %mul3A_176 : vector<16xf32>
      %select_n3A_178 = arith.select %ge3A_174, %mul3A_177, %select_n3A_169 : vector<16xi1>, vector<16xf32>
      %mul3A_179 = arith.mulf %max3A_97, %select_n3A_178 : vector<16xf32>
      %mul3A_180 = arith.mulf %mul3A_179, %select_n3A_178 : vector<16xf32>
      %ge3A_181 = arith.constant 2.000000e+00 : f32
      %ge3A_182 = vector.broadcast %ge3A_181 : f32 to vector<16xf32>
      %ge3A_183 = arith.cmpf oge, %mul3A_180, %ge3A_182 : vector<16xf32>
      %mul3A_184 = arith.constant 5.000000e-01 : f32
      %mul3A_185 = vector.broadcast %mul3A_184 : f32 to vector<16xf32>
      %mul3A_186 = arith.mulf %select_n3A_178, %mul3A_185 : vector<16xf32>
      %select_n3A_187 = arith.select %ge3A_183, %mul3A_186, %select_n3A_178 : vector<16xi1>, vector<16xf32>
      %mul3A_188 = arith.constant 5.000000e-01 : f32
      %mul3A_189 = vector.broadcast %mul3A_188 : f32 to vector<16xf32>
      %mul3A_190 = arith.mulf %mul3A_189, %max3A_97 : vector<16xf32>
      %mul3A_191 = arith.mulf %mul3A_190, %select_n3A_187 : vector<16xf32>
      %mul3A_192 = arith.mulf %mul3A_191, %select_n3A_187 : vector<16xf32>
      %sub3A = arith.constant 1.500000e+00 : f32
      %sub3A_193 = vector.broadcast %sub3A : f32 to vector<16xf32>
      %sub3A_194 = arith.subf %sub3A_193, %mul3A_192 : vector<16xf32>
      %mul3A_195 = arith.mulf %select_n3A_187, %sub3A_194 : vector<16xf32>
      %mul3A_196 = arith.constant 5.000000e-01 : f32
      %mul3A_197 = vector.broadcast %mul3A_196 : f32 to vector<16xf32>
      %mul3A_198 = arith.mulf %mul3A_197, %max3A_97 : vector<16xf32>
      %mul3A_199 = arith.mulf %mul3A_198, %mul3A_195 : vector<16xf32>
      %mul3A_200 = arith.mulf %mul3A_199, %mul3A_195 : vector<16xf32>
      %sub3A_201 = arith.constant 1.500000e+00 : f32
      %sub3A_202 = vector.broadcast %sub3A_201 : f32 to vector<16xf32>
      %sub3A_203 = arith.subf %sub3A_202, %mul3A_200 : vector<16xf32>
      %mul3A_204 = arith.mulf %mul3A_195, %sub3A_203 : vector<16xf32>
      %mul3A_205 = arith.constant 5.000000e-01 : f32
      %mul3A_206 = vector.broadcast %mul3A_205 : f32 to vector<16xf32>
      %mul3A_207 = arith.mulf %mul3A_206, %max3A_97 : vector<16xf32>
      %mul3A_208 = arith.mulf %mul3A_207, %mul3A_204 : vector<16xf32>
      %mul3A_209 = arith.mulf %mul3A_208, %mul3A_204 : vector<16xf32>
      %sub3A_210 = arith.constant 1.500000e+00 : f32
      %sub3A_211 = vector.broadcast %sub3A_210 : f32 to vector<16xf32>
      %sub3A_212 = arith.subf %sub3A_211, %mul3A_209 : vector<16xf32>
      %mul3A_213 = arith.mulf %mul3A_204, %sub3A_212 : vector<16xf32>
      %mul3A_214 = arith.constant 5.000000e-01 : f32
      %mul3A_215 = vector.broadcast %mul3A_214 : f32 to vector<16xf32>
      %mul3A_216 = arith.mulf %mul3A_215, %max3A_97 : vector<16xf32>
      %mul3A_217 = arith.mulf %mul3A_216, %mul3A_213 : vector<16xf32>
      %mul3A_218 = arith.mulf %mul3A_217, %mul3A_213 : vector<16xf32>
      %sub3A_219 = arith.constant 1.500000e+00 : f32
      %sub3A_220 = vector.broadcast %sub3A_219 : f32 to vector<16xf32>
      %sub3A_221 = arith.subf %sub3A_220, %mul3A_218 : vector<16xf32>
      %mul3A_222 = arith.mulf %mul3A_213, %sub3A_221 : vector<16xf32>
      %mul3A_223 = arith.constant 5.000000e-01 : f32
      %mul3A_224 = vector.broadcast %mul3A_223 : f32 to vector<16xf32>
      %mul3A_225 = arith.mulf %mul3A_224, %max3A_97 : vector<16xf32>
      %mul3A_226 = arith.mulf %mul3A_225, %mul3A_222 : vector<16xf32>
      %mul3A_227 = arith.mulf %mul3A_226, %mul3A_222 : vector<16xf32>
      %sub3A_228 = arith.constant 1.500000e+00 : f32
      %sub3A_229 = vector.broadcast %sub3A_228 : f32 to vector<16xf32>
      %sub3A_230 = arith.subf %sub3A_229, %mul3A_227 : vector<16xf32>
      %mul3A_231 = arith.mulf %mul3A_222, %sub3A_230 : vector<16xf32>
      %mul3A_232 = arith.constant 5.000000e-01 : f32
      %mul3A_233 = vector.broadcast %mul3A_232 : f32 to vector<16xf32>
      %mul3A_234 = arith.mulf %mul3A_233, %max3A_97 : vector<16xf32>
      %mul3A_235 = arith.mulf %mul3A_234, %mul3A_231 : vector<16xf32>
      %mul3A_236 = arith.mulf %mul3A_235, %mul3A_231 : vector<16xf32>
      %sub3A_237 = arith.constant 1.500000e+00 : f32
      %sub3A_238 = vector.broadcast %sub3A_237 : f32 to vector<16xf32>
      %sub3A_239 = arith.subf %sub3A_238, %mul3A_236 : vector<16xf32>
      %mul3A_240 = arith.mulf %mul3A_231, %sub3A_239 : vector<16xf32>
      %swap3A = arith.index_cast %mul3A_89 : i32 to index
      %swap3A_241 = tpu.vector_load %arg15[%swap3A] {strides = array<i32>} : memref<640xf32, #tpu.memory_space<vmem>>, vector<16xf32>,
      %swap3A_242 = vector.shape_cast %swap3A_241 : vector<16xf32> to vector<16xf32>
      %swap3A_243 = vector.shape_cast %mul3A_240 : vector<16xf32> to vector<16xf32>
      tpu.vector_store %arg15[%swap3A], %swap3A_243 {strides = array<i32>} : memref<640xf32, #tpu.memory_space<vmem>>, vector<16xf32>,
      %scan3A_244 = arith.constant 0 : i32
      scf.yield %scan3A_244 : i32
    }
    %scan3A_16 = arith.constant 40 : i32
    %run_scoped3A_17 = arith.constant 0 : i32
    "tpu.region"() ({
      %run_scoped3A_86 = tpu.sem_alloc : memref<!tpu.dma_semaphore, #tpu.memory_space<semaphore_mem>>
      %dma_start3A = tpu.memref_slice %arg4[%run_scoped3A_17, %multiple_of3A_7] : memref<2x10240xf32, #tpu.memory_space<hbm>> -> memref<1x640xf32, #tpu.memory_space<hbm>>
      %dma_start3A_87 = tpu.memref_squeeze %dma_start3A : memref<1x640xf32, #tpu.memory_space<hbm>> -> memref<640xf32, #tpu.memory_space<hbm>>
      %dma_start3A_88 = tpu.memref_slice %arg4[%run_scoped3A_17, %multiple_of3A_7] : memref<2x10240xf32, #tpu.memory_space<hbm>> -> memref<1x640xf32, #tpu.memory_space<hbm>>
      %dma_start3A_89 = tpu.memref_squeeze %dma_start3A_88 : memref<1x640xf32, #tpu.memory_space<hbm>> -> memref<640xf32, #tpu.memory_space<hbm>>
      tpu.enqueue_dma source(%dma_start3A_89 : memref<640xf32, #tpu.memory_space<hbm>>) target(%arg13 : memref<640xf32, #tpu.memory_space<vmem>>) target_semaphore(%run_scoped3A_86 : memref<!tpu.dma_semaphore, #tpu.memory_space<semaphore_mem>>)
      %dma_wait3A = tpu.memref_slice %arg4[%run_scoped3A_17, %multiple_of3A_7] : memref<2x10240xf32, #tpu.memory_space<hbm>> -> memref<1x640xf32, #tpu.memory_space<hbm>>
      %dma_wait3A_90 = tpu.memref_squeeze %dma_wait3A : memref<1x640xf32, #tpu.memory_space<hbm>> -> memref<640xf32, #tpu.memory_space<hbm>>
      %dma_wait3A_91 = tpu.memref_slice %arg4[%run_scoped3A_17, %multiple_of3A_7] : memref<2x10240xf32, #tpu.memory_space<hbm>> -> memref<1x640xf32, #tpu.memory_space<hbm>>
      %dma_wait3A_92 = tpu.memref_squeeze %dma_wait3A_91 : memref<1x640xf32, #tpu.memory_space<hbm>> -> memref<640xf32, #tpu.memory_space<hbm>>
      tpu.wait_dma2 semaphore(%run_scoped3A_86 : memref<!tpu.dma_semaphore, #tpu.memory_space<semaphore_mem>>) src(%dma_wait3A_92 : memref<640xf32, #tpu.memory_space<hbm>>) dst(%arg13 : memref<640xf32, #tpu.memory_space<vmem>>)
      tpu.yield
    }) : () -> ()
    %run_scoped3A_18 = arith.constant 1 : i32
    "tpu.region"() ({
      %run_scoped3A_86 = tpu.sem_alloc : memref<!tpu.dma_semaphore, #tpu.memory_space<semaphore_mem>>
      %dma_start3A = tpu.memref_slice %arg4[%run_scoped3A_18, %multiple_of3A_7] : memref<2x10240xf32, #tpu.memory_space<hbm>> -> memref<1x640xf32, #tpu.memory_space<hbm>>
      %dma_start3A_87 = tpu.memref_squeeze %dma_start3A : memref<1x640xf32, #tpu.memory_space<hbm>> -> memref<640xf32, #tpu.memory_space<hbm>>
      %dma_start3A_88 = tpu.memref_slice %arg4[%run_scoped3A_18, %multiple_of3A_7] : memref<2x10240xf32, #tpu.memory_space<hbm>> -> memref<1x640xf32, #tpu.memory_space<hbm>>
      %dma_start3A_89 = tpu.memref_squeeze %dma_start3A_88 : memref<1x640xf32, #tpu.memory_space<hbm>> -> memref<640xf32, #tpu.memory_space<hbm>>
      tpu.enqueue_dma source(%dma_start3A_89 : memref<640xf32, #tpu.memory_space<hbm>>) target(%arg14 : memref<640xf32, #tpu.memory_space<vmem>>) target_semaphore(%run_scoped3A_86 : memref<!tpu.dma_semaphore, #tpu.memory_space<semaphore_mem>>)
      %dma_wait3A = tpu.memref_slice %arg4[%run_scoped3A_18, %multiple_of3A_7] : memref<2x10240xf32, #tpu.memory_space<hbm>> -> memref<1x640xf32, #tpu.memory_space<hbm>>
      %dma_wait3A_90 = tpu.memref_squeeze %dma_wait3A : memref<1x640xf32, #tpu.memory_space<hbm>> -> memref<640xf32, #tpu.memory_space<hbm>>
      %dma_wait3A_91 = tpu.memref_slice %arg4[%run_scoped3A_18, %multiple_of3A_7] : memref<2x10240xf32, #tpu.memory_space<hbm>> -> memref<1x640xf32, #tpu.memory_space<hbm>>
      %dma_wait3A_92 = tpu.memref_squeeze %dma_wait3A_91 : memref<1x640xf32, #tpu.memory_space<hbm>> -> memref<640xf32, #tpu.memory_space<hbm>>
      tpu.wait_dma2 semaphore(%run_scoped3A_86 : memref<!tpu.dma_semaphore, #tpu.memory_space<semaphore_mem>>) src(%dma_wait3A_92 : memref<640xf32, #tpu.memory_space<hbm>>) dst(%arg14 : memref<640xf32, #tpu.memory_space<vmem>>)
      tpu.yield
    }) : () -> ()
    %scan3A_19 = arith.constant 0 : i32
    %scan3A_20 = arith.constant 0 : i32
    %scan3A_21 = arith.constant 40 : i32
    %scan3A_22 = arith.addi %scan3A_20, %scan3A_21 : i32
    %scan3A_23 = arith.constant 1 : i32
    %scan3A_24 = scf.for %scan3A_86 = %scan3A_20 to %scan3A_22 step %scan3A_23 iter_args(%scan3A_87 = %scan3A_19) -> (i32)  : i32 {
      %mul3A_88 = arith.constant 16 : i32
      %mul3A_89 = arith.muli %scan3A_86, %mul3A_88 : i32
      %get3A = arith.index_cast %mul3A_89 : i32 to index
      %get3A_90 = tpu.vector_load %arg13[%get3A] {strides = array<i32>} : memref<640xf32, #tpu.memory_space<vmem>>, vector<16xf32>,
      %get3A_91 = vector.shape_cast %get3A_90 : vector<16xf32> to vector<16xf32>
      %get3A_92 = arith.index_cast %mul3A_89 : i32 to index
      %get3A_93 = tpu.vector_load %arg14[%get3A_92] {strides = array<i32>} : memref<640xf32, #tpu.memory_space<vmem>>, vector<16xf32>,
      %get3A_94 = vector.shape_cast %get3A_93 : vector<16xf32> to vector<16xf32>
      %add3A_95 = arith.addf %get3A_91, %get3A_94 : vector<16xf32>
      %max3A = arith.constant 1.000000e+00 : f32
      %max3A_96 = vector.broadcast %max3A : f32 to vector<16xf32>
      %max3A_97 = arith.maximumf %add3A_95, %max3A_96 : vector<16xf32>
      %broadcast_in_dim3A = arith.constant 1.000000e+00 : f32
      %broadcast_in_dim3A_98 = vector.broadcast %broadcast_in_dim3A : f32 to vector<16xf32>
      %mul3A_99 = arith.mulf %max3A_97, %broadcast_in_dim3A_98 : vector<16xf32>
      %mul3A_100 = arith.mulf %mul3A_99, %broadcast_in_dim3A_98 : vector<16xf32>
      %ge3A = arith.constant 2.000000e+00 : f32
      %ge3A_101 = vector.broadcast %ge3A : f32 to vector<16xf32>
      %ge3A_102 = arith.cmpf oge, %mul3A_100, %ge3A_101 : vector<16xf32>
      %mul3A_103 = arith.constant 5.000000e-01 : f32
      %mul3A_104 = vector.broadcast %mul3A_103 : f32 to vector<16xf32>
      %mul3A_105 = arith.mulf %broadcast_in_dim3A_98, %mul3A_104 : vector<16xf32>
      %select_n3A_106 = arith.select %ge3A_102, %mul3A_105, %broadcast_in_dim3A_98 : vector<16xi1>, vector<16xf32>
      %mul3A_107 = arith.mulf %max3A_97, %select_n3A_106 : vector<16xf32>
      %mul3A_108 = arith.mulf %mul3A_107, %select_n3A_106 : vector<16xf32>
      %ge3A_109 = arith.constant 2.000000e+00 : f32
      %ge3A_110 = vector.broadcast %ge3A_109 : f32 to vector<16xf32>
      %ge3A_111 = arith.cmpf oge, %mul3A_108, %ge3A_110 : vector<16xf32>
      %mul3A_112 = arith.constant 5.000000e-01 : f32
      %mul3A_113 = vector.broadcast %mul3A_112 : f32 to vector<16xf32>
      %mul3A_114 = arith.mulf %select_n3A_106, %mul3A_113 : vector<16xf32>
      %select_n3A_115 = arith.select %ge3A_111, %mul3A_114, %select_n3A_106 : vector<16xi1>, vector<16xf32>
      %mul3A_116 = arith.mulf %max3A_97, %select_n3A_115 : vector<16xf32>
      %mul3A_117 = arith.mulf %mul3A_116, %select_n3A_115 : vector<16xf32>
      %ge3A_118 = arith.constant 2.000000e+00 : f32
      %ge3A_119 = vector.broadcast %ge3A_118 : f32 to vector<16xf32>
      %ge3A_120 = arith.cmpf oge, %mul3A_117, %ge3A_119 : vector<16xf32>
      %mul3A_121 = arith.constant 5.000000e-01 : f32
      %mul3A_122 = vector.broadcast %mul3A_121 : f32 to vector<16xf32>
      %mul3A_123 = arith.mulf %select_n3A_115, %mul3A_122 : vector<16xf32>
      %select_n3A_124 = arith.select %ge3A_120, %mul3A_123, %select_n3A_115 : vector<16xi1>, vector<16xf32>
      %mul3A_125 = arith.mulf %max3A_97, %select_n3A_124 : vector<16xf32>
      %mul3A_126 = arith.mulf %mul3A_125, %select_n3A_124 : vector<16xf32>
      %ge3A_127 = arith.constant 2.000000e+00 : f32
      %ge3A_128 = vector.broadcast %ge3A_127 : f32 to vector<16xf32>
      %ge3A_129 = arith.cmpf oge, %mul3A_126, %ge3A_128 : vector<16xf32>
      %mul3A_130 = arith.constant 5.000000e-01 : f32
      %mul3A_131 = vector.broadcast %mul3A_130 : f32 to vector<16xf32>
      %mul3A_132 = arith.mulf %select_n3A_124, %mul3A_131 : vector<16xf32>
      %select_n3A_133 = arith.select %ge3A_129, %mul3A_132, %select_n3A_124 : vector<16xi1>, vector<16xf32>
      %mul3A_134 = arith.mulf %max3A_97, %select_n3A_133 : vector<16xf32>
      %mul3A_135 = arith.mulf %mul3A_134, %select_n3A_133 : vector<16xf32>
      %ge3A_136 = arith.constant 2.000000e+00 : f32
      %ge3A_137 = vector.broadcast %ge3A_136 : f32 to vector<16xf32>
      %ge3A_138 = arith.cmpf oge, %mul3A_135, %ge3A_137 : vector<16xf32>
      %mul3A_139 = arith.constant 5.000000e-01 : f32
      %mul3A_140 = vector.broadcast %mul3A_139 : f32 to vector<16xf32>
      %mul3A_141 = arith.mulf %select_n3A_133, %mul3A_140 : vector<16xf32>
      %select_n3A_142 = arith.select %ge3A_138, %mul3A_141, %select_n3A_133 : vector<16xi1>, vector<16xf32>
      %mul3A_143 = arith.mulf %max3A_97, %select_n3A_142 : vector<16xf32>
      %mul3A_144 = arith.mulf %mul3A_143, %select_n3A_142 : vector<16xf32>
      %ge3A_145 = arith.constant 2.000000e+00 : f32
      %ge3A_146 = vector.broadcast %ge3A_145 : f32 to vector<16xf32>
      %ge3A_147 = arith.cmpf oge, %mul3A_144, %ge3A_146 : vector<16xf32>
      %mul3A_148 = arith.constant 5.000000e-01 : f32
      %mul3A_149 = vector.broadcast %mul3A_148 : f32 to vector<16xf32>
      %mul3A_150 = arith.mulf %select_n3A_142, %mul3A_149 : vector<16xf32>
      %select_n3A_151 = arith.select %ge3A_147, %mul3A_150, %select_n3A_142 : vector<16xi1>, vector<16xf32>
      %mul3A_152 = arith.mulf %max3A_97, %select_n3A_151 : vector<16xf32>
      %mul3A_153 = arith.mulf %mul3A_152, %select_n3A_151 : vector<16xf32>
      %ge3A_154 = arith.constant 2.000000e+00 : f32
      %ge3A_155 = vector.broadcast %ge3A_154 : f32 to vector<16xf32>
      %ge3A_156 = arith.cmpf oge, %mul3A_153, %ge3A_155 : vector<16xf32>
      %mul3A_157 = arith.constant 5.000000e-01 : f32
      %mul3A_158 = vector.broadcast %mul3A_157 : f32 to vector<16xf32>
      %mul3A_159 = arith.mulf %select_n3A_151, %mul3A_158 : vector<16xf32>
      %select_n3A_160 = arith.select %ge3A_156, %mul3A_159, %select_n3A_151 : vector<16xi1>, vector<16xf32>
      %mul3A_161 = arith.mulf %max3A_97, %select_n3A_160 : vector<16xf32>
      %mul3A_162 = arith.mulf %mul3A_161, %select_n3A_160 : vector<16xf32>
      %ge3A_163 = arith.constant 2.000000e+00 : f32
      %ge3A_164 = vector.broadcast %ge3A_163 : f32 to vector<16xf32>
      %ge3A_165 = arith.cmpf oge, %mul3A_162, %ge3A_164 : vector<16xf32>
      %mul3A_166 = arith.constant 5.000000e-01 : f32
      %mul3A_167 = vector.broadcast %mul3A_166 : f32 to vector<16xf32>
      %mul3A_168 = arith.mulf %select_n3A_160, %mul3A_167 : vector<16xf32>
      %select_n3A_169 = arith.select %ge3A_165, %mul3A_168, %select_n3A_160 : vector<16xi1>, vector<16xf32>
      %mul3A_170 = arith.mulf %max3A_97, %select_n3A_169 : vector<16xf32>
      %mul3A_171 = arith.mulf %mul3A_170, %select_n3A_169 : vector<16xf32>
      %ge3A_172 = arith.constant 2.000000e+00 : f32
      %ge3A_173 = vector.broadcast %ge3A_172 : f32 to vector<16xf32>
      %ge3A_174 = arith.cmpf oge, %mul3A_171, %ge3A_173 : vector<16xf32>
      %mul3A_175 = arith.constant 5.000000e-01 : f32
      %mul3A_176 = vector.broadcast %mul3A_175 : f32 to vector<16xf32>
      %mul3A_177 = arith.mulf %select_n3A_169, %mul3A_176 : vector<16xf32>
      %select_n3A_178 = arith.select %ge3A_174, %mul3A_177, %select_n3A_169 : vector<16xi1>, vector<16xf32>
      %mul3A_179 = arith.mulf %max3A_97, %select_n3A_178 : vector<16xf32>
      %mul3A_180 = arith.mulf %mul3A_179, %select_n3A_178 : vector<16xf32>
      %ge3A_181 = arith.constant 2.000000e+00 : f32
      %ge3A_182 = vector.broadcast %ge3A_181 : f32 to vector<16xf32>
      %ge3A_183 = arith.cmpf oge, %mul3A_180, %ge3A_182 : vector<16xf32>
      %mul3A_184 = arith.constant 5.000000e-01 : f32
      %mul3A_185 = vector.broadcast %mul3A_184 : f32 to vector<16xf32>
      %mul3A_186 = arith.mulf %select_n3A_178, %mul3A_185 : vector<16xf32>
      %select_n3A_187 = arith.select %ge3A_183, %mul3A_186, %select_n3A_178 : vector<16xi1>, vector<16xf32>
      %mul3A_188 = arith.constant 5.000000e-01 : f32
      %mul3A_189 = vector.broadcast %mul3A_188 : f32 to vector<16xf32>
      %mul3A_190 = arith.mulf %mul3A_189, %max3A_97 : vector<16xf32>
      %mul3A_191 = arith.mulf %mul3A_190, %select_n3A_187 : vector<16xf32>
      %mul3A_192 = arith.mulf %mul3A_191, %select_n3A_187 : vector<16xf32>
      %sub3A = arith.constant 1.500000e+00 : f32
      %sub3A_193 = vector.broadcast %sub3A : f32 to vector<16xf32>
      %sub3A_194 = arith.subf %sub3A_193, %mul3A_192 : vector<16xf32>
      %mul3A_195 = arith.mulf %select_n3A_187, %sub3A_194 : vector<16xf32>
      %mul3A_196 = arith.constant 5.000000e-01 : f32
      %mul3A_197 = vector.broadcast %mul3A_196 : f32 to vector<16xf32>
      %mul3A_198 = arith.mulf %mul3A_197, %max3A_97 : vector<16xf32>
      %mul3A_199 = arith.mulf %mul3A_198, %mul3A_195 : vector<16xf32>
      %mul3A_200 = arith.mulf %mul3A_199, %mul3A_195 : vector<16xf32>
      %sub3A_201 = arith.constant 1.500000e+00 : f32
      %sub3A_202 = vector.broadcast %sub3A_201 : f32 to vector<16xf32>
      %sub3A_203 = arith.subf %sub3A_202, %mul3A_200 : vector<16xf32>
      %mul3A_204 = arith.mulf %mul3A_195, %sub3A_203 : vector<16xf32>
      %mul3A_205 = arith.constant 5.000000e-01 : f32
      %mul3A_206 = vector.broadcast %mul3A_205 : f32 to vector<16xf32>
      %mul3A_207 = arith.mulf %mul3A_206, %max3A_97 : vector<16xf32>
      %mul3A_208 = arith.mulf %mul3A_207, %mul3A_204 : vector<16xf32>
      %mul3A_209 = arith.mulf %mul3A_208, %mul3A_204 : vector<16xf32>
      %sub3A_210 = arith.constant 1.500000e+00 : f32
      %sub3A_211 = vector.broadcast %sub3A_210 : f32 to vector<16xf32>
      %sub3A_212 = arith.subf %sub3A_211, %mul3A_209 : vector<16xf32>
      %mul3A_213 = arith.mulf %mul3A_204, %sub3A_212 : vector<16xf32>
      %mul3A_214 = arith.constant 5.000000e-01 : f32
      %mul3A_215 = vector.broadcast %mul3A_214 : f32 to vector<16xf32>
      %mul3A_216 = arith.mulf %mul3A_215, %max3A_97 : vector<16xf32>
      %mul3A_217 = arith.mulf %mul3A_216, %mul3A_213 : vector<16xf32>
      %mul3A_218 = arith.mulf %mul3A_217, %mul3A_213 : vector<16xf32>
      %sub3A_219 = arith.constant 1.500000e+00 : f32
      %sub3A_220 = vector.broadcast %sub3A_219 : f32 to vector<16xf32>
      %sub3A_221 = arith.subf %sub3A_220, %mul3A_218 : vector<16xf32>
      %mul3A_222 = arith.mulf %mul3A_213, %sub3A_221 : vector<16xf32>
      %mul3A_223 = arith.constant 5.000000e-01 : f32
      %mul3A_224 = vector.broadcast %mul3A_223 : f32 to vector<16xf32>
      %mul3A_225 = arith.mulf %mul3A_224, %max3A_97 : vector<16xf32>
      %mul3A_226 = arith.mulf %mul3A_225, %mul3A_222 : vector<16xf32>
      %mul3A_227 = arith.mulf %mul3A_226, %mul3A_222 : vector<16xf32>
      %sub3A_228 = arith.constant 1.500000e+00 : f32
      %sub3A_229 = vector.broadcast %sub3A_228 : f32 to vector<16xf32>
      %sub3A_230 = arith.subf %sub3A_229, %mul3A_227 : vector<16xf32>
      %mul3A_231 = arith.mulf %mul3A_222, %sub3A_230 : vector<16xf32>
      %mul3A_232 = arith.constant 5.000000e-01 : f32
      %mul3A_233 = vector.broadcast %mul3A_232 : f32 to vector<16xf32>
      %mul3A_234 = arith.mulf %mul3A_233, %max3A_97 : vector<16xf32>
      %mul3A_235 = arith.mulf %mul3A_234, %mul3A_231 : vector<16xf32>
      %mul3A_236 = arith.mulf %mul3A_235, %mul3A_231 : vector<16xf32>
      %sub3A_237 = arith.constant 1.500000e+00 : f32
      %sub3A_238 = vector.broadcast %sub3A_237 : f32 to vector<16xf32>
      %sub3A_239 = arith.subf %sub3A_238, %mul3A_236 : vector<16xf32>
      %mul3A_240 = arith.mulf %mul3A_231, %sub3A_239 : vector<16xf32>
      %swap3A = arith.index_cast %mul3A_89 : i32 to index
      %swap3A_241 = tpu.vector_load %arg16[%swap3A] {strides = array<i32>} : memref<640xf32, #tpu.memory_space<vmem>>, vector<16xf32>,
      %swap3A_242 = vector.shape_cast %swap3A_241 : vector<16xf32> to vector<16xf32>
      %swap3A_243 = vector.shape_cast %mul3A_240 : vector<16xf32> to vector<16xf32>
      tpu.vector_store %arg16[%swap3A], %swap3A_243 {strides = array<i32>} : memref<640xf32, #tpu.memory_space<vmem>>, vector<16xf32>,
      %scan3A_244 = arith.constant 0 : i32
      scf.yield %scan3A_244 : i32
    }
    %scan3A_25 = arith.constant 40 : i32
    "tpu.region"() ({
      %run_scoped3A_86 = tpu.sem_alloc : memref<!tpu.dma_semaphore, #tpu.memory_space<semaphore_mem>>
      %dma_start3A = tpu.memref_slice %arg17[%multiple_of3A_7] : memref<10240xf32, #tpu.memory_space<vmem_shared>> -> memref<640xf32, #tpu.memory_space<vmem_shared>>
      %dma_start3A_87 = tpu.memref_slice %arg17[%multiple_of3A_7] : memref<10240xf32, #tpu.memory_space<vmem_shared>> -> memref<640xf32, #tpu.memory_space<vmem_shared>>
      tpu.enqueue_dma source(%arg16 : memref<640xf32, #tpu.memory_space<vmem>>) target(%dma_start3A_87 : memref<640xf32, #tpu.memory_space<vmem_shared>>) target_semaphore(%run_scoped3A_86 : memref<!tpu.dma_semaphore, #tpu.memory_space<semaphore_mem>>)
      %dma_wait3A = tpu.memref_slice %arg17[%multiple_of3A_7] : memref<10240xf32, #tpu.memory_space<vmem_shared>> -> memref<640xf32, #tpu.memory_space<vmem_shared>>
      %dma_wait3A_88 = tpu.memref_slice %arg17[%multiple_of3A_7] : memref<10240xf32, #tpu.memory_space<vmem_shared>> -> memref<640xf32, #tpu.memory_space<vmem_shared>>
      tpu.wait_dma2 semaphore(%run_scoped3A_86 : memref<!tpu.dma_semaphore, #tpu.memory_space<semaphore_mem>>) src(%arg16 : memref<640xf32, #tpu.memory_space<vmem>>) dst(%dma_wait3A_88 : memref<640xf32, #tpu.memory_space<vmem_shared>>)
      tpu.yield
    }) : () -> ()
    %eq3A_26 = arith.constant 0 : i32
    %eq3A_27 = arith.cmpi eq, %arg0, %eq3A_26 : i32
    %convert_element_type3A_28 = arith.extui %eq3A_27 : i1 to i32
    %cond3A_29 = arith.constant 0 : i32
    %cond3A_30 = arith.cmpi ne, %convert_element_type3A_28, %cond3A_29 : i32
    scf.if %cond3A_30 {
      "tpu.region"() ({
        %run_scoped3A_86 = tpu.sem_alloc : memref<!tpu.dma_semaphore, #tpu.memory_space<semaphore_mem>>
        %dma_start3A = tpu.memref_slice %arg7[%multiple_of3A_7] : memref<10240xf32, #tpu.memory_space<hbm>> -> memref<640xf32, #tpu.memory_space<hbm>>
        %dma_start3A_87 = tpu.memref_slice %arg7[%multiple_of3A_7] : memref<10240xf32, #tpu.memory_space<hbm>> -> memref<640xf32, #tpu.memory_space<hbm>>
        tpu.enqueue_dma source(%arg15 : memref<640xf32, #tpu.memory_space<vmem>>) target(%dma_start3A_87 : memref<640xf32, #tpu.memory_space<hbm>>) target_semaphore(%run_scoped3A_86 : memref<!tpu.dma_semaphore, #tpu.memory_space<semaphore_mem>>)
        %dma_wait3A = tpu.memref_slice %arg7[%multiple_of3A_7] : memref<10240xf32, #tpu.memory_space<hbm>> -> memref<640xf32, #tpu.memory_space<hbm>>
        %dma_wait3A_88 = tpu.memref_slice %arg7[%multiple_of3A_7] : memref<10240xf32, #tpu.memory_space<hbm>> -> memref<640xf32, #tpu.memory_space<hbm>>
        tpu.wait_dma2 semaphore(%run_scoped3A_86 : memref<!tpu.dma_semaphore, #tpu.memory_space<semaphore_mem>>) src(%arg15 : memref<640xf32, #tpu.memory_space<vmem>>) dst(%dma_wait3A_88 : memref<640xf32, #tpu.memory_space<hbm>>)
        tpu.yield
      }) : () -> ()
      "tpu.region"() ({
        %run_scoped3A_86 = tpu.sem_alloc : memref<!tpu.dma_semaphore, #tpu.memory_space<semaphore_mem>>
        %dma_start3A = tpu.memref_slice %arg8[%multiple_of3A_7] : memref<10240xf32, #tpu.memory_space<hbm>> -> memref<640xf32, #tpu.memory_space<hbm>>
        %dma_start3A_87 = tpu.memref_slice %arg8[%multiple_of3A_7] : memref<10240xf32, #tpu.memory_space<hbm>> -> memref<640xf32, #tpu.memory_space<hbm>>
        tpu.enqueue_dma source(%arg16 : memref<640xf32, #tpu.memory_space<vmem>>) target(%dma_start3A_87 : memref<640xf32, #tpu.memory_space<hbm>>) target_semaphore(%run_scoped3A_86 : memref<!tpu.dma_semaphore, #tpu.memory_space<semaphore_mem>>)
        %dma_wait3A = tpu.memref_slice %arg8[%multiple_of3A_7] : memref<10240xf32, #tpu.memory_space<hbm>> -> memref<640xf32, #tpu.memory_space<hbm>>
        %dma_wait3A_88 = tpu.memref_slice %arg8[%multiple_of3A_7] : memref<10240xf32, #tpu.memory_space<hbm>> -> memref<640xf32, #tpu.memory_space<hbm>>
        tpu.wait_dma2 semaphore(%run_scoped3A_86 : memref<!tpu.dma_semaphore, #tpu.memory_space<semaphore_mem>>) src(%arg16 : memref<640xf32, #tpu.memory_space<vmem>>) dst(%dma_wait3A_88 : memref<640xf32, #tpu.memory_space<hbm>>)
        tpu.yield
      }) : () -> ()
    } else {
    }
    %barrier3A = arith.constant 0 : index
    tpu.barrier barrier_id(%barrier3A)
    %run_scoped3A_31 = arith.constant 0 : i32
    "tpu.region"() ({
      %run_scoped3A_86 = tpu.sem_alloc : memref<!tpu.dma_semaphore, #tpu.memory_space<semaphore_mem>>
      %dma_start3A = arith.constant 0 : i32
      %dma_start3A_87 = tpu.memref_slice %arg2[%run_scoped3A_31, %multiple_of3A, %dma_start3A] : memref<2x2560x128xi32, #tpu.memory_space<hbm>> -> memref<1x80x128xi32, #tpu.memory_space<hbm>>
      %dma_start3A_88 = tpu.memref_squeeze %dma_start3A_87 : memref<1x80x128xi32, #tpu.memory_space<hbm>> -> memref<80x128xi32, #tpu.memory_space<hbm>>
      %dma_start3A_89 = arith.constant 0 : i32
      %dma_start3A_90 = tpu.memref_slice %arg2[%run_scoped3A_31, %multiple_of3A, %dma_start3A_89] : memref<2x2560x128xi32, #tpu.memory_space<hbm>> -> memref<1x80x128xi32, #tpu.memory_space<hbm>>
      %dma_start3A_91 = tpu.memref_squeeze %dma_start3A_90 : memref<1x80x128xi32, #tpu.memory_space<hbm>> -> memref<80x128xi32, #tpu.memory_space<hbm>>
      tpu.enqueue_dma source(%dma_start3A_91 : memref<80x128xi32, #tpu.memory_space<hbm>>) target(%arg9 : memref<80x128xi32, #tpu.memory_space<vmem>>) target_semaphore(%run_scoped3A_86 : memref<!tpu.dma_semaphore, #tpu.memory_space<semaphore_mem>>)
      %dma_wait3A = arith.constant 0 : i32
      %dma_wait3A_92 = tpu.memref_slice %arg2[%run_scoped3A_31, %multiple_of3A, %dma_wait3A] : memref<2x2560x128xi32, #tpu.memory_space<hbm>> -> memref<1x80x128xi32, #tpu.memory_space<hbm>>
      %dma_wait3A_93 = tpu.memref_squeeze %dma_wait3A_92 : memref<1x80x128xi32, #tpu.memory_space<hbm>> -> memref<80x128xi32, #tpu.memory_space<hbm>>
      %dma_wait3A_94 = arith.constant 0 : i32
      %dma_wait3A_95 = tpu.memref_slice %arg2[%run_scoped3A_31, %multiple_of3A, %dma_wait3A_94] : memref<2x2560x128xi32, #tpu.memory_space<hbm>> -> memref<1x80x128xi32, #tpu.memory_space<hbm>>
      %dma_wait3A_96 = tpu.memref_squeeze %dma_wait3A_95 : memref<1x80x128xi32, #tpu.memory_space<hbm>> -> memref<80x128xi32, #tpu.memory_space<hbm>>
      tpu.wait_dma2 semaphore(%run_scoped3A_86 : memref<!tpu.dma_semaphore, #tpu.memory_space<semaphore_mem>>) src(%dma_wait3A_96 : memref<80x128xi32, #tpu.memory_space<hbm>>) dst(%arg9 : memref<80x128xi32, #tpu.memory_space<vmem>>)
      tpu.yield
    }) : () -> ()
    %run_scoped3A_32 = arith.constant 1 : i32
    "tpu.region"() ({
      %run_scoped3A_86 = tpu.sem_alloc : memref<!tpu.dma_semaphore, #tpu.memory_space<semaphore_mem>>
      %dma_start3A = arith.constant 0 : i32
      %dma_start3A_87 = tpu.memref_slice %arg2[%run_scoped3A_32, %multiple_of3A, %dma_start3A] : memref<2x2560x128xi32, #tpu.memory_space<hbm>> -> memref<1x80x128xi32, #tpu.memory_space<hbm>>
      %dma_start3A_88 = tpu.memref_squeeze %dma_start3A_87 : memref<1x80x128xi32, #tpu.memory_space<hbm>> -> memref<80x128xi32, #tpu.memory_space<hbm>>
      %dma_start3A_89 = arith.constant 0 : i32
      %dma_start3A_90 = tpu.memref_slice %arg2[%run_scoped3A_32, %multiple_of3A, %dma_start3A_89] : memref<2x2560x128xi32, #tpu.memory_space<hbm>> -> memref<1x80x128xi32, #tpu.memory_space<hbm>>
      %dma_start3A_91 = tpu.memref_squeeze %dma_start3A_90 : memref<1x80x128xi32, #tpu.memory_space<hbm>> -> memref<80x128xi32, #tpu.memory_space<hbm>>
      tpu.enqueue_dma source(%dma_start3A_91 : memref<80x128xi32, #tpu.memory_space<hbm>>) target(%arg10 : memref<80x128xi32, #tpu.memory_space<vmem>>) target_semaphore(%run_scoped3A_86 : memref<!tpu.dma_semaphore, #tpu.memory_space<semaphore_mem>>)
      %dma_wait3A = arith.constant 0 : i32
      %dma_wait3A_92 = tpu.memref_slice %arg2[%run_scoped3A_32, %multiple_of3A, %dma_wait3A] : memref<2x2560x128xi32, #tpu.memory_space<hbm>> -> memref<1x80x128xi32, #tpu.memory_space<hbm>>
      %dma_wait3A_93 = tpu.memref_squeeze %dma_wait3A_92 : memref<1x80x128xi32, #tpu.memory_space<hbm>> -> memref<80x128xi32, #tpu.memory_space<hbm>>
      %dma_wait3A_94 = arith.constant 0 : i32
      %dma_wait3A_95 = tpu.memref_slice %arg2[%run_scoped3A_32, %multiple_of3A, %dma_wait3A_94] : memref<2x2560x128xi32, #tpu.memory_space<hbm>> -> memref<1x80x128xi32, #tpu.memory_space<hbm>>
      %dma_wait3A_96 = tpu.memref_squeeze %dma_wait3A_95 : memref<1x80x128xi32, #tpu.memory_space<hbm>> -> memref<80x128xi32, #tpu.memory_space<hbm>>
      tpu.wait_dma2 semaphore(%run_scoped3A_86 : memref<!tpu.dma_semaphore, #tpu.memory_space<semaphore_mem>>) src(%dma_wait3A_96 : memref<80x128xi32, #tpu.memory_space<hbm>>) dst(%arg10 : memref<80x128xi32, #tpu.memory_space<vmem>>)
      tpu.yield
    }) : () -> ()
    %while3A = arith.constant 0 : i32
    %while3A_33 = arith.constant 0 : i32
    %while3A_34 = arith.subi %select_n3A, %while3A : i32
    %while3A_35 = arith.addi %while3A, %while3A_34 : i32
    %while3A_36 = arith.constant 1 : i32
    %while3A_37 = arith.divsi %while3A_34, %while3A_36 : i32
    %while3A_38 = arith.muli %while3A_37, %while3A_36 : i32
    %while3A_39 = arith.addi %while3A, %while3A_38 : i32
    %while3A_40 = arith.constant 1 : i32
    %while3A_41 = scf.for %while3A_86 = %while3A to %while3A_39 step %while3A_40 iter_args(%while3A_87 = %while3A_33) -> (i32)  : i32 {
      %dma_start3A = arith.constant 0 : i32
      %dma_start3A_88 = tpu.memref_slice %arg11[%while3A_86, %dma_start3A] : memref<80x128xf32, #tpu.memory_space<vmem>> -> memref<1x128xf32, #tpu.memory_space<vmem>>
      %dma_start3A_89 = tpu.memref_squeeze %dma_start3A_88 : memref<1x128xf32, #tpu.memory_space<vmem>> -> memref<128xf32, #tpu.memory_space<vmem>>
      %dma_start3A_90 = arith.constant 0 : i32
      %dma_start3A_91 = tpu.memref_slice %arg10[%while3A_86, %dma_start3A_90] : memref<80x128xi32, #tpu.memory_space<vmem>> -> memref<1x128xi32, #tpu.memory_space<vmem>>
      %dma_start3A_92 = tpu.memref_squeeze %dma_start3A_91 : memref<1x128xi32, #tpu.memory_space<vmem>> -> memref<128xi32, #tpu.memory_space<vmem>>
      %dma_start3A_93 = arith.constant 0 : i32
      %dma_start3A_94 = tpu.memref_slice %arg17[%dma_start3A_93] : memref<10240xf32, #tpu.memory_space<vmem_shared>> -> memref<10240xf32, #tpu.memory_space<vmem_shared>>
      tpu.enqueue_indirect_dma source(%dma_start3A_94 : memref<10240xf32, #tpu.memory_space<vmem_shared>>) target(%dma_start3A_89 : memref<128xf32, #tpu.memory_space<vmem>>) offsets(%dma_start3A_92 : memref<128xi32, #tpu.memory_space<vmem>>) semaphore(%arg19 : memref<!tpu.dma_semaphore, #tpu.memory_space<semaphore_mem>>)
      %while3A_95 = arith.constant 0 : i32
      scf.yield %while3A_95 : i32
    }
    %while3A_42 = arith.constant 1 : i32
    %while3A_43 = scf.for %while3A_86 = %while3A_39 to %while3A_35 step %while3A_42 iter_args(%while3A_87 = %while3A_41) -> (i32)  : i32 {
      %dma_start3A = arith.constant 0 : i32
      %dma_start3A_88 = tpu.memref_slice %arg11[%while3A_86, %dma_start3A] : memref<80x128xf32, #tpu.memory_space<vmem>> -> memref<1x128xf32, #tpu.memory_space<vmem>>
      %dma_start3A_89 = tpu.memref_squeeze %dma_start3A_88 : memref<1x128xf32, #tpu.memory_space<vmem>> -> memref<128xf32, #tpu.memory_space<vmem>>
      %dma_start3A_90 = arith.constant 0 : i32
      %dma_start3A_91 = tpu.memref_slice %arg10[%while3A_86, %dma_start3A_90] : memref<80x128xi32, #tpu.memory_space<vmem>> -> memref<1x128xi32, #tpu.memory_space<vmem>>
      %dma_start3A_92 = tpu.memref_squeeze %dma_start3A_91 : memref<1x128xi32, #tpu.memory_space<vmem>> -> memref<128xi32, #tpu.memory_space<vmem>>
      %dma_start3A_93 = arith.constant 0 : i32
      %dma_start3A_94 = tpu.memref_slice %arg17[%dma_start3A_93] : memref<10240xf32, #tpu.memory_space<vmem_shared>> -> memref<10240xf32, #tpu.memory_space<vmem_shared>>
      tpu.enqueue_indirect_dma source(%dma_start3A_94 : memref<10240xf32, #tpu.memory_space<vmem_shared>>) target(%dma_start3A_89 : memref<128xf32, #tpu.memory_space<vmem>>) offsets(%dma_start3A_92 : memref<128xi32, #tpu.memory_space<vmem>>) semaphore(%arg19 : memref<!tpu.dma_semaphore, #tpu.memory_space<semaphore_mem>>)
      %while3A_95 = arith.constant 0 : i32
      scf.yield %while3A_95 : i32
    }
    %while3A_44 = arith.constant 0 : i32
    %while3A_45 = arith.constant 0 : i32
    %while3A_46 = arith.subi %select_n3A, %while3A_44 : i32
    %while3A_47 = arith.addi %while3A_44, %while3A_46 : i32
    %while3A_48 = arith.constant 1 : i32
    %while3A_49 = arith.divsi %while3A_46, %while3A_48 : i32
    %while3A_50 = arith.muli %while3A_49, %while3A_48 : i32
    %while3A_51 = arith.addi %while3A_44, %while3A_50 : i32
    %while3A_52 = arith.constant 1 : i32
    %while3A_53 = scf.for %while3A_86 = %while3A_44 to %while3A_51 step %while3A_52 iter_args(%while3A_87 = %while3A_45) -> (i32)  : i32 {
      %dma_wait3A = arith.constant 0 : i32
      %dma_wait3A_88 = arith.constant 0 : i32
      %dma_wait3A_89 = arith.constant 0 : i32
      %dma_wait3A_90 = tpu.memref_slice %arg11[%dma_wait3A_88, %dma_wait3A_89] : memref<80x128xf32, #tpu.memory_space<vmem>> -> memref<1x128xf32, #tpu.memory_space<vmem>>
      %dma_wait3A_91 = tpu.memref_squeeze %dma_wait3A_90 : memref<1x128xf32, #tpu.memory_space<vmem>> -> memref<128xf32, #tpu.memory_space<vmem>>
      %dma_wait3A_92 = arith.constant 0 : i32
      %dma_wait3A_93 = tpu.memref_slice %arg10[%dma_wait3A, %dma_wait3A_92] : memref<80x128xi32, #tpu.memory_space<vmem>> -> memref<1x128xi32, #tpu.memory_space<vmem>>
      %dma_wait3A_94 = tpu.memref_squeeze %dma_wait3A_93 : memref<1x128xi32, #tpu.memory_space<vmem>> -> memref<128xi32, #tpu.memory_space<vmem>>
      %dma_wait3A_95 = arith.constant 0 : i32
      %dma_wait3A_96 = tpu.memref_slice %arg17[%dma_wait3A_95] : memref<10240xf32, #tpu.memory_space<vmem_shared>> -> memref<10240xf32, #tpu.memory_space<vmem_shared>>
      tpu.wait_indirect_dma semaphore(%arg19 : memref<!tpu.dma_semaphore, #tpu.memory_space<semaphore_mem>>) src(%dma_wait3A_96 : memref<10240xf32, #tpu.memory_space<vmem_shared>>) dst(%dma_wait3A_91 : memref<128xf32, #tpu.memory_space<vmem>>)
      %while3A_97 = arith.constant 0 : i32
      scf.yield %while3A_97 : i32
    }
    %while3A_54 = arith.constant 1 : i32
    %while3A_55 = scf.for %while3A_86 = %while3A_51 to %while3A_47 step %while3A_54 iter_args(%while3A_87 = %while3A_53) -> (i32)  : i32 {
      %dma_wait3A = arith.constant 0 : i32
      %dma_wait3A_88 = arith.constant 0 : i32
      %dma_wait3A_89 = arith.constant 0 : i32
      %dma_wait3A_90 = tpu.memref_slice %arg11[%dma_wait3A_88, %dma_wait3A_89] : memref<80x128xf32, #tpu.memory_space<vmem>> -> memref<1x128xf32, #tpu.memory_space<vmem>>
      %dma_wait3A_91 = tpu.memref_squeeze %dma_wait3A_90 : memref<1x128xf32, #tpu.memory_space<vmem>> -> memref<128xf32, #tpu.memory_space<vmem>>
      %dma_wait3A_92 = arith.constant 0 : i32
      %dma_wait3A_93 = tpu.memref_slice %arg10[%dma_wait3A, %dma_wait3A_92] : memref<80x128xi32, #tpu.memory_space<vmem>> -> memref<1x128xi32, #tpu.memory_space<vmem>>
      %dma_wait3A_94 = tpu.memref_squeeze %dma_wait3A_93 : memref<1x128xi32, #tpu.memory_space<vmem>> -> memref<128xi32, #tpu.memory_space<vmem>>
      %dma_wait3A_95 = arith.constant 0 : i32
      %dma_wait3A_96 = tpu.memref_slice %arg17[%dma_wait3A_95] : memref<10240xf32, #tpu.memory_space<vmem_shared>> -> memref<10240xf32, #tpu.memory_space<vmem_shared>>
      tpu.wait_indirect_dma semaphore(%arg19 : memref<!tpu.dma_semaphore, #tpu.memory_space<semaphore_mem>>) src(%dma_wait3A_96 : memref<10240xf32, #tpu.memory_space<vmem_shared>>) dst(%dma_wait3A_91 : memref<128xf32, #tpu.memory_space<vmem>>)
      %while3A_97 = arith.constant 0 : i32
      scf.yield %while3A_97 : i32
    }
    %while3A_56 = arith.constant 0 : i32
    %while3A_57 = arith.constant 0 : i32
    %while3A_58 = arith.subi %select_n3A, %while3A_56 : i32
    %while3A_59 = arith.addi %while3A_56, %while3A_58 : i32
    %while3A_60 = arith.constant 1 : i32
    %while3A_61 = arith.divsi %while3A_58, %while3A_60 : i32
    %while3A_62 = arith.muli %while3A_61, %while3A_60 : i32
    %while3A_63 = arith.addi %while3A_56, %while3A_62 : i32
    %while3A_64 = arith.constant 1 : i32
    %while3A_65 = scf.for %while3A_86 = %while3A_56 to %while3A_63 step %while3A_64 iter_args(%while3A_87 = %while3A_57) -> (i32)  : i32 {
      %dma_start3A = arith.constant 0 : i32
      %dma_start3A_88 = tpu.memref_slice %arg11[%while3A_86, %dma_start3A] : memref<80x128xf32, #tpu.memory_space<vmem>> -> memref<1x128xf32, #tpu.memory_space<vmem>>
      %dma_start3A_89 = tpu.memref_squeeze %dma_start3A_88 : memref<1x128xf32, #tpu.memory_space<vmem>> -> memref<128xf32, #tpu.memory_space<vmem>>
      %dma_start3A_90 = arith.constant 0 : i32
      %dma_start3A_91 = tpu.memref_slice %arg9[%while3A_86, %dma_start3A_90] : memref<80x128xi32, #tpu.memory_space<vmem>> -> memref<1x128xi32, #tpu.memory_space<vmem>>
      %dma_start3A_92 = tpu.memref_squeeze %dma_start3A_91 : memref<1x128xi32, #tpu.memory_space<vmem>> -> memref<128xi32, #tpu.memory_space<vmem>>
      %dma_start3A_93 = arith.constant 0 : i32
      %dma_start3A_94 = tpu.memref_slice %arg18[%dma_start3A_93] : memref<10240xf32, #tpu.memory_space<vmem_shared>> -> memref<10240xf32, #tpu.memory_space<vmem_shared>>
      tpu.enqueue_indirect_dma source(%dma_start3A_89 : memref<128xf32, #tpu.memory_space<vmem>>) target(%dma_start3A_94 : memref<10240xf32, #tpu.memory_space<vmem_shared>>) offsets(%dma_start3A_92 : memref<128xi32, #tpu.memory_space<vmem>>) semaphore(%arg20 : memref<!tpu.dma_semaphore, #tpu.memory_space<semaphore_mem>>) {add = true}
      %while3A_95 = arith.constant 0 : i32
      scf.yield %while3A_95 : i32
    }
    %while3A_66 = arith.constant 1 : i32
    %while3A_67 = scf.for %while3A_86 = %while3A_63 to %while3A_59 step %while3A_66 iter_args(%while3A_87 = %while3A_65) -> (i32)  : i32 {
      %dma_start3A = arith.constant 0 : i32
      %dma_start3A_88 = tpu.memref_slice %arg11[%while3A_86, %dma_start3A] : memref<80x128xf32, #tpu.memory_space<vmem>> -> memref<1x128xf32, #tpu.memory_space<vmem>>
      %dma_start3A_89 = tpu.memref_squeeze %dma_start3A_88 : memref<1x128xf32, #tpu.memory_space<vmem>> -> memref<128xf32, #tpu.memory_space<vmem>>
      %dma_start3A_90 = arith.constant 0 : i32
      %dma_start3A_91 = tpu.memref_slice %arg9[%while3A_86, %dma_start3A_90] : memref<80x128xi32, #tpu.memory_space<vmem>> -> memref<1x128xi32, #tpu.memory_space<vmem>>
      %dma_start3A_92 = tpu.memref_squeeze %dma_start3A_91 : memref<1x128xi32, #tpu.memory_space<vmem>> -> memref<128xi32, #tpu.memory_space<vmem>>
      %dma_start3A_93 = arith.constant 0 : i32
      %dma_start3A_94 = tpu.memref_slice %arg18[%dma_start3A_93] : memref<10240xf32, #tpu.memory_space<vmem_shared>> -> memref<10240xf32, #tpu.memory_space<vmem_shared>>
      tpu.enqueue_indirect_dma source(%dma_start3A_89 : memref<128xf32, #tpu.memory_space<vmem>>) target(%dma_start3A_94 : memref<10240xf32, #tpu.memory_space<vmem_shared>>) offsets(%dma_start3A_92 : memref<128xi32, #tpu.memory_space<vmem>>) semaphore(%arg20 : memref<!tpu.dma_semaphore, #tpu.memory_space<semaphore_mem>>) {add = true}
      %while3A_95 = arith.constant 0 : i32
      scf.yield %while3A_95 : i32
    }
    %while3A_68 = arith.constant 0 : i32
    %while3A_69 = arith.constant 0 : i32
    %while3A_70 = arith.subi %select_n3A, %while3A_68 : i32
    %while3A_71 = arith.addi %while3A_68, %while3A_70 : i32
    %while3A_72 = arith.constant 1 : i32
    %while3A_73 = arith.divsi %while3A_70, %while3A_72 : i32
    %while3A_74 = arith.muli %while3A_73, %while3A_72 : i32
    %while3A_75 = arith.addi %while3A_68, %while3A_74 : i32
    %while3A_76 = arith.constant 1 : i32
    %while3A_77 = scf.for %while3A_86 = %while3A_68 to %while3A_75 step %while3A_76 iter_args(%while3A_87 = %while3A_69) -> (i32)  : i32 {
      %dma_wait3A = arith.constant 0 : i32
      %dma_wait3A_88 = arith.constant 0 : i32
      %dma_wait3A_89 = arith.constant 0 : i32
      %dma_wait3A_90 = tpu.memref_slice %arg11[%dma_wait3A, %dma_wait3A_89] : memref<80x128xf32, #tpu.memory_space<vmem>> -> memref<1x128xf32, #tpu.memory_space<vmem>>
      %dma_wait3A_91 = tpu.memref_squeeze %dma_wait3A_90 : memref<1x128xf32, #tpu.memory_space<vmem>> -> memref<128xf32, #tpu.memory_space<vmem>>
      %dma_wait3A_92 = arith.constant 0 : i32
      %dma_wait3A_93 = tpu.memref_slice %arg9[%dma_wait3A_88, %dma_wait3A_92] : memref<80x128xi32, #tpu.memory_space<vmem>> -> memref<1x128xi32, #tpu.memory_space<vmem>>
      %dma_wait3A_94 = tpu.memref_squeeze %dma_wait3A_93 : memref<1x128xi32, #tpu.memory_space<vmem>> -> memref<128xi32, #tpu.memory_space<vmem>>
      %dma_wait3A_95 = arith.constant 0 : i32
      %dma_wait3A_96 = tpu.memref_slice %arg18[%dma_wait3A_95] : memref<10240xf32, #tpu.memory_space<vmem_shared>> -> memref<10240xf32, #tpu.memory_space<vmem_shared>>
      tpu.wait_indirect_dma semaphore(%arg20 : memref<!tpu.dma_semaphore, #tpu.memory_space<semaphore_mem>>) src(%dma_wait3A_91 : memref<128xf32, #tpu.memory_space<vmem>>) dst(%dma_wait3A_96 : memref<10240xf32, #tpu.memory_space<vmem_shared>>)
      %while3A_97 = arith.constant 0 : i32
      scf.yield %while3A_97 : i32
    }
    %while3A_78 = arith.constant 1 : i32
    %while3A_79 = scf.for %while3A_86 = %while3A_75 to %while3A_71 step %while3A_78 iter_args(%while3A_87 = %while3A_77) -> (i32)  : i32 {
      %dma_wait3A = arith.constant 0 : i32
      %dma_wait3A_88 = arith.constant 0 : i32
      %dma_wait3A_89 = arith.constant 0 : i32
      %dma_wait3A_90 = tpu.memref_slice %arg11[%dma_wait3A, %dma_wait3A_89] : memref<80x128xf32, #tpu.memory_space<vmem>> -> memref<1x128xf32, #tpu.memory_space<vmem>>
      %dma_wait3A_91 = tpu.memref_squeeze %dma_wait3A_90 : memref<1x128xf32, #tpu.memory_space<vmem>> -> memref<128xf32, #tpu.memory_space<vmem>>
      %dma_wait3A_92 = arith.constant 0 : i32
      %dma_wait3A_93 = tpu.memref_slice %arg9[%dma_wait3A_88, %dma_wait3A_92] : memref<80x128xi32, #tpu.memory_space<vmem>> -> memref<1x128xi32, #tpu.memory_space<vmem>>
      %dma_wait3A_94 = tpu.memref_squeeze %dma_wait3A_93 : memref<1x128xi32, #tpu.memory_space<vmem>> -> memref<128xi32, #tpu.memory_space<vmem>>
      %dma_wait3A_95 = arith.constant 0 : i32
      %dma_wait3A_96 = tpu.memref_slice %arg18[%dma_wait3A_95] : memref<10240xf32, #tpu.memory_space<vmem_shared>> -> memref<10240xf32, #tpu.memory_space<vmem_shared>>
      tpu.wait_indirect_dma semaphore(%arg20 : memref<!tpu.dma_semaphore, #tpu.memory_space<semaphore_mem>>) src(%dma_wait3A_91 : memref<128xf32, #tpu.memory_space<vmem>>) dst(%dma_wait3A_96 : memref<10240xf32, #tpu.memory_space<vmem_shared>>)
      %while3A_97 = arith.constant 0 : i32
      scf.yield %while3A_97 : i32
    }
    %barrier3A_80 = arith.constant 0 : index
    tpu.barrier barrier_id(%barrier3A_80)
    %eq3A_81 = arith.constant 0 : i32
    %eq3A_82 = arith.cmpi eq, %arg1, %eq3A_81 : i32
    %convert_element_type3A_83 = arith.extui %eq3A_82 : i1 to i32
    %cond3A_84 = arith.constant 0 : i32
    %cond3A_85 = arith.cmpi ne, %convert_element_type3A_83, %cond3A_84 : i32
    scf.if %cond3A_85 {
      "tpu.region"() ({
        %run_scoped3A_86 = tpu.sem_alloc : memref<!tpu.dma_semaphore, #tpu.memory_space<semaphore_mem>>
        tpu.enqueue_dma source(%arg18 : memref<10240xf32, #tpu.memory_space<vmem_shared>>) target(%arg12 : memref<10240xf32, #tpu.memory_space<vmem>>) target_semaphore(%run_scoped3A_86 : memref<!tpu.dma_semaphore, #tpu.memory_space<semaphore_mem>>)
        tpu.wait_dma2 semaphore(%run_scoped3A_86 : memref<!tpu.dma_semaphore, #tpu.memory_space<semaphore_mem>>) src(%arg18 : memref<10240xf32, #tpu.memory_space<vmem_shared>>) dst(%arg12 : memref<10240xf32, #tpu.memory_space<vmem>>)
        tpu.yield
      }) : () -> ()
      "tpu.region"() ({
        %run_scoped3A_86 = tpu.sem_alloc : memref<!tpu.dma_semaphore, #tpu.memory_space<semaphore_mem>>
        %dma_start3A = arith.constant 0 : i32
        %dma_start3A_87 = tpu.memref_slice %arg6[%arg0, %dma_start3A] : memref<2x10240xf32, #tpu.memory_space<hbm>> -> memref<1x10240xf32, #tpu.memory_space<hbm>>
        %dma_start3A_88 = tpu.memref_squeeze %dma_start3A_87 : memref<1x10240xf32, #tpu.memory_space<hbm>> -> memref<10240xf32, #tpu.memory_space<hbm>>
        %dma_start3A_89 = arith.constant 0 : i32
        %dma_start3A_90 = tpu.memref_slice %arg6[%arg0, %dma_start3A_89] : memref<2x10240xf32, #tpu.memory_space<hbm>> -> memref<1x10240xf32, #tpu.memory_space<hbm>>
        %dma_start3A_91 = tpu.memref_squeeze %dma_start3A_90 : memref<1x10240xf32, #tpu.memory_space<hbm>> -> memref<10240xf32, #tpu.memory_space<hbm>>
        tpu.enqueue_dma source(%arg12 : memref<10240xf32, #tpu.memory_space<vmem>>) target(%dma_start3A_91 : memref<10240xf32, #tpu.memory_space<hbm>>) target_semaphore(%run_scoped3A_86 : memref<!tpu.dma_semaphore, #tpu.memory_space<semaphore_mem>>)
        %dma_wait3A = arith.constant 0 : i32
        %dma_wait3A_92 = tpu.memref_slice %arg6[%arg0, %dma_wait3A] : memref<2x10240xf32, #tpu.memory_space<hbm>> -> memref<1x10240xf32, #tpu.memory_space<hbm>>
        %dma_wait3A_93 = tpu.memref_squeeze %dma_wait3A_92 : memref<1x10240xf32, #tpu.memory_space<hbm>> -> memref<10240xf32, #tpu.memory_space<hbm>>
        %dma_wait3A_94 = arith.constant 0 : i32
        %dma_wait3A_95 = tpu.memref_slice %arg6[%arg0, %dma_wait3A_94] : memref<2x10240xf32, #tpu.memory_space<hbm>> -> memref<1x10240xf32, #tpu.memory_space<hbm>>
        %dma_wait3A_96 = tpu.memref_squeeze %dma_wait3A_95 : memref<1x10240xf32, #tpu.memory_space<hbm>> -> memref<10240xf32, #tpu.memory_space<hbm>>
        tpu.wait_dma2 semaphore(%run_scoped3A_86 : memref<!tpu.dma_semaphore, #tpu.memory_space<semaphore_mem>>) src(%arg12 : memref<10240xf32, #tpu.memory_space<vmem>>) dst(%dma_wait3A_96 : memref<10240xf32, #tpu.memory_space<hbm>>)
        tpu.yield
      }) : () -> ()
    } else {
    }
    return
  }
}

#map = affine_map<(d0, d1) -> (0, 0, 0)>
#map1 = affine_map<(d0, d1) -> (0, 0)>
#map2 = affine_map<(d0, d1) -> (0)>
module attributes {stable_mosaic.version = 14 : i64} {
  func.func @_v_kernel(%arg0: i32, %arg1: i32, %arg2: memref<2x2560x128xi32, #tpu.memory_space<hbm>>, %arg3: memref<2x10240xf32, #tpu.memory_space<hbm>>, %arg4: memref<10240xf32, #tpu.memory_space<hbm>>, %arg5: memref<10240xf32, #tpu.memory_space<hbm>>, %arg6: memref<10240xf32, #tpu.memory_space<hbm>>, %arg7: memref<2x10240xf32, #tpu.memory_space<hbm>>, %arg8: memref<80x128xi32, #tpu.memory_space<vmem>>, %arg9: memref<80x128xi32, #tpu.memory_space<vmem>>, %arg10: memref<80x128xf32, #tpu.memory_space<vmem>>, %arg11: memref<10240xf32, #tpu.memory_space<vmem>>, %arg12: memref<640xf32, #tpu.memory_space<vmem>>, %arg13: memref<640xf32, #tpu.memory_space<vmem>>, %arg14: memref<640xf32, #tpu.memory_space<vmem>>, %arg15: memref<640xf32, #tpu.memory_space<vmem>>, %arg16: memref<10240xf32, #tpu.memory_space<vmem_shared>>, %arg17: memref<10240xf32, #tpu.memory_space<vmem_shared>>, %arg18: memref<!tpu.dma_semaphore, #tpu.memory_space<semaphore_mem>>, %arg19: memref<!tpu.dma_semaphore, #tpu.memory_space<semaphore_mem>>) attributes {dimension_semantics = [#tpu.dimension_semantics<core_parallel>, #tpu.dimension_semantics<subcore_parallel>], iteration_bounds = array<i64: 2, 16>, scalar_prefetch = 0 : i64, scratch_operands = 12 : i64, tpu.core_type = #tpu.core_type<sc_vector_subcore>, window_params = [{transform_indices = #map}, {transform_indices = #map1}, {transform_indices = #map2}, {transform_indices = #map2}, {transform_indices = #map2}, {transform_indices = #map1}]} {
    %mul3A = arith.constant 16 : i32
    %mul3A_0 = arith.muli %arg0, %mul3A : i32
    %add3A = arith.addi %mul3A_0, %arg1 : i32
    %lt3A = arith.constant 31 : i32
    %lt3A_1 = arith.cmpi slt, %add3A, %lt3A : i32
    %jit3A = arith.constant 80 : i32
    %jit3A_2 = arith.constant 20 : i32
    %select_n3A = arith.select %lt3A_1, %jit3A, %jit3A_2 : i32
    %mul3A_3 = arith.constant 80 : i32
    %mul3A_4 = arith.muli %add3A, %mul3A_3 : i32
    %multiple_of3A = tpu.assume_multiple %mul3A_4, 8 : i32
    %mul3A_5 = arith.constant 640 : i32
    %mul3A_6 = arith.muli %arg1, %mul3A_5 : i32
    %multiple_of3A_7 = tpu.assume_multiple %mul3A_6, 8 : i32
    %eq3A = arith.constant 0 : i32
    %eq3A_8 = arith.cmpi eq, %arg1, %eq3A : i32
    %convert_element_type3A = arith.extui %eq3A_8 : i1 to i32
    %cond3A = arith.constant 0 : i32
    %cond3A_9 = arith.cmpi ne, %convert_element_type3A, %cond3A : i32
    scf.if %cond3A_9 {
      "tpu.region"() ({
        %run_scoped3A_72 = tpu.sem_alloc : memref<!tpu.dma_semaphore, #tpu.memory_space<semaphore_mem>>
        tpu.enqueue_dma source(%arg6 : memref<10240xf32, #tpu.memory_space<hbm>>) target(%arg11 : memref<10240xf32, #tpu.memory_space<vmem>>) target_semaphore(%run_scoped3A_72 : memref<!tpu.dma_semaphore, #tpu.memory_space<semaphore_mem>>)
        tpu.wait_dma2 semaphore(%run_scoped3A_72 : memref<!tpu.dma_semaphore, #tpu.memory_space<semaphore_mem>>) src(%arg6 : memref<10240xf32, #tpu.memory_space<hbm>>) dst(%arg11 : memref<10240xf32, #tpu.memory_space<vmem>>)
        tpu.yield
      }) : () -> ()
      "tpu.region"() ({
        %run_scoped3A_72 = tpu.sem_alloc : memref<!tpu.dma_semaphore, #tpu.memory_space<semaphore_mem>>
        tpu.enqueue_dma source(%arg11 : memref<10240xf32, #tpu.memory_space<vmem>>) target(%arg17 : memref<10240xf32, #tpu.memory_space<vmem_shared>>) target_semaphore(%run_scoped3A_72 : memref<!tpu.dma_semaphore, #tpu.memory_space<semaphore_mem>>)
        tpu.wait_dma2 semaphore(%run_scoped3A_72 : memref<!tpu.dma_semaphore, #tpu.memory_space<semaphore_mem>>) src(%arg11 : memref<10240xf32, #tpu.memory_space<vmem>>) dst(%arg17 : memref<10240xf32, #tpu.memory_space<vmem_shared>>)
        tpu.yield
      }) : () -> ()
    } else {
    }
    %run_scoped3A = arith.constant 0 : i32
    "tpu.region"() ({
      %run_scoped3A_72 = tpu.sem_alloc : memref<!tpu.dma_semaphore, #tpu.memory_space<semaphore_mem>>
      %dma_start3A = tpu.memref_slice %arg3[%run_scoped3A, %multiple_of3A_7] : memref<2x10240xf32, #tpu.memory_space<hbm>> -> memref<1x640xf32, #tpu.memory_space<hbm>>
      %dma_start3A_73 = tpu.memref_squeeze %dma_start3A : memref<1x640xf32, #tpu.memory_space<hbm>> -> memref<640xf32, #tpu.memory_space<hbm>>
      %dma_start3A_74 = tpu.memref_slice %arg3[%run_scoped3A, %multiple_of3A_7] : memref<2x10240xf32, #tpu.memory_space<hbm>> -> memref<1x640xf32, #tpu.memory_space<hbm>>
      %dma_start3A_75 = tpu.memref_squeeze %dma_start3A_74 : memref<1x640xf32, #tpu.memory_space<hbm>> -> memref<640xf32, #tpu.memory_space<hbm>>
      tpu.enqueue_dma source(%dma_start3A_75 : memref<640xf32, #tpu.memory_space<hbm>>) target(%arg12 : memref<640xf32, #tpu.memory_space<vmem>>) target_semaphore(%run_scoped3A_72 : memref<!tpu.dma_semaphore, #tpu.memory_space<semaphore_mem>>)
      %dma_wait3A = tpu.memref_slice %arg3[%run_scoped3A, %multiple_of3A_7] : memref<2x10240xf32, #tpu.memory_space<hbm>> -> memref<1x640xf32, #tpu.memory_space<hbm>>
      %dma_wait3A_76 = tpu.memref_squeeze %dma_wait3A : memref<1x640xf32, #tpu.memory_space<hbm>> -> memref<640xf32, #tpu.memory_space<hbm>>
      %dma_wait3A_77 = tpu.memref_slice %arg3[%run_scoped3A, %multiple_of3A_7] : memref<2x10240xf32, #tpu.memory_space<hbm>> -> memref<1x640xf32, #tpu.memory_space<hbm>>
      %dma_wait3A_78 = tpu.memref_squeeze %dma_wait3A_77 : memref<1x640xf32, #tpu.memory_space<hbm>> -> memref<640xf32, #tpu.memory_space<hbm>>
      tpu.wait_dma2 semaphore(%run_scoped3A_72 : memref<!tpu.dma_semaphore, #tpu.memory_space<semaphore_mem>>) src(%dma_wait3A_78 : memref<640xf32, #tpu.memory_space<hbm>>) dst(%arg12 : memref<640xf32, #tpu.memory_space<vmem>>)
      tpu.yield
    }) : () -> ()
    %run_scoped3A_10 = arith.constant 1 : i32
    "tpu.region"() ({
      %run_scoped3A_72 = tpu.sem_alloc : memref<!tpu.dma_semaphore, #tpu.memory_space<semaphore_mem>>
      %dma_start3A = tpu.memref_slice %arg3[%run_scoped3A_10, %multiple_of3A_7] : memref<2x10240xf32, #tpu.memory_space<hbm>> -> memref<1x640xf32, #tpu.memory_space<hbm>>
      %dma_start3A_73 = tpu.memref_squeeze %dma_start3A : memref<1x640xf32, #tpu.memory_space<hbm>> -> memref<640xf32, #tpu.memory_space<hbm>>
      %dma_start3A_74 = tpu.memref_slice %arg3[%run_scoped3A_10, %multiple_of3A_7] : memref<2x10240xf32, #tpu.memory_space<hbm>> -> memref<1x640xf32, #tpu.memory_space<hbm>>
      %dma_start3A_75 = tpu.memref_squeeze %dma_start3A_74 : memref<1x640xf32, #tpu.memory_space<hbm>> -> memref<640xf32, #tpu.memory_space<hbm>>
      tpu.enqueue_dma source(%dma_start3A_75 : memref<640xf32, #tpu.memory_space<hbm>>) target(%arg13 : memref<640xf32, #tpu.memory_space<vmem>>) target_semaphore(%run_scoped3A_72 : memref<!tpu.dma_semaphore, #tpu.memory_space<semaphore_mem>>)
      %dma_wait3A = tpu.memref_slice %arg3[%run_scoped3A_10, %multiple_of3A_7] : memref<2x10240xf32, #tpu.memory_space<hbm>> -> memref<1x640xf32, #tpu.memory_space<hbm>>
      %dma_wait3A_76 = tpu.memref_squeeze %dma_wait3A : memref<1x640xf32, #tpu.memory_space<hbm>> -> memref<640xf32, #tpu.memory_space<hbm>>
      %dma_wait3A_77 = tpu.memref_slice %arg3[%run_scoped3A_10, %multiple_of3A_7] : memref<2x10240xf32, #tpu.memory_space<hbm>> -> memref<1x640xf32, #tpu.memory_space<hbm>>
      %dma_wait3A_78 = tpu.memref_squeeze %dma_wait3A_77 : memref<1x640xf32, #tpu.memory_space<hbm>> -> memref<640xf32, #tpu.memory_space<hbm>>
      tpu.wait_dma2 semaphore(%run_scoped3A_72 : memref<!tpu.dma_semaphore, #tpu.memory_space<semaphore_mem>>) src(%dma_wait3A_78 : memref<640xf32, #tpu.memory_space<hbm>>) dst(%arg13 : memref<640xf32, #tpu.memory_space<vmem>>)
      tpu.yield
    }) : () -> ()
    "tpu.region"() ({
      %run_scoped3A_72 = tpu.sem_alloc : memref<!tpu.dma_semaphore, #tpu.memory_space<semaphore_mem>>
      %dma_start3A = tpu.memref_slice %arg4[%multiple_of3A_7] : memref<10240xf32, #tpu.memory_space<hbm>> -> memref<640xf32, #tpu.memory_space<hbm>>
      %dma_start3A_73 = tpu.memref_slice %arg4[%multiple_of3A_7] : memref<10240xf32, #tpu.memory_space<hbm>> -> memref<640xf32, #tpu.memory_space<hbm>>
      tpu.enqueue_dma source(%dma_start3A_73 : memref<640xf32, #tpu.memory_space<hbm>>) target(%arg14 : memref<640xf32, #tpu.memory_space<vmem>>) target_semaphore(%run_scoped3A_72 : memref<!tpu.dma_semaphore, #tpu.memory_space<semaphore_mem>>)
      %dma_wait3A = tpu.memref_slice %arg4[%multiple_of3A_7] : memref<10240xf32, #tpu.memory_space<hbm>> -> memref<640xf32, #tpu.memory_space<hbm>>
      %dma_wait3A_74 = tpu.memref_slice %arg4[%multiple_of3A_7] : memref<10240xf32, #tpu.memory_space<hbm>> -> memref<640xf32, #tpu.memory_space<hbm>>
      tpu.wait_dma2 semaphore(%run_scoped3A_72 : memref<!tpu.dma_semaphore, #tpu.memory_space<semaphore_mem>>) src(%dma_wait3A_74 : memref<640xf32, #tpu.memory_space<hbm>>) dst(%arg14 : memref<640xf32, #tpu.memory_space<vmem>>)
      tpu.yield
    }) : () -> ()
    "tpu.region"() ({
      %run_scoped3A_72 = tpu.sem_alloc : memref<!tpu.dma_semaphore, #tpu.memory_space<semaphore_mem>>
      %dma_start3A = tpu.memref_slice %arg5[%multiple_of3A_7] : memref<10240xf32, #tpu.memory_space<hbm>> -> memref<640xf32, #tpu.memory_space<hbm>>
      %dma_start3A_73 = tpu.memref_slice %arg5[%multiple_of3A_7] : memref<10240xf32, #tpu.memory_space<hbm>> -> memref<640xf32, #tpu.memory_space<hbm>>
      tpu.enqueue_dma source(%dma_start3A_73 : memref<640xf32, #tpu.memory_space<hbm>>) target(%arg15 : memref<640xf32, #tpu.memory_space<vmem>>) target_semaphore(%run_scoped3A_72 : memref<!tpu.dma_semaphore, #tpu.memory_space<semaphore_mem>>)
      %dma_wait3A = tpu.memref_slice %arg5[%multiple_of3A_7] : memref<10240xf32, #tpu.memory_space<hbm>> -> memref<640xf32, #tpu.memory_space<hbm>>
      %dma_wait3A_74 = tpu.memref_slice %arg5[%multiple_of3A_7] : memref<10240xf32, #tpu.memory_space<hbm>> -> memref<640xf32, #tpu.memory_space<hbm>>
      tpu.wait_dma2 semaphore(%run_scoped3A_72 : memref<!tpu.dma_semaphore, #tpu.memory_space<semaphore_mem>>) src(%dma_wait3A_74 : memref<640xf32, #tpu.memory_space<hbm>>) dst(%arg15 : memref<640xf32, #tpu.memory_space<vmem>>)
      tpu.yield
    }) : () -> ()
    %scan3A = arith.constant 0 : i32
    %scan3A_11 = arith.constant 0 : i32
    %scan3A_12 = arith.constant 40 : i32
    %scan3A_13 = arith.addi %scan3A_11, %scan3A_12 : i32
    %scan3A_14 = arith.constant 1 : i32
    %scan3A_15 = scf.for %scan3A_72 = %scan3A_11 to %scan3A_13 step %scan3A_14 iter_args(%scan3A_73 = %scan3A) -> (i32)  : i32 {
      %mul3A_74 = arith.constant 16 : i32
      %mul3A_75 = arith.muli %scan3A_72, %mul3A_74 : i32
      %get3A = arith.index_cast %mul3A_75 : i32 to index
      %get3A_76 = tpu.vector_load %arg15[%get3A] {strides = array<i32>} : memref<640xf32, #tpu.memory_space<vmem>>, vector<16xf32>,
      %get3A_77 = vector.shape_cast %get3A_76 : vector<16xf32> to vector<16xf32>
      %get3A_78 = arith.index_cast %mul3A_75 : i32 to index
      %get3A_79 = tpu.vector_load %arg14[%get3A_78] {strides = array<i32>} : memref<640xf32, #tpu.memory_space<vmem>>, vector<16xf32>,
      %get3A_80 = vector.shape_cast %get3A_79 : vector<16xf32> to vector<16xf32>
      %get3A_81 = arith.index_cast %mul3A_75 : i32 to index
      %get3A_82 = tpu.vector_load %arg12[%get3A_81] {strides = array<i32>} : memref<640xf32, #tpu.memory_space<vmem>>, vector<16xf32>,
      %get3A_83 = vector.shape_cast %get3A_82 : vector<16xf32> to vector<16xf32>
      %get3A_84 = arith.index_cast %mul3A_75 : i32 to index
      %get3A_85 = tpu.vector_load %arg13[%get3A_84] {strides = array<i32>} : memref<640xf32, #tpu.memory_space<vmem>>, vector<16xf32>,
      %get3A_86 = vector.shape_cast %get3A_85 : vector<16xf32> to vector<16xf32>
      %add3A_87 = arith.addf %get3A_83, %get3A_86 : vector<16xf32>
      %mul3A_88 = arith.mulf %get3A_80, %add3A_87 : vector<16xf32>
      %mul3A_89 = arith.mulf %get3A_77, %mul3A_88 : vector<16xf32>
      %swap3A = arith.index_cast %mul3A_75 : i32 to index
      %swap3A_90 = tpu.vector_load %arg12[%swap3A] {strides = array<i32>} : memref<640xf32, #tpu.memory_space<vmem>>, vector<16xf32>,
      %swap3A_91 = vector.shape_cast %swap3A_90 : vector<16xf32> to vector<16xf32>
      %swap3A_92 = vector.shape_cast %mul3A_89 : vector<16xf32> to vector<16xf32>
      tpu.vector_store %arg12[%swap3A], %swap3A_92 {strides = array<i32>} : memref<640xf32, #tpu.memory_space<vmem>>, vector<16xf32>,
      %scan3A_93 = arith.constant 0 : i32
      scf.yield %scan3A_93 : i32
    }
    %scan3A_16 = arith.constant 40 : i32
    "tpu.region"() ({
      %run_scoped3A_72 = tpu.sem_alloc : memref<!tpu.dma_semaphore, #tpu.memory_space<semaphore_mem>>
      %dma_start3A = tpu.memref_slice %arg16[%multiple_of3A_7] : memref<10240xf32, #tpu.memory_space<vmem_shared>> -> memref<640xf32, #tpu.memory_space<vmem_shared>>
      %dma_start3A_73 = tpu.memref_slice %arg16[%multiple_of3A_7] : memref<10240xf32, #tpu.memory_space<vmem_shared>> -> memref<640xf32, #tpu.memory_space<vmem_shared>>
      tpu.enqueue_dma source(%arg12 : memref<640xf32, #tpu.memory_space<vmem>>) target(%dma_start3A_73 : memref<640xf32, #tpu.memory_space<vmem_shared>>) target_semaphore(%run_scoped3A_72 : memref<!tpu.dma_semaphore, #tpu.memory_space<semaphore_mem>>)
      %dma_wait3A = tpu.memref_slice %arg16[%multiple_of3A_7] : memref<10240xf32, #tpu.memory_space<vmem_shared>> -> memref<640xf32, #tpu.memory_space<vmem_shared>>
      %dma_wait3A_74 = tpu.memref_slice %arg16[%multiple_of3A_7] : memref<10240xf32, #tpu.memory_space<vmem_shared>> -> memref<640xf32, #tpu.memory_space<vmem_shared>>
      tpu.wait_dma2 semaphore(%run_scoped3A_72 : memref<!tpu.dma_semaphore, #tpu.memory_space<semaphore_mem>>) src(%arg12 : memref<640xf32, #tpu.memory_space<vmem>>) dst(%dma_wait3A_74 : memref<640xf32, #tpu.memory_space<vmem_shared>>)
      tpu.yield
    }) : () -> ()
    %barrier3A = arith.constant 0 : index
    tpu.barrier barrier_id(%barrier3A)
    %run_scoped3A_17 = arith.constant 0 : i32
    "tpu.region"() ({
      %run_scoped3A_72 = tpu.sem_alloc : memref<!tpu.dma_semaphore, #tpu.memory_space<semaphore_mem>>
      %dma_start3A = arith.constant 0 : i32
      %dma_start3A_73 = tpu.memref_slice %arg2[%run_scoped3A_17, %multiple_of3A, %dma_start3A] : memref<2x2560x128xi32, #tpu.memory_space<hbm>> -> memref<1x80x128xi32, #tpu.memory_space<hbm>>
      %dma_start3A_74 = tpu.memref_squeeze %dma_start3A_73 : memref<1x80x128xi32, #tpu.memory_space<hbm>> -> memref<80x128xi32, #tpu.memory_space<hbm>>
      %dma_start3A_75 = arith.constant 0 : i32
      %dma_start3A_76 = tpu.memref_slice %arg2[%run_scoped3A_17, %multiple_of3A, %dma_start3A_75] : memref<2x2560x128xi32, #tpu.memory_space<hbm>> -> memref<1x80x128xi32, #tpu.memory_space<hbm>>
      %dma_start3A_77 = tpu.memref_squeeze %dma_start3A_76 : memref<1x80x128xi32, #tpu.memory_space<hbm>> -> memref<80x128xi32, #tpu.memory_space<hbm>>
      tpu.enqueue_dma source(%dma_start3A_77 : memref<80x128xi32, #tpu.memory_space<hbm>>) target(%arg8 : memref<80x128xi32, #tpu.memory_space<vmem>>) target_semaphore(%run_scoped3A_72 : memref<!tpu.dma_semaphore, #tpu.memory_space<semaphore_mem>>)
      %dma_wait3A = arith.constant 0 : i32
      %dma_wait3A_78 = tpu.memref_slice %arg2[%run_scoped3A_17, %multiple_of3A, %dma_wait3A] : memref<2x2560x128xi32, #tpu.memory_space<hbm>> -> memref<1x80x128xi32, #tpu.memory_space<hbm>>
      %dma_wait3A_79 = tpu.memref_squeeze %dma_wait3A_78 : memref<1x80x128xi32, #tpu.memory_space<hbm>> -> memref<80x128xi32, #tpu.memory_space<hbm>>
      %dma_wait3A_80 = arith.constant 0 : i32
      %dma_wait3A_81 = tpu.memref_slice %arg2[%run_scoped3A_17, %multiple_of3A, %dma_wait3A_80] : memref<2x2560x128xi32, #tpu.memory_space<hbm>> -> memref<1x80x128xi32, #tpu.memory_space<hbm>>
      %dma_wait3A_82 = tpu.memref_squeeze %dma_wait3A_81 : memref<1x80x128xi32, #tpu.memory_space<hbm>> -> memref<80x128xi32, #tpu.memory_space<hbm>>
      tpu.wait_dma2 semaphore(%run_scoped3A_72 : memref<!tpu.dma_semaphore, #tpu.memory_space<semaphore_mem>>) src(%dma_wait3A_82 : memref<80x128xi32, #tpu.memory_space<hbm>>) dst(%arg8 : memref<80x128xi32, #tpu.memory_space<vmem>>)
      tpu.yield
    }) : () -> ()
    %run_scoped3A_18 = arith.constant 1 : i32
    "tpu.region"() ({
      %run_scoped3A_72 = tpu.sem_alloc : memref<!tpu.dma_semaphore, #tpu.memory_space<semaphore_mem>>
      %dma_start3A = arith.constant 0 : i32
      %dma_start3A_73 = tpu.memref_slice %arg2[%run_scoped3A_18, %multiple_of3A, %dma_start3A] : memref<2x2560x128xi32, #tpu.memory_space<hbm>> -> memref<1x80x128xi32, #tpu.memory_space<hbm>>
      %dma_start3A_74 = tpu.memref_squeeze %dma_start3A_73 : memref<1x80x128xi32, #tpu.memory_space<hbm>> -> memref<80x128xi32, #tpu.memory_space<hbm>>
      %dma_start3A_75 = arith.constant 0 : i32
      %dma_start3A_76 = tpu.memref_slice %arg2[%run_scoped3A_18, %multiple_of3A, %dma_start3A_75] : memref<2x2560x128xi32, #tpu.memory_space<hbm>> -> memref<1x80x128xi32, #tpu.memory_space<hbm>>
      %dma_start3A_77 = tpu.memref_squeeze %dma_start3A_76 : memref<1x80x128xi32, #tpu.memory_space<hbm>> -> memref<80x128xi32, #tpu.memory_space<hbm>>
      tpu.enqueue_dma source(%dma_start3A_77 : memref<80x128xi32, #tpu.memory_space<hbm>>) target(%arg9 : memref<80x128xi32, #tpu.memory_space<vmem>>) target_semaphore(%run_scoped3A_72 : memref<!tpu.dma_semaphore, #tpu.memory_space<semaphore_mem>>)
      %dma_wait3A = arith.constant 0 : i32
      %dma_wait3A_78 = tpu.memref_slice %arg2[%run_scoped3A_18, %multiple_of3A, %dma_wait3A] : memref<2x2560x128xi32, #tpu.memory_space<hbm>> -> memref<1x80x128xi32, #tpu.memory_space<hbm>>
      %dma_wait3A_79 = tpu.memref_squeeze %dma_wait3A_78 : memref<1x80x128xi32, #tpu.memory_space<hbm>> -> memref<80x128xi32, #tpu.memory_space<hbm>>
      %dma_wait3A_80 = arith.constant 0 : i32
      %dma_wait3A_81 = tpu.memref_slice %arg2[%run_scoped3A_18, %multiple_of3A, %dma_wait3A_80] : memref<2x2560x128xi32, #tpu.memory_space<hbm>> -> memref<1x80x128xi32, #tpu.memory_space<hbm>>
      %dma_wait3A_82 = tpu.memref_squeeze %dma_wait3A_81 : memref<1x80x128xi32, #tpu.memory_space<hbm>> -> memref<80x128xi32, #tpu.memory_space<hbm>>
      tpu.wait_dma2 semaphore(%run_scoped3A_72 : memref<!tpu.dma_semaphore, #tpu.memory_space<semaphore_mem>>) src(%dma_wait3A_82 : memref<80x128xi32, #tpu.memory_space<hbm>>) dst(%arg9 : memref<80x128xi32, #tpu.memory_space<vmem>>)
      tpu.yield
    }) : () -> ()
    %while3A = arith.constant 0 : i32
    %while3A_19 = arith.constant 0 : i32
    %while3A_20 = arith.subi %select_n3A, %while3A : i32
    %while3A_21 = arith.addi %while3A, %while3A_20 : i32
    %while3A_22 = arith.constant 1 : i32
    %while3A_23 = arith.divsi %while3A_20, %while3A_22 : i32
    %while3A_24 = arith.muli %while3A_23, %while3A_22 : i32
    %while3A_25 = arith.addi %while3A, %while3A_24 : i32
    %while3A_26 = arith.constant 1 : i32
    %while3A_27 = scf.for %while3A_72 = %while3A to %while3A_25 step %while3A_26 iter_args(%while3A_73 = %while3A_19) -> (i32)  : i32 {
      %dma_start3A = arith.constant 0 : i32
      %dma_start3A_74 = tpu.memref_slice %arg10[%while3A_72, %dma_start3A] : memref<80x128xf32, #tpu.memory_space<vmem>> -> memref<1x128xf32, #tpu.memory_space<vmem>>
      %dma_start3A_75 = tpu.memref_squeeze %dma_start3A_74 : memref<1x128xf32, #tpu.memory_space<vmem>> -> memref<128xf32, #tpu.memory_space<vmem>>
      %dma_start3A_76 = arith.constant 0 : i32
      %dma_start3A_77 = tpu.memref_slice %arg9[%while3A_72, %dma_start3A_76] : memref<80x128xi32, #tpu.memory_space<vmem>> -> memref<1x128xi32, #tpu.memory_space<vmem>>
      %dma_start3A_78 = tpu.memref_squeeze %dma_start3A_77 : memref<1x128xi32, #tpu.memory_space<vmem>> -> memref<128xi32, #tpu.memory_space<vmem>>
      %dma_start3A_79 = arith.constant 0 : i32
      %dma_start3A_80 = tpu.memref_slice %arg16[%dma_start3A_79] : memref<10240xf32, #tpu.memory_space<vmem_shared>> -> memref<10240xf32, #tpu.memory_space<vmem_shared>>
      tpu.enqueue_indirect_dma source(%dma_start3A_80 : memref<10240xf32, #tpu.memory_space<vmem_shared>>) target(%dma_start3A_75 : memref<128xf32, #tpu.memory_space<vmem>>) offsets(%dma_start3A_78 : memref<128xi32, #tpu.memory_space<vmem>>) semaphore(%arg18 : memref<!tpu.dma_semaphore, #tpu.memory_space<semaphore_mem>>)
      %while3A_81 = arith.constant 0 : i32
      scf.yield %while3A_81 : i32
    }
    %while3A_28 = arith.constant 1 : i32
    %while3A_29 = scf.for %while3A_72 = %while3A_25 to %while3A_21 step %while3A_28 iter_args(%while3A_73 = %while3A_27) -> (i32)  : i32 {
      %dma_start3A = arith.constant 0 : i32
      %dma_start3A_74 = tpu.memref_slice %arg10[%while3A_72, %dma_start3A] : memref<80x128xf32, #tpu.memory_space<vmem>> -> memref<1x128xf32, #tpu.memory_space<vmem>>
      %dma_start3A_75 = tpu.memref_squeeze %dma_start3A_74 : memref<1x128xf32, #tpu.memory_space<vmem>> -> memref<128xf32, #tpu.memory_space<vmem>>
      %dma_start3A_76 = arith.constant 0 : i32
      %dma_start3A_77 = tpu.memref_slice %arg9[%while3A_72, %dma_start3A_76] : memref<80x128xi32, #tpu.memory_space<vmem>> -> memref<1x128xi32, #tpu.memory_space<vmem>>
      %dma_start3A_78 = tpu.memref_squeeze %dma_start3A_77 : memref<1x128xi32, #tpu.memory_space<vmem>> -> memref<128xi32, #tpu.memory_space<vmem>>
      %dma_start3A_79 = arith.constant 0 : i32
      %dma_start3A_80 = tpu.memref_slice %arg16[%dma_start3A_79] : memref<10240xf32, #tpu.memory_space<vmem_shared>> -> memref<10240xf32, #tpu.memory_space<vmem_shared>>
      tpu.enqueue_indirect_dma source(%dma_start3A_80 : memref<10240xf32, #tpu.memory_space<vmem_shared>>) target(%dma_start3A_75 : memref<128xf32, #tpu.memory_space<vmem>>) offsets(%dma_start3A_78 : memref<128xi32, #tpu.memory_space<vmem>>) semaphore(%arg18 : memref<!tpu.dma_semaphore, #tpu.memory_space<semaphore_mem>>)
      %while3A_81 = arith.constant 0 : i32
      scf.yield %while3A_81 : i32
    }
    %while3A_30 = arith.constant 0 : i32
    %while3A_31 = arith.constant 0 : i32
    %while3A_32 = arith.subi %select_n3A, %while3A_30 : i32
    %while3A_33 = arith.addi %while3A_30, %while3A_32 : i32
    %while3A_34 = arith.constant 1 : i32
    %while3A_35 = arith.divsi %while3A_32, %while3A_34 : i32
    %while3A_36 = arith.muli %while3A_35, %while3A_34 : i32
    %while3A_37 = arith.addi %while3A_30, %while3A_36 : i32
    %while3A_38 = arith.constant 1 : i32
    %while3A_39 = scf.for %while3A_72 = %while3A_30 to %while3A_37 step %while3A_38 iter_args(%while3A_73 = %while3A_31) -> (i32)  : i32 {
      %dma_wait3A = arith.constant 0 : i32
      %dma_wait3A_74 = arith.constant 0 : i32
      %dma_wait3A_75 = arith.constant 0 : i32
      %dma_wait3A_76 = tpu.memref_slice %arg10[%dma_wait3A_74, %dma_wait3A_75] : memref<80x128xf32, #tpu.memory_space<vmem>> -> memref<1x128xf32, #tpu.memory_space<vmem>>
      %dma_wait3A_77 = tpu.memref_squeeze %dma_wait3A_76 : memref<1x128xf32, #tpu.memory_space<vmem>> -> memref<128xf32, #tpu.memory_space<vmem>>
      %dma_wait3A_78 = arith.constant 0 : i32
      %dma_wait3A_79 = tpu.memref_slice %arg9[%dma_wait3A, %dma_wait3A_78] : memref<80x128xi32, #tpu.memory_space<vmem>> -> memref<1x128xi32, #tpu.memory_space<vmem>>
      %dma_wait3A_80 = tpu.memref_squeeze %dma_wait3A_79 : memref<1x128xi32, #tpu.memory_space<vmem>> -> memref<128xi32, #tpu.memory_space<vmem>>
      %dma_wait3A_81 = arith.constant 0 : i32
      %dma_wait3A_82 = tpu.memref_slice %arg16[%dma_wait3A_81] : memref<10240xf32, #tpu.memory_space<vmem_shared>> -> memref<10240xf32, #tpu.memory_space<vmem_shared>>
      tpu.wait_indirect_dma semaphore(%arg18 : memref<!tpu.dma_semaphore, #tpu.memory_space<semaphore_mem>>) src(%dma_wait3A_82 : memref<10240xf32, #tpu.memory_space<vmem_shared>>) dst(%dma_wait3A_77 : memref<128xf32, #tpu.memory_space<vmem>>)
      %while3A_83 = arith.constant 0 : i32
      scf.yield %while3A_83 : i32
    }
    %while3A_40 = arith.constant 1 : i32
    %while3A_41 = scf.for %while3A_72 = %while3A_37 to %while3A_33 step %while3A_40 iter_args(%while3A_73 = %while3A_39) -> (i32)  : i32 {
      %dma_wait3A = arith.constant 0 : i32
      %dma_wait3A_74 = arith.constant 0 : i32
      %dma_wait3A_75 = arith.constant 0 : i32
      %dma_wait3A_76 = tpu.memref_slice %arg10[%dma_wait3A_74, %dma_wait3A_75] : memref<80x128xf32, #tpu.memory_space<vmem>> -> memref<1x128xf32, #tpu.memory_space<vmem>>
      %dma_wait3A_77 = tpu.memref_squeeze %dma_wait3A_76 : memref<1x128xf32, #tpu.memory_space<vmem>> -> memref<128xf32, #tpu.memory_space<vmem>>
      %dma_wait3A_78 = arith.constant 0 : i32
      %dma_wait3A_79 = tpu.memref_slice %arg9[%dma_wait3A, %dma_wait3A_78] : memref<80x128xi32, #tpu.memory_space<vmem>> -> memref<1x128xi32, #tpu.memory_space<vmem>>
      %dma_wait3A_80 = tpu.memref_squeeze %dma_wait3A_79 : memref<1x128xi32, #tpu.memory_space<vmem>> -> memref<128xi32, #tpu.memory_space<vmem>>
      %dma_wait3A_81 = arith.constant 0 : i32
      %dma_wait3A_82 = tpu.memref_slice %arg16[%dma_wait3A_81] : memref<10240xf32, #tpu.memory_space<vmem_shared>> -> memref<10240xf32, #tpu.memory_space<vmem_shared>>
      tpu.wait_indirect_dma semaphore(%arg18 : memref<!tpu.dma_semaphore, #tpu.memory_space<semaphore_mem>>) src(%dma_wait3A_82 : memref<10240xf32, #tpu.memory_space<vmem_shared>>) dst(%dma_wait3A_77 : memref<128xf32, #tpu.memory_space<vmem>>)
      %while3A_83 = arith.constant 0 : i32
      scf.yield %while3A_83 : i32
    }
    %while3A_42 = arith.constant 0 : i32
    %while3A_43 = arith.constant 0 : i32
    %while3A_44 = arith.subi %select_n3A, %while3A_42 : i32
    %while3A_45 = arith.addi %while3A_42, %while3A_44 : i32
    %while3A_46 = arith.constant 1 : i32
    %while3A_47 = arith.divsi %while3A_44, %while3A_46 : i32
    %while3A_48 = arith.muli %while3A_47, %while3A_46 : i32
    %while3A_49 = arith.addi %while3A_42, %while3A_48 : i32
    %while3A_50 = arith.constant 1 : i32
    %while3A_51 = scf.for %while3A_72 = %while3A_42 to %while3A_49 step %while3A_50 iter_args(%while3A_73 = %while3A_43) -> (i32)  : i32 {
      %dma_start3A = arith.constant 0 : i32
      %dma_start3A_74 = tpu.memref_slice %arg10[%while3A_72, %dma_start3A] : memref<80x128xf32, #tpu.memory_space<vmem>> -> memref<1x128xf32, #tpu.memory_space<vmem>>
      %dma_start3A_75 = tpu.memref_squeeze %dma_start3A_74 : memref<1x128xf32, #tpu.memory_space<vmem>> -> memref<128xf32, #tpu.memory_space<vmem>>
      %dma_start3A_76 = arith.constant 0 : i32
      %dma_start3A_77 = tpu.memref_slice %arg8[%while3A_72, %dma_start3A_76] : memref<80x128xi32, #tpu.memory_space<vmem>> -> memref<1x128xi32, #tpu.memory_space<vmem>>
      %dma_start3A_78 = tpu.memref_squeeze %dma_start3A_77 : memref<1x128xi32, #tpu.memory_space<vmem>> -> memref<128xi32, #tpu.memory_space<vmem>>
      %dma_start3A_79 = arith.constant 0 : i32
      %dma_start3A_80 = tpu.memref_slice %arg17[%dma_start3A_79] : memref<10240xf32, #tpu.memory_space<vmem_shared>> -> memref<10240xf32, #tpu.memory_space<vmem_shared>>
      tpu.enqueue_indirect_dma source(%dma_start3A_75 : memref<128xf32, #tpu.memory_space<vmem>>) target(%dma_start3A_80 : memref<10240xf32, #tpu.memory_space<vmem_shared>>) offsets(%dma_start3A_78 : memref<128xi32, #tpu.memory_space<vmem>>) semaphore(%arg19 : memref<!tpu.dma_semaphore, #tpu.memory_space<semaphore_mem>>) {add = true}
      %while3A_81 = arith.constant 0 : i32
      scf.yield %while3A_81 : i32
    }
    %while3A_52 = arith.constant 1 : i32
    %while3A_53 = scf.for %while3A_72 = %while3A_49 to %while3A_45 step %while3A_52 iter_args(%while3A_73 = %while3A_51) -> (i32)  : i32 {
      %dma_start3A = arith.constant 0 : i32
      %dma_start3A_74 = tpu.memref_slice %arg10[%while3A_72, %dma_start3A] : memref<80x128xf32, #tpu.memory_space<vmem>> -> memref<1x128xf32, #tpu.memory_space<vmem>>
      %dma_start3A_75 = tpu.memref_squeeze %dma_start3A_74 : memref<1x128xf32, #tpu.memory_space<vmem>> -> memref<128xf32, #tpu.memory_space<vmem>>
      %dma_start3A_76 = arith.constant 0 : i32
      %dma_start3A_77 = tpu.memref_slice %arg8[%while3A_72, %dma_start3A_76] : memref<80x128xi32, #tpu.memory_space<vmem>> -> memref<1x128xi32, #tpu.memory_space<vmem>>
      %dma_start3A_78 = tpu.memref_squeeze %dma_start3A_77 : memref<1x128xi32, #tpu.memory_space<vmem>> -> memref<128xi32, #tpu.memory_space<vmem>>
      %dma_start3A_79 = arith.constant 0 : i32
      %dma_start3A_80 = tpu.memref_slice %arg17[%dma_start3A_79] : memref<10240xf32, #tpu.memory_space<vmem_shared>> -> memref<10240xf32, #tpu.memory_space<vmem_shared>>
      tpu.enqueue_indirect_dma source(%dma_start3A_75 : memref<128xf32, #tpu.memory_space<vmem>>) target(%dma_start3A_80 : memref<10240xf32, #tpu.memory_space<vmem_shared>>) offsets(%dma_start3A_78 : memref<128xi32, #tpu.memory_space<vmem>>) semaphore(%arg19 : memref<!tpu.dma_semaphore, #tpu.memory_space<semaphore_mem>>) {add = true}
      %while3A_81 = arith.constant 0 : i32
      scf.yield %while3A_81 : i32
    }
    %while3A_54 = arith.constant 0 : i32
    %while3A_55 = arith.constant 0 : i32
    %while3A_56 = arith.subi %select_n3A, %while3A_54 : i32
    %while3A_57 = arith.addi %while3A_54, %while3A_56 : i32
    %while3A_58 = arith.constant 1 : i32
    %while3A_59 = arith.divsi %while3A_56, %while3A_58 : i32
    %while3A_60 = arith.muli %while3A_59, %while3A_58 : i32
    %while3A_61 = arith.addi %while3A_54, %while3A_60 : i32
    %while3A_62 = arith.constant 1 : i32
    %while3A_63 = scf.for %while3A_72 = %while3A_54 to %while3A_61 step %while3A_62 iter_args(%while3A_73 = %while3A_55) -> (i32)  : i32 {
      %dma_wait3A = arith.constant 0 : i32
      %dma_wait3A_74 = arith.constant 0 : i32
      %dma_wait3A_75 = arith.constant 0 : i32
      %dma_wait3A_76 = tpu.memref_slice %arg10[%dma_wait3A, %dma_wait3A_75] : memref<80x128xf32, #tpu.memory_space<vmem>> -> memref<1x128xf32, #tpu.memory_space<vmem>>
      %dma_wait3A_77 = tpu.memref_squeeze %dma_wait3A_76 : memref<1x128xf32, #tpu.memory_space<vmem>> -> memref<128xf32, #tpu.memory_space<vmem>>
      %dma_wait3A_78 = arith.constant 0 : i32
      %dma_wait3A_79 = tpu.memref_slice %arg8[%dma_wait3A_74, %dma_wait3A_78] : memref<80x128xi32, #tpu.memory_space<vmem>> -> memref<1x128xi32, #tpu.memory_space<vmem>>
      %dma_wait3A_80 = tpu.memref_squeeze %dma_wait3A_79 : memref<1x128xi32, #tpu.memory_space<vmem>> -> memref<128xi32, #tpu.memory_space<vmem>>
      %dma_wait3A_81 = arith.constant 0 : i32
      %dma_wait3A_82 = tpu.memref_slice %arg17[%dma_wait3A_81] : memref<10240xf32, #tpu.memory_space<vmem_shared>> -> memref<10240xf32, #tpu.memory_space<vmem_shared>>
      tpu.wait_indirect_dma semaphore(%arg19 : memref<!tpu.dma_semaphore, #tpu.memory_space<semaphore_mem>>) src(%dma_wait3A_77 : memref<128xf32, #tpu.memory_space<vmem>>) dst(%dma_wait3A_82 : memref<10240xf32, #tpu.memory_space<vmem_shared>>)
      %while3A_83 = arith.constant 0 : i32
      scf.yield %while3A_83 : i32
    }
    %while3A_64 = arith.constant 1 : i32
    %while3A_65 = scf.for %while3A_72 = %while3A_61 to %while3A_57 step %while3A_64 iter_args(%while3A_73 = %while3A_63) -> (i32)  : i32 {
      %dma_wait3A = arith.constant 0 : i32
      %dma_wait3A_74 = arith.constant 0 : i32
      %dma_wait3A_75 = arith.constant 0 : i32
      %dma_wait3A_76 = tpu.memref_slice %arg10[%dma_wait3A, %dma_wait3A_75] : memref<80x128xf32, #tpu.memory_space<vmem>> -> memref<1x128xf32, #tpu.memory_space<vmem>>
      %dma_wait3A_77 = tpu.memref_squeeze %dma_wait3A_76 : memref<1x128xf32, #tpu.memory_space<vmem>> -> memref<128xf32, #tpu.memory_space<vmem>>
      %dma_wait3A_78 = arith.constant 0 : i32
      %dma_wait3A_79 = tpu.memref_slice %arg8[%dma_wait3A_74, %dma_wait3A_78] : memref<80x128xi32, #tpu.memory_space<vmem>> -> memref<1x128xi32, #tpu.memory_space<vmem>>
      %dma_wait3A_80 = tpu.memref_squeeze %dma_wait3A_79 : memref<1x128xi32, #tpu.memory_space<vmem>> -> memref<128xi32, #tpu.memory_space<vmem>>
      %dma_wait3A_81 = arith.constant 0 : i32
      %dma_wait3A_82 = tpu.memref_slice %arg17[%dma_wait3A_81] : memref<10240xf32, #tpu.memory_space<vmem_shared>> -> memref<10240xf32, #tpu.memory_space<vmem_shared>>
      tpu.wait_indirect_dma semaphore(%arg19 : memref<!tpu.dma_semaphore, #tpu.memory_space<semaphore_mem>>) src(%dma_wait3A_77 : memref<128xf32, #tpu.memory_space<vmem>>) dst(%dma_wait3A_82 : memref<10240xf32, #tpu.memory_space<vmem_shared>>)
      %while3A_83 = arith.constant 0 : i32
      scf.yield %while3A_83 : i32
    }
    %barrier3A_66 = arith.constant 0 : index
    tpu.barrier barrier_id(%barrier3A_66)
    %eq3A_67 = arith.constant 0 : i32
    %eq3A_68 = arith.cmpi eq, %arg1, %eq3A_67 : i32
    %convert_element_type3A_69 = arith.extui %eq3A_68 : i1 to i32
    %cond3A_70 = arith.constant 0 : i32
    %cond3A_71 = arith.cmpi ne, %convert_element_type3A_69, %cond3A_70 : i32
    scf.if %cond3A_71 {
      "tpu.region"() ({
        %run_scoped3A_72 = tpu.sem_alloc : memref<!tpu.dma_semaphore, #tpu.memory_space<semaphore_mem>>
        tpu.enqueue_dma source(%arg17 : memref<10240xf32, #tpu.memory_space<vmem_shared>>) target(%arg11 : memref<10240xf32, #tpu.memory_space<vmem>>) target_semaphore(%run_scoped3A_72 : memref<!tpu.dma_semaphore, #tpu.memory_space<semaphore_mem>>)
        tpu.wait_dma2 semaphore(%run_scoped3A_72 : memref<!tpu.dma_semaphore, #tpu.memory_space<semaphore_mem>>) src(%arg17 : memref<10240xf32, #tpu.memory_space<vmem_shared>>) dst(%arg11 : memref<10240xf32, #tpu.memory_space<vmem>>)
        tpu.yield
      }) : () -> ()
      "tpu.region"() ({
        %run_scoped3A_72 = tpu.sem_alloc : memref<!tpu.dma_semaphore, #tpu.memory_space<semaphore_mem>>
        %dma_start3A = arith.constant 0 : i32
        %dma_start3A_73 = tpu.memref_slice %arg7[%arg0, %dma_start3A] : memref<2x10240xf32, #tpu.memory_space<hbm>> -> memref<1x10240xf32, #tpu.memory_space<hbm>>
        %dma_start3A_74 = tpu.memref_squeeze %dma_start3A_73 : memref<1x10240xf32, #tpu.memory_space<hbm>> -> memref<10240xf32, #tpu.memory_space<hbm>>
        %dma_start3A_75 = arith.constant 0 : i32
        %dma_start3A_76 = tpu.memref_slice %arg7[%arg0, %dma_start3A_75] : memref<2x10240xf32, #tpu.memory_space<hbm>> -> memref<1x10240xf32, #tpu.memory_space<hbm>>
        %dma_start3A_77 = tpu.memref_squeeze %dma_start3A_76 : memref<1x10240xf32, #tpu.memory_space<hbm>> -> memref<10240xf32, #tpu.memory_space<hbm>>
        tpu.enqueue_dma source(%arg11 : memref<10240xf32, #tpu.memory_space<vmem>>) target(%dma_start3A_77 : memref<10240xf32, #tpu.memory_space<hbm>>) target_semaphore(%run_scoped3A_72 : memref<!tpu.dma_semaphore, #tpu.memory_space<semaphore_mem>>)
        %dma_wait3A = arith.constant 0 : i32
        %dma_wait3A_78 = tpu.memref_slice %arg7[%arg0, %dma_wait3A] : memref<2x10240xf32, #tpu.memory_space<hbm>> -> memref<1x10240xf32, #tpu.memory_space<hbm>>
        %dma_wait3A_79 = tpu.memref_squeeze %dma_wait3A_78 : memref<1x10240xf32, #tpu.memory_space<hbm>> -> memref<10240xf32, #tpu.memory_space<hbm>>
        %dma_wait3A_80 = arith.constant 0 : i32
        %dma_wait3A_81 = tpu.memref_slice %arg7[%arg0, %dma_wait3A_80] : memref<2x10240xf32, #tpu.memory_space<hbm>> -> memref<1x10240xf32, #tpu.memory_space<hbm>>
        %dma_wait3A_82 = tpu.memref_squeeze %dma_wait3A_81 : memref<1x10240xf32, #tpu.memory_space<hbm>> -> memref<10240xf32, #tpu.memory_space<hbm>>
        tpu.wait_dma2 semaphore(%run_scoped3A_72 : memref<!tpu.dma_semaphore, #tpu.memory_space<semaphore_mem>>) src(%arg11 : memref<10240xf32, #tpu.memory_space<vmem>>) dst(%dma_wait3A_82 : memref<10240xf32, #tpu.memory_space<hbm>>)
        tpu.yield
      }) : () -> ()
    } else {
    }
    return
  }
}

#map = affine_map<(d0, d1) -> (0, 0, 0)>
#map1 = affine_map<(d0, d1) -> (0)>
#map2 = affine_map<(d0, d1) -> (0, 0)>
module attributes {stable_mosaic.version = 14 : i64} {
  func.func @_deg_kernel(%arg0: i32, %arg1: i32, %arg2: memref<2x2560x128xi32, #tpu.memory_space<hbm>>, %arg3: memref<10240xf32, #tpu.memory_space<hbm>>, %arg4: memref<128xf32, #tpu.memory_space<hbm>>, %arg5: memref<2x10240xf32, #tpu.memory_space<hbm>>, %arg6: memref<2x10240xf32, #tpu.memory_space<hbm>>, %arg7: memref<80x128xi32, #tpu.memory_space<vmem>>, %arg8: memref<80x128xi32, #tpu.memory_space<vmem>>, %arg9: memref<128xf32, #tpu.memory_space<vmem>>, %arg10: memref<10240xf32, #tpu.memory_space<vmem>>, %arg11: memref<10240xf32, #tpu.memory_space<vmem_shared>>, %arg12: memref<10240xf32, #tpu.memory_space<vmem_shared>>, %arg13: memref<!tpu.dma_semaphore, #tpu.memory_space<semaphore_mem>>) attributes {dimension_semantics = [#tpu.dimension_semantics<core_parallel>, #tpu.dimension_semantics<subcore_parallel>], iteration_bounds = array<i64: 2, 16>, scalar_prefetch = 0 : i64, scratch_operands = 7 : i64, tpu.core_type = #tpu.core_type<sc_vector_subcore>, window_params = [{transform_indices = #map}, {transform_indices = #map1}, {transform_indices = #map1}, {transform_indices = #map2}, {transform_indices = #map2}]} {
    %mul3A = arith.constant 16 : i32
    %mul3A_0 = arith.muli %arg0, %mul3A : i32
    %add3A = arith.addi %mul3A_0, %arg1 : i32
    %lt3A = arith.constant 31 : i32
    %lt3A_1 = arith.cmpi slt, %add3A, %lt3A : i32
    %jit3A = arith.constant 80 : i32
    %jit3A_2 = arith.constant 20 : i32
    %select_n3A = arith.select %lt3A_1, %jit3A, %jit3A_2 : i32
    %mul3A_3 = arith.constant 80 : i32
    %mul3A_4 = arith.muli %add3A, %mul3A_3 : i32
    %multiple_of3A = tpu.assume_multiple %mul3A_4, 8 : i32
    "tpu.region"() ({
      %run_scoped3A_39 = tpu.sem_alloc : memref<!tpu.dma_semaphore, #tpu.memory_space<semaphore_mem>>
      tpu.enqueue_dma source(%arg4 : memref<128xf32, #tpu.memory_space<hbm>>) target(%arg9 : memref<128xf32, #tpu.memory_space<vmem>>) target_semaphore(%run_scoped3A_39 : memref<!tpu.dma_semaphore, #tpu.memory_space<semaphore_mem>>)
      tpu.wait_dma2 semaphore(%run_scoped3A_39 : memref<!tpu.dma_semaphore, #tpu.memory_space<semaphore_mem>>) src(%arg4 : memref<128xf32, #tpu.memory_space<hbm>>) dst(%arg9 : memref<128xf32, #tpu.memory_space<vmem>>)
      tpu.yield
    }) : () -> ()
    %eq3A = arith.constant 0 : i32
    %eq3A_5 = arith.cmpi eq, %arg1, %eq3A : i32
    %convert_element_type3A = arith.extui %eq3A_5 : i1 to i32
    %cond3A = arith.constant 0 : i32
    %cond3A_6 = arith.cmpi ne, %convert_element_type3A, %cond3A : i32
    scf.if %cond3A_6 {
      "tpu.region"() ({
        %run_scoped3A_39 = tpu.sem_alloc : memref<!tpu.dma_semaphore, #tpu.memory_space<semaphore_mem>>
        tpu.enqueue_dma source(%arg3 : memref<10240xf32, #tpu.memory_space<hbm>>) target(%arg10 : memref<10240xf32, #tpu.memory_space<vmem>>) target_semaphore(%run_scoped3A_39 : memref<!tpu.dma_semaphore, #tpu.memory_space<semaphore_mem>>)
        tpu.wait_dma2 semaphore(%run_scoped3A_39 : memref<!tpu.dma_semaphore, #tpu.memory_space<semaphore_mem>>) src(%arg3 : memref<10240xf32, #tpu.memory_space<hbm>>) dst(%arg10 : memref<10240xf32, #tpu.memory_space<vmem>>)
        tpu.yield
      }) : () -> ()
      "tpu.region"() ({
        %run_scoped3A_39 = tpu.sem_alloc : memref<!tpu.dma_semaphore, #tpu.memory_space<semaphore_mem>>
        tpu.enqueue_dma source(%arg10 : memref<10240xf32, #tpu.memory_space<vmem>>) target(%arg11 : memref<10240xf32, #tpu.memory_space<vmem_shared>>) target_semaphore(%run_scoped3A_39 : memref<!tpu.dma_semaphore, #tpu.memory_space<semaphore_mem>>)
        tpu.wait_dma2 semaphore(%run_scoped3A_39 : memref<!tpu.dma_semaphore, #tpu.memory_space<semaphore_mem>>) src(%arg10 : memref<10240xf32, #tpu.memory_space<vmem>>) dst(%arg11 : memref<10240xf32, #tpu.memory_space<vmem_shared>>)
        tpu.yield
      }) : () -> ()
      "tpu.region"() ({
        %run_scoped3A_39 = tpu.sem_alloc : memref<!tpu.dma_semaphore, #tpu.memory_space<semaphore_mem>>
        tpu.enqueue_dma source(%arg10 : memref<10240xf32, #tpu.memory_space<vmem>>) target(%arg12 : memref<10240xf32, #tpu.memory_space<vmem_shared>>) target_semaphore(%run_scoped3A_39 : memref<!tpu.dma_semaphore, #tpu.memory_space<semaphore_mem>>)
        tpu.wait_dma2 semaphore(%run_scoped3A_39 : memref<!tpu.dma_semaphore, #tpu.memory_space<semaphore_mem>>) src(%arg10 : memref<10240xf32, #tpu.memory_space<vmem>>) dst(%arg12 : memref<10240xf32, #tpu.memory_space<vmem_shared>>)
        tpu.yield
      }) : () -> ()
    } else {
    }
    %barrier3A = arith.constant 0 : index
    tpu.barrier barrier_id(%barrier3A)
    %run_scoped3A = arith.constant 0 : i32
    "tpu.region"() ({
      %run_scoped3A_39 = tpu.sem_alloc : memref<!tpu.dma_semaphore, #tpu.memory_space<semaphore_mem>>
      %dma_start3A = arith.constant 0 : i32
      %dma_start3A_40 = tpu.memref_slice %arg2[%run_scoped3A, %multiple_of3A, %dma_start3A] : memref<2x2560x128xi32, #tpu.memory_space<hbm>> -> memref<1x80x128xi32, #tpu.memory_space<hbm>>
      %dma_start3A_41 = tpu.memref_squeeze %dma_start3A_40 : memref<1x80x128xi32, #tpu.memory_space<hbm>> -> memref<80x128xi32, #tpu.memory_space<hbm>>
      %dma_start3A_42 = arith.constant 0 : i32
      %dma_start3A_43 = tpu.memref_slice %arg2[%run_scoped3A, %multiple_of3A, %dma_start3A_42] : memref<2x2560x128xi32, #tpu.memory_space<hbm>> -> memref<1x80x128xi32, #tpu.memory_space<hbm>>
      %dma_start3A_44 = tpu.memref_squeeze %dma_start3A_43 : memref<1x80x128xi32, #tpu.memory_space<hbm>> -> memref<80x128xi32, #tpu.memory_space<hbm>>
      tpu.enqueue_dma source(%dma_start3A_44 : memref<80x128xi32, #tpu.memory_space<hbm>>) target(%arg7 : memref<80x128xi32, #tpu.memory_space<vmem>>) target_semaphore(%run_scoped3A_39 : memref<!tpu.dma_semaphore, #tpu.memory_space<semaphore_mem>>)
      %dma_wait3A = arith.constant 0 : i32
      %dma_wait3A_45 = tpu.memref_slice %arg2[%run_scoped3A, %multiple_of3A, %dma_wait3A] : memref<2x2560x128xi32, #tpu.memory_space<hbm>> -> memref<1x80x128xi32, #tpu.memory_space<hbm>>
      %dma_wait3A_46 = tpu.memref_squeeze %dma_wait3A_45 : memref<1x80x128xi32, #tpu.memory_space<hbm>> -> memref<80x128xi32, #tpu.memory_space<hbm>>
      %dma_wait3A_47 = arith.constant 0 : i32
      %dma_wait3A_48 = tpu.memref_slice %arg2[%run_scoped3A, %multiple_of3A, %dma_wait3A_47] : memref<2x2560x128xi32, #tpu.memory_space<hbm>> -> memref<1x80x128xi32, #tpu.memory_space<hbm>>
      %dma_wait3A_49 = tpu.memref_squeeze %dma_wait3A_48 : memref<1x80x128xi32, #tpu.memory_space<hbm>> -> memref<80x128xi32, #tpu.memory_space<hbm>>
      tpu.wait_dma2 semaphore(%run_scoped3A_39 : memref<!tpu.dma_semaphore, #tpu.memory_space<semaphore_mem>>) src(%dma_wait3A_49 : memref<80x128xi32, #tpu.memory_space<hbm>>) dst(%arg7 : memref<80x128xi32, #tpu.memory_space<vmem>>)
      tpu.yield
    }) : () -> ()
    %run_scoped3A_7 = arith.constant 1 : i32
    "tpu.region"() ({
      %run_scoped3A_39 = tpu.sem_alloc : memref<!tpu.dma_semaphore, #tpu.memory_space<semaphore_mem>>
      %dma_start3A = arith.constant 0 : i32
      %dma_start3A_40 = tpu.memref_slice %arg2[%run_scoped3A_7, %multiple_of3A, %dma_start3A] : memref<2x2560x128xi32, #tpu.memory_space<hbm>> -> memref<1x80x128xi32, #tpu.memory_space<hbm>>
      %dma_start3A_41 = tpu.memref_squeeze %dma_start3A_40 : memref<1x80x128xi32, #tpu.memory_space<hbm>> -> memref<80x128xi32, #tpu.memory_space<hbm>>
      %dma_start3A_42 = arith.constant 0 : i32
      %dma_start3A_43 = tpu.memref_slice %arg2[%run_scoped3A_7, %multiple_of3A, %dma_start3A_42] : memref<2x2560x128xi32, #tpu.memory_space<hbm>> -> memref<1x80x128xi32, #tpu.memory_space<hbm>>
      %dma_start3A_44 = tpu.memref_squeeze %dma_start3A_43 : memref<1x80x128xi32, #tpu.memory_space<hbm>> -> memref<80x128xi32, #tpu.memory_space<hbm>>
      tpu.enqueue_dma source(%dma_start3A_44 : memref<80x128xi32, #tpu.memory_space<hbm>>) target(%arg8 : memref<80x128xi32, #tpu.memory_space<vmem>>) target_semaphore(%run_scoped3A_39 : memref<!tpu.dma_semaphore, #tpu.memory_space<semaphore_mem>>)
      %dma_wait3A = arith.constant 0 : i32
      %dma_wait3A_45 = tpu.memref_slice %arg2[%run_scoped3A_7, %multiple_of3A, %dma_wait3A] : memref<2x2560x128xi32, #tpu.memory_space<hbm>> -> memref<1x80x128xi32, #tpu.memory_space<hbm>>
      %dma_wait3A_46 = tpu.memref_squeeze %dma_wait3A_45 : memref<1x80x128xi32, #tpu.memory_space<hbm>> -> memref<80x128xi32, #tpu.memory_space<hbm>>
      %dma_wait3A_47 = arith.constant 0 : i32
      %dma_wait3A_48 = tpu.memref_slice %arg2[%run_scoped3A_7, %multiple_of3A, %dma_wait3A_47] : memref<2x2560x128xi32, #tpu.memory_space<hbm>> -> memref<1x80x128xi32, #tpu.memory_space<hbm>>
      %dma_wait3A_49 = tpu.memref_squeeze %dma_wait3A_48 : memref<1x80x128xi32, #tpu.memory_space<hbm>> -> memref<80x128xi32, #tpu.memory_space<hbm>>
      tpu.wait_dma2 semaphore(%run_scoped3A_39 : memref<!tpu.dma_semaphore, #tpu.memory_space<semaphore_mem>>) src(%dma_wait3A_49 : memref<80x128xi32, #tpu.memory_space<hbm>>) dst(%arg8 : memref<80x128xi32, #tpu.memory_space<vmem>>)
      tpu.yield
    }) : () -> ()
    %while3A = arith.constant 0 : i32
    %while3A_8 = arith.constant 0 : i32
    %while3A_9 = arith.subi %select_n3A, %while3A : i32
    %while3A_10 = arith.addi %while3A, %while3A_9 : i32
    %while3A_11 = arith.constant 1 : i32
    %while3A_12 = arith.divsi %while3A_9, %while3A_11 : i32
    %while3A_13 = arith.muli %while3A_12, %while3A_11 : i32
    %while3A_14 = arith.addi %while3A, %while3A_13 : i32
    %while3A_15 = arith.constant 1 : i32
    %while3A_16 = scf.for %while3A_39 = %while3A to %while3A_14 step %while3A_15 iter_args(%while3A_40 = %while3A_8) -> (i32)  : i32 {
      %dma_start3A = arith.constant 0 : i32
      %dma_start3A_41 = tpu.memref_slice %arg7[%while3A_39, %dma_start3A] : memref<80x128xi32, #tpu.memory_space<vmem>> -> memref<1x128xi32, #tpu.memory_space<vmem>>
      %dma_start3A_42 = tpu.memref_squeeze %dma_start3A_41 : memref<1x128xi32, #tpu.memory_space<vmem>> -> memref<128xi32, #tpu.memory_space<vmem>>
      %dma_start3A_43 = arith.constant 0 : i32
      %dma_start3A_44 = tpu.memref_slice %arg11[%dma_start3A_43] : memref<10240xf32, #tpu.memory_space<vmem_shared>> -> memref<10240xf32, #tpu.memory_space<vmem_shared>>
      tpu.enqueue_indirect_dma source(%arg9 : memref<128xf32, #tpu.memory_space<vmem>>) target(%dma_start3A_44 : memref<10240xf32, #tpu.memory_space<vmem_shared>>) offsets(%dma_start3A_42 : memref<128xi32, #tpu.memory_space<vmem>>) semaphore(%arg13 : memref<!tpu.dma_semaphore, #tpu.memory_space<semaphore_mem>>) {add = true}
      %dma_start3A_45 = arith.constant 0 : i32
      %dma_start3A_46 = tpu.memref_slice %arg8[%while3A_39, %dma_start3A_45] : memref<80x128xi32, #tpu.memory_space<vmem>> -> memref<1x128xi32, #tpu.memory_space<vmem>>
      %dma_start3A_47 = tpu.memref_squeeze %dma_start3A_46 : memref<1x128xi32, #tpu.memory_space<vmem>> -> memref<128xi32, #tpu.memory_space<vmem>>
      %dma_start3A_48 = arith.constant 0 : i32
      %dma_start3A_49 = tpu.memref_slice %arg12[%dma_start3A_48] : memref<10240xf32, #tpu.memory_space<vmem_shared>> -> memref<10240xf32, #tpu.memory_space<vmem_shared>>
      tpu.enqueue_indirect_dma source(%arg9 : memref<128xf32, #tpu.memory_space<vmem>>) target(%dma_start3A_49 : memref<10240xf32, #tpu.memory_space<vmem_shared>>) offsets(%dma_start3A_47 : memref<128xi32, #tpu.memory_space<vmem>>) semaphore(%arg13 : memref<!tpu.dma_semaphore, #tpu.memory_space<semaphore_mem>>) {add = true}
      %while3A_50 = arith.constant 0 : i32
      scf.yield %while3A_50 : i32
    }
    %while3A_17 = arith.constant 1 : i32
    %while3A_18 = scf.for %while3A_39 = %while3A_14 to %while3A_10 step %while3A_17 iter_args(%while3A_40 = %while3A_16) -> (i32)  : i32 {
      %dma_start3A = arith.constant 0 : i32
      %dma_start3A_41 = tpu.memref_slice %arg7[%while3A_39, %dma_start3A] : memref<80x128xi32, #tpu.memory_space<vmem>> -> memref<1x128xi32, #tpu.memory_space<vmem>>
      %dma_start3A_42 = tpu.memref_squeeze %dma_start3A_41 : memref<1x128xi32, #tpu.memory_space<vmem>> -> memref<128xi32, #tpu.memory_space<vmem>>
      %dma_start3A_43 = arith.constant 0 : i32
      %dma_start3A_44 = tpu.memref_slice %arg11[%dma_start3A_43] : memref<10240xf32, #tpu.memory_space<vmem_shared>> -> memref<10240xf32, #tpu.memory_space<vmem_shared>>
      tpu.enqueue_indirect_dma source(%arg9 : memref<128xf32, #tpu.memory_space<vmem>>) target(%dma_start3A_44 : memref<10240xf32, #tpu.memory_space<vmem_shared>>) offsets(%dma_start3A_42 : memref<128xi32, #tpu.memory_space<vmem>>) semaphore(%arg13 : memref<!tpu.dma_semaphore, #tpu.memory_space<semaphore_mem>>) {add = true}
      %dma_start3A_45 = arith.constant 0 : i32
      %dma_start3A_46 = tpu.memref_slice %arg8[%while3A_39, %dma_start3A_45] : memref<80x128xi32, #tpu.memory_space<vmem>> -> memref<1x128xi32, #tpu.memory_space<vmem>>
      %dma_start3A_47 = tpu.memref_squeeze %dma_start3A_46 : memref<1x128xi32, #tpu.memory_space<vmem>> -> memref<128xi32, #tpu.memory_space<vmem>>
      %dma_start3A_48 = arith.constant 0 : i32
      %dma_start3A_49 = tpu.memref_slice %arg12[%dma_start3A_48] : memref<10240xf32, #tpu.memory_space<vmem_shared>> -> memref<10240xf32, #tpu.memory_space<vmem_shared>>
      tpu.enqueue_indirect_dma source(%arg9 : memref<128xf32, #tpu.memory_space<vmem>>) target(%dma_start3A_49 : memref<10240xf32, #tpu.memory_space<vmem_shared>>) offsets(%dma_start3A_47 : memref<128xi32, #tpu.memory_space<vmem>>) semaphore(%arg13 : memref<!tpu.dma_semaphore, #tpu.memory_space<semaphore_mem>>) {add = true}
      %while3A_50 = arith.constant 0 : i32
      scf.yield %while3A_50 : i32
    }
    %mul3A_19 = arith.constant 2 : i32
    %mul3A_20 = arith.muli %mul3A_19, %select_n3A : i32
    %while3A_21 = arith.constant 0 : i32
    %while3A_22 = arith.constant 0 : i32
    %while3A_23 = arith.subi %mul3A_20, %while3A_21 : i32
    %while3A_24 = arith.addi %while3A_21, %while3A_23 : i32
    %while3A_25 = arith.constant 1 : i32
    %while3A_26 = arith.divsi %while3A_23, %while3A_25 : i32
    %while3A_27 = arith.muli %while3A_26, %while3A_25 : i32
    %while3A_28 = arith.addi %while3A_21, %while3A_27 : i32
    %while3A_29 = arith.constant 1 : i32
    %while3A_30 = scf.for %while3A_39 = %while3A_21 to %while3A_28 step %while3A_29 iter_args(%while3A_40 = %while3A_22) -> (i32)  : i32 {
      %dma_wait3A = arith.constant 0 : i32
      %dma_wait3A_41 = arith.constant 0 : i32
      %dma_wait3A_42 = tpu.memref_slice %arg7[%dma_wait3A, %dma_wait3A_41] : memref<80x128xi32, #tpu.memory_space<vmem>> -> memref<1x128xi32, #tpu.memory_space<vmem>>
      %dma_wait3A_43 = tpu.memref_squeeze %dma_wait3A_42 : memref<1x128xi32, #tpu.memory_space<vmem>> -> memref<128xi32, #tpu.memory_space<vmem>>
      %dma_wait3A_44 = arith.constant 0 : i32
      %dma_wait3A_45 = tpu.memref_slice %arg11[%dma_wait3A_44] : memref<10240xf32, #tpu.memory_space<vmem_shared>> -> memref<10240xf32, #tpu.memory_space<vmem_shared>>
      tpu.wait_indirect_dma semaphore(%arg13 : memref<!tpu.dma_semaphore, #tpu.memory_space<semaphore_mem>>) src(%arg9 : memref<128xf32, #tpu.memory_space<vmem>>) dst(%dma_wait3A_45 : memref<10240xf32, #tpu.memory_space<vmem_shared>>)
      %while3A_46 = arith.constant 0 : i32
      scf.yield %while3A_46 : i32
    }
    %while3A_31 = arith.constant 1 : i32
    %while3A_32 = scf.for %while3A_39 = %while3A_28 to %while3A_24 step %while3A_31 iter_args(%while3A_40 = %while3A_30) -> (i32)  : i32 {
      %dma_wait3A = arith.constant 0 : i32
      %dma_wait3A_41 = arith.constant 0 : i32
      %dma_wait3A_42 = tpu.memref_slice %arg7[%dma_wait3A, %dma_wait3A_41] : memref<80x128xi32, #tpu.memory_space<vmem>> -> memref<1x128xi32, #tpu.memory_space<vmem>>
      %dma_wait3A_43 = tpu.memref_squeeze %dma_wait3A_42 : memref<1x128xi32, #tpu.memory_space<vmem>> -> memref<128xi32, #tpu.memory_space<vmem>>
      %dma_wait3A_44 = arith.constant 0 : i32
      %dma_wait3A_45 = tpu.memref_slice %arg11[%dma_wait3A_44] : memref<10240xf32, #tpu.memory_space<vmem_shared>> -> memref<10240xf32, #tpu.memory_space<vmem_shared>>
      tpu.wait_indirect_dma semaphore(%arg13 : memref<!tpu.dma_semaphore, #tpu.memory_space<semaphore_mem>>) src(%arg9 : memref<128xf32, #tpu.memory_space<vmem>>) dst(%dma_wait3A_45 : memref<10240xf32, #tpu.memory_space<vmem_shared>>)
      %while3A_46 = arith.constant 0 : i32
      scf.yield %while3A_46 : i32
    }
    %barrier3A_33 = arith.constant 0 : index
    tpu.barrier barrier_id(%barrier3A_33)
    %eq3A_34 = arith.constant 0 : i32
    %eq3A_35 = arith.cmpi eq, %arg1, %eq3A_34 : i32
    %convert_element_type3A_36 = arith.extui %eq3A_35 : i1 to i32
    %cond3A_37 = arith.constant 0 : i32
    %cond3A_38 = arith.cmpi ne, %convert_element_type3A_36, %cond3A_37 : i32
    scf.if %cond3A_38 {
      "tpu.region"() ({
        %run_scoped3A_39 = tpu.sem_alloc : memref<!tpu.dma_semaphore, #tpu.memory_space<semaphore_mem>>
        tpu.enqueue_dma source(%arg11 : memref<10240xf32, #tpu.memory_space<vmem_shared>>) target(%arg10 : memref<10240xf32, #tpu.memory_space<vmem>>) target_semaphore(%run_scoped3A_39 : memref<!tpu.dma_semaphore, #tpu.memory_space<semaphore_mem>>)
        tpu.wait_dma2 semaphore(%run_scoped3A_39 : memref<!tpu.dma_semaphore, #tpu.memory_space<semaphore_mem>>) src(%arg11 : memref<10240xf32, #tpu.memory_space<vmem_shared>>) dst(%arg10 : memref<10240xf32, #tpu.memory_space<vmem>>)
        tpu.yield
      }) : () -> ()
      "tpu.region"() ({
        %run_scoped3A_39 = tpu.sem_alloc : memref<!tpu.dma_semaphore, #tpu.memory_space<semaphore_mem>>
        %dma_start3A = arith.constant 0 : i32
        %dma_start3A_40 = tpu.memref_slice %arg5[%arg0, %dma_start3A] : memref<2x10240xf32, #tpu.memory_space<hbm>> -> memref<1x10240xf32, #tpu.memory_space<hbm>>
        %dma_start3A_41 = tpu.memref_squeeze %dma_start3A_40 : memref<1x10240xf32, #tpu.memory_space<hbm>> -> memref<10240xf32, #tpu.memory_space<hbm>>
        %dma_start3A_42 = arith.constant 0 : i32
        %dma_start3A_43 = tpu.memref_slice %arg5[%arg0, %dma_start3A_42] : memref<2x10240xf32, #tpu.memory_space<hbm>> -> memref<1x10240xf32, #tpu.memory_space<hbm>>
        %dma_start3A_44 = tpu.memref_squeeze %dma_start3A_43 : memref<1x10240xf32, #tpu.memory_space<hbm>> -> memref<10240xf32, #tpu.memory_space<hbm>>
        tpu.enqueue_dma source(%arg10 : memref<10240xf32, #tpu.memory_space<vmem>>) target(%dma_start3A_44 : memref<10240xf32, #tpu.memory_space<hbm>>) target_semaphore(%run_scoped3A_39 : memref<!tpu.dma_semaphore, #tpu.memory_space<semaphore_mem>>)
        %dma_wait3A = arith.constant 0 : i32
        %dma_wait3A_45 = tpu.memref_slice %arg5[%arg0, %dma_wait3A] : memref<2x10240xf32, #tpu.memory_space<hbm>> -> memref<1x10240xf32, #tpu.memory_space<hbm>>
        %dma_wait3A_46 = tpu.memref_squeeze %dma_wait3A_45 : memref<1x10240xf32, #tpu.memory_space<hbm>> -> memref<10240xf32, #tpu.memory_space<hbm>>
        %dma_wait3A_47 = arith.constant 0 : i32
        %dma_wait3A_48 = tpu.memref_slice %arg5[%arg0, %dma_wait3A_47] : memref<2x10240xf32, #tpu.memory_space<hbm>> -> memref<1x10240xf32, #tpu.memory_space<hbm>>
        %dma_wait3A_49 = tpu.memref_squeeze %dma_wait3A_48 : memref<1x10240xf32, #tpu.memory_space<hbm>> -> memref<10240xf32, #tpu.memory_space<hbm>>
        tpu.wait_dma2 semaphore(%run_scoped3A_39 : memref<!tpu.dma_semaphore, #tpu.memory_space<semaphore_mem>>) src(%arg10 : memref<10240xf32, #tpu.memory_space<vmem>>) dst(%dma_wait3A_49 : memref<10240xf32, #tpu.memory_space<hbm>>)
        tpu.yield
      }) : () -> ()
      "tpu.region"() ({
        %run_scoped3A_39 = tpu.sem_alloc : memref<!tpu.dma_semaphore, #tpu.memory_space<semaphore_mem>>
        tpu.enqueue_dma source(%arg12 : memref<10240xf32, #tpu.memory_space<vmem_shared>>) target(%arg10 : memref<10240xf32, #tpu.memory_space<vmem>>) target_semaphore(%run_scoped3A_39 : memref<!tpu.dma_semaphore, #tpu.memory_space<semaphore_mem>>)
        tpu.wait_dma2 semaphore(%run_scoped3A_39 : memref<!tpu.dma_semaphore, #tpu.memory_space<semaphore_mem>>) src(%arg12 : memref<10240xf32, #tpu.memory_space<vmem_shared>>) dst(%arg10 : memref<10240xf32, #tpu.memory_space<vmem>>)
        tpu.yield
      }) : () -> ()
      "tpu.region"() ({
        %run_scoped3A_39 = tpu.sem_alloc : memref<!tpu.dma_semaphore, #tpu.memory_space<semaphore_mem>>
        %dma_start3A = arith.constant 0 : i32
        %dma_start3A_40 = tpu.memref_slice %arg6[%arg0, %dma_start3A] : memref<2x10240xf32, #tpu.memory_space<hbm>> -> memref<1x10240xf32, #tpu.memory_space<hbm>>
        %dma_start3A_41 = tpu.memref_squeeze %dma_start3A_40 : memref<1x10240xf32, #tpu.memory_space<hbm>> -> memref<10240xf32, #tpu.memory_space<hbm>>
        %dma_start3A_42 = arith.constant 0 : i32
        %dma_start3A_43 = tpu.memref_slice %arg6[%arg0, %dma_start3A_42] : memref<2x10240xf32, #tpu.memory_space<hbm>> -> memref<1x10240xf32, #tpu.memory_space<hbm>>
        %dma_start3A_44 = tpu.memref_squeeze %dma_start3A_43 : memref<1x10240xf32, #tpu.memory_space<hbm>> -> memref<10240xf32, #tpu.memory_space<hbm>>
        tpu.enqueue_dma source(%arg10 : memref<10240xf32, #tpu.memory_space<vmem>>) target(%dma_start3A_44 : memref<10240xf32, #tpu.memory_space<hbm>>) target_semaphore(%run_scoped3A_39 : memref<!tpu.dma_semaphore, #tpu.memory_space<semaphore_mem>>)
        %dma_wait3A = arith.constant 0 : i32
        %dma_wait3A_45 = tpu.memref_slice %arg6[%arg0, %dma_wait3A] : memref<2x10240xf32, #tpu.memory_space<hbm>> -> memref<1x10240xf32, #tpu.memory_space<hbm>>
        %dma_wait3A_46 = tpu.memref_squeeze %dma_wait3A_45 : memref<1x10240xf32, #tpu.memory_space<hbm>> -> memref<10240xf32, #tpu.memory_space<hbm>>
        %dma_wait3A_47 = arith.constant 0 : i32
        %dma_wait3A_48 = tpu.memref_slice %arg6[%arg0, %dma_wait3A_47] : memref<2x10240xf32, #tpu.memory_space<hbm>> -> memref<1x10240xf32, #tpu.memory_space<hbm>>
        %dma_wait3A_49 = tpu.memref_squeeze %dma_wait3A_48 : memref<1x10240xf32, #tpu.memory_space<hbm>> -> memref<10240xf32, #tpu.memory_space<hbm>>
        tpu.wait_dma2 semaphore(%run_scoped3A_39 : memref<!tpu.dma_semaphore, #tpu.memory_space<semaphore_mem>>) src(%arg10 : memref<10240xf32, #tpu.memory_space<vmem>>) dst(%dma_wait3A_49 : memref<10240xf32, #tpu.memory_space<hbm>>)
        tpu.yield
      }) : () -> ()
    } else {
    }
    return
  }
}

module attributes {stable_mosaic.version = 14 : i64} {
  func.func @_final_body(%arg0: memref<2x80x128xf32, #tpu.memory_space<vmem>>, %arg1: memref<2x80x128xf32, #tpu.memory_space<vmem>>, %arg2: memref<80x128xf32, #tpu.memory_space<vmem>>, %arg3: memref<10240x128xf32, #tpu.memory_space<vmem>>, %arg4: memref<128x128xf32, #tpu.memory_space<vmem>>, %arg5: memref<1x128xf32, #tpu.memory_space<vmem>>, %arg6: memref<128x64xf32, #tpu.memory_space<vmem>>, %arg7: memref<1x64xf32, #tpu.memory_space<vmem>>, %arg8: memref<1x64xf32, #tpu.memory_space<vmem>>) attributes {dimension_semantics = [], scalar_prefetch = 0 : i64, scratch_operands = 0 : i64, tpu.core_type = #tpu.core_type<tc>} {
    %get3A = arith.constant 0 : index
    %get3A_0 = arith.constant 0 : index
    %get3A_1 = vector.load %arg2[%get3A, %get3A_0] : memref<80x128xf32, #tpu.memory_space<vmem>>, vector<80x128xf32>
    %get3A_2 = arith.constant 0 : index
    %get3A_3 = arith.constant 0 : index
    %get3A_4 = arith.constant 0 : index
    %get3A_5 = vector.load %arg1[%get3A_2, %get3A_3, %get3A_4] : memref<2x80x128xf32, #tpu.memory_space<vmem>>, vector<1x80x128xf32>
    %get3A_6 = vector.shape_cast %get3A_5 : vector<1x80x128xf32> to vector<80x128xf32>
    %get3A_7 = arith.constant 1 : index
    %get3A_8 = arith.constant 0 : index
    %get3A_9 = arith.constant 0 : index
    %get3A_10 = vector.load %arg1[%get3A_7, %get3A_8, %get3A_9] : memref<2x80x128xf32, #tpu.memory_space<vmem>>, vector<1x80x128xf32>
    %get3A_11 = vector.shape_cast %get3A_10 : vector<1x80x128xf32> to vector<80x128xf32>
    %add3A = arith.addf %get3A_6, %get3A_11 : vector<80x128xf32>
    %mul3A = arith.mulf %get3A_1, %add3A : vector<80x128xf32>
    %get3A_12 = arith.constant 0 : index
    %get3A_13 = arith.constant 0 : index
    %get3A_14 = arith.constant 0 : index
    %get3A_15 = vector.load %arg0[%get3A_12, %get3A_13, %get3A_14] : memref<2x80x128xf32, #tpu.memory_space<vmem>>, vector<1x80x128xf32>
    %get3A_16 = vector.shape_cast %get3A_15 : vector<1x80x128xf32> to vector<80x128xf32>
    %get3A_17 = arith.constant 1 : index
    %get3A_18 = arith.constant 0 : index
    %get3A_19 = arith.constant 0 : index
    %get3A_20 = vector.load %arg0[%get3A_17, %get3A_18, %get3A_19] : memref<2x80x128xf32, #tpu.memory_space<vmem>>, vector<1x80x128xf32>
    %get3A_21 = vector.shape_cast %get3A_20 : vector<1x80x128xf32> to vector<80x128xf32>
    %add3A_22 = arith.addf %get3A_16, %get3A_21 : vector<80x128xf32>
    %mul3A_23 = arith.mulf %get3A_1, %add3A_22 : vector<80x128xf32>
    %reduce_sum3A = vector.shape_cast %mul3A : vector<80x128xf32> to vector<1x80x128xf32>
    %reduce_sum3A_24 = arith.constant dense<0.000000e+00> : vector<1xf32>
    %reduce_sum3A_25 = vector.multi_reduction <add>, %reduce_sum3A, %reduce_sum3A_24 [1, 2] : vector<1x80x128xf32> to vector<1xf32>
    %reduce_sum3A_26 = vector.shape_cast %reduce_sum3A_25 : vector<1xf32> to vector<1x1x1xf32>
    %reduce_sum3A_27 = vector.extract %reduce_sum3A_26[0, 0, 0] : f32 from vector<1x1x1xf32>
    %broadcast_in_dim3A = arith.constant 0.000000e+00 : f32
    %broadcast_in_dim3A_28 = vector.broadcast %broadcast_in_dim3A : f32 to vector<1x128xf32>
    %slice3A = vector.extract_strided_slice %mul3A_23 {offsets = [0, 0], sizes = [1, 128], strides = [1, 1]} : vector<80x128xf32> to vector<1x128xf32>
    %get3A_29 = arith.constant 0 : index
    %get3A_30 = arith.constant 0 : index
    %get3A_31 = vector.load %arg3[%get3A_29, %get3A_30] : memref<10240x128xf32, #tpu.memory_space<vmem>>, vector<128x128xf32>
    %dot_general3A = arith.constant dense<0.000000e+00> : vector<1x128xf32>
    %dot_general3A_32 = tpu.matmul %slice3A, %get3A_31, %dot_general3A {dimension_numbers = #tpu.dot_dimension_numbers<[1], [0], [0], [1], [0, 0, 1, 1], [], []>, transpose_lhs_hint = false} : vector<1x128xf32>, vector<128x128xf32>, vector<1x128xf32> -> vector<1x128xf32>
    %add3A_33 = arith.addf %broadcast_in_dim3A_28, %dot_general3A_32 : vector<1x128xf32>
    %slice3A_34 = vector.extract_strided_slice %mul3A_23 {offsets = [1, 0], sizes = [1, 128], strides = [1, 1]} : vector<80x128xf32> to vector<1x128xf32>
    %get3A_35 = arith.constant 128 : index
    %get3A_36 = arith.constant 0 : index
    %get3A_37 = vector.load %arg3[%get3A_35, %get3A_36] : memref<10240x128xf32, #tpu.memory_space<vmem>>, vector<128x128xf32>
    %dot_general3A_38 = arith.constant dense<0.000000e+00> : vector<1x128xf32>
    %dot_general3A_39 = tpu.matmul %slice3A_34, %get3A_37, %dot_general3A_38 {dimension_numbers = #tpu.dot_dimension_numbers<[1], [0], [0], [1], [0, 0, 1, 1], [], []>, transpose_lhs_hint = false} : vector<1x128xf32>, vector<128x128xf32>, vector<1x128xf32> -> vector<1x128xf32>
    %add3A_40 = arith.addf %add3A_33, %dot_general3A_39 : vector<1x128xf32>
    %slice3A_41 = vector.extract_strided_slice %mul3A_23 {offsets = [2, 0], sizes = [1, 128], strides = [1, 1]} : vector<80x128xf32> to vector<1x128xf32>
    %get3A_42 = arith.constant 256 : index
    %get3A_43 = arith.constant 0 : index
    %get3A_44 = vector.load %arg3[%get3A_42, %get3A_43] : memref<10240x128xf32, #tpu.memory_space<vmem>>, vector<128x128xf32>
    %dot_general3A_45 = arith.constant dense<0.000000e+00> : vector<1x128xf32>
    %dot_general3A_46 = tpu.matmul %slice3A_41, %get3A_44, %dot_general3A_45 {dimension_numbers = #tpu.dot_dimension_numbers<[1], [0], [0], [1], [0, 0, 1, 1], [], []>, transpose_lhs_hint = false} : vector<1x128xf32>, vector<128x128xf32>, vector<1x128xf32> -> vector<1x128xf32>
    %add3A_47 = arith.addf %add3A_40, %dot_general3A_46 : vector<1x128xf32>
    %slice3A_48 = vector.extract_strided_slice %mul3A_23 {offsets = [3, 0], sizes = [1, 128], strides = [1, 1]} : vector<80x128xf32> to vector<1x128xf32>
    %get3A_49 = arith.constant 384 : index
    %get3A_50 = arith.constant 0 : index
    %get3A_51 = vector.load %arg3[%get3A_49, %get3A_50] : memref<10240x128xf32, #tpu.memory_space<vmem>>, vector<128x128xf32>
    %dot_general3A_52 = arith.constant dense<0.000000e+00> : vector<1x128xf32>
    %dot_general3A_53 = tpu.matmul %slice3A_48, %get3A_51, %dot_general3A_52 {dimension_numbers = #tpu.dot_dimension_numbers<[1], [0], [0], [1], [0, 0, 1, 1], [], []>, transpose_lhs_hint = false} : vector<1x128xf32>, vector<128x128xf32>, vector<1x128xf32> -> vector<1x128xf32>
    %add3A_54 = arith.addf %add3A_47, %dot_general3A_53 : vector<1x128xf32>
    %slice3A_55 = vector.extract_strided_slice %mul3A_23 {offsets = [4, 0], sizes = [1, 128], strides = [1, 1]} : vector<80x128xf32> to vector<1x128xf32>
    %get3A_56 = arith.constant 512 : index
    %get3A_57 = arith.constant 0 : index
    %get3A_58 = vector.load %arg3[%get3A_56, %get3A_57] : memref<10240x128xf32, #tpu.memory_space<vmem>>, vector<128x128xf32>
    %dot_general3A_59 = arith.constant dense<0.000000e+00> : vector<1x128xf32>
    %dot_general3A_60 = tpu.matmul %slice3A_55, %get3A_58, %dot_general3A_59 {dimension_numbers = #tpu.dot_dimension_numbers<[1], [0], [0], [1], [0, 0, 1, 1], [], []>, transpose_lhs_hint = false} : vector<1x128xf32>, vector<128x128xf32>, vector<1x128xf32> -> vector<1x128xf32>
    %add3A_61 = arith.addf %add3A_54, %dot_general3A_60 : vector<1x128xf32>
    %slice3A_62 = vector.extract_strided_slice %mul3A_23 {offsets = [5, 0], sizes = [1, 128], strides = [1, 1]} : vector<80x128xf32> to vector<1x128xf32>
    %get3A_63 = arith.constant 640 : index
    %get3A_64 = arith.constant 0 : index
    %get3A_65 = vector.load %arg3[%get3A_63, %get3A_64] : memref<10240x128xf32, #tpu.memory_space<vmem>>, vector<128x128xf32>
    %dot_general3A_66 = arith.constant dense<0.000000e+00> : vector<1x128xf32>
    %dot_general3A_67 = tpu.matmul %slice3A_62, %get3A_65, %dot_general3A_66 {dimension_numbers = #tpu.dot_dimension_numbers<[1], [0], [0], [1], [0, 0, 1, 1], [], []>, transpose_lhs_hint = false} : vector<1x128xf32>, vector<128x128xf32>, vector<1x128xf32> -> vector<1x128xf32>
    %add3A_68 = arith.addf %add3A_61, %dot_general3A_67 : vector<1x128xf32>
    %slice3A_69 = vector.extract_strided_slice %mul3A_23 {offsets = [6, 0], sizes = [1, 128], strides = [1, 1]} : vector<80x128xf32> to vector<1x128xf32>
    %get3A_70 = arith.constant 768 : index
    %get3A_71 = arith.constant 0 : index
    %get3A_72 = vector.load %arg3[%get3A_70, %get3A_71] : memref<10240x128xf32, #tpu.memory_space<vmem>>, vector<128x128xf32>
    %dot_general3A_73 = arith.constant dense<0.000000e+00> : vector<1x128xf32>
    %dot_general3A_74 = tpu.matmul %slice3A_69, %get3A_72, %dot_general3A_73 {dimension_numbers = #tpu.dot_dimension_numbers<[1], [0], [0], [1], [0, 0, 1, 1], [], []>, transpose_lhs_hint = false} : vector<1x128xf32>, vector<128x128xf32>, vector<1x128xf32> -> vector<1x128xf32>
    %add3A_75 = arith.addf %add3A_68, %dot_general3A_74 : vector<1x128xf32>
    %slice3A_76 = vector.extract_strided_slice %mul3A_23 {offsets = [7, 0], sizes = [1, 128], strides = [1, 1]} : vector<80x128xf32> to vector<1x128xf32>
    %get3A_77 = arith.constant 896 : index
    %get3A_78 = arith.constant 0 : index
    %get3A_79 = vector.load %arg3[%get3A_77, %get3A_78] : memref<10240x128xf32, #tpu.memory_space<vmem>>, vector<128x128xf32>
    %dot_general3A_80 = arith.constant dense<0.000000e+00> : vector<1x128xf32>
    %dot_general3A_81 = tpu.matmul %slice3A_76, %get3A_79, %dot_general3A_80 {dimension_numbers = #tpu.dot_dimension_numbers<[1], [0], [0], [1], [0, 0, 1, 1], [], []>, transpose_lhs_hint = false} : vector<1x128xf32>, vector<128x128xf32>, vector<1x128xf32> -> vector<1x128xf32>
    %add3A_82 = arith.addf %add3A_75, %dot_general3A_81 : vector<1x128xf32>
    %slice3A_83 = vector.extract_strided_slice %mul3A_23 {offsets = [8, 0], sizes = [1, 128], strides = [1, 1]} : vector<80x128xf32> to vector<1x128xf32>
    %get3A_84 = arith.constant 1024 : index
    %get3A_85 = arith.constant 0 : index
    %get3A_86 = vector.load %arg3[%get3A_84, %get3A_85] : memref<10240x128xf32, #tpu.memory_space<vmem>>, vector<128x128xf32>
    %dot_general3A_87 = arith.constant dense<0.000000e+00> : vector<1x128xf32>
    %dot_general3A_88 = tpu.matmul %slice3A_83, %get3A_86, %dot_general3A_87 {dimension_numbers = #tpu.dot_dimension_numbers<[1], [0], [0], [1], [0, 0, 1, 1], [], []>, transpose_lhs_hint = false} : vector<1x128xf32>, vector<128x128xf32>, vector<1x128xf32> -> vector<1x128xf32>
    %add3A_89 = arith.addf %add3A_82, %dot_general3A_88 : vector<1x128xf32>
    %slice3A_90 = vector.extract_strided_slice %mul3A_23 {offsets = [9, 0], sizes = [1, 128], strides = [1, 1]} : vector<80x128xf32> to vector<1x128xf32>
    %get3A_91 = arith.constant 1152 : index
    %get3A_92 = arith.constant 0 : index
    %get3A_93 = vector.load %arg3[%get3A_91, %get3A_92] : memref<10240x128xf32, #tpu.memory_space<vmem>>, vector<128x128xf32>
    %dot_general3A_94 = arith.constant dense<0.000000e+00> : vector<1x128xf32>
    %dot_general3A_95 = tpu.matmul %slice3A_90, %get3A_93, %dot_general3A_94 {dimension_numbers = #tpu.dot_dimension_numbers<[1], [0], [0], [1], [0, 0, 1, 1], [], []>, transpose_lhs_hint = false} : vector<1x128xf32>, vector<128x128xf32>, vector<1x128xf32> -> vector<1x128xf32>
    %add3A_96 = arith.addf %add3A_89, %dot_general3A_95 : vector<1x128xf32>
    %slice3A_97 = vector.extract_strided_slice %mul3A_23 {offsets = [10, 0], sizes = [1, 128], strides = [1, 1]} : vector<80x128xf32> to vector<1x128xf32>
    %get3A_98 = arith.constant 1280 : index
    %get3A_99 = arith.constant 0 : index
    %get3A_100 = vector.load %arg3[%get3A_98, %get3A_99] : memref<10240x128xf32, #tpu.memory_space<vmem>>, vector<128x128xf32>
    %dot_general3A_101 = arith.constant dense<0.000000e+00> : vector<1x128xf32>
    %dot_general3A_102 = tpu.matmul %slice3A_97, %get3A_100, %dot_general3A_101 {dimension_numbers = #tpu.dot_dimension_numbers<[1], [0], [0], [1], [0, 0, 1, 1], [], []>, transpose_lhs_hint = false} : vector<1x128xf32>, vector<128x128xf32>, vector<1x128xf32> -> vector<1x128xf32>
    %add3A_103 = arith.addf %add3A_96, %dot_general3A_102 : vector<1x128xf32>
    %slice3A_104 = vector.extract_strided_slice %mul3A_23 {offsets = [11, 0], sizes = [1, 128], strides = [1, 1]} : vector<80x128xf32> to vector<1x128xf32>
    %get3A_105 = arith.constant 1408 : index
    %get3A_106 = arith.constant 0 : index
    %get3A_107 = vector.load %arg3[%get3A_105, %get3A_106] : memref<10240x128xf32, #tpu.memory_space<vmem>>, vector<128x128xf32>
    %dot_general3A_108 = arith.constant dense<0.000000e+00> : vector<1x128xf32>
    %dot_general3A_109 = tpu.matmul %slice3A_104, %get3A_107, %dot_general3A_108 {dimension_numbers = #tpu.dot_dimension_numbers<[1], [0], [0], [1], [0, 0, 1, 1], [], []>, transpose_lhs_hint = false} : vector<1x128xf32>, vector<128x128xf32>, vector<1x128xf32> -> vector<1x128xf32>
    %add3A_110 = arith.addf %add3A_103, %dot_general3A_109 : vector<1x128xf32>
    %slice3A_111 = vector.extract_strided_slice %mul3A_23 {offsets = [12, 0], sizes = [1, 128], strides = [1, 1]} : vector<80x128xf32> to vector<1x128xf32>
    %get3A_112 = arith.constant 1536 : index
    %get3A_113 = arith.constant 0 : index
    %get3A_114 = vector.load %arg3[%get3A_112, %get3A_113] : memref<10240x128xf32, #tpu.memory_space<vmem>>, vector<128x128xf32>
    %dot_general3A_115 = arith.constant dense<0.000000e+00> : vector<1x128xf32>
    %dot_general3A_116 = tpu.matmul %slice3A_111, %get3A_114, %dot_general3A_115 {dimension_numbers = #tpu.dot_dimension_numbers<[1], [0], [0], [1], [0, 0, 1, 1], [], []>, transpose_lhs_hint = false} : vector<1x128xf32>, vector<128x128xf32>, vector<1x128xf32> -> vector<1x128xf32>
    %add3A_117 = arith.addf %add3A_110, %dot_general3A_116 : vector<1x128xf32>
    %slice3A_118 = vector.extract_strided_slice %mul3A_23 {offsets = [13, 0], sizes = [1, 128], strides = [1, 1]} : vector<80x128xf32> to vector<1x128xf32>
    %get3A_119 = arith.constant 1664 : index
    %get3A_120 = arith.constant 0 : index
    %get3A_121 = vector.load %arg3[%get3A_119, %get3A_120] : memref<10240x128xf32, #tpu.memory_space<vmem>>, vector<128x128xf32>
    %dot_general3A_122 = arith.constant dense<0.000000e+00> : vector<1x128xf32>
    %dot_general3A_123 = tpu.matmul %slice3A_118, %get3A_121, %dot_general3A_122 {dimension_numbers = #tpu.dot_dimension_numbers<[1], [0], [0], [1], [0, 0, 1, 1], [], []>, transpose_lhs_hint = false} : vector<1x128xf32>, vector<128x128xf32>, vector<1x128xf32> -> vector<1x128xf32>
    %add3A_124 = arith.addf %add3A_117, %dot_general3A_123 : vector<1x128xf32>
    %slice3A_125 = vector.extract_strided_slice %mul3A_23 {offsets = [14, 0], sizes = [1, 128], strides = [1, 1]} : vector<80x128xf32> to vector<1x128xf32>
    %get3A_126 = arith.constant 1792 : index
    %get3A_127 = arith.constant 0 : index
    %get3A_128 = vector.load %arg3[%get3A_126, %get3A_127] : memref<10240x128xf32, #tpu.memory_space<vmem>>, vector<128x128xf32>
    %dot_general3A_129 = arith.constant dense<0.000000e+00> : vector<1x128xf32>
    %dot_general3A_130 = tpu.matmul %slice3A_125, %get3A_128, %dot_general3A_129 {dimension_numbers = #tpu.dot_dimension_numbers<[1], [0], [0], [1], [0, 0, 1, 1], [], []>, transpose_lhs_hint = false} : vector<1x128xf32>, vector<128x128xf32>, vector<1x128xf32> -> vector<1x128xf32>
    %add3A_131 = arith.addf %add3A_124, %dot_general3A_130 : vector<1x128xf32>
    %slice3A_132 = vector.extract_strided_slice %mul3A_23 {offsets = [15, 0], sizes = [1, 128], strides = [1, 1]} : vector<80x128xf32> to vector<1x128xf32>
    %get3A_133 = arith.constant 1920 : index
    %get3A_134 = arith.constant 0 : index
    %get3A_135 = vector.load %arg3[%get3A_133, %get3A_134] : memref<10240x128xf32, #tpu.memory_space<vmem>>, vector<128x128xf32>
    %dot_general3A_136 = arith.constant dense<0.000000e+00> : vector<1x128xf32>
    %dot_general3A_137 = tpu.matmul %slice3A_132, %get3A_135, %dot_general3A_136 {dimension_numbers = #tpu.dot_dimension_numbers<[1], [0], [0], [1], [0, 0, 1, 1], [], []>, transpose_lhs_hint = false} : vector<1x128xf32>, vector<128x128xf32>, vector<1x128xf32> -> vector<1x128xf32>
    %add3A_138 = arith.addf %add3A_131, %dot_general3A_137 : vector<1x128xf32>
    %slice3A_139 = vector.extract_strided_slice %mul3A_23 {offsets = [16, 0], sizes = [1, 128], strides = [1, 1]} : vector<80x128xf32> to vector<1x128xf32>
    %get3A_140 = arith.constant 2048 : index
    %get3A_141 = arith.constant 0 : index
    %get3A_142 = vector.load %arg3[%get3A_140, %get3A_141] : memref<10240x128xf32, #tpu.memory_space<vmem>>, vector<128x128xf32>
    %dot_general3A_143 = arith.constant dense<0.000000e+00> : vector<1x128xf32>
    %dot_general3A_144 = tpu.matmul %slice3A_139, %get3A_142, %dot_general3A_143 {dimension_numbers = #tpu.dot_dimension_numbers<[1], [0], [0], [1], [0, 0, 1, 1], [], []>, transpose_lhs_hint = false} : vector<1x128xf32>, vector<128x128xf32>, vector<1x128xf32> -> vector<1x128xf32>
    %add3A_145 = arith.addf %add3A_138, %dot_general3A_144 : vector<1x128xf32>
    %slice3A_146 = vector.extract_strided_slice %mul3A_23 {offsets = [17, 0], sizes = [1, 128], strides = [1, 1]} : vector<80x128xf32> to vector<1x128xf32>
    %get3A_147 = arith.constant 2176 : index
    %get3A_148 = arith.constant 0 : index
    %get3A_149 = vector.load %arg3[%get3A_147, %get3A_148] : memref<10240x128xf32, #tpu.memory_space<vmem>>, vector<128x128xf32>
    %dot_general3A_150 = arith.constant dense<0.000000e+00> : vector<1x128xf32>
    %dot_general3A_151 = tpu.matmul %slice3A_146, %get3A_149, %dot_general3A_150 {dimension_numbers = #tpu.dot_dimension_numbers<[1], [0], [0], [1], [0, 0, 1, 1], [], []>, transpose_lhs_hint = false} : vector<1x128xf32>, vector<128x128xf32>, vector<1x128xf32> -> vector<1x128xf32>
    %add3A_152 = arith.addf %add3A_145, %dot_general3A_151 : vector<1x128xf32>
    %slice3A_153 = vector.extract_strided_slice %mul3A_23 {offsets = [18, 0], sizes = [1, 128], strides = [1, 1]} : vector<80x128xf32> to vector<1x128xf32>
    %get3A_154 = arith.constant 2304 : index
    %get3A_155 = arith.constant 0 : index
    %get3A_156 = vector.load %arg3[%get3A_154, %get3A_155] : memref<10240x128xf32, #tpu.memory_space<vmem>>, vector<128x128xf32>
    %dot_general3A_157 = arith.constant dense<0.000000e+00> : vector<1x128xf32>
    %dot_general3A_158 = tpu.matmul %slice3A_153, %get3A_156, %dot_general3A_157 {dimension_numbers = #tpu.dot_dimension_numbers<[1], [0], [0], [1], [0, 0, 1, 1], [], []>, transpose_lhs_hint = false} : vector<1x128xf32>, vector<128x128xf32>, vector<1x128xf32> -> vector<1x128xf32>
    %add3A_159 = arith.addf %add3A_152, %dot_general3A_158 : vector<1x128xf32>
    %slice3A_160 = vector.extract_strided_slice %mul3A_23 {offsets = [19, 0], sizes = [1, 128], strides = [1, 1]} : vector<80x128xf32> to vector<1x128xf32>
    %get3A_161 = arith.constant 2432 : index
    %get3A_162 = arith.constant 0 : index
    %get3A_163 = vector.load %arg3[%get3A_161, %get3A_162] : memref<10240x128xf32, #tpu.memory_space<vmem>>, vector<128x128xf32>
    %dot_general3A_164 = arith.constant dense<0.000000e+00> : vector<1x128xf32>
    %dot_general3A_165 = tpu.matmul %slice3A_160, %get3A_163, %dot_general3A_164 {dimension_numbers = #tpu.dot_dimension_numbers<[1], [0], [0], [1], [0, 0, 1, 1], [], []>, transpose_lhs_hint = false} : vector<1x128xf32>, vector<128x128xf32>, vector<1x128xf32> -> vector<1x128xf32>
    %add3A_166 = arith.addf %add3A_159, %dot_general3A_165 : vector<1x128xf32>
    %slice3A_167 = vector.extract_strided_slice %mul3A_23 {offsets = [20, 0], sizes = [1, 128], strides = [1, 1]} : vector<80x128xf32> to vector<1x128xf32>
    %get3A_168 = arith.constant 2560 : index
    %get3A_169 = arith.constant 0 : index
    %get3A_170 = vector.load %arg3[%get3A_168, %get3A_169] : memref<10240x128xf32, #tpu.memory_space<vmem>>, vector<128x128xf32>
    %dot_general3A_171 = arith.constant dense<0.000000e+00> : vector<1x128xf32>
    %dot_general3A_172 = tpu.matmul %slice3A_167, %get3A_170, %dot_general3A_171 {dimension_numbers = #tpu.dot_dimension_numbers<[1], [0], [0], [1], [0, 0, 1, 1], [], []>, transpose_lhs_hint = false} : vector<1x128xf32>, vector<128x128xf32>, vector<1x128xf32> -> vector<1x128xf32>
    %add3A_173 = arith.addf %add3A_166, %dot_general3A_172 : vector<1x128xf32>
    %slice3A_174 = vector.extract_strided_slice %mul3A_23 {offsets = [21, 0], sizes = [1, 128], strides = [1, 1]} : vector<80x128xf32> to vector<1x128xf32>
    %get3A_175 = arith.constant 2688 : index
    %get3A_176 = arith.constant 0 : index
    %get3A_177 = vector.load %arg3[%get3A_175, %get3A_176] : memref<10240x128xf32, #tpu.memory_space<vmem>>, vector<128x128xf32>
    %dot_general3A_178 = arith.constant dense<0.000000e+00> : vector<1x128xf32>
    %dot_general3A_179 = tpu.matmul %slice3A_174, %get3A_177, %dot_general3A_178 {dimension_numbers = #tpu.dot_dimension_numbers<[1], [0], [0], [1], [0, 0, 1, 1], [], []>, transpose_lhs_hint = false} : vector<1x128xf32>, vector<128x128xf32>, vector<1x128xf32> -> vector<1x128xf32>
    %add3A_180 = arith.addf %add3A_173, %dot_general3A_179 : vector<1x128xf32>
    %slice3A_181 = vector.extract_strided_slice %mul3A_23 {offsets = [22, 0], sizes = [1, 128], strides = [1, 1]} : vector<80x128xf32> to vector<1x128xf32>
    %get3A_182 = arith.constant 2816 : index
    %get3A_183 = arith.constant 0 : index
    %get3A_184 = vector.load %arg3[%get3A_182, %get3A_183] : memref<10240x128xf32, #tpu.memory_space<vmem>>, vector<128x128xf32>
    %dot_general3A_185 = arith.constant dense<0.000000e+00> : vector<1x128xf32>
    %dot_general3A_186 = tpu.matmul %slice3A_181, %get3A_184, %dot_general3A_185 {dimension_numbers = #tpu.dot_dimension_numbers<[1], [0], [0], [1], [0, 0, 1, 1], [], []>, transpose_lhs_hint = false} : vector<1x128xf32>, vector<128x128xf32>, vector<1x128xf32> -> vector<1x128xf32>
    %add3A_187 = arith.addf %add3A_180, %dot_general3A_186 : vector<1x128xf32>
    %slice3A_188 = vector.extract_strided_slice %mul3A_23 {offsets = [23, 0], sizes = [1, 128], strides = [1, 1]} : vector<80x128xf32> to vector<1x128xf32>
    %get3A_189 = arith.constant 2944 : index
    %get3A_190 = arith.constant 0 : index
    %get3A_191 = vector.load %arg3[%get3A_189, %get3A_190] : memref<10240x128xf32, #tpu.memory_space<vmem>>, vector<128x128xf32>
    %dot_general3A_192 = arith.constant dense<0.000000e+00> : vector<1x128xf32>
    %dot_general3A_193 = tpu.matmul %slice3A_188, %get3A_191, %dot_general3A_192 {dimension_numbers = #tpu.dot_dimension_numbers<[1], [0], [0], [1], [0, 0, 1, 1], [], []>, transpose_lhs_hint = false} : vector<1x128xf32>, vector<128x128xf32>, vector<1x128xf32> -> vector<1x128xf32>
    %add3A_194 = arith.addf %add3A_187, %dot_general3A_193 : vector<1x128xf32>
    %slice3A_195 = vector.extract_strided_slice %mul3A_23 {offsets = [24, 0], sizes = [1, 128], strides = [1, 1]} : vector<80x128xf32> to vector<1x128xf32>
    %get3A_196 = arith.constant 3072 : index
    %get3A_197 = arith.constant 0 : index
    %get3A_198 = vector.load %arg3[%get3A_196, %get3A_197] : memref<10240x128xf32, #tpu.memory_space<vmem>>, vector<128x128xf32>
    %dot_general3A_199 = arith.constant dense<0.000000e+00> : vector<1x128xf32>
    %dot_general3A_200 = tpu.matmul %slice3A_195, %get3A_198, %dot_general3A_199 {dimension_numbers = #tpu.dot_dimension_numbers<[1], [0], [0], [1], [0, 0, 1, 1], [], []>, transpose_lhs_hint = false} : vector<1x128xf32>, vector<128x128xf32>, vector<1x128xf32> -> vector<1x128xf32>
    %add3A_201 = arith.addf %add3A_194, %dot_general3A_200 : vector<1x128xf32>
    %slice3A_202 = vector.extract_strided_slice %mul3A_23 {offsets = [25, 0], sizes = [1, 128], strides = [1, 1]} : vector<80x128xf32> to vector<1x128xf32>
    %get3A_203 = arith.constant 3200 : index
    %get3A_204 = arith.constant 0 : index
    %get3A_205 = vector.load %arg3[%get3A_203, %get3A_204] : memref<10240x128xf32, #tpu.memory_space<vmem>>, vector<128x128xf32>
    %dot_general3A_206 = arith.constant dense<0.000000e+00> : vector<1x128xf32>
    %dot_general3A_207 = tpu.matmul %slice3A_202, %get3A_205, %dot_general3A_206 {dimension_numbers = #tpu.dot_dimension_numbers<[1], [0], [0], [1], [0, 0, 1, 1], [], []>, transpose_lhs_hint = false} : vector<1x128xf32>, vector<128x128xf32>, vector<1x128xf32> -> vector<1x128xf32>
    %add3A_208 = arith.addf %add3A_201, %dot_general3A_207 : vector<1x128xf32>
    %slice3A_209 = vector.extract_strided_slice %mul3A_23 {offsets = [26, 0], sizes = [1, 128], strides = [1, 1]} : vector<80x128xf32> to vector<1x128xf32>
    %get3A_210 = arith.constant 3328 : index
    %get3A_211 = arith.constant 0 : index
    %get3A_212 = vector.load %arg3[%get3A_210, %get3A_211] : memref<10240x128xf32, #tpu.memory_space<vmem>>, vector<128x128xf32>
    %dot_general3A_213 = arith.constant dense<0.000000e+00> : vector<1x128xf32>
    %dot_general3A_214 = tpu.matmul %slice3A_209, %get3A_212, %dot_general3A_213 {dimension_numbers = #tpu.dot_dimension_numbers<[1], [0], [0], [1], [0, 0, 1, 1], [], []>, transpose_lhs_hint = false} : vector<1x128xf32>, vector<128x128xf32>, vector<1x128xf32> -> vector<1x128xf32>
    %add3A_215 = arith.addf %add3A_208, %dot_general3A_214 : vector<1x128xf32>
    %slice3A_216 = vector.extract_strided_slice %mul3A_23 {offsets = [27, 0], sizes = [1, 128], strides = [1, 1]} : vector<80x128xf32> to vector<1x128xf32>
    %get3A_217 = arith.constant 3456 : index
    %get3A_218 = arith.constant 0 : index
    %get3A_219 = vector.load %arg3[%get3A_217, %get3A_218] : memref<10240x128xf32, #tpu.memory_space<vmem>>, vector<128x128xf32>
    %dot_general3A_220 = arith.constant dense<0.000000e+00> : vector<1x128xf32>
    %dot_general3A_221 = tpu.matmul %slice3A_216, %get3A_219, %dot_general3A_220 {dimension_numbers = #tpu.dot_dimension_numbers<[1], [0], [0], [1], [0, 0, 1, 1], [], []>, transpose_lhs_hint = false} : vector<1x128xf32>, vector<128x128xf32>, vector<1x128xf32> -> vector<1x128xf32>
    %add3A_222 = arith.addf %add3A_215, %dot_general3A_221 : vector<1x128xf32>
    %slice3A_223 = vector.extract_strided_slice %mul3A_23 {offsets = [28, 0], sizes = [1, 128], strides = [1, 1]} : vector<80x128xf32> to vector<1x128xf32>
    %get3A_224 = arith.constant 3584 : index
    %get3A_225 = arith.constant 0 : index
    %get3A_226 = vector.load %arg3[%get3A_224, %get3A_225] : memref<10240x128xf32, #tpu.memory_space<vmem>>, vector<128x128xf32>
    %dot_general3A_227 = arith.constant dense<0.000000e+00> : vector<1x128xf32>
    %dot_general3A_228 = tpu.matmul %slice3A_223, %get3A_226, %dot_general3A_227 {dimension_numbers = #tpu.dot_dimension_numbers<[1], [0], [0], [1], [0, 0, 1, 1], [], []>, transpose_lhs_hint = false} : vector<1x128xf32>, vector<128x128xf32>, vector<1x128xf32> -> vector<1x128xf32>
    %add3A_229 = arith.addf %add3A_222, %dot_general3A_228 : vector<1x128xf32>
    %slice3A_230 = vector.extract_strided_slice %mul3A_23 {offsets = [29, 0], sizes = [1, 128], strides = [1, 1]} : vector<80x128xf32> to vector<1x128xf32>
    %get3A_231 = arith.constant 3712 : index
    %get3A_232 = arith.constant 0 : index
    %get3A_233 = vector.load %arg3[%get3A_231, %get3A_232] : memref<10240x128xf32, #tpu.memory_space<vmem>>, vector<128x128xf32>
    %dot_general3A_234 = arith.constant dense<0.000000e+00> : vector<1x128xf32>
    %dot_general3A_235 = tpu.matmul %slice3A_230, %get3A_233, %dot_general3A_234 {dimension_numbers = #tpu.dot_dimension_numbers<[1], [0], [0], [1], [0, 0, 1, 1], [], []>, transpose_lhs_hint = false} : vector<1x128xf32>, vector<128x128xf32>, vector<1x128xf32> -> vector<1x128xf32>
    %add3A_236 = arith.addf %add3A_229, %dot_general3A_235 : vector<1x128xf32>
    %slice3A_237 = vector.extract_strided_slice %mul3A_23 {offsets = [30, 0], sizes = [1, 128], strides = [1, 1]} : vector<80x128xf32> to vector<1x128xf32>
    %get3A_238 = arith.constant 3840 : index
    %get3A_239 = arith.constant 0 : index
    %get3A_240 = vector.load %arg3[%get3A_238, %get3A_239] : memref<10240x128xf32, #tpu.memory_space<vmem>>, vector<128x128xf32>
    %dot_general3A_241 = arith.constant dense<0.000000e+00> : vector<1x128xf32>
    %dot_general3A_242 = tpu.matmul %slice3A_237, %get3A_240, %dot_general3A_241 {dimension_numbers = #tpu.dot_dimension_numbers<[1], [0], [0], [1], [0, 0, 1, 1], [], []>, transpose_lhs_hint = false} : vector<1x128xf32>, vector<128x128xf32>, vector<1x128xf32> -> vector<1x128xf32>
    %add3A_243 = arith.addf %add3A_236, %dot_general3A_242 : vector<1x128xf32>
    %slice3A_244 = vector.extract_strided_slice %mul3A_23 {offsets = [31, 0], sizes = [1, 128], strides = [1, 1]} : vector<80x128xf32> to vector<1x128xf32>
    %get3A_245 = arith.constant 3968 : index
    %get3A_246 = arith.constant 0 : index
    %get3A_247 = vector.load %arg3[%get3A_245, %get3A_246] : memref<10240x128xf32, #tpu.memory_space<vmem>>, vector<128x128xf32>
    %dot_general3A_248 = arith.constant dense<0.000000e+00> : vector<1x128xf32>
    %dot_general3A_249 = tpu.matmul %slice3A_244, %get3A_247, %dot_general3A_248 {dimension_numbers = #tpu.dot_dimension_numbers<[1], [0], [0], [1], [0, 0, 1, 1], [], []>, transpose_lhs_hint = false} : vector<1x128xf32>, vector<128x128xf32>, vector<1x128xf32> -> vector<1x128xf32>
    %add3A_250 = arith.addf %add3A_243, %dot_general3A_249 : vector<1x128xf32>
    %slice3A_251 = vector.extract_strided_slice %mul3A_23 {offsets = [32, 0], sizes = [1, 128], strides = [1, 1]} : vector<80x128xf32> to vector<1x128xf32>
    %get3A_252 = arith.constant 4096 : index
    %get3A_253 = arith.constant 0 : index
    %get3A_254 = vector.load %arg3[%get3A_252, %get3A_253] : memref<10240x128xf32, #tpu.memory_space<vmem>>, vector<128x128xf32>
    %dot_general3A_255 = arith.constant dense<0.000000e+00> : vector<1x128xf32>
    %dot_general3A_256 = tpu.matmul %slice3A_251, %get3A_254, %dot_general3A_255 {dimension_numbers = #tpu.dot_dimension_numbers<[1], [0], [0], [1], [0, 0, 1, 1], [], []>, transpose_lhs_hint = false} : vector<1x128xf32>, vector<128x128xf32>, vector<1x128xf32> -> vector<1x128xf32>
    %add3A_257 = arith.addf %add3A_250, %dot_general3A_256 : vector<1x128xf32>
    %slice3A_258 = vector.extract_strided_slice %mul3A_23 {offsets = [33, 0], sizes = [1, 128], strides = [1, 1]} : vector<80x128xf32> to vector<1x128xf32>
    %get3A_259 = arith.constant 4224 : index
    %get3A_260 = arith.constant 0 : index
    %get3A_261 = vector.load %arg3[%get3A_259, %get3A_260] : memref<10240x128xf32, #tpu.memory_space<vmem>>, vector<128x128xf32>
    %dot_general3A_262 = arith.constant dense<0.000000e+00> : vector<1x128xf32>
    %dot_general3A_263 = tpu.matmul %slice3A_258, %get3A_261, %dot_general3A_262 {dimension_numbers = #tpu.dot_dimension_numbers<[1], [0], [0], [1], [0, 0, 1, 1], [], []>, transpose_lhs_hint = false} : vector<1x128xf32>, vector<128x128xf32>, vector<1x128xf32> -> vector<1x128xf32>
    %add3A_264 = arith.addf %add3A_257, %dot_general3A_263 : vector<1x128xf32>
    %slice3A_265 = vector.extract_strided_slice %mul3A_23 {offsets = [34, 0], sizes = [1, 128], strides = [1, 1]} : vector<80x128xf32> to vector<1x128xf32>
    %get3A_266 = arith.constant 4352 : index
    %get3A_267 = arith.constant 0 : index
    %get3A_268 = vector.load %arg3[%get3A_266, %get3A_267] : memref<10240x128xf32, #tpu.memory_space<vmem>>, vector<128x128xf32>
    %dot_general3A_269 = arith.constant dense<0.000000e+00> : vector<1x128xf32>
    %dot_general3A_270 = tpu.matmul %slice3A_265, %get3A_268, %dot_general3A_269 {dimension_numbers = #tpu.dot_dimension_numbers<[1], [0], [0], [1], [0, 0, 1, 1], [], []>, transpose_lhs_hint = false} : vector<1x128xf32>, vector<128x128xf32>, vector<1x128xf32> -> vector<1x128xf32>
    %add3A_271 = arith.addf %add3A_264, %dot_general3A_270 : vector<1x128xf32>
    %slice3A_272 = vector.extract_strided_slice %mul3A_23 {offsets = [35, 0], sizes = [1, 128], strides = [1, 1]} : vector<80x128xf32> to vector<1x128xf32>
    %get3A_273 = arith.constant 4480 : index
    %get3A_274 = arith.constant 0 : index
    %get3A_275 = vector.load %arg3[%get3A_273, %get3A_274] : memref<10240x128xf32, #tpu.memory_space<vmem>>, vector<128x128xf32>
    %dot_general3A_276 = arith.constant dense<0.000000e+00> : vector<1x128xf32>
    %dot_general3A_277 = tpu.matmul %slice3A_272, %get3A_275, %dot_general3A_276 {dimension_numbers = #tpu.dot_dimension_numbers<[1], [0], [0], [1], [0, 0, 1, 1], [], []>, transpose_lhs_hint = false} : vector<1x128xf32>, vector<128x128xf32>, vector<1x128xf32> -> vector<1x128xf32>
    %add3A_278 = arith.addf %add3A_271, %dot_general3A_277 : vector<1x128xf32>
    %slice3A_279 = vector.extract_strided_slice %mul3A_23 {offsets = [36, 0], sizes = [1, 128], strides = [1, 1]} : vector<80x128xf32> to vector<1x128xf32>
    %get3A_280 = arith.constant 4608 : index
    %get3A_281 = arith.constant 0 : index
    %get3A_282 = vector.load %arg3[%get3A_280, %get3A_281] : memref<10240x128xf32, #tpu.memory_space<vmem>>, vector<128x128xf32>
    %dot_general3A_283 = arith.constant dense<0.000000e+00> : vector<1x128xf32>
    %dot_general3A_284 = tpu.matmul %slice3A_279, %get3A_282, %dot_general3A_283 {dimension_numbers = #tpu.dot_dimension_numbers<[1], [0], [0], [1], [0, 0, 1, 1], [], []>, transpose_lhs_hint = false} : vector<1x128xf32>, vector<128x128xf32>, vector<1x128xf32> -> vector<1x128xf32>
    %add3A_285 = arith.addf %add3A_278, %dot_general3A_284 : vector<1x128xf32>
    %slice3A_286 = vector.extract_strided_slice %mul3A_23 {offsets = [37, 0], sizes = [1, 128], strides = [1, 1]} : vector<80x128xf32> to vector<1x128xf32>
    %get3A_287 = arith.constant 4736 : index
    %get3A_288 = arith.constant 0 : index
    %get3A_289 = vector.load %arg3[%get3A_287, %get3A_288] : memref<10240x128xf32, #tpu.memory_space<vmem>>, vector<128x128xf32>
    %dot_general3A_290 = arith.constant dense<0.000000e+00> : vector<1x128xf32>
    %dot_general3A_291 = tpu.matmul %slice3A_286, %get3A_289, %dot_general3A_290 {dimension_numbers = #tpu.dot_dimension_numbers<[1], [0], [0], [1], [0, 0, 1, 1], [], []>, transpose_lhs_hint = false} : vector<1x128xf32>, vector<128x128xf32>, vector<1x128xf32> -> vector<1x128xf32>
    %add3A_292 = arith.addf %add3A_285, %dot_general3A_291 : vector<1x128xf32>
    %slice3A_293 = vector.extract_strided_slice %mul3A_23 {offsets = [38, 0], sizes = [1, 128], strides = [1, 1]} : vector<80x128xf32> to vector<1x128xf32>
    %get3A_294 = arith.constant 4864 : index
    %get3A_295 = arith.constant 0 : index
    %get3A_296 = vector.load %arg3[%get3A_294, %get3A_295] : memref<10240x128xf32, #tpu.memory_space<vmem>>, vector<128x128xf32>
    %dot_general3A_297 = arith.constant dense<0.000000e+00> : vector<1x128xf32>
    %dot_general3A_298 = tpu.matmul %slice3A_293, %get3A_296, %dot_general3A_297 {dimension_numbers = #tpu.dot_dimension_numbers<[1], [0], [0], [1], [0, 0, 1, 1], [], []>, transpose_lhs_hint = false} : vector<1x128xf32>, vector<128x128xf32>, vector<1x128xf32> -> vector<1x128xf32>
    %add3A_299 = arith.addf %add3A_292, %dot_general3A_298 : vector<1x128xf32>
    %slice3A_300 = vector.extract_strided_slice %mul3A_23 {offsets = [39, 0], sizes = [1, 128], strides = [1, 1]} : vector<80x128xf32> to vector<1x128xf32>
    %get3A_301 = arith.constant 4992 : index
    %get3A_302 = arith.constant 0 : index
    %get3A_303 = vector.load %arg3[%get3A_301, %get3A_302] : memref<10240x128xf32, #tpu.memory_space<vmem>>, vector<128x128xf32>
    %dot_general3A_304 = arith.constant dense<0.000000e+00> : vector<1x128xf32>
    %dot_general3A_305 = tpu.matmul %slice3A_300, %get3A_303, %dot_general3A_304 {dimension_numbers = #tpu.dot_dimension_numbers<[1], [0], [0], [1], [0, 0, 1, 1], [], []>, transpose_lhs_hint = false} : vector<1x128xf32>, vector<128x128xf32>, vector<1x128xf32> -> vector<1x128xf32>
    %add3A_306 = arith.addf %add3A_299, %dot_general3A_305 : vector<1x128xf32>
    %slice3A_307 = vector.extract_strided_slice %mul3A_23 {offsets = [40, 0], sizes = [1, 128], strides = [1, 1]} : vector<80x128xf32> to vector<1x128xf32>
    %get3A_308 = arith.constant 5120 : index
    %get3A_309 = arith.constant 0 : index
    %get3A_310 = vector.load %arg3[%get3A_308, %get3A_309] : memref<10240x128xf32, #tpu.memory_space<vmem>>, vector<128x128xf32>
    %dot_general3A_311 = arith.constant dense<0.000000e+00> : vector<1x128xf32>
    %dot_general3A_312 = tpu.matmul %slice3A_307, %get3A_310, %dot_general3A_311 {dimension_numbers = #tpu.dot_dimension_numbers<[1], [0], [0], [1], [0, 0, 1, 1], [], []>, transpose_lhs_hint = false} : vector<1x128xf32>, vector<128x128xf32>, vector<1x128xf32> -> vector<1x128xf32>
    %add3A_313 = arith.addf %add3A_306, %dot_general3A_312 : vector<1x128xf32>
    %slice3A_314 = vector.extract_strided_slice %mul3A_23 {offsets = [41, 0], sizes = [1, 128], strides = [1, 1]} : vector<80x128xf32> to vector<1x128xf32>
    %get3A_315 = arith.constant 5248 : index
    %get3A_316 = arith.constant 0 : index
    %get3A_317 = vector.load %arg3[%get3A_315, %get3A_316] : memref<10240x128xf32, #tpu.memory_space<vmem>>, vector<128x128xf32>
    %dot_general3A_318 = arith.constant dense<0.000000e+00> : vector<1x128xf32>
    %dot_general3A_319 = tpu.matmul %slice3A_314, %get3A_317, %dot_general3A_318 {dimension_numbers = #tpu.dot_dimension_numbers<[1], [0], [0], [1], [0, 0, 1, 1], [], []>, transpose_lhs_hint = false} : vector<1x128xf32>, vector<128x128xf32>, vector<1x128xf32> -> vector<1x128xf32>
    %add3A_320 = arith.addf %add3A_313, %dot_general3A_319 : vector<1x128xf32>
    %slice3A_321 = vector.extract_strided_slice %mul3A_23 {offsets = [42, 0], sizes = [1, 128], strides = [1, 1]} : vector<80x128xf32> to vector<1x128xf32>
    %get3A_322 = arith.constant 5376 : index
    %get3A_323 = arith.constant 0 : index
    %get3A_324 = vector.load %arg3[%get3A_322, %get3A_323] : memref<10240x128xf32, #tpu.memory_space<vmem>>, vector<128x128xf32>
    %dot_general3A_325 = arith.constant dense<0.000000e+00> : vector<1x128xf32>
    %dot_general3A_326 = tpu.matmul %slice3A_321, %get3A_324, %dot_general3A_325 {dimension_numbers = #tpu.dot_dimension_numbers<[1], [0], [0], [1], [0, 0, 1, 1], [], []>, transpose_lhs_hint = false} : vector<1x128xf32>, vector<128x128xf32>, vector<1x128xf32> -> vector<1x128xf32>
    %add3A_327 = arith.addf %add3A_320, %dot_general3A_326 : vector<1x128xf32>
    %slice3A_328 = vector.extract_strided_slice %mul3A_23 {offsets = [43, 0], sizes = [1, 128], strides = [1, 1]} : vector<80x128xf32> to vector<1x128xf32>
    %get3A_329 = arith.constant 5504 : index
    %get3A_330 = arith.constant 0 : index
    %get3A_331 = vector.load %arg3[%get3A_329, %get3A_330] : memref<10240x128xf32, #tpu.memory_space<vmem>>, vector<128x128xf32>
    %dot_general3A_332 = arith.constant dense<0.000000e+00> : vector<1x128xf32>
    %dot_general3A_333 = tpu.matmul %slice3A_328, %get3A_331, %dot_general3A_332 {dimension_numbers = #tpu.dot_dimension_numbers<[1], [0], [0], [1], [0, 0, 1, 1], [], []>, transpose_lhs_hint = false} : vector<1x128xf32>, vector<128x128xf32>, vector<1x128xf32> -> vector<1x128xf32>
    %add3A_334 = arith.addf %add3A_327, %dot_general3A_333 : vector<1x128xf32>
    %slice3A_335 = vector.extract_strided_slice %mul3A_23 {offsets = [44, 0], sizes = [1, 128], strides = [1, 1]} : vector<80x128xf32> to vector<1x128xf32>
    %get3A_336 = arith.constant 5632 : index
    %get3A_337 = arith.constant 0 : index
    %get3A_338 = vector.load %arg3[%get3A_336, %get3A_337] : memref<10240x128xf32, #tpu.memory_space<vmem>>, vector<128x128xf32>
    %dot_general3A_339 = arith.constant dense<0.000000e+00> : vector<1x128xf32>
    %dot_general3A_340 = tpu.matmul %slice3A_335, %get3A_338, %dot_general3A_339 {dimension_numbers = #tpu.dot_dimension_numbers<[1], [0], [0], [1], [0, 0, 1, 1], [], []>, transpose_lhs_hint = false} : vector<1x128xf32>, vector<128x128xf32>, vector<1x128xf32> -> vector<1x128xf32>
    %add3A_341 = arith.addf %add3A_334, %dot_general3A_340 : vector<1x128xf32>
    %slice3A_342 = vector.extract_strided_slice %mul3A_23 {offsets = [45, 0], sizes = [1, 128], strides = [1, 1]} : vector<80x128xf32> to vector<1x128xf32>
    %get3A_343 = arith.constant 5760 : index
    %get3A_344 = arith.constant 0 : index
    %get3A_345 = vector.load %arg3[%get3A_343, %get3A_344] : memref<10240x128xf32, #tpu.memory_space<vmem>>, vector<128x128xf32>
    %dot_general3A_346 = arith.constant dense<0.000000e+00> : vector<1x128xf32>
    %dot_general3A_347 = tpu.matmul %slice3A_342, %get3A_345, %dot_general3A_346 {dimension_numbers = #tpu.dot_dimension_numbers<[1], [0], [0], [1], [0, 0, 1, 1], [], []>, transpose_lhs_hint = false} : vector<1x128xf32>, vector<128x128xf32>, vector<1x128xf32> -> vector<1x128xf32>
    %add3A_348 = arith.addf %add3A_341, %dot_general3A_347 : vector<1x128xf32>
    %slice3A_349 = vector.extract_strided_slice %mul3A_23 {offsets = [46, 0], sizes = [1, 128], strides = [1, 1]} : vector<80x128xf32> to vector<1x128xf32>
    %get3A_350 = arith.constant 5888 : index
    %get3A_351 = arith.constant 0 : index
    %get3A_352 = vector.load %arg3[%get3A_350, %get3A_351] : memref<10240x128xf32, #tpu.memory_space<vmem>>, vector<128x128xf32>
    %dot_general3A_353 = arith.constant dense<0.000000e+00> : vector<1x128xf32>
    %dot_general3A_354 = tpu.matmul %slice3A_349, %get3A_352, %dot_general3A_353 {dimension_numbers = #tpu.dot_dimension_numbers<[1], [0], [0], [1], [0, 0, 1, 1], [], []>, transpose_lhs_hint = false} : vector<1x128xf32>, vector<128x128xf32>, vector<1x128xf32> -> vector<1x128xf32>
    %add3A_355 = arith.addf %add3A_348, %dot_general3A_354 : vector<1x128xf32>
    %slice3A_356 = vector.extract_strided_slice %mul3A_23 {offsets = [47, 0], sizes = [1, 128], strides = [1, 1]} : vector<80x128xf32> to vector<1x128xf32>
    %get3A_357 = arith.constant 6016 : index
    %get3A_358 = arith.constant 0 : index
    %get3A_359 = vector.load %arg3[%get3A_357, %get3A_358] : memref<10240x128xf32, #tpu.memory_space<vmem>>, vector<128x128xf32>
    %dot_general3A_360 = arith.constant dense<0.000000e+00> : vector<1x128xf32>
    %dot_general3A_361 = tpu.matmul %slice3A_356, %get3A_359, %dot_general3A_360 {dimension_numbers = #tpu.dot_dimension_numbers<[1], [0], [0], [1], [0, 0, 1, 1], [], []>, transpose_lhs_hint = false} : vector<1x128xf32>, vector<128x128xf32>, vector<1x128xf32> -> vector<1x128xf32>
    %add3A_362 = arith.addf %add3A_355, %dot_general3A_361 : vector<1x128xf32>
    %slice3A_363 = vector.extract_strided_slice %mul3A_23 {offsets = [48, 0], sizes = [1, 128], strides = [1, 1]} : vector<80x128xf32> to vector<1x128xf32>
    %get3A_364 = arith.constant 6144 : index
    %get3A_365 = arith.constant 0 : index
    %get3A_366 = vector.load %arg3[%get3A_364, %get3A_365] : memref<10240x128xf32, #tpu.memory_space<vmem>>, vector<128x128xf32>
    %dot_general3A_367 = arith.constant dense<0.000000e+00> : vector<1x128xf32>
    %dot_general3A_368 = tpu.matmul %slice3A_363, %get3A_366, %dot_general3A_367 {dimension_numbers = #tpu.dot_dimension_numbers<[1], [0], [0], [1], [0, 0, 1, 1], [], []>, transpose_lhs_hint = false} : vector<1x128xf32>, vector<128x128xf32>, vector<1x128xf32> -> vector<1x128xf32>
    %add3A_369 = arith.addf %add3A_362, %dot_general3A_368 : vector<1x128xf32>
    %slice3A_370 = vector.extract_strided_slice %mul3A_23 {offsets = [49, 0], sizes = [1, 128], strides = [1, 1]} : vector<80x128xf32> to vector<1x128xf32>
    %get3A_371 = arith.constant 6272 : index
    %get3A_372 = arith.constant 0 : index
    %get3A_373 = vector.load %arg3[%get3A_371, %get3A_372] : memref<10240x128xf32, #tpu.memory_space<vmem>>, vector<128x128xf32>
    %dot_general3A_374 = arith.constant dense<0.000000e+00> : vector<1x128xf32>
    %dot_general3A_375 = tpu.matmul %slice3A_370, %get3A_373, %dot_general3A_374 {dimension_numbers = #tpu.dot_dimension_numbers<[1], [0], [0], [1], [0, 0, 1, 1], [], []>, transpose_lhs_hint = false} : vector<1x128xf32>, vector<128x128xf32>, vector<1x128xf32> -> vector<1x128xf32>
    %add3A_376 = arith.addf %add3A_369, %dot_general3A_375 : vector<1x128xf32>
    %slice3A_377 = vector.extract_strided_slice %mul3A_23 {offsets = [50, 0], sizes = [1, 128], strides = [1, 1]} : vector<80x128xf32> to vector<1x128xf32>
    %get3A_378 = arith.constant 6400 : index
    %get3A_379 = arith.constant 0 : index
    %get3A_380 = vector.load %arg3[%get3A_378, %get3A_379] : memref<10240x128xf32, #tpu.memory_space<vmem>>, vector<128x128xf32>
    %dot_general3A_381 = arith.constant dense<0.000000e+00> : vector<1x128xf32>
    %dot_general3A_382 = tpu.matmul %slice3A_377, %get3A_380, %dot_general3A_381 {dimension_numbers = #tpu.dot_dimension_numbers<[1], [0], [0], [1], [0, 0, 1, 1], [], []>, transpose_lhs_hint = false} : vector<1x128xf32>, vector<128x128xf32>, vector<1x128xf32> -> vector<1x128xf32>
    %add3A_383 = arith.addf %add3A_376, %dot_general3A_382 : vector<1x128xf32>
    %slice3A_384 = vector.extract_strided_slice %mul3A_23 {offsets = [51, 0], sizes = [1, 128], strides = [1, 1]} : vector<80x128xf32> to vector<1x128xf32>
    %get3A_385 = arith.constant 6528 : index
    %get3A_386 = arith.constant 0 : index
    %get3A_387 = vector.load %arg3[%get3A_385, %get3A_386] : memref<10240x128xf32, #tpu.memory_space<vmem>>, vector<128x128xf32>
    %dot_general3A_388 = arith.constant dense<0.000000e+00> : vector<1x128xf32>
    %dot_general3A_389 = tpu.matmul %slice3A_384, %get3A_387, %dot_general3A_388 {dimension_numbers = #tpu.dot_dimension_numbers<[1], [0], [0], [1], [0, 0, 1, 1], [], []>, transpose_lhs_hint = false} : vector<1x128xf32>, vector<128x128xf32>, vector<1x128xf32> -> vector<1x128xf32>
    %add3A_390 = arith.addf %add3A_383, %dot_general3A_389 : vector<1x128xf32>
    %slice3A_391 = vector.extract_strided_slice %mul3A_23 {offsets = [52, 0], sizes = [1, 128], strides = [1, 1]} : vector<80x128xf32> to vector<1x128xf32>
    %get3A_392 = arith.constant 6656 : index
    %get3A_393 = arith.constant 0 : index
    %get3A_394 = vector.load %arg3[%get3A_392, %get3A_393] : memref<10240x128xf32, #tpu.memory_space<vmem>>, vector<128x128xf32>
    %dot_general3A_395 = arith.constant dense<0.000000e+00> : vector<1x128xf32>
    %dot_general3A_396 = tpu.matmul %slice3A_391, %get3A_394, %dot_general3A_395 {dimension_numbers = #tpu.dot_dimension_numbers<[1], [0], [0], [1], [0, 0, 1, 1], [], []>, transpose_lhs_hint = false} : vector<1x128xf32>, vector<128x128xf32>, vector<1x128xf32> -> vector<1x128xf32>
    %add3A_397 = arith.addf %add3A_390, %dot_general3A_396 : vector<1x128xf32>
    %slice3A_398 = vector.extract_strided_slice %mul3A_23 {offsets = [53, 0], sizes = [1, 128], strides = [1, 1]} : vector<80x128xf32> to vector<1x128xf32>
    %get3A_399 = arith.constant 6784 : index
    %get3A_400 = arith.constant 0 : index
    %get3A_401 = vector.load %arg3[%get3A_399, %get3A_400] : memref<10240x128xf32, #tpu.memory_space<vmem>>, vector<128x128xf32>
    %dot_general3A_402 = arith.constant dense<0.000000e+00> : vector<1x128xf32>
    %dot_general3A_403 = tpu.matmul %slice3A_398, %get3A_401, %dot_general3A_402 {dimension_numbers = #tpu.dot_dimension_numbers<[1], [0], [0], [1], [0, 0, 1, 1], [], []>, transpose_lhs_hint = false} : vector<1x128xf32>, vector<128x128xf32>, vector<1x128xf32> -> vector<1x128xf32>
    %add3A_404 = arith.addf %add3A_397, %dot_general3A_403 : vector<1x128xf32>
    %slice3A_405 = vector.extract_strided_slice %mul3A_23 {offsets = [54, 0], sizes = [1, 128], strides = [1, 1]} : vector<80x128xf32> to vector<1x128xf32>
    %get3A_406 = arith.constant 6912 : index
    %get3A_407 = arith.constant 0 : index
    %get3A_408 = vector.load %arg3[%get3A_406, %get3A_407] : memref<10240x128xf32, #tpu.memory_space<vmem>>, vector<128x128xf32>
    %dot_general3A_409 = arith.constant dense<0.000000e+00> : vector<1x128xf32>
    %dot_general3A_410 = tpu.matmul %slice3A_405, %get3A_408, %dot_general3A_409 {dimension_numbers = #tpu.dot_dimension_numbers<[1], [0], [0], [1], [0, 0, 1, 1], [], []>, transpose_lhs_hint = false} : vector<1x128xf32>, vector<128x128xf32>, vector<1x128xf32> -> vector<1x128xf32>
    %add3A_411 = arith.addf %add3A_404, %dot_general3A_410 : vector<1x128xf32>
    %slice3A_412 = vector.extract_strided_slice %mul3A_23 {offsets = [55, 0], sizes = [1, 128], strides = [1, 1]} : vector<80x128xf32> to vector<1x128xf32>
    %get3A_413 = arith.constant 7040 : index
    %get3A_414 = arith.constant 0 : index
    %get3A_415 = vector.load %arg3[%get3A_413, %get3A_414] : memref<10240x128xf32, #tpu.memory_space<vmem>>, vector<128x128xf32>
    %dot_general3A_416 = arith.constant dense<0.000000e+00> : vector<1x128xf32>
    %dot_general3A_417 = tpu.matmul %slice3A_412, %get3A_415, %dot_general3A_416 {dimension_numbers = #tpu.dot_dimension_numbers<[1], [0], [0], [1], [0, 0, 1, 1], [], []>, transpose_lhs_hint = false} : vector<1x128xf32>, vector<128x128xf32>, vector<1x128xf32> -> vector<1x128xf32>
    %add3A_418 = arith.addf %add3A_411, %dot_general3A_417 : vector<1x128xf32>
    %slice3A_419 = vector.extract_strided_slice %mul3A_23 {offsets = [56, 0], sizes = [1, 128], strides = [1, 1]} : vector<80x128xf32> to vector<1x128xf32>
    %get3A_420 = arith.constant 7168 : index
    %get3A_421 = arith.constant 0 : index
    %get3A_422 = vector.load %arg3[%get3A_420, %get3A_421] : memref<10240x128xf32, #tpu.memory_space<vmem>>, vector<128x128xf32>
    %dot_general3A_423 = arith.constant dense<0.000000e+00> : vector<1x128xf32>
    %dot_general3A_424 = tpu.matmul %slice3A_419, %get3A_422, %dot_general3A_423 {dimension_numbers = #tpu.dot_dimension_numbers<[1], [0], [0], [1], [0, 0, 1, 1], [], []>, transpose_lhs_hint = false} : vector<1x128xf32>, vector<128x128xf32>, vector<1x128xf32> -> vector<1x128xf32>
    %add3A_425 = arith.addf %add3A_418, %dot_general3A_424 : vector<1x128xf32>
    %slice3A_426 = vector.extract_strided_slice %mul3A_23 {offsets = [57, 0], sizes = [1, 128], strides = [1, 1]} : vector<80x128xf32> to vector<1x128xf32>
    %get3A_427 = arith.constant 7296 : index
    %get3A_428 = arith.constant 0 : index
    %get3A_429 = vector.load %arg3[%get3A_427, %get3A_428] : memref<10240x128xf32, #tpu.memory_space<vmem>>, vector<128x128xf32>
    %dot_general3A_430 = arith.constant dense<0.000000e+00> : vector<1x128xf32>
    %dot_general3A_431 = tpu.matmul %slice3A_426, %get3A_429, %dot_general3A_430 {dimension_numbers = #tpu.dot_dimension_numbers<[1], [0], [0], [1], [0, 0, 1, 1], [], []>, transpose_lhs_hint = false} : vector<1x128xf32>, vector<128x128xf32>, vector<1x128xf32> -> vector<1x128xf32>
    %add3A_432 = arith.addf %add3A_425, %dot_general3A_431 : vector<1x128xf32>
    %slice3A_433 = vector.extract_strided_slice %mul3A_23 {offsets = [58, 0], sizes = [1, 128], strides = [1, 1]} : vector<80x128xf32> to vector<1x128xf32>
    %get3A_434 = arith.constant 7424 : index
    %get3A_435 = arith.constant 0 : index
    %get3A_436 = vector.load %arg3[%get3A_434, %get3A_435] : memref<10240x128xf32, #tpu.memory_space<vmem>>, vector<128x128xf32>
    %dot_general3A_437 = arith.constant dense<0.000000e+00> : vector<1x128xf32>
    %dot_general3A_438 = tpu.matmul %slice3A_433, %get3A_436, %dot_general3A_437 {dimension_numbers = #tpu.dot_dimension_numbers<[1], [0], [0], [1], [0, 0, 1, 1], [], []>, transpose_lhs_hint = false} : vector<1x128xf32>, vector<128x128xf32>, vector<1x128xf32> -> vector<1x128xf32>
    %add3A_439 = arith.addf %add3A_432, %dot_general3A_438 : vector<1x128xf32>
    %slice3A_440 = vector.extract_strided_slice %mul3A_23 {offsets = [59, 0], sizes = [1, 128], strides = [1, 1]} : vector<80x128xf32> to vector<1x128xf32>
    %get3A_441 = arith.constant 7552 : index
    %get3A_442 = arith.constant 0 : index
    %get3A_443 = vector.load %arg3[%get3A_441, %get3A_442] : memref<10240x128xf32, #tpu.memory_space<vmem>>, vector<128x128xf32>
    %dot_general3A_444 = arith.constant dense<0.000000e+00> : vector<1x128xf32>
    %dot_general3A_445 = tpu.matmul %slice3A_440, %get3A_443, %dot_general3A_444 {dimension_numbers = #tpu.dot_dimension_numbers<[1], [0], [0], [1], [0, 0, 1, 1], [], []>, transpose_lhs_hint = false} : vector<1x128xf32>, vector<128x128xf32>, vector<1x128xf32> -> vector<1x128xf32>
    %add3A_446 = arith.addf %add3A_439, %dot_general3A_445 : vector<1x128xf32>
    %slice3A_447 = vector.extract_strided_slice %mul3A_23 {offsets = [60, 0], sizes = [1, 128], strides = [1, 1]} : vector<80x128xf32> to vector<1x128xf32>
    %get3A_448 = arith.constant 7680 : index
    %get3A_449 = arith.constant 0 : index
    %get3A_450 = vector.load %arg3[%get3A_448, %get3A_449] : memref<10240x128xf32, #tpu.memory_space<vmem>>, vector<128x128xf32>
    %dot_general3A_451 = arith.constant dense<0.000000e+00> : vector<1x128xf32>
    %dot_general3A_452 = tpu.matmul %slice3A_447, %get3A_450, %dot_general3A_451 {dimension_numbers = #tpu.dot_dimension_numbers<[1], [0], [0], [1], [0, 0, 1, 1], [], []>, transpose_lhs_hint = false} : vector<1x128xf32>, vector<128x128xf32>, vector<1x128xf32> -> vector<1x128xf32>
    %add3A_453 = arith.addf %add3A_446, %dot_general3A_452 : vector<1x128xf32>
    %slice3A_454 = vector.extract_strided_slice %mul3A_23 {offsets = [61, 0], sizes = [1, 128], strides = [1, 1]} : vector<80x128xf32> to vector<1x128xf32>
    %get3A_455 = arith.constant 7808 : index
    %get3A_456 = arith.constant 0 : index
    %get3A_457 = vector.load %arg3[%get3A_455, %get3A_456] : memref<10240x128xf32, #tpu.memory_space<vmem>>, vector<128x128xf32>
    %dot_general3A_458 = arith.constant dense<0.000000e+00> : vector<1x128xf32>
    %dot_general3A_459 = tpu.matmul %slice3A_454, %get3A_457, %dot_general3A_458 {dimension_numbers = #tpu.dot_dimension_numbers<[1], [0], [0], [1], [0, 0, 1, 1], [], []>, transpose_lhs_hint = false} : vector<1x128xf32>, vector<128x128xf32>, vector<1x128xf32> -> vector<1x128xf32>
    %add3A_460 = arith.addf %add3A_453, %dot_general3A_459 : vector<1x128xf32>
    %slice3A_461 = vector.extract_strided_slice %mul3A_23 {offsets = [62, 0], sizes = [1, 128], strides = [1, 1]} : vector<80x128xf32> to vector<1x128xf32>
    %get3A_462 = arith.constant 7936 : index
    %get3A_463 = arith.constant 0 : index
    %get3A_464 = vector.load %arg3[%get3A_462, %get3A_463] : memref<10240x128xf32, #tpu.memory_space<vmem>>, vector<128x128xf32>
    %dot_general3A_465 = arith.constant dense<0.000000e+00> : vector<1x128xf32>
    %dot_general3A_466 = tpu.matmul %slice3A_461, %get3A_464, %dot_general3A_465 {dimension_numbers = #tpu.dot_dimension_numbers<[1], [0], [0], [1], [0, 0, 1, 1], [], []>, transpose_lhs_hint = false} : vector<1x128xf32>, vector<128x128xf32>, vector<1x128xf32> -> vector<1x128xf32>
    %add3A_467 = arith.addf %add3A_460, %dot_general3A_466 : vector<1x128xf32>
    %slice3A_468 = vector.extract_strided_slice %mul3A_23 {offsets = [63, 0], sizes = [1, 128], strides = [1, 1]} : vector<80x128xf32> to vector<1x128xf32>
    %get3A_469 = arith.constant 8064 : index
    %get3A_470 = arith.constant 0 : index
    %get3A_471 = vector.load %arg3[%get3A_469, %get3A_470] : memref<10240x128xf32, #tpu.memory_space<vmem>>, vector<128x128xf32>
    %dot_general3A_472 = arith.constant dense<0.000000e+00> : vector<1x128xf32>
    %dot_general3A_473 = tpu.matmul %slice3A_468, %get3A_471, %dot_general3A_472 {dimension_numbers = #tpu.dot_dimension_numbers<[1], [0], [0], [1], [0, 0, 1, 1], [], []>, transpose_lhs_hint = false} : vector<1x128xf32>, vector<128x128xf32>, vector<1x128xf32> -> vector<1x128xf32>
    %add3A_474 = arith.addf %add3A_467, %dot_general3A_473 : vector<1x128xf32>
    %slice3A_475 = vector.extract_strided_slice %mul3A_23 {offsets = [64, 0], sizes = [1, 128], strides = [1, 1]} : vector<80x128xf32> to vector<1x128xf32>
    %get3A_476 = arith.constant 8192 : index
    %get3A_477 = arith.constant 0 : index
    %get3A_478 = vector.load %arg3[%get3A_476, %get3A_477] : memref<10240x128xf32, #tpu.memory_space<vmem>>, vector<128x128xf32>
    %dot_general3A_479 = arith.constant dense<0.000000e+00> : vector<1x128xf32>
    %dot_general3A_480 = tpu.matmul %slice3A_475, %get3A_478, %dot_general3A_479 {dimension_numbers = #tpu.dot_dimension_numbers<[1], [0], [0], [1], [0, 0, 1, 1], [], []>, transpose_lhs_hint = false} : vector<1x128xf32>, vector<128x128xf32>, vector<1x128xf32> -> vector<1x128xf32>
    %add3A_481 = arith.addf %add3A_474, %dot_general3A_480 : vector<1x128xf32>
    %slice3A_482 = vector.extract_strided_slice %mul3A_23 {offsets = [65, 0], sizes = [1, 128], strides = [1, 1]} : vector<80x128xf32> to vector<1x128xf32>
    %get3A_483 = arith.constant 8320 : index
    %get3A_484 = arith.constant 0 : index
    %get3A_485 = vector.load %arg3[%get3A_483, %get3A_484] : memref<10240x128xf32, #tpu.memory_space<vmem>>, vector<128x128xf32>
    %dot_general3A_486 = arith.constant dense<0.000000e+00> : vector<1x128xf32>
    %dot_general3A_487 = tpu.matmul %slice3A_482, %get3A_485, %dot_general3A_486 {dimension_numbers = #tpu.dot_dimension_numbers<[1], [0], [0], [1], [0, 0, 1, 1], [], []>, transpose_lhs_hint = false} : vector<1x128xf32>, vector<128x128xf32>, vector<1x128xf32> -> vector<1x128xf32>
    %add3A_488 = arith.addf %add3A_481, %dot_general3A_487 : vector<1x128xf32>
    %slice3A_489 = vector.extract_strided_slice %mul3A_23 {offsets = [66, 0], sizes = [1, 128], strides = [1, 1]} : vector<80x128xf32> to vector<1x128xf32>
    %get3A_490 = arith.constant 8448 : index
    %get3A_491 = arith.constant 0 : index
    %get3A_492 = vector.load %arg3[%get3A_490, %get3A_491] : memref<10240x128xf32, #tpu.memory_space<vmem>>, vector<128x128xf32>
    %dot_general3A_493 = arith.constant dense<0.000000e+00> : vector<1x128xf32>
    %dot_general3A_494 = tpu.matmul %slice3A_489, %get3A_492, %dot_general3A_493 {dimension_numbers = #tpu.dot_dimension_numbers<[1], [0], [0], [1], [0, 0, 1, 1], [], []>, transpose_lhs_hint = false} : vector<1x128xf32>, vector<128x128xf32>, vector<1x128xf32> -> vector<1x128xf32>
    %add3A_495 = arith.addf %add3A_488, %dot_general3A_494 : vector<1x128xf32>
    %slice3A_496 = vector.extract_strided_slice %mul3A_23 {offsets = [67, 0], sizes = [1, 128], strides = [1, 1]} : vector<80x128xf32> to vector<1x128xf32>
    %get3A_497 = arith.constant 8576 : index
    %get3A_498 = arith.constant 0 : index
    %get3A_499 = vector.load %arg3[%get3A_497, %get3A_498] : memref<10240x128xf32, #tpu.memory_space<vmem>>, vector<128x128xf32>
    %dot_general3A_500 = arith.constant dense<0.000000e+00> : vector<1x128xf32>
    %dot_general3A_501 = tpu.matmul %slice3A_496, %get3A_499, %dot_general3A_500 {dimension_numbers = #tpu.dot_dimension_numbers<[1], [0], [0], [1], [0, 0, 1, 1], [], []>, transpose_lhs_hint = false} : vector<1x128xf32>, vector<128x128xf32>, vector<1x128xf32> -> vector<1x128xf32>
    %add3A_502 = arith.addf %add3A_495, %dot_general3A_501 : vector<1x128xf32>
    %slice3A_503 = vector.extract_strided_slice %mul3A_23 {offsets = [68, 0], sizes = [1, 128], strides = [1, 1]} : vector<80x128xf32> to vector<1x128xf32>
    %get3A_504 = arith.constant 8704 : index
    %get3A_505 = arith.constant 0 : index
    %get3A_506 = vector.load %arg3[%get3A_504, %get3A_505] : memref<10240x128xf32, #tpu.memory_space<vmem>>, vector<128x128xf32>
    %dot_general3A_507 = arith.constant dense<0.000000e+00> : vector<1x128xf32>
    %dot_general3A_508 = tpu.matmul %slice3A_503, %get3A_506, %dot_general3A_507 {dimension_numbers = #tpu.dot_dimension_numbers<[1], [0], [0], [1], [0, 0, 1, 1], [], []>, transpose_lhs_hint = false} : vector<1x128xf32>, vector<128x128xf32>, vector<1x128xf32> -> vector<1x128xf32>
    %add3A_509 = arith.addf %add3A_502, %dot_general3A_508 : vector<1x128xf32>
    %slice3A_510 = vector.extract_strided_slice %mul3A_23 {offsets = [69, 0], sizes = [1, 128], strides = [1, 1]} : vector<80x128xf32> to vector<1x128xf32>
    %get3A_511 = arith.constant 8832 : index
    %get3A_512 = arith.constant 0 : index
    %get3A_513 = vector.load %arg3[%get3A_511, %get3A_512] : memref<10240x128xf32, #tpu.memory_space<vmem>>, vector<128x128xf32>
    %dot_general3A_514 = arith.constant dense<0.000000e+00> : vector<1x128xf32>
    %dot_general3A_515 = tpu.matmul %slice3A_510, %get3A_513, %dot_general3A_514 {dimension_numbers = #tpu.dot_dimension_numbers<[1], [0], [0], [1], [0, 0, 1, 1], [], []>, transpose_lhs_hint = false} : vector<1x128xf32>, vector<128x128xf32>, vector<1x128xf32> -> vector<1x128xf32>
    %add3A_516 = arith.addf %add3A_509, %dot_general3A_515 : vector<1x128xf32>
    %slice3A_517 = vector.extract_strided_slice %mul3A_23 {offsets = [70, 0], sizes = [1, 128], strides = [1, 1]} : vector<80x128xf32> to vector<1x128xf32>
    %get3A_518 = arith.constant 8960 : index
    %get3A_519 = arith.constant 0 : index
    %get3A_520 = vector.load %arg3[%get3A_518, %get3A_519] : memref<10240x128xf32, #tpu.memory_space<vmem>>, vector<128x128xf32>
    %dot_general3A_521 = arith.constant dense<0.000000e+00> : vector<1x128xf32>
    %dot_general3A_522 = tpu.matmul %slice3A_517, %get3A_520, %dot_general3A_521 {dimension_numbers = #tpu.dot_dimension_numbers<[1], [0], [0], [1], [0, 0, 1, 1], [], []>, transpose_lhs_hint = false} : vector<1x128xf32>, vector<128x128xf32>, vector<1x128xf32> -> vector<1x128xf32>
    %add3A_523 = arith.addf %add3A_516, %dot_general3A_522 : vector<1x128xf32>
    %slice3A_524 = vector.extract_strided_slice %mul3A_23 {offsets = [71, 0], sizes = [1, 128], strides = [1, 1]} : vector<80x128xf32> to vector<1x128xf32>
    %get3A_525 = arith.constant 9088 : index
    %get3A_526 = arith.constant 0 : index
    %get3A_527 = vector.load %arg3[%get3A_525, %get3A_526] : memref<10240x128xf32, #tpu.memory_space<vmem>>, vector<128x128xf32>
    %dot_general3A_528 = arith.constant dense<0.000000e+00> : vector<1x128xf32>
    %dot_general3A_529 = tpu.matmul %slice3A_524, %get3A_527, %dot_general3A_528 {dimension_numbers = #tpu.dot_dimension_numbers<[1], [0], [0], [1], [0, 0, 1, 1], [], []>, transpose_lhs_hint = false} : vector<1x128xf32>, vector<128x128xf32>, vector<1x128xf32> -> vector<1x128xf32>
    %add3A_530 = arith.addf %add3A_523, %dot_general3A_529 : vector<1x128xf32>
    %slice3A_531 = vector.extract_strided_slice %mul3A_23 {offsets = [72, 0], sizes = [1, 128], strides = [1, 1]} : vector<80x128xf32> to vector<1x128xf32>
    %get3A_532 = arith.constant 9216 : index
    %get3A_533 = arith.constant 0 : index
    %get3A_534 = vector.load %arg3[%get3A_532, %get3A_533] : memref<10240x128xf32, #tpu.memory_space<vmem>>, vector<128x128xf32>
    %dot_general3A_535 = arith.constant dense<0.000000e+00> : vector<1x128xf32>
    %dot_general3A_536 = tpu.matmul %slice3A_531, %get3A_534, %dot_general3A_535 {dimension_numbers = #tpu.dot_dimension_numbers<[1], [0], [0], [1], [0, 0, 1, 1], [], []>, transpose_lhs_hint = false} : vector<1x128xf32>, vector<128x128xf32>, vector<1x128xf32> -> vector<1x128xf32>
    %add3A_537 = arith.addf %add3A_530, %dot_general3A_536 : vector<1x128xf32>
    %slice3A_538 = vector.extract_strided_slice %mul3A_23 {offsets = [73, 0], sizes = [1, 128], strides = [1, 1]} : vector<80x128xf32> to vector<1x128xf32>
    %get3A_539 = arith.constant 9344 : index
    %get3A_540 = arith.constant 0 : index
    %get3A_541 = vector.load %arg3[%get3A_539, %get3A_540] : memref<10240x128xf32, #tpu.memory_space<vmem>>, vector<128x128xf32>
    %dot_general3A_542 = arith.constant dense<0.000000e+00> : vector<1x128xf32>
    %dot_general3A_543 = tpu.matmul %slice3A_538, %get3A_541, %dot_general3A_542 {dimension_numbers = #tpu.dot_dimension_numbers<[1], [0], [0], [1], [0, 0, 1, 1], [], []>, transpose_lhs_hint = false} : vector<1x128xf32>, vector<128x128xf32>, vector<1x128xf32> -> vector<1x128xf32>
    %add3A_544 = arith.addf %add3A_537, %dot_general3A_543 : vector<1x128xf32>
    %slice3A_545 = vector.extract_strided_slice %mul3A_23 {offsets = [74, 0], sizes = [1, 128], strides = [1, 1]} : vector<80x128xf32> to vector<1x128xf32>
    %get3A_546 = arith.constant 9472 : index
    %get3A_547 = arith.constant 0 : index
    %get3A_548 = vector.load %arg3[%get3A_546, %get3A_547] : memref<10240x128xf32, #tpu.memory_space<vmem>>, vector<128x128xf32>
    %dot_general3A_549 = arith.constant dense<0.000000e+00> : vector<1x128xf32>
    %dot_general3A_550 = tpu.matmul %slice3A_545, %get3A_548, %dot_general3A_549 {dimension_numbers = #tpu.dot_dimension_numbers<[1], [0], [0], [1], [0, 0, 1, 1], [], []>, transpose_lhs_hint = false} : vector<1x128xf32>, vector<128x128xf32>, vector<1x128xf32> -> vector<1x128xf32>
    %add3A_551 = arith.addf %add3A_544, %dot_general3A_550 : vector<1x128xf32>
    %slice3A_552 = vector.extract_strided_slice %mul3A_23 {offsets = [75, 0], sizes = [1, 128], strides = [1, 1]} : vector<80x128xf32> to vector<1x128xf32>
    %get3A_553 = arith.constant 9600 : index
    %get3A_554 = arith.constant 0 : index
    %get3A_555 = vector.load %arg3[%get3A_553, %get3A_554] : memref<10240x128xf32, #tpu.memory_space<vmem>>, vector<128x128xf32>
    %dot_general3A_556 = arith.constant dense<0.000000e+00> : vector<1x128xf32>
    %dot_general3A_557 = tpu.matmul %slice3A_552, %get3A_555, %dot_general3A_556 {dimension_numbers = #tpu.dot_dimension_numbers<[1], [0], [0], [1], [0, 0, 1, 1], [], []>, transpose_lhs_hint = false} : vector<1x128xf32>, vector<128x128xf32>, vector<1x128xf32> -> vector<1x128xf32>
    %add3A_558 = arith.addf %add3A_551, %dot_general3A_557 : vector<1x128xf32>
    %slice3A_559 = vector.extract_strided_slice %mul3A_23 {offsets = [76, 0], sizes = [1, 128], strides = [1, 1]} : vector<80x128xf32> to vector<1x128xf32>
    %get3A_560 = arith.constant 9728 : index
    %get3A_561 = arith.constant 0 : index
    %get3A_562 = vector.load %arg3[%get3A_560, %get3A_561] : memref<10240x128xf32, #tpu.memory_space<vmem>>, vector<128x128xf32>
    %dot_general3A_563 = arith.constant dense<0.000000e+00> : vector<1x128xf32>
    %dot_general3A_564 = tpu.matmul %slice3A_559, %get3A_562, %dot_general3A_563 {dimension_numbers = #tpu.dot_dimension_numbers<[1], [0], [0], [1], [0, 0, 1, 1], [], []>, transpose_lhs_hint = false} : vector<1x128xf32>, vector<128x128xf32>, vector<1x128xf32> -> vector<1x128xf32>
    %add3A_565 = arith.addf %add3A_558, %dot_general3A_564 : vector<1x128xf32>
    %slice3A_566 = vector.extract_strided_slice %mul3A_23 {offsets = [77, 0], sizes = [1, 128], strides = [1, 1]} : vector<80x128xf32> to vector<1x128xf32>
    %get3A_567 = arith.constant 9856 : index
    %get3A_568 = arith.constant 0 : index
    %get3A_569 = vector.load %arg3[%get3A_567, %get3A_568] : memref<10240x128xf32, #tpu.memory_space<vmem>>, vector<128x128xf32>
    %dot_general3A_570 = arith.constant dense<0.000000e+00> : vector<1x128xf32>
    %dot_general3A_571 = tpu.matmul %slice3A_566, %get3A_569, %dot_general3A_570 {dimension_numbers = #tpu.dot_dimension_numbers<[1], [0], [0], [1], [0, 0, 1, 1], [], []>, transpose_lhs_hint = false} : vector<1x128xf32>, vector<128x128xf32>, vector<1x128xf32> -> vector<1x128xf32>
    %add3A_572 = arith.addf %add3A_565, %dot_general3A_571 : vector<1x128xf32>
    %slice3A_573 = vector.extract_strided_slice %mul3A_23 {offsets = [78, 0], sizes = [1, 128], strides = [1, 1]} : vector<80x128xf32> to vector<1x128xf32>
    %get3A_574 = arith.constant 9984 : index
    %get3A_575 = arith.constant 0 : index
    %get3A_576 = vector.load %arg3[%get3A_574, %get3A_575] : memref<10240x128xf32, #tpu.memory_space<vmem>>, vector<128x128xf32>
    %dot_general3A_577 = arith.constant dense<0.000000e+00> : vector<1x128xf32>
    %dot_general3A_578 = tpu.matmul %slice3A_573, %get3A_576, %dot_general3A_577 {dimension_numbers = #tpu.dot_dimension_numbers<[1], [0], [0], [1], [0, 0, 1, 1], [], []>, transpose_lhs_hint = false} : vector<1x128xf32>, vector<128x128xf32>, vector<1x128xf32> -> vector<1x128xf32>
    %add3A_579 = arith.addf %add3A_572, %dot_general3A_578 : vector<1x128xf32>
    %slice3A_580 = vector.extract_strided_slice %mul3A_23 {offsets = [79, 0], sizes = [1, 128], strides = [1, 1]} : vector<80x128xf32> to vector<1x128xf32>
    %get3A_581 = arith.constant 10112 : index
    %get3A_582 = arith.constant 0 : index
    %get3A_583 = vector.load %arg3[%get3A_581, %get3A_582] : memref<10240x128xf32, #tpu.memory_space<vmem>>, vector<128x128xf32>
    %dot_general3A_584 = arith.constant dense<0.000000e+00> : vector<1x128xf32>
    %dot_general3A_585 = tpu.matmul %slice3A_580, %get3A_583, %dot_general3A_584 {dimension_numbers = #tpu.dot_dimension_numbers<[1], [0], [0], [1], [0, 0, 1, 1], [], []>, transpose_lhs_hint = false} : vector<1x128xf32>, vector<128x128xf32>, vector<1x128xf32> -> vector<1x128xf32>
    %add3A_586 = arith.addf %add3A_579, %dot_general3A_585 : vector<1x128xf32>
    %get3A_587 = arith.constant 0 : index
    %get3A_588 = arith.constant 0 : index
    %get3A_589 = vector.load %arg4[%get3A_587, %get3A_588] : memref<128x128xf32, #tpu.memory_space<vmem>>, vector<128x128xf32>
    %dot_general3A_590 = arith.constant dense<0.000000e+00> : vector<1x128xf32>
    %dot_general3A_591 = tpu.matmul %add3A_586, %get3A_589, %dot_general3A_590 {dimension_numbers = #tpu.dot_dimension_numbers<[1], [0], [0], [1], [0, 0, 1, 1], [], []>, transpose_lhs_hint = false} : vector<1x128xf32>, vector<128x128xf32>, vector<1x128xf32> -> vector<1x128xf32>
    %get3A_592 = arith.constant 0 : index
    %get3A_593 = arith.constant 0 : index
    %get3A_594 = vector.load %arg6[%get3A_592, %get3A_593] : memref<128x64xf32, #tpu.memory_space<vmem>>, vector<128x64xf32>
    %dot_general3A_595 = arith.constant dense<0.000000e+00> : vector<1x64xf32>
    %dot_general3A_596 = tpu.matmul %dot_general3A_591, %get3A_594, %dot_general3A_595 {dimension_numbers = #tpu.dot_dimension_numbers<[1], [0], [0], [1], [0, 0, 1, 1], [], []>, transpose_lhs_hint = false} : vector<1x128xf32>, vector<128x64xf32>, vector<1x64xf32> -> vector<1x64xf32>
    %get3A_597 = arith.constant 0 : index
    %get3A_598 = arith.constant 0 : index
    %get3A_599 = vector.load %arg5[%get3A_597, %get3A_598] : memref<1x128xf32, #tpu.memory_space<vmem>>, vector<1x128xf32>
    %get3A_600 = arith.constant 0 : index
    %get3A_601 = arith.constant 0 : index
    %get3A_602 = vector.load %arg6[%get3A_600, %get3A_601] : memref<128x64xf32, #tpu.memory_space<vmem>>, vector<128x64xf32>
    %dot_general3A_603 = arith.constant dense<0.000000e+00> : vector<1x64xf32>
    %dot_general3A_604 = tpu.matmul %get3A_599, %get3A_602, %dot_general3A_603 {dimension_numbers = #tpu.dot_dimension_numbers<[1], [0], [0], [1], [0, 0, 1, 1], [], []>, transpose_lhs_hint = false} : vector<1x128xf32>, vector<128x64xf32>, vector<1x64xf32> -> vector<1x64xf32>
    %mul3A_605 = vector.broadcast %reduce_sum3A_27 : f32 to vector<1x64xf32>
    %mul3A_606 = arith.mulf %mul3A_605, %dot_general3A_604 : vector<1x64xf32>
    %add3A_607 = arith.addf %dot_general3A_596, %mul3A_606 : vector<1x64xf32>
    %mul3A_608 = arith.constant 9.99999974E-5 : f32
    %mul3A_609 = vector.broadcast %mul3A_608 : f32 to vector<1x64xf32>
    %mul3A_610 = arith.mulf %add3A_607, %mul3A_609 : vector<1x64xf32>
    %get3A_611 = arith.constant 0 : index
    %get3A_612 = arith.constant 0 : index
    %get3A_613 = vector.load %arg7[%get3A_611, %get3A_612] : memref<1x64xf32, #tpu.memory_space<vmem>>, vector<1x64xf32>
    %add3A_614 = arith.addf %mul3A_610, %get3A_613 : vector<1x64xf32>
    %swap3A = arith.constant 0 : index
    %swap3A_615 = arith.constant 0 : index
    %swap3A_616 = vector.load %arg8[%swap3A, %swap3A_615] : memref<1x64xf32, #tpu.memory_space<vmem>>, vector<1x64xf32>
    tpu.vector_store %arg8[%swap3A, %swap3A_615], %add3A_614 {strides = array<i32>} : memref<1x64xf32, #tpu.memory_space<vmem>>, vector<1x64xf32>,
    return
  }
}

</mosaic_0001>

<sc_bundles>
// kernel: kernel.12.cloned.1.call-start
scs
__scs_entry_jumppad:
0x0: {  	(pc) =	sbr.rel $0x88, $3  }
0x1: {  	(tag) =	ssettag $0x0;
	lr =	simm.s32 $0x1  }
0x2: {  	[smem:$0x3F9B] =	sst lr;
	_ =	strace $0xD0000000  }
0x3: {  	_ = 	snop  }
0x4: {  	_ = 	snop  }
0x5: {  	_ = 	snop  }
0x6: {  	_ = 	snop  }
0x7: {  	_ = 	snop  }
__scs_overlays_trampoline_lowered:
0x8: {  	[smem:$0x3FAA] =	sst s0  }
0x9: {  	[smem:$0x3FAB] =	sst s1  }
0xa: {  	[smem:$0x3FAC] =	sst s2  }
0xb: {  	[smem:$0x3FAD] =	sst s3  }
0xc: {  	[smem:$0x3FAE] =	sst s4  }
0xd: {  	[smem:$0x3FAF] =	sst s5  }
0xe: {  	[smem:$0x3FB0] =	sst s6  }
0xf: {  	[smem:$0x3FB1] =	sst s7  }
0x10: {  	[smem:$0x3FB2] =	sst s8  }
0x11: {  	[smem:$0x3FB3] =	sst s9;
	s0 =	simm.s32 @!p0 $0x0  }
0x12: {  	s1 =	sld [smem:$0x3F99];
	s0 =	simm.s32 @p0 $0x1  }
0x13: {  	[smem:$0x3FB4] =	sst s0;
	s0 =	simm.s32 @!p1 $0x0  }
0x14: {  	s2 =	sld [smem:$0x3F98];
	s0 =	simm.s32 @p1 $0x1  }
0x15: {  	[smem:$0x3FB5] =	sst s0;
	s0 =	simm.s32 @!p2 $0x0  }
0x16: {  	s3 =	sld [smem:$0x3FDB];
	s0 =	simm.s32 @p2 $0x1  }
0x17: {  	s4 =	simm.s32 $0x1BF5;
	[smem:$0x3FB7] =	sst s0  }
0x18: {  	s0 =	sld [smem:$0x3F9A];
	_ =	swait.ge [sflag:s4], $0x0  }
0x19: {  	s7 =	sld [smem:$0x3F9B]  }
0x1a: {  	s8 =	sadd.s32 $0xFFFFE003, lr  }
0x1b: {  	s9 =	sadd.s32 $0xFFFFFEF7, lr;
	s5 =	simm.s32 $0xFFFFFFFF;
	p2 =	slt.u32 s8, $0xFFFFF086  }
0x1c: {  	p1 =	slt.u32 s9, $0xF7A;
	s5 =	simm.s32 @!p2 $0x0  }
0x1d: {  	s5 =	simm.s32 @p1 $0x1;
	p0 =	seq.s32 s7, s2  }
0x1e: {  	s7 =	smul.u32 @!p0 $0xF7A, s2;
	p2 =	seq.s32 @!p0 s5, $0x0  }
0x1f: {  	s9 =	smul.u32 $0xF7A, s1;
	s8 =	simm.s32 @!p0 $0x1BF5;
	p2 =	por !p2, p0  }
0x20: {  	[sflag:s8] =	ssyncset.s32 @!p0 $0xFFFFF086;
	s6 =	sadd.s32 @!p0 s3, s7;
	s7 =	simm.s32 @!p0 $0x108  }
0x21: {  	s3 =	sadd.s32 s3, s9;
	s6 =	sadd.s32 @!p0 $0x88, s6;
	s7 =	simm.s32 @p2 $0x1082  }
0x22: {  	[simem:s7], [sflag:s8] =	dma.local @!p0 [hbm:s6], $0xF7A  }
0x23: {  	s9 =	sor.u32 $0xD0000000, s2;
	s6 =	simm.s32 $0x108;
	_ =	swait.ge @!p0 [sflag:s8], $0x0  }
0x24: {  	s3 =	sadd.s32 $0x88, s3;
	s6 =	simm.s32 @!p1 $0x1082;
	[sflag:s4] =	ssyncset.s32 $0xFFFFF086  }
0x25: {  	[simem:s6], [sflag:s4] =	dma.local [hbm:s3], $0xF7A  }
0x26: {  	[smem:$0x3F9B] =	sst s1;
	(tag) =	ssettag s2;
	_ =	strace s9  }
0x27: {  	s1 =	sld [smem:$0x3FAB]  }
0x28: {  	s2 =	sld [smem:$0x3FAC]  }
0x29: {  	s4 =	sld [smem:$0x3FAE]  }
0x2a: {  	p0 =	seq.s32 s5, $0x0;
	s5 =	sld [smem:$0x3FAF]  }
0x2b: {  	s6 =	sld [smem:$0x3FB0]  }
0x2c: {  	s7 =	sld [smem:$0x3FB1]  }
0x2d: {  	s3 =	simm.s32 $0x108;
	s8 =	sld [smem:$0x3FB2]  }
0x2e: {  	s3 =	simm.s32 @!p0 $0x1082;
	s9 =	sld [smem:$0x3FB3]  }
0x2f: {  	lr =	sadd.s32 s0, s3;
	s0 =	sld [smem:$0x3FAA]  }
0x30: {  	s3 =	sld [smem:$0x3FAD]  }
0x31: {  	[smem:$0x3FB6] =	sst s10  }
0x32: {  	s10 =	sld [smem:$0x3FB4];
	_ =	sdelay $0x3  }
0x33: {  	p0 =	seq.s32 s10, $0x1;
	s10 =	sld [smem:$0x3FB6];
	_ =	sdelay $0x3  }
0x34: {  	[smem:$0x3FB6] =	sst s10  }
0x35: {  	s10 =	sld [smem:$0x3FB5];
	_ =	sdelay $0x3  }
0x36: {  	p1 =	seq.s32 s10, $0x1;
	s10 =	sld [smem:$0x3FB6];
	_ =	sdelay $0x3  }
0x37: {  	[smem:$0x3FB6] =	sst s10  }
0x38: {  	s10 =	sld [smem:$0x3FB7]  }
0x39: {  	_ = 	snop;
	(pc) =	sbr.ind lr, $3  }
0x3a: {  	_ = 	snop  }
0x3b: {  	_ = 	snop  }
0x3c: {  	p2 =	seq.s32 s10, $0x1;
	s10 =	sld [smem:$0x3FB6]  }
0x3d: {  	_ =	shalt  }
0x3e: {  	_ =	shalt  }
0x3f: {  	_ =	shalt  }
0x40: {  	_ =	shalt  }
0x41: {  	_ =	shalt  }
0x42: {  	_ =	shalt  }
0x43: {  	_ =	shalt  }
0x44: {  	_ =	shalt  }
0x45: {  	_ =	shalt  }
0x46: {  	_ =	shalt  }
0x47: {  	_ =	shalt  }
0x48: {  	_ =	shalt  }
0x49: {  	_ =	shalt  }
0x4a: {  	_ =	shalt  }
0x4b: {  	_ =	shalt  }
0x4c: {  	_ =	shalt  }
0x4d: {  	_ =	shalt  }
0x4e: {  	_ =	shalt  }
0x4f: {  	_ =	shalt  }
0x50: {  	_ =	shalt  }
0x51: {  	_ =	shalt  }
0x52: {  	_ =	shalt  }
0x53: {  	_ =	shalt  }
0x54: {  	_ =	shalt  }
0x55: {  	_ =	shalt  }
0x56: {  	_ =	shalt  }
0x57: {  	_ =	shalt  }
0x58: {  	_ =	shalt  }
0x59: {  	_ =	shalt  }
0x5a: {  	_ =	shalt  }
0x5b: {  	_ =	shalt  }
0x5c: {  	_ =	shalt  }
0x5d: {  	_ =	shalt  }
0x5e: {  	_ =	shalt  }
0x5f: {  	_ =	shalt  }
0x60: {  	_ =	shalt  }
0x61: {  	_ =	shalt  }
0x62: {  	_ =	shalt  }
0x63: {  	_ =	shalt  }
0x64: {  	_ =	shalt  }
0x65: {  	_ =	shalt  }
0x66: {  	_ =	shalt  }
0x67: {  	_ =	shalt  }
0x68: {  	_ =	shalt  }
0x69: {  	_ =	shalt  }
0x6a: {  	_ =	shalt  }
0x6b: {  	_ =	shalt  }
0x6c: {  	_ =	shalt  }
0x6d: {  	_ =	shalt  }
0x6e: {  	_ =	shalt  }
0x6f: {  	_ =	shalt  }
0x70: {  	_ =	shalt  }
0x71: {  	_ =	shalt  }
0x72: {  	_ =	shalt  }
0x73: {  	_ =	shalt  }
0x74: {  	_ =	shalt  }
0x75: {  	_ =	shalt  }
0x76: {  	_ =	shalt  }
0x77: {  	_ =	shalt  }
0x78: {  	_ =	shalt  }
0x79: {  	_ =	shalt  }
0x7a: {  	_ =	shalt  }
0x7b: {  	_ =	shalt  }
0x7c: {  	_ =	shalt  }
0x7d: {  	_ =	shalt  }
0x7e: {  	_ =	shalt  }
0x7f: {  	_ =	shalt  }
0x80: {  	_ =	shalt  }
0x81: {  	_ =	shalt  }
0x82: {  	_ =	shalt  }
0x83: {  	_ =	shalt  }
0x84: {  	_ =	shalt  }
0x85: {  	_ =	shalt  }
0x86: {  	_ =	shalt  }
0x87: {  	_ =	shalt  }
.Lfunc_end0:
.L_simem_size_0:
called_computation.2_lowered:
.L_overlay_start_0:
0x88: {  	s2 =	sld [smem:$0x3FD9]  }
0x89: {  	s3 =	sld [smem:$0x3FFE];
	_ =	sdelay $0x1  }
0x8a: {  	s1 =	srdreg.scid  }
0x8b: {  	s0 =	sand.u32 $0x1, s1  }
0x8c: {  	s16 =	sshll.u32 s0, $0xA;
	s2 =	sadd.s32 s3, s2  }
0x8d: {  	s2 =	sadd.s32 s2, s16  }
0x8e: {  	[smem:$0x3FC2] =	sst s2  }
0x8f: {  	_ = 	snop  }
0x90: {  	(tm) =	ssettm $0x1  }
0x91: {  	s17 =	sld [smem:$0x3FFB];
	_ =	sdelay $0x3  }
0x92: {  	_ =	strace s17  }
0x93: {  	s2 =	sld [smem:$0x3FFC];
	_ =	sdelay $0x3  }
0x94: {  	_ =	strace s2  }
0x95: {  	s2 =	sld [smem:$0x3FFD];
	_ =	sdelay $0x3  }
0x96: {  	_ =	strace s2  }
0x97: {  	_ =	strace $0x8FFFFFFF  }
0x98: {  	s18 =	sld [smem:$0x3FDB];
	_ =	sdelay $0x1  }
0x99: {  	s19 =	simm.s32 $_scs_section_size  }
0x9a: {  	s4 =	simm.s32 $_size__tile_overlayer_lowered;
	s5 =	simm.s32 $_tile_overlayer_lowered  }
0x9b: {  	s22 =	simm.s32 $0x1BFF;
	s21 =	sshll.u32 s5, $0x1;
	s2 =	sadd.s32 s19, s18  }
0x9c: {  	s6 =	simm.s32 $0x0;
	s20 =	sshll.u32 s4, $0x1;
	s4 =	sadd.s32 s21, s2  }
0x9d: {  	[timem:s6], [sflag:s22] =	dma.local [hbm:s4], s20  }
0x9e: {  	_ =	swait.ge [sflag:s22], s20  }
0x9f: {  	s3 =	ssub.s32 $0x0, s20;
	[sflag:s22] =	ssyncset.done $0x0  }
0xa0: {  	[sflag:s22] =	ssyncadd.s32 s3;
	_ =	sdelay $0x1  }
0xa1: {  	s23 =	simm.s32 $0x1B8B  }
0xa2: {  	_ =	swait.ge [sflag:s23], $0x1  }
0xa3: {  	[sflag:s23] =	ssyncset.done $0x0  }
0xa4: {  	s25 =	simm.s32 $0x1B8E;
	s24 =	sld [smem:$0x3FFE];
	[sflag:s23] =	ssyncadd.s32 $0xFFFFFFFF  }
0xa5: {  	s26 =	simm.s32 $execute0_lowered;
	[smem:$0x3FD2] =	sst s25  }
0xa6: {  	s4 =	sshll.u32 s26, $0x1;
	_ =	strace $0x8000004C;
	[dreg:$0x1] =	wrdreg $0xFFFFFFFF  }
0xa7: {  	s28 =	simm.s32 $_size_execute0_lowered;
	s2 =	sadd.s32 s2, s4;
	[dreg:$0x0] =	wrdreg $0x0  }
0xa8: {  	s4 =	sshll.u32 s28, $0x1;
	[dreg:$0x2] =	wrdreg s2  }
0xa9: {  	[dreg:$0x3] =	wrdreg s4  }
0xaa: {  	[dreg:$0x4] =	wrdreg $0xC0  }
0xab: {  	_ =	task [dreg:s6], $0x5FFFF  }
0xac: {  	[dreg:$0x1] =	wrdreg $0xFFFFFFFF  }
0xad: {  	[dreg:$0x0] =	wrdreg $0x60  }
0xae: {  	[dreg:$0x2] =	wrdreg s24  }
0xaf: {  	[dreg:$0x3] =	wrdreg $0xAC800  }
0xb0: {  	[dreg:$0x4] =	wrdreg $0xAA000  }
0xb1: {  	[dreg:$0x5] =	wrdreg $0x9  }
0xb2: {  	_ =	task.clear_ibuf [dreg:s6], $0x6FFFF;
	_ =	strace $0x9000004C  }
0xb3: {  	s29 =	simm.s32 $0x9;
	_ =	strace $0x8000004E  }
0xb4: {  	_ =	swait.ge [sflag:s29], $0x1  }
0xb5: {  	[sflag:s29] =	ssyncadd.s32 $0xFFFFFFFF  }
0xb6: {  	_ =	strace $0x9000004E  }
0xb7: {  	_ =	sfence  }
0xb8: {  	s30 =	sld [smem:$0x0];
	_ =	sdelay $0x2  }
0xb9: {  	s31 =	sshll.u32 s1, $0xD;
	s1 =	sshrl.u32 s1, $0x2  }
0xba: {  	s3 =	sand.u32 $0x4000, s31;
	s1 =	sadd.s32 s1, s30  }
0xbb: {  	s0 =	sor.u32 s3, s0;
	s1 =	sshll.u32 s1, $0x11  }
0xbc: {  	s0 =	sor.u32 s1, s0  }
0xbd: {  	s0 =	sadd.s32 $0x8F2B, s0  }
0xbe: {  	[sflag:s0] =	ssyncadd.remote.s32 $0x1  }
0xbf: {  	_ =	sfence.sel $0xFFFF  }
0xc0: {  	[dreg:$0x0] =	wrdreg $0xFFFFFFFF;
	(pc) =	sbr.abs _section_cstart, $3  }
0xc1: {  	[dreg:$0x1] =	wrdreg $0xFFFFFFFF  }
0xc2: {  	_ =	task.clear_ibuf [dreg:s6], $0x2FFFF;
	_ =	strace $0x9FFFFFFF  }
0xc3: {  	(tm) =	ssettm $0x7FFFFFFF  }
tec
execute0_lowered:
.L_overlay_start_1:
0x0: {  	(tag) =	ssettag $0x1  }
0x1: {  	s5 =	rddreg [dreg:$0x0]  }
0x2: {  	s0 =	srdreg.scid;
	s1 =	rddreg [dreg:$0x1]  }
0x3: {  	s15 =	stileid.u32;
	s2 =	rddreg [dreg:$0x2];
	s3 =	simm.s32 $0x0  }
0x4: {  	s16 =	simm.s32 $0x100;
	s17 =	simm.s32 $0xA000;
	s18 =	simm.s32 $0x3  }
0x5: {  	s19 =	simm.s32 $0xA280;
	s20 =	simm.s32 $0xA500;
	s21 =	simm.s32 $0xA780  }
0x6: {  	s22 =	simm.s32 $0x1;
	s23 =	simm.s32 $0x2;
	s24 =	simm.s32 $0x0  }
0x7: {  	s4 =	sand.u32 $0x1, s0;
	s0 =	rddreg [dreg:$0x3];
	s10 =	smul.u32 $0x280, s15  }
0x8: {  	[smem:$0x7FF] =	sst s3;
	s9 =	smul.u32 $0xA0, s15;
	s6 =	sshll.u32 s4, $0x4  }
0x9: {  	_ =	strace $0x8000004D;
	s30 =	ssub.s32 $0x2, s4;
	s4 =	sadd.s32 $0x16A00, s5  }
0xa: {  	s7 =	sor.u32 s15, s6;
	s29 =	sshrl.u32 s10, $0x3;
	s9 =	sadd.s32 s9, s5  }
0xb: {  	s13 =	sadd.s32 s6, s5;
	s31 =	sshrl.u32 s30, $0x1;
	s10 =	sadd.s32 s10, s2  }
0xc: {  	s8 =	smul.u32 $0x2800, s7;
	s11 =	sadd.s32 s29, s5;
	s14 =	ssub.s32 s30, s31  }
0xd: {  	p0 =	seq.s32 s7, $0x1F;
	s6 =	sadd.s32 $0x18A00, s9;
	s7 =	sadd.s32 $0x18A10, s9  }
0xe: {  	s13 =	sadd.s32 $0x17000, s13;
	s9 =	sadd.s32 $0x18400, s11;
	s8 =	sshrl.u32 s8, $0x3  }
0xf: {  	s14 =	smax.u32 s14, $0x1;
	s12 =	sadd.s32 s8, s5;
	s5 =	simm.s32 $0x14  }
0x10: {  	s8 =	sadd.s32 $0x19400, s11;
	s5 =	simm.s32 @!p0 $0x50;
	s11 =	sadd.s32 $0x2A00, s12  }
0x11: {  	s12 =	sadd.s32 $0xCA00, s12;
	p0 =	sne.s32 s15, $0x0;
	s15 =	simm.s32 $0x80  }
.LBB2_1:
0x12: {  	s25 =	simm.s32 @!p0 $0x0;
	s26 =	simm.s32 @!p0 $0x7800  }
0x13: {  	[tilespmem:s26], [sflag:$0x3] =	stream.linear.gather @!p0 [hbm4b:s4+s25], $0x2800, $0x38;
	[tilespmem:$0xAF00] =	vst v63  }
0x14: {  	s25 =	simm.s32 @!p0 $0x3  }
0x15: {  	_ =	swait.ge @!p0 [sflag:s25], $0x2800  }
0x16: {  	[sflag:s25] =	ssyncset.done @!p0 $0x0  }
0x17: {  	[sflag:s25] =	ssyncadd.s32 @!p0 $0xFFFFD800  }
0x18: {  	[spmem:s1] =	stream.linear.scatter @!p0 [tilespmem:s26], [sflag:$0x3], $0x2800, $0x38;
	[tilespmem:$0xAF00] =	vst v63  }
0x19: {  	_ =	swait.ge @!p0 [sflag:s25], $0x2800  }
0x1a: {  	[sflag:s25] =	ssyncset.done @!p0 $0x0  }
0x1b: {  	[sflag:s25] =	ssyncadd.s32 @!p0 $0xFFFFD800  }
0x1c: {  	[tilespmem:s17], [sflag:$0x3] =	stream.strided.gather [hbm4b:s6+s15], $0x280, s16, s15, $0x38;
	[tilespmem:$0xAF00] =	vst v63  }
0x1d: {  	_ =	swait.ge [sflag:s18], $0x280  }
0x1e: {  	[sflag:s18] =	ssyncset.done $0x0  }
0x1f: {  	[sflag:s18] =	ssyncadd.s32 $0xFFFFFD80  }
0x20: {  	[tilespmem:s19], [sflag:$0x3] =	stream.strided.gather [hbm4b:s7+s15], $0x280, s16, s15, $0x38;
	[tilespmem:$0xAF00] =	vst v63  }
0x21: {  	_ =	swait.ge [sflag:s18], $0x280  }
0x22: {  	[sflag:s18] =	ssyncset.done $0x0  }
0x23: {  	[sflag:s18] =	ssyncadd.s32 $0xFFFFFD80  }
0x24: {  	[tilespmem:s20], [sflag:$0x3] =	stream.linear.gather [hbm4b:s8+s3], $0x280, $0x38;
	[tilespmem:$0xAF00] =	vst v63  }
0x25: {  	_ =	swait.ge [sflag:s18], $0x280  }
0x26: {  	[sflag:s18] =	ssyncset.done $0x0  }
0x27: {  	[sflag:s18] =	ssyncadd.s32 $0xFFFFFD80  }
0x28: {  	[tilespmem:s21], [sflag:$0x3] =	stream.linear.gather [hbm4b:s9+s3], $0x280, $0x38;
	[tilespmem:$0xAF00] =	vst v63  }
0x29: {  	_ =	swait.ge [sflag:s18], $0x280  }
0x2a: {  	[sflag:s18] =	ssyncset.done $0x0  }
0x2b: {  	s25 =	simm.s32 $0x0;
	[sflag:s18] =	ssyncadd.s32 $0xFFFFFD80  }
0x2c: {  	s26 =	simm.s32 $0x40;
	v0 =	vld [tilespmem:s25+$0xA280]  }
.LBB2_2:
0x2d: {  	p1 =	sne.s32 s26, $0x9C0;
	v1 =	vld [tilespmem:s25+$0xA000];
	_ =	sdelay $0x1  }
0x2e: {  	v2 =	vld [tilespmem:s25+$0xA500];
	_ =	sdelay $0x1  }
0x2f: {  	v3 =	vld [tilespmem:s25+$0xA780]  }
0x30: {  	v0 =	vadd.f32 v0, v1;
	_ =	sdelay $0x1  }
.Ltmp0:
0x31: {  	v0 =	vmul.f32 v0, v2;
	(pc) =	sbr.rel @p1 .LBB2_2-.Ltmp0, $4  }
0x32: {  	_ = 	snop  }
0x33: {  	v1 =	vmul.f32 v0, v3  }
0x34: {  	s28 =	sshra.s32 s26, $0x2  }
0x35: {  	s26 =	sadd.s32 $0x40, s26;
	v0 =	vld [tilespmem:s28+$0xA280];
	[tilespmem:s25+$0xA000] =	vst v1;
	s25 =	smov.u32 s28  }
0x36: {  	v1 =	vld [tilespmem:s25+$0xA000];
	_ =	sdelay $0x1  }
0x37: {  	v2 =	vld [tilespmem:s25+$0xA500];
	_ =	sdelay $0x1  }
0x38: {  	v3 =	vld [tilespmem:s25+$0xA780]  }
0x39: {  	v0 =	vadd.f32 v0, v1;
	_ =	sdelay $0x1  }
0x3a: {  	v0 =	vmul.f32 v0, v2;
	_ =	sdelay $0x1  }
0x3b: {  	v0 =	vmul.f32 v0, v3;
	_ =	sdelay $0x1  }
0x3c: {  	[tilespmem:s25+$0xA000] =	vst v0  }
0x3d: {  	[spmem:s10] =	stream.linear.scatter [tilespmem:s17], [sflag:$0x3], $0x280, $0x38;
	[tilespmem:$0xAF00] =	vst v63  }
0x3e: {  	_ =	swait.ge [sflag:s18], $0x280  }
0x3f: {  	[sflag:s18] =	ssyncset.done $0x0  }
0x40: {  	[sflag:s18] =	ssyncadd.s32 $0xFFFFFD80  }
0x41: {  	[bflag:$0x0] =	sbarrier.arrive $0xFFFF  }
0x42: {  	[tilespmem:s3], [sflag:$0x3] =	stream.linear.gather [hbm4b:s11+s3], $0x2800, $0x38;
	[tilespmem:$0xAF00] =	vst v63  }
0x43: {  	_ =	swait.ge [sflag:s18], $0x2800  }
0x44: {  	[sflag:s18] =	ssyncset.done $0x0  }
0x45: {  	p1 =	sne.s32 s5, $0x1;
	s25 =	simm.s32 $0x2800;
	[sflag:s18] =	ssyncadd.s32 $0xFFFFD800  }
0x46: {  	[tilespmem:s25], [sflag:$0x3] =	stream.linear.gather [hbm4b:s12+s3], $0x2800, $0x38;
	[tilespmem:$0xAF00] =	vst v63  }
.Ltmp1:
0x47: {  	_ = 	snop;
	(pc) =	sbr.rel @!p1 .LBB2_5-.Ltmp1, $4  }
0x48: {  	_ =	swait.ge [sflag:s18], $0x2800  }
0x49: {  	[sflag:s18] =	ssyncset.done $0x0  }
0x4a: {  	s26 =	simm.s32 $0x5000;
	s28 =	sadd.s32 $0xFFFFFFFF, s5;
	[sflag:s18] =	ssyncadd.s32 $0xFFFFD800  }
0x4b: {  	[tilespmem:s26], [sflag:$0x1] =	stream.indirect.gather [spmem:s2], $0x1, s25, s15, $0xb8;
	[tilespmem:$0xAF00] =	vst v63  }
.LBB2_4:
0x4c: {  	p2 =	sne.s32 s28, $0x1  }
.Ltmp2:
0x4d: {  	_ = 	snop;
	(pc) =	sbr.rel @p2 .LBB2_4-.Ltmp2, $4  }
0x4e: {  	_ = 	snop  }
0x4f: {  	s26 =	sadd.s32 $0x80, s26;
	s25 =	sadd.s32 $0x80, s25  }
0x50: {  	s28 =	sadd.s32 $0xFFFFFFFF, s28  }
0x51: {  	[tilespmem:s26], [sflag:$0x1] =	stream.indirect.gather [spmem:s2], $0x1, s25, s15, $0xb8;
	[tilespmem:$0xAF00] =	vst v63  }
.LBB2_5:
0x52: {  	s25 =	smov.u32 s5  }
.LBB2_6:
0x53: {  	p2 =	sne.s32 s25, $0x1  }
.Ltmp3:
0x54: {  	_ = 	snop;
	(pc) =	sbr.rel @p2 .LBB2_6-.Ltmp3, $4  }
0x55: {  	_ = 	snop  }
0x56: {  	_ =	swait.ge [sflag:s22], $0x80  }
0x57: {  	[sflag:s22] =	ssyncset.done $0x0  }
0x58: {  	s25 =	sadd.s32 $0xFFFFFFFF, s25;
	[sflag:s22] =	ssyncadd.s32 $0xFFFFFF80  }
.Ltmp4:
0x59: {  	(pc) =	sbr.rel @!p1 .LBB2_9-.Ltmp4, $3  }
0x5a: {  	_ =	sdelay $0x1  }
0x5b: {  	s25 =	simm.s32 $0x5000;
	s26 =	simm.s32 $0x0;
	s28 =	sadd.s32 $0xFFFFFFFF, s5  }
0x5c: {  	[spmem:s1] =	stream.indirect.scatter.add.f32 [tilespmem:s25], [sflag:$0x2], $0x1, s26, s15, $0xb8;
	[tilespmem:$0xAF00] =	vst v63  }
.LBB2_8:
0x5d: {  	p2 =	sne.s32 s28, $0x1  }
.Ltmp5:
0x5e: {  	_ = 	snop;
	(pc) =	sbr.rel @p2 .LBB2_8-.Ltmp5, $4  }
0x5f: {  	_ = 	snop  }
0x60: {  	s25 =	sadd.s32 $0x80, s25;
	s26 =	sadd.s32 $0x80, s26  }
0x61: {  	s28 =	sadd.s32 $0xFFFFFFFF, s28  }
0x62: {  	[spmem:s1] =	stream.indirect.scatter.add.f32 [tilespmem:s25], [sflag:$0x2], $0x1, s26, s15, $0xb8;
	[tilespmem:$0xAF00] =	vst v63  }
.LBB2_9:
.Ltmp6:
0x63: {  	(pc) =	sbr.rel @!p1 .LBB2_11-.Ltmp6, $3  }
0x64: {  	_ =	sdelay $0x1  }
0x65: {  	_ =	swait.ge [sflag:s23], $0x80  }
0x66: {  	s25 =	sadd.s32 $0xFFFFFFFF, s5;
	[sflag:s23] =	ssyncset.done $0x0  }
.LBB2_10:
0x67: {  	p1 =	sne.s32 s25, $0x1;
	s25 =	sadd.s32 $0xFFFFFFFF, s25;
	[sflag:s23] =	ssyncadd.s32 $0xFFFFFF80  }
.Ltmp7:
0x68: {  	(pc) =	sbr.rel @p1 .LBB2_10-.Ltmp7, $3  }
0x69: {  	_ =	sdelay $0x1  }
0x6a: {  	_ =	swait.ge [sflag:s23], $0x80  }
0x6b: {  	[sflag:s23] =	ssyncset.done $0x0  }
.LBB2_11:
0x6c: {  	[sflag:s23] =	ssyncadd.s32 $0xFFFFFF80  }
0x6d: {  	s25 =	simm.s32 @!p0 $0x7800;
	s26 =	simm.s32 @!p0 $0x3;
	[bflag:$0x0] =	sbarrier.arrive $0xFFFF  }
0x6e: {  	[tilespmem:s25], [sflag:$0x3] =	stream.linear.gather @!p0 [spmem:s1], $0x2800, $0x38;
	[tilespmem:$0xAF00] =	vst v63  }
0x6f: {  	s24 =	sadd.s32 $0x1, s24;
	_ =	swait.ge @!p0 [sflag:s26], $0x2800  }
0x70: {  	s28 =	simm.s32 @!p0 $0x80;
	p1 =	sne.s32 s24, s14;
	[sflag:s26] =	ssyncset.done @!p0 $0x0  }
.Ltmp8:
0x71: {  	s29 =	simm.s32 @!p0 $0x100;
	[sflag:s26] =	ssyncadd.s32 @!p0 $0xFFFFD800;
	(pc) =	sbr.rel @p1 .LBB2_1-.Ltmp8, $4  }
0x72: {  	[hbm4b:s13+s28] =	stream.strided.scatter @!p0 [tilespmem:s25], [sflag:$0x3], $0x2800, s29, s28, $0x38;
	[tilespmem:$0xAF00] =	vst v63  }
0x73: {  	_ =	swait.ge @!p0 [sflag:s26], $0x2800  }
0x74: {  	[sflag:s26] =	ssyncset.done @!p0 $0x0  }
0x75: {  	[sflag:s26] =	ssyncadd.s32 @!p0 $0xFFFFD800  }
0x76: {  	_ =	sfence.sel $0x180000  }
0x77: {  	[bflag:$0x0] =	sbarrier.arrive $0xFFFF  }
0x78: {  	_ =	strace $0x9000004D  }
0x79: {  	s0 =	sadd.s32 @!p0 $0x100000, s0;
	[bflag:$0x2] =	sbarrier.arrive $0xFFFF  }
0x7a: {  	[sflag:s0] =	ssyncadd.tile.s32 @!p0 $0x1;
	_ =	shalt  }
.Lfunc_end2:
_tile_overlayer_lowered:
.L_overlay_start_2:
0x7b: {  	(tag) =	ssettag $0x2  }
0x7c: {  	s0 =	rddreg [dreg:$0x0];
	s2 =	stileid.u32  }
0x7d: {  	s1 =	rddreg [dreg:$0x1];
	p0 =	sne.s32 s2, $0x0  }
0x7e: {  	s3 =	rddreg [dreg:$0x2];
	[bflag:$0x3] =	sbarrier.arrive $0xFFFF;
	s2 =	simm.s32 @!p0 $0x1C03  }
0x7f: {  	[timem:s3], [sflag:s2] =	dma.local @!p0 [hbm:s0], s1  }
0x80: {  	s0 =	simm.s32 @!p0 $0x3  }
0x81: {  	_ =	swait.ge @!p0 [sflag:s0], s1  }
0x82: {  	s1 =	ssub.s32 @!p0 $0x0, s1;
	[sflag:s0] =	ssyncset.done @!p0 $0x0  }
0x83: {  	[sflag:s0] =	ssyncadd.s32 @!p0 s1  }
0x84: {  	[bflag:$0x3] =	sbarrier.arrive $0xFFFF  }
0x85: {  	_ =	shalt  }

// kernel: kernel.6.cloned.1.call-start
scs
__scs_entry_jumppad:
0x0: {  	(pc) =	sbr.rel $0x88, $3  }
0x1: {  	(tag) =	ssettag $0x0;
	lr =	simm.s32 $0x1  }
0x2: {  	[smem:$0x3F9B] =	sst lr;
	_ =	strace $0xD0000000  }
0x3: {  	_ = 	snop  }
0x4: {  	_ = 	snop  }
0x5: {  	_ = 	snop  }
0x6: {  	_ = 	snop  }
0x7: {  	_ = 	snop  }
__scs_overlays_trampoline_lowered:
0x8: {  	[smem:$0x3FAA] =	sst s0  }
0x9: {  	[smem:$0x3FAB] =	sst s1  }
0xa: {  	[smem:$0x3FAC] =	sst s2  }
0xb: {  	[smem:$0x3FAD] =	sst s3  }
0xc: {  	[smem:$0x3FAE] =	sst s4  }
0xd: {  	[smem:$0x3FAF] =	sst s5  }
0xe: {  	[smem:$0x3FB0] =	sst s6  }
0xf: {  	[smem:$0x3FB1] =	sst s7  }
0x10: {  	[smem:$0x3FB2] =	sst s8  }
0x11: {  	[smem:$0x3FB3] =	sst s9;
	s0 =	simm.s32 @!p0 $0x0  }
0x12: {  	s1 =	sld [smem:$0x3F99];
	s0 =	simm.s32 @p0 $0x1  }
0x13: {  	[smem:$0x3FB4] =	sst s0;
	s0 =	simm.s32 @!p1 $0x0  }
0x14: {  	s2 =	sld [smem:$0x3F98];
	s0 =	simm.s32 @p1 $0x1  }
0x15: {  	[smem:$0x3FB5] =	sst s0;
	s0 =	simm.s32 @!p2 $0x0  }
0x16: {  	s3 =	sld [smem:$0x3FDB];
	s0 =	simm.s32 @p2 $0x1  }
0x17: {  	s4 =	simm.s32 $0x1BF5;
	[smem:$0x3FB7] =	sst s0  }
0x18: {  	s0 =	sld [smem:$0x3F9A];
	_ =	swait.ge [sflag:s4], $0x0  }
0x19: {  	s7 =	sld [smem:$0x3F9B]  }
0x1a: {  	s8 =	sadd.s32 $0xFFFFE003, lr  }
0x1b: {  	s9 =	sadd.s32 $0xFFFFFEF7, lr;
	s5 =	simm.s32 $0xFFFFFFFF;
	p2 =	slt.u32 s8, $0xFFFFF086  }
0x1c: {  	p1 =	slt.u32 s9, $0xF7A;
	s5 =	simm.s32 @!p2 $0x0  }
0x1d: {  	s5 =	simm.s32 @p1 $0x1;
	p0 =	seq.s32 s7, s2  }
0x1e: {  	s7 =	smul.u32 @!p0 $0xF7A, s2;
	p2 =	seq.s32 @!p0 s5, $0x0  }
0x1f: {  	s9 =	smul.u32 $0xF7A, s1;
	s8 =	simm.s32 @!p0 $0x1BF5;
	p2 =	por !p2, p0  }
0x20: {  	[sflag:s8] =	ssyncset.s32 @!p0 $0xFFFFF086;
	s6 =	sadd.s32 @!p0 s3, s7;
	s7 =	simm.s32 @!p0 $0x108  }
0x21: {  	s3 =	sadd.s32 s3, s9;
	s6 =	sadd.s32 @!p0 $0x88, s6;
	s7 =	simm.s32 @p2 $0x1082  }
0x22: {  	[simem:s7], [sflag:s8] =	dma.local @!p0 [hbm:s6], $0xF7A  }
0x23: {  	s9 =	sor.u32 $0xD0000000, s2;
	s6 =	simm.s32 $0x108;
	_ =	swait.ge @!p0 [sflag:s8], $0x0  }
0x24: {  	s3 =	sadd.s32 $0x88, s3;
	s6 =	simm.s32 @!p1 $0x1082;
	[sflag:s4] =	ssyncset.s32 $0xFFFFF086  }
0x25: {  	[simem:s6], [sflag:s4] =	dma.local [hbm:s3], $0xF7A  }
0x26: {  	[smem:$0x3F9B] =	sst s1;
	(tag) =	ssettag s2;
	_ =	strace s9  }
0x27: {  	s1 =	sld [smem:$0x3FAB]  }
0x28: {  	s2 =	sld [smem:$0x3FAC]  }
0x29: {  	s4 =	sld [smem:$0x3FAE]  }
0x2a: {  	p0 =	seq.s32 s5, $0x0;
	s5 =	sld [smem:$0x3FAF]  }
0x2b: {  	s6 =	sld [smem:$0x3FB0]  }
0x2c: {  	s7 =	sld [smem:$0x3FB1]  }
0x2d: {  	s3 =	simm.s32 $0x108;
	s8 =	sld [smem:$0x3FB2]  }
0x2e: {  	s3 =	simm.s32 @!p0 $0x1082;
	s9 =	sld [smem:$0x3FB3]  }
0x2f: {  	lr =	sadd.s32 s0, s3;
	s0 =	sld [smem:$0x3FAA]  }
0x30: {  	s3 =	sld [smem:$0x3FAD]  }
0x31: {  	[smem:$0x3FB6] =	sst s10  }
0x32: {  	s10 =	sld [smem:$0x3FB4];
	_ =	sdelay $0x3  }
0x33: {  	p0 =	seq.s32 s10, $0x1;
	s10 =	sld [smem:$0x3FB6];
	_ =	sdelay $0x3  }
0x34: {  	[smem:$0x3FB6] =	sst s10  }
0x35: {  	s10 =	sld [smem:$0x3FB5];
	_ =	sdelay $0x3  }
0x36: {  	p1 =	seq.s32 s10, $0x1;
	s10 =	sld [smem:$0x3FB6];
	_ =	sdelay $0x3  }
0x37: {  	[smem:$0x3FB6] =	sst s10  }
0x38: {  	s10 =	sld [smem:$0x3FB7]  }
0x39: {  	_ = 	snop;
	(pc) =	sbr.ind lr, $3  }
0x3a: {  	_ = 	snop  }
0x3b: {  	_ = 	snop  }
0x3c: {  	p2 =	seq.s32 s10, $0x1;
	s10 =	sld [smem:$0x3FB6]  }
0x3d: {  	_ =	shalt  }
0x3e: {  	_ =	shalt  }
0x3f: {  	_ =	shalt  }
0x40: {  	_ =	shalt  }
0x41: {  	_ =	shalt  }
0x42: {  	_ =	shalt  }
0x43: {  	_ =	shalt  }
0x44: {  	_ =	shalt  }
0x45: {  	_ =	shalt  }
0x46: {  	_ =	shalt  }
0x47: {  	_ =	shalt  }
0x48: {  	_ =	shalt  }
0x49: {  	_ =	shalt  }
0x4a: {  	_ =	shalt  }
0x4b: {  	_ =	shalt  }
0x4c: {  	_ =	shalt  }
0x4d: {  	_ =	shalt  }
0x4e: {  	_ =	shalt  }
0x4f: {  	_ =	shalt  }
0x50: {  	_ =	shalt  }
0x51: {  	_ =	shalt  }
0x52: {  	_ =	shalt  }
0x53: {  	_ =	shalt  }
0x54: {  	_ =	shalt  }
0x55: {  	_ =	shalt  }
0x56: {  	_ =	shalt  }
0x57: {  	_ =	shalt  }
0x58: {  	_ =	shalt  }
0x59: {  	_ =	shalt  }
0x5a: {  	_ =	shalt  }
0x5b: {  	_ =	shalt  }
0x5c: {  	_ =	shalt  }
0x5d: {  	_ =	shalt  }
0x5e: {  	_ =	shalt  }
0x5f: {  	_ =	shalt  }
0x60: {  	_ =	shalt  }
0x61: {  	_ =	shalt  }
0x62: {  	_ =	shalt  }
0x63: {  	_ =	shalt  }
0x64: {  	_ =	shalt  }
0x65: {  	_ =	shalt  }
0x66: {  	_ =	shalt  }
0x67: {  	_ =	shalt  }
0x68: {  	_ =	shalt  }
0x69: {  	_ =	shalt  }
0x6a: {  	_ =	shalt  }
0x6b: {  	_ =	shalt  }
0x6c: {  	_ =	shalt  }
0x6d: {  	_ =	shalt  }
0x6e: {  	_ =	shalt  }
0x6f: {  	_ =	shalt  }
0x70: {  	_ =	shalt  }
0x71: {  	_ =	shalt  }
0x72: {  	_ =	shalt  }
0x73: {  	_ =	shalt  }
0x74: {  	_ =	shalt  }
0x75: {  	_ =	shalt  }
0x76: {  	_ =	shalt  }
0x77: {  	_ =	shalt  }
0x78: {  	_ =	shalt  }
0x79: {  	_ =	shalt  }
0x7a: {  	_ =	shalt  }
0x7b: {  	_ =	shalt  }
0x7c: {  	_ =	shalt  }
0x7d: {  	_ =	shalt  }
0x7e: {  	_ =	shalt  }
0x7f: {  	_ =	shalt  }
0x80: {  	_ =	shalt  }
0x81: {  	_ =	shalt  }
0x82: {  	_ =	shalt  }
0x83: {  	_ =	shalt  }
0x84: {  	_ =	shalt  }
0x85: {  	_ =	shalt  }
0x86: {  	_ =	shalt  }
0x87: {  	_ =	shalt  }
.Lfunc_end0:
.L_simem_size_0:
called_computation_lowered:
.L_overlay_start_0:
0x88: {  	s2 =	sld [smem:$0x3FD9]  }
0x89: {  	s3 =	sld [smem:$0x3FFE];
	_ =	sdelay $0x1  }
0x8a: {  	s1 =	srdreg.scid  }
0x8b: {  	s0 =	sand.u32 $0x1, s1  }
0x8c: {  	s17 =	sshll.u32 s0, $0xA;
	s2 =	sadd.s32 s3, s2  }
0x8d: {  	s2 =	sadd.s32 s2, s17  }
0x8e: {  	[smem:$0x3FC2] =	sst s2  }
0x8f: {  	_ = 	snop  }
0x90: {  	s2 =	sld [smem:$0x3FD0];
	(tm) =	ssettm $0x1  }
0x91: {  	s18 =	sld [smem:$0x3FFB];
	_ =	sdelay $0x3  }
0x92: {  	_ =	strace s18  }
0x93: {  	s3 =	sld [smem:$0x3FFC];
	_ =	sdelay $0x3  }
0x94: {  	_ =	strace s3  }
0x95: {  	s3 =	sld [smem:$0x3FFD];
	_ =	sdelay $0x3  }
0x96: {  	_ =	strace s3  }
0x97: {  	_ =	strace $0x8FFFFFFF  }
0x98: {  	s19 =	sld [smem:$0x3FDB];
	_ =	sdelay $0x1  }
0x99: {  	s4 =	simm.s32 $_scs_section_size  }
0x9a: {  	s5 =	simm.s32 $_size__tile_overlayer_lowered;
	s6 =	simm.s32 $_tile_overlayer_lowered  }
0x9b: {  	s22 =	simm.s32 $0x1BFF;
	s21 =	sshll.u32 s6, $0x1;
	s3 =	sadd.s32 s4, s19  }
0x9c: {  	s7 =	simm.s32 $0x0;
	s20 =	sshll.u32 s5, $0x1;
	s5 =	sadd.s32 s21, s3  }
0x9d: {  	[timem:s7], [sflag:s22] =	dma.local [hbm:s5], s20  }
0x9e: {  	_ =	swait.ge [sflag:s22], s20  }
0x9f: {  	s4 =	ssub.s32 $0x0, s20;
	[sflag:s22] =	ssyncset.done $0x0  }
0xa0: {  	[sflag:s22] =	ssyncadd.s32 s4;
	_ =	sdelay $0x1  }
0xa1: {  	s23 =	simm.s32 $0x1B8B  }
0xa2: {  	_ =	swait.ge [sflag:s23], $0x1  }
0xa3: {  	[sflag:s23] =	ssyncset.done $0x0  }
0xa4: {  	s25 =	simm.s32 $0x1B8E;
	s24 =	sld [smem:$0x3FFE];
	[sflag:s23] =	ssyncadd.s32 $0xFFFFFFFF  }
0xa5: {  	s26 =	simm.s32 $execute0_lowered;
	[smem:$0x3FD2] =	sst s25  }
0xa6: {  	s5 =	sshll.u32 s26, $0x1;
	_ =	strace $0x80000046;
	[dreg:$0x1] =	wrdreg $0xFFFFFFFF  }
0xa7: {  	s28 =	simm.s32 $_size_execute0_lowered;
	s3 =	sadd.s32 s3, s5;
	[dreg:$0x0] =	wrdreg $0x0  }
0xa8: {  	s5 =	sshll.u32 s28, $0x1;
	[dreg:$0x2] =	wrdreg s3  }
0xa9: {  	[dreg:$0x3] =	wrdreg s5  }
0xaa: {  	[dreg:$0x4] =	wrdreg $0xC0  }
0xab: {  	_ =	task [dreg:s7], $0x5FFFF  }
0xac: {  	[dreg:$0x1] =	wrdreg $0xFFFFFFFF  }
0xad: {  	[dreg:$0x0] =	wrdreg $0x60  }
0xae: {  	[dreg:$0x2] =	wrdreg s24  }
0xaf: {  	[dreg:$0x3] =	wrdreg s2  }
0xb0: {  	[dreg:$0x4] =	wrdreg $0x78800  }
0xb1: {  	[dreg:$0x5] =	wrdreg $0x7B000  }
0xb2: {  	[dreg:$0x6] =	wrdreg $0x9  }
0xb3: {  	_ =	task.clear_ibuf [dreg:s7], $0x7FFFF;
	_ =	strace $0x90000046  }
0xb4: {  	s29 =	simm.s32 $0x9;
	_ =	strace $0x80000048  }
0xb5: {  	_ =	swait.ge [sflag:s29], $0x1  }
0xb6: {  	[sflag:s29] =	ssyncadd.s32 $0xFFFFFFFF  }
0xb7: {  	_ =	strace $0x90000048  }
0xb8: {  	_ =	sfence  }
0xb9: {  	s30 =	sld [smem:$0x0];
	_ =	sdelay $0x2  }
0xba: {  	s31 =	sshll.u32 s1, $0xD;
	s1 =	sshrl.u32 s1, $0x2  }
0xbb: {  	s3 =	sand.u32 $0x4000, s31;
	s1 =	sadd.s32 s1, s30  }
0xbc: {  	s0 =	sor.u32 s3, s0;
	s1 =	sshll.u32 s1, $0x11  }
0xbd: {  	s0 =	sor.u32 s1, s0  }
0xbe: {  	s0 =	sadd.s32 $0x8F2B, s0  }
0xbf: {  	[sflag:s0] =	ssyncadd.remote.s32 $0x1  }
0xc0: {  	_ =	sfence.sel $0xFFFF  }
0xc1: {  	[dreg:$0x0] =	wrdreg $0xFFFFFFFF;
	(pc) =	sbr.abs _section_cstart, $3  }
0xc2: {  	[dreg:$0x1] =	wrdreg $0xFFFFFFFF  }
0xc3: {  	_ =	task.clear_ibuf [dreg:s7], $0x2FFFF;
	_ =	strace $0x9FFFFFFF  }
0xc4: {  	(tm) =	ssettm $0x7FFFFFFF  }
0xc5: {  	_ =	shalt  }
tec
execute0_lowered:
.L_overlay_start_1:
0x0: {  	(tag) =	ssettag $0x1  }
0x1: {  	s7 =	rddreg [dreg:$0x0]  }
0x2: {  	s0 =	rddreg [dreg:$0x1]  }
0x3: {  	s1 =	srdreg.scid;
	s2 =	rddreg [dreg:$0x2]  }
0x4: {  	s13 =	stileid.u32;
	s3 =	rddreg [dreg:$0x3]  }
0x5: {  	s4 =	simm.s32 $0x0;
	s15 =	simm.s32 $0x80;
	s16 =	simm.s32 $0x1  }
0x6: {  	s17 =	simm.s32 $0x0;
	s6 =	sand.u32 $0x1, s1;
	[smem:$0x7FF] =	sst s4  }
0x7: {  	s1 =	rddreg [dreg:$0x4];
	s8 =	sshll.u32 s6, $0x4;
	_ =	strace $0x80000047  }
0x8: {  	s11 =	ssub.s32 $0x2, s6;
	s6 =	simm.s32 $0x14;
	s9 =	sor.u32 s13, s8  }
0x9: {  	s12 =	sshrl.u32 s11, $0x1;
	s14 =	sadd.s32 s8, s7;
	s5 =	smul.u32 $0x2800, s9  }
0xa: {  	p0 =	seq.s32 s9, $0x1F;
	s12 =	ssub.s32 s11, s12;
	s11 =	sadd.s32 $0x17A00, s14  }
0xb: {  	s6 =	simm.s32 @!p0 $0x50;
	s12 =	smax.u32 s12, $0x1;
	s5 =	sshrl.u32 s5, $0x3  }
0xc: {  	p0 =	sne.s32 s13, $0x0;
	s13 =	simm.s32 $0x5000;
	s10 =	sadd.s32 s5, s7  }
0xd: {  	s9 =	sshll.u32 s6, $0x1;
	s5 =	sadd.s32 $0x16A00, s7;
	s7 =	sadd.s32 $0x2A00, s10  }
0xe: {  	s8 =	sadd.s32 $0xCA00, s10;
	s10 =	sadd.s32 $0x17000, s14;
	s14 =	simm.s32 $0x2  }
.LBB2_1:
0xf: {  	[tilespmem:s13], [sflag:$0x2] =	stream.linear.gather [hbm4b:s0+s4], $0x80, $0x38;
	[tilespmem:$0x7D80] =	vst v63  }
0x10: {  	_ =	swait.ge [sflag:s14], $0x80  }
0x11: {  	[sflag:s14] =	ssyncset.done $0x0  }
0x12: {  	s18 =	simm.s32 @!p0 $0x0;
	s19 =	simm.s32 @!p0 $0x5080;
	[sflag:s14] =	ssyncadd.s32 $0xFFFFFF80  }
0x13: {  	[tilespmem:s19], [sflag:$0x2] =	stream.linear.gather @!p0 [hbm4b:s5+s18], $0x2800, $0x38;
	[tilespmem:$0x7D80] =	vst v63  }
0x14: {  	s18 =	simm.s32 @!p0 $0x2  }
0x15: {  	_ =	swait.ge @!p0 [sflag:s18], $0x2800  }
0x16: {  	[sflag:s18] =	ssyncset.done @!p0 $0x0  }
0x17: {  	[sflag:s18] =	ssyncadd.s32 @!p0 $0xFFFFD800  }
0x18: {  	[spmem:s2] =	stream.linear.scatter @!p0 [tilespmem:s19], [sflag:$0x2], $0x2800, $0x38;
	[tilespmem:$0x7D80] =	vst v63  }
0x19: {  	_ =	swait.ge @!p0 [sflag:s18], $0x2800  }
0x1a: {  	[sflag:s18] =	ssyncset.done @!p0 $0x0  }
0x1b: {  	[sflag:s18] =	ssyncadd.s32 @!p0 $0xFFFFD800  }
0x1c: {  	[spmem:s3] =	stream.linear.scatter @!p0 [tilespmem:s19], [sflag:$0x2], $0x2800, $0x38;
	[tilespmem:$0x7D80] =	vst v63  }
0x1d: {  	_ =	swait.ge @!p0 [sflag:s18], $0x2800  }
0x1e: {  	[sflag:s18] =	ssyncset.done @!p0 $0x0  }
0x1f: {  	[sflag:s18] =	ssyncadd.s32 @!p0 $0xFFFFD800  }
0x20: {  	[bflag:$0x0] =	sbarrier.arrive $0xFFFF  }
0x21: {  	[tilespmem:s4], [sflag:$0x2] =	stream.linear.gather [hbm4b:s7+s4], $0x2800, $0x38;
	[tilespmem:$0x7D80] =	vst v63  }
0x22: {  	_ =	swait.ge [sflag:s14], $0x2800  }
0x23: {  	[sflag:s14] =	ssyncset.done $0x0  }
0x24: {  	s18 =	simm.s32 $0x2800;
	[sflag:s14] =	ssyncadd.s32 $0xFFFFD800  }
0x25: {  	[tilespmem:s18], [sflag:$0x2] =	stream.linear.gather [hbm4b:s8+s4], $0x2800, $0x38;
	[tilespmem:$0x7D80] =	vst v63  }
0x26: {  	p1 =	sne.s32 s6, $0x1;
	_ =	swait.ge [sflag:s14], $0x2800  }
.Ltmp0:
0x27: {  	[sflag:s14] =	ssyncset.done $0x0;
	(pc) =	sbr.rel @!p1 .LBB2_3-.Ltmp0, $4  }
0x28: {  	[sflag:s14] =	ssyncadd.s32 $0xFFFFD800  }
0x29: {  	[spmem:s2] =	stream.indirect.scatter.add.f32 [tilespmem:s13], [sflag:$0x1], $0x1, s4, s15, $0xb8;
	[tilespmem:$0x7D80] =	vst v63  }
0x2a: {  	s20 =	simm.s32 $0x80;
	s19 =	sadd.s32 $0xFFFFFFFF, s6  }
0x2b: {  	[spmem:s3] =	stream.indirect.scatter.add.f32 [tilespmem:s13], [sflag:$0x1], $0x1, s18, s15, $0xb8;
	[tilespmem:$0x7D80] =	vst v63  }
.LBB2_2:
0x2c: {  	[spmem:s2] =	stream.indirect.scatter.add.f32 [tilespmem:s13], [sflag:$0x1], $0x1, s20, s15, $0xb8;
	[tilespmem:$0x7D80] =	vst v63  }
0x2d: {  	p1 =	sne.s32 s19, $0x1  }
.Ltmp1:
0x2e: {  	s19 =	sadd.s32 $0xFFFFFFFF, s19;
	(pc) =	sbr.rel @p1 .LBB2_2-.Ltmp1, $4  }
0x2f: {  	s18 =	sadd.s32 $0x80, s18  }
0x30: {  	[spmem:s3] =	stream.indirect.scatter.add.f32 [tilespmem:s13], [sflag:$0x1], $0x1, s18, s15, $0xb8;
	[tilespmem:$0x7D80] =	vst v63  }
0x31: {  	_ = 	snop  }
0x32: {  	s20 =	sadd.s32 $0x80, s20  }
.LBB2_3:
0x33: {  	p1 =	sne.s32 s9, $0x1  }
.Ltmp2:
0x34: {  	_ = 	snop;
	(pc) =	sbr.rel @!p1 .LBB2_5-.Ltmp2, $3  }
0x35: {  	_ =	sdelay $0x1  }
0x36: {  	_ =	swait.ge [sflag:s16], $0x80  }
0x37: {  	s18 =	sadd.s32 $0xFFFFFFFF, s9;
	[sflag:s16] =	ssyncset.done $0x0  }
.LBB2_4:
0x38: {  	p1 =	sne.s32 s18, $0x1;
	s18 =	sadd.s32 $0xFFFFFFFF, s18;
	[sflag:s16] =	ssyncadd.s32 $0xFFFFFF80  }
.Ltmp3:
0x39: {  	(pc) =	sbr.rel @p1 .LBB2_4-.Ltmp3, $3  }
0x3a: {  	_ =	sdelay $0x1  }
0x3b: {  	_ =	swait.ge [sflag:s16], $0x80  }
0x3c: {  	[sflag:s16] =	ssyncset.done $0x0  }
.LBB2_5:
0x3d: {  	[sflag:s16] =	ssyncadd.s32 $0xFFFFFF80  }
0x3e: {  	s18 =	simm.s32 @!p0 $0x5080;
	s19 =	simm.s32 @!p0 $0x2;
	[bflag:$0x0] =	sbarrier.arrive $0xFFFF  }
0x3f: {  	[tilespmem:s18], [sflag:$0x2] =	stream.linear.gather @!p0 [spmem:s2], $0x2800, $0x38;
	[tilespmem:$0x7D80] =	vst v63  }
0x40: {  	_ =	swait.ge @!p0 [sflag:s19], $0x2800  }
0x41: {  	[sflag:s19] =	ssyncset.done @!p0 $0x0  }
0x42: {  	s20 =	simm.s32 @!p0 $0x80;
	s21 =	simm.s32 @!p0 $0x100;
	[sflag:s19] =	ssyncadd.s32 @!p0 $0xFFFFD800  }
0x43: {  	[hbm4b:s10+s20] =	stream.strided.scatter @!p0 [tilespmem:s18], [sflag:$0x2], $0x2800, s21, s20, $0x38;
	[tilespmem:$0x7D80] =	vst v63  }
0x44: {  	_ =	swait.ge @!p0 [sflag:s19], $0x2800  }
0x45: {  	[sflag:s19] =	ssyncset.done @!p0 $0x0  }
0x46: {  	[sflag:s19] =	ssyncadd.s32 @!p0 $0xFFFFD800  }
0x47: {  	[tilespmem:s18], [sflag:$0x2] =	stream.linear.gather @!p0 [spmem:s3], $0x2800, $0x38;
	[tilespmem:$0x7D80] =	vst v63  }
0x48: {  	s17 =	sadd.s32 $0x1, s17;
	_ =	swait.ge @!p0 [sflag:s19], $0x2800  }
0x49: {  	p1 =	sne.s32 s17, s12;
	[sflag:s19] =	ssyncset.done @!p0 $0x0  }
.Ltmp4:
0x4a: {  	[sflag:s19] =	ssyncadd.s32 @!p0 $0xFFFFD800;
	(pc) =	sbr.rel @p1 .LBB2_1-.Ltmp4, $4  }
0x4b: {  	[hbm4b:s11+s20] =	stream.strided.scatter @!p0 [tilespmem:s18], [sflag:$0x2], $0x2800, s21, s20, $0x38;
	[tilespmem:$0x7D80] =	vst v63  }
0x4c: {  	_ =	swait.ge @!p0 [sflag:s19], $0x2800  }
0x4d: {  	[sflag:s19] =	ssyncset.done @!p0 $0x0  }
0x4e: {  	[sflag:s19] =	ssyncadd.s32 @!p0 $0xFFFFD800  }
0x4f: {  	_ =	sfence.sel $0x180000  }
0x50: {  	[bflag:$0x0] =	sbarrier.arrive $0xFFFF  }
0x51: {  	_ =	strace $0x90000047  }
0x52: {  	s0 =	sadd.s32 @!p0 $0x100000, s1;
	[bflag:$0x2] =	sbarrier.arrive $0xFFFF  }
0x53: {  	[sflag:s0] =	ssyncadd.tile.s32 @!p0 $0x1;
	_ =	shalt  }
.Lfunc_end2:
_tile_overlayer_lowered:
.L_overlay_start_2:
0x54: {  	(tag) =	ssettag $0x2  }
0x55: {  	s0 =	rddreg [dreg:$0x0];
	s2 =	stileid.u32  }
0x56: {  	s1 =	rddreg [dreg:$0x1];
	p0 =	sne.s32 s2, $0x0  }
0x57: {  	s3 =	rddreg [dreg:$0x2];
	[bflag:$0x3] =	sbarrier.arrive $0xFFFF;
	s2 =	simm.s32 @!p0 $0x1C02  }
0x58: {  	[timem:s3], [sflag:s2] =	dma.local @!p0 [hbm:s0], s1  }
0x59: {  	s0 =	simm.s32 @!p0 $0x2  }
0x5a: {  	_ =	swait.ge @!p0 [sflag:s0], s1  }
0x5b: {  	s1 =	ssub.s32 @!p0 $0x0, s1;
	[sflag:s0] =	ssyncset.done @!p0 $0x0  }
0x5c: {  	[sflag:s0] =	ssyncadd.s32 @!p0 s1  }
0x5d: {  	[bflag:$0x3] =	sbarrier.arrive $0xFFFF  }
0x5e: {  	_ =	shalt  }

// kernel: kernel.9.cloned.1.call-start
scs
__scs_entry_jumppad:
0x0: {  	(pc) =	sbr.rel $0x88, $3  }
0x1: {  	(tag) =	ssettag $0x0;
	lr =	simm.s32 $0x1  }
0x2: {  	[smem:$0x3F9B] =	sst lr;
	_ =	strace $0xD0000000  }
0x3: {  	_ = 	snop  }
0x4: {  	_ = 	snop  }
0x5: {  	_ = 	snop  }
0x6: {  	_ = 	snop  }
0x7: {  	_ = 	snop  }
__scs_overlays_trampoline_lowered:
0x8: {  	[smem:$0x3FAA] =	sst s0  }
0x9: {  	[smem:$0x3FAB] =	sst s1  }
0xa: {  	[smem:$0x3FAC] =	sst s2  }
0xb: {  	[smem:$0x3FAD] =	sst s3  }
0xc: {  	[smem:$0x3FAE] =	sst s4  }
0xd: {  	[smem:$0x3FAF] =	sst s5  }
0xe: {  	[smem:$0x3FB0] =	sst s6  }
0xf: {  	[smem:$0x3FB1] =	sst s7  }
0x10: {  	[smem:$0x3FB2] =	sst s8  }
0x11: {  	[smem:$0x3FB3] =	sst s9;
	s0 =	simm.s32 @!p0 $0x0  }
0x12: {  	s1 =	sld [smem:$0x3F99];
	s0 =	simm.s32 @p0 $0x1  }
0x13: {  	[smem:$0x3FB4] =	sst s0;
	s0 =	simm.s32 @!p1 $0x0  }
0x14: {  	s2 =	sld [smem:$0x3F98];
	s0 =	simm.s32 @p1 $0x1  }
0x15: {  	[smem:$0x3FB5] =	sst s0;
	s0 =	simm.s32 @!p2 $0x0  }
0x16: {  	s3 =	sld [smem:$0x3FDB];
	s0 =	simm.s32 @p2 $0x1  }
0x17: {  	s4 =	simm.s32 $0x1BF5;
	[smem:$0x3FB7] =	sst s0  }
0x18: {  	s0 =	sld [smem:$0x3F9A];
	_ =	swait.ge [sflag:s4], $0x0  }
0x19: {  	s7 =	sld [smem:$0x3F9B]  }
0x1a: {  	s8 =	sadd.s32 $0xFFFFE003, lr  }
0x1b: {  	s9 =	sadd.s32 $0xFFFFFEF7, lr;
	s5 =	simm.s32 $0xFFFFFFFF;
	p2 =	slt.u32 s8, $0xFFFFF086  }
0x1c: {  	p1 =	slt.u32 s9, $0xF7A;
	s5 =	simm.s32 @!p2 $0x0  }
0x1d: {  	s5 =	simm.s32 @p1 $0x1;
	p0 =	seq.s32 s7, s2  }
0x1e: {  	s7 =	smul.u32 @!p0 $0xF7A, s2;
	p2 =	seq.s32 @!p0 s5, $0x0  }
0x1f: {  	s9 =	smul.u32 $0xF7A, s1;
	s8 =	simm.s32 @!p0 $0x1BF5;
	p2 =	por !p2, p0  }
0x20: {  	[sflag:s8] =	ssyncset.s32 @!p0 $0xFFFFF086;
	s6 =	sadd.s32 @!p0 s3, s7;
	s7 =	simm.s32 @!p0 $0x108  }
0x21: {  	s3 =	sadd.s32 s3, s9;
	s6 =	sadd.s32 @!p0 $0x88, s6;
	s7 =	simm.s32 @p2 $0x1082  }
0x22: {  	[simem:s7], [sflag:s8] =	dma.local @!p0 [hbm:s6], $0xF7A  }
0x23: {  	s9 =	sor.u32 $0xD0000000, s2;
	s6 =	simm.s32 $0x108;
	_ =	swait.ge @!p0 [sflag:s8], $0x0  }
0x24: {  	s3 =	sadd.s32 $0x88, s3;
	s6 =	simm.s32 @!p1 $0x1082;
	[sflag:s4] =	ssyncset.s32 $0xFFFFF086  }
0x25: {  	[simem:s6], [sflag:s4] =	dma.local [hbm:s3], $0xF7A  }
0x26: {  	[smem:$0x3F9B] =	sst s1;
	(tag) =	ssettag s2;
	_ =	strace s9  }
0x27: {  	s1 =	sld [smem:$0x3FAB]  }
0x28: {  	s2 =	sld [smem:$0x3FAC]  }
0x29: {  	s4 =	sld [smem:$0x3FAE]  }
0x2a: {  	p0 =	seq.s32 s5, $0x0;
	s5 =	sld [smem:$0x3FAF]  }
0x2b: {  	s6 =	sld [smem:$0x3FB0]  }
0x2c: {  	s7 =	sld [smem:$0x3FB1]  }
0x2d: {  	s3 =	simm.s32 $0x108;
	s8 =	sld [smem:$0x3FB2]  }
0x2e: {  	s3 =	simm.s32 @!p0 $0x1082;
	s9 =	sld [smem:$0x3FB3]  }
0x2f: {  	lr =	sadd.s32 s0, s3;
	s0 =	sld [smem:$0x3FAA]  }
0x30: {  	s3 =	sld [smem:$0x3FAD]  }
0x31: {  	[smem:$0x3FB6] =	sst s10  }
0x32: {  	s10 =	sld [smem:$0x3FB4];
	_ =	sdelay $0x3  }
0x33: {  	p0 =	seq.s32 s10, $0x1;
	s10 =	sld [smem:$0x3FB6];
	_ =	sdelay $0x3  }
0x34: {  	[smem:$0x3FB6] =	sst s10  }
0x35: {  	s10 =	sld [smem:$0x3FB5];
	_ =	sdelay $0x3  }
0x36: {  	p1 =	seq.s32 s10, $0x1;
	s10 =	sld [smem:$0x3FB6];
	_ =	sdelay $0x3  }
0x37: {  	[smem:$0x3FB6] =	sst s10  }
0x38: {  	s10 =	sld [smem:$0x3FB7]  }
0x39: {  	_ = 	snop;
	(pc) =	sbr.ind lr, $3  }
0x3a: {  	_ = 	snop  }
0x3b: {  	_ = 	snop  }
0x3c: {  	p2 =	seq.s32 s10, $0x1;
	s10 =	sld [smem:$0x3FB6]  }
0x3d: {  	_ =	shalt  }
0x3e: {  	_ =	shalt  }
0x3f: {  	_ =	shalt  }
0x40: {  	_ =	shalt  }
0x41: {  	_ =	shalt  }
0x42: {  	_ =	shalt  }
0x43: {  	_ =	shalt  }
0x44: {  	_ =	shalt  }
0x45: {  	_ =	shalt  }
0x46: {  	_ =	shalt  }
0x47: {  	_ =	shalt  }
0x48: {  	_ =	shalt  }
0x49: {  	_ =	shalt  }
0x4a: {  	_ =	shalt  }
0x4b: {  	_ =	shalt  }
0x4c: {  	_ =	shalt  }
0x4d: {  	_ =	shalt  }
0x4e: {  	_ =	shalt  }
0x4f: {  	_ =	shalt  }
0x50: {  	_ =	shalt  }
0x51: {  	_ =	shalt  }
0x52: {  	_ =	shalt  }
0x53: {  	_ =	shalt  }
0x54: {  	_ =	shalt  }
0x55: {  	_ =	shalt  }
0x56: {  	_ =	shalt  }
0x57: {  	_ =	shalt  }
0x58: {  	_ =	shalt  }
0x59: {  	_ =	shalt  }
0x5a: {  	_ =	shalt  }
0x5b: {  	_ =	shalt  }
0x5c: {  	_ =	shalt  }
0x5d: {  	_ =	shalt  }
0x5e: {  	_ =	shalt  }
0x5f: {  	_ =	shalt  }
0x60: {  	_ =	shalt  }
0x61: {  	_ =	shalt  }
0x62: {  	_ =	shalt  }
0x63: {  	_ =	shalt  }
0x64: {  	_ =	shalt  }
0x65: {  	_ =	shalt  }
0x66: {  	_ =	shalt  }
0x67: {  	_ =	shalt  }
0x68: {  	_ =	shalt  }
0x69: {  	_ =	shalt  }
0x6a: {  	_ =	shalt  }
0x6b: {  	_ =	shalt  }
0x6c: {  	_ =	shalt  }
0x6d: {  	_ =	shalt  }
0x6e: {  	_ =	shalt  }
0x6f: {  	_ =	shalt  }
0x70: {  	_ =	shalt  }
0x71: {  	_ =	shalt  }
0x72: {  	_ =	shalt  }
0x73: {  	_ =	shalt  }
0x74: {  	_ =	shalt  }
0x75: {  	_ =	shalt  }
0x76: {  	_ =	shalt  }
0x77: {  	_ =	shalt  }
0x78: {  	_ =	shalt  }
0x79: {  	_ =	shalt  }
0x7a: {  	_ =	shalt  }
0x7b: {  	_ =	shalt  }
0x7c: {  	_ =	shalt  }
0x7d: {  	_ =	shalt  }
0x7e: {  	_ =	shalt  }
0x7f: {  	_ =	shalt  }
0x80: {  	_ =	shalt  }
0x81: {  	_ =	shalt  }
0x82: {  	_ =	shalt  }
0x83: {  	_ =	shalt  }
0x84: {  	_ =	shalt  }
0x85: {  	_ =	shalt  }
0x86: {  	_ =	shalt  }
0x87: {  	_ =	shalt  }
.Lfunc_end0:
.L_simem_size_0:
called_computation.1_lowered:
.L_overlay_start_0:
0x88: {  	s2 =	sld [smem:$0x3FD9]  }
0x89: {  	s3 =	sld [smem:$0x3FFE];
	_ =	sdelay $0x1  }
0x8a: {  	s1 =	srdreg.scid  }
0x8b: {  	s0 =	sand.u32 $0x1, s1  }
0x8c: {  	s16 =	sshll.u32 s0, $0xA;
	s2 =	sadd.s32 s3, s2  }
0x8d: {  	s2 =	sadd.s32 s2, s16  }
0x8e: {  	[smem:$0x3FC2] =	sst s2  }
0x8f: {  	_ = 	snop  }
0x90: {  	(tm) =	ssettm $0x1  }
0x91: {  	s17 =	sld [smem:$0x3FFB];
	_ =	sdelay $0x3  }
0x92: {  	_ =	strace s17  }
0x93: {  	s2 =	sld [smem:$0x3FFC];
	_ =	sdelay $0x3  }
0x94: {  	_ =	strace s2  }
0x95: {  	s2 =	sld [smem:$0x3FFD];
	_ =	sdelay $0x3  }
0x96: {  	_ =	strace s2  }
0x97: {  	_ =	strace $0x8FFFFFFF  }
0x98: {  	s18 =	sld [smem:$0x3FDB];
	_ =	sdelay $0x1  }
0x99: {  	s19 =	simm.s32 $_scs_section_size  }
0x9a: {  	s4 =	simm.s32 $_size__tile_overlayer_lowered;
	s5 =	simm.s32 $_tile_overlayer_lowered  }
0x9b: {  	s22 =	simm.s32 $0x1BFF;
	s21 =	sshll.u32 s5, $0x1;
	s2 =	sadd.s32 s19, s18  }
0x9c: {  	s6 =	simm.s32 $0x0;
	s20 =	sshll.u32 s4, $0x1;
	s4 =	sadd.s32 s21, s2  }
0x9d: {  	[timem:s6], [sflag:s22] =	dma.local [hbm:s4], s20  }
0x9e: {  	_ =	swait.ge [sflag:s22], s20  }
0x9f: {  	s3 =	ssub.s32 $0x0, s20;
	[sflag:s22] =	ssyncset.done $0x0  }
0xa0: {  	[sflag:s22] =	ssyncadd.s32 s3;
	_ =	sdelay $0x1  }
0xa1: {  	s23 =	simm.s32 $0x1B8B  }
0xa2: {  	_ =	swait.ge [sflag:s23], $0x1  }
0xa3: {  	[sflag:s23] =	ssyncset.done $0x0  }
0xa4: {  	s25 =	simm.s32 $0x1B8E;
	s24 =	sld [smem:$0x3FFE];
	[sflag:s23] =	ssyncadd.s32 $0xFFFFFFFF  }
0xa5: {  	s26 =	simm.s32 $execute0_lowered;
	[smem:$0x3FD2] =	sst s25  }
0xa6: {  	s4 =	sshll.u32 s26, $0x1;
	_ =	strace $0x80000049;
	[dreg:$0x1] =	wrdreg $0xFFFFFFFF  }
0xa7: {  	s28 =	simm.s32 $_size_execute0_lowered;
	s2 =	sadd.s32 s2, s4;
	[dreg:$0x0] =	wrdreg $0x0  }
0xa8: {  	s4 =	sshll.u32 s28, $0x1;
	[dreg:$0x2] =	wrdreg s2  }
0xa9: {  	[dreg:$0x3] =	wrdreg s4  }
0xaa: {  	[dreg:$0x4] =	wrdreg $0xC0  }
0xab: {  	_ =	task [dreg:s6], $0x5FFFF  }
0xac: {  	[dreg:$0x1] =	wrdreg $0xFFFFFFFF  }
0xad: {  	[dreg:$0x0] =	wrdreg $0x60  }
0xae: {  	[dreg:$0x2] =	wrdreg s24  }
0xaf: {  	[dreg:$0x3] =	wrdreg $0xAC800  }
0xb0: {  	[dreg:$0x4] =	wrdreg $0xAA000  }
0xb1: {  	[dreg:$0x5] =	wrdreg $0x9  }
0xb2: {  	_ =	task.clear_ibuf [dreg:s6], $0x6FFFF;
	_ =	strace $0x90000049  }
0xb3: {  	s29 =	simm.s32 $0x9;
	_ =	strace $0x8000004B  }
0xb4: {  	_ =	swait.ge [sflag:s29], $0x1  }
0xb5: {  	[sflag:s29] =	ssyncadd.s32 $0xFFFFFFFF  }
0xb6: {  	_ =	strace $0x9000004B  }
0xb7: {  	_ =	sfence  }
0xb8: {  	s30 =	sld [smem:$0x0];
	_ =	sdelay $0x2  }
0xb9: {  	s31 =	sshll.u32 s1, $0xD;
	s1 =	sshrl.u32 s1, $0x2  }
0xba: {  	s3 =	sand.u32 $0x4000, s31;
	s1 =	sadd.s32 s1, s30  }
0xbb: {  	s0 =	sor.u32 s3, s0;
	s1 =	sshll.u32 s1, $0x11  }
0xbc: {  	s0 =	sor.u32 s1, s0  }
0xbd: {  	s0 =	sadd.s32 $0x8F2B, s0  }
0xbe: {  	[sflag:s0] =	ssyncadd.remote.s32 $0x1  }
0xbf: {  	_ =	sfence.sel $0xFFFF  }
0xc0: {  	[dreg:$0x0] =	wrdreg $0xFFFFFFFF;
	(pc) =	sbr.abs _section_cstart, $3  }
0xc1: {  	[dreg:$0x1] =	wrdreg $0xFFFFFFFF  }
0xc2: {  	_ =	task.clear_ibuf [dreg:s6], $0x2FFFF;
	_ =	strace $0x9FFFFFFF  }
0xc3: {  	(tm) =	ssettm $0x7FFFFFFF  }
tec
execute0_lowered:
.L_overlay_start_1:
0x0: {  	(tag) =	ssettag $0x1  }
0x1: {  	s0 =	srdreg.scid;
	s3 =	rddreg [dreg:$0x0]  }
0x2: {  	s4 =	stileid.u32;
	s1 =	rddreg [dreg:$0x1]  }
0x3: {  	s2 =	rddreg [dreg:$0x2];
	s8 =	simm.s32 $0x0;
	s17 =	simm.s32 $0x80  }
0x4: {  	s18 =	simm.s32 $0x100;
	s20 =	simm.s32 $0x3;
	s23 =	simm.s32 $0x1  }
0x5: {  	s24 =	simm.s32 $0x2;
	s25 =	simm.s32 $0x0;
	s0 =	sand.u32 $0x1, s0  }
0x6: {  	[smem:$0x7FF] =	sst s8;
	s10 =	smul.u32 $0x280, s4;
	s26 =	sadd.s32 $0x17000, s3  }
0x7: {  	s9 =	sadd.s32 $0x17A00, s3;
	s28 =	sadd.s32 $0x16A00, s3;
	s11 =	smul.u32 $0xA0, s4  }
0x8: {  	s5 =	sshll.u32 s0, $0x4;
	_ =	strace $0x8000004A;
	[dreg:$0x4] =	wrdreg s28  }
0x9: {  	s30 =	ssub.s32 $0x2, s0;
	p1 =	sne.s32 s0, $0x0;
	s6 =	sor.u32 s4, s5  }
0xa: {  	s15 =	sadd.s32 s5, s3;
	s29 =	sshrl.u32 s10, $0x3;
	s31 =	sshrl.u32 s30, $0x1  }
0xb: {  	s5 =	simm.s32 $0x14;
	s12 =	sor.u32 $0x10, s11;
	s8 =	sadd.s32 s9, s11  }
0xc: {  	s10 =	sadd.s32 s10, s2;
	s7 =	smul.u32 $0x2800, s6;
	s16 =	ssub.s32 s30, s31  }
0xd: {  	p0 =	seq.s32 s6, $0x1F;
	s6 =	sadd.s32 s26, s11;
	s9 =	sadd.s32 s9, s12  }
0xe: {  	s15 =	sadd.s32 $0x18A00, s15;
	s5 =	simm.s32 @!p0 $0x50;
	s7 =	sshrl.u32 s7, $0x3  }
0xf: {  	s16 =	smax.u32 s16, $0x1;
	s14 =	sadd.s32 s7, s3;
	s3 =	sadd.s32 s29, s3  }
0x10: {  	p0 =	sne.s32 s4, $0x0;
	s7 =	sadd.s32 s26, s12;
	s11 =	sadd.s32 $0x19400, s3  }
0x11: {  	v0 =	vimm.f32 $1.000000000e+00;
	s12 =	sadd.s32 $0x18400, s3;
	s13 =	sadd.s32 $0x2A00, s14;
	s14 =	sadd.s32 $0xCA00, s14  }
.LBB2_1:
0x12: {  	s0 =	simm.s32 @!p0 $0x0;
	s3 =	simm.s32 @!p0 $0x7800;
	s4 =	rddreg [dreg:$0x4]  }
0x13: {  	[tilespmem:s3], [sflag:$0x3] =	stream.linear.gather @!p0 [hbm4b:s4+s0], $0x2800, $0x38;
	[tilespmem:$0xAF00] =	vst v63  }
0x14: {  	s0 =	simm.s32 @!p0 $0x3  }
0x15: {  	_ =	swait.ge @!p0 [sflag:s0], $0x2800  }
0x16: {  	[sflag:s0] =	ssyncset.done @!p0 $0x0  }
0x17: {  	[sflag:s0] =	ssyncadd.s32 @!p0 $0xFFFFD800  }
0x18: {  	[spmem:s1] =	stream.linear.scatter @!p0 [tilespmem:s3], [sflag:$0x3], $0x2800, $0x38;
	[tilespmem:$0xAF00] =	vst v63  }
0x19: {  	_ =	swait.ge @!p0 [sflag:s0], $0x2800  }
0x1a: {  	[sflag:s0] =	ssyncset.done @!p0 $0x0  }
0x1b: {  	s22 =	simm.s32 $0xA000;
	[sflag:s0] =	ssyncadd.s32 @!p0 $0xFFFFD800  }
0x1c: {  	[tilespmem:s22], [sflag:$0x3] =	stream.strided.gather [hbm4b:s6+s17], $0x280, s18, s17, $0x38;
	[tilespmem:$0xAF00] =	vst v63  }
0x1d: {  	_ =	swait.ge [sflag:s20], $0x280  }
0x1e: {  	[sflag:s20] =	ssyncset.done $0x0  }
0x1f: {  	s26 =	simm.s32 $0xA280;
	[sflag:s20] =	ssyncadd.s32 $0xFFFFFD80  }
0x20: {  	[tilespmem:s26], [sflag:$0x3] =	stream.strided.gather [hbm4b:s7+s17], $0x280, s18, s17, $0x38;
	[tilespmem:$0xAF00] =	vst v63  }
0x21: {  	_ =	swait.ge [sflag:s20], $0x280  }
0x22: {  	[sflag:s20] =	ssyncset.done $0x0  }
0x23: {  	s26 =	simm.s32 $0x0;
	[sflag:s20] =	ssyncadd.s32 $0xFFFFFD80  }
0x24: {  	v1 =	vld [tilespmem:s26+$0xA280]  }
0x25: {  	v2 =	vld [tilespmem:s26+$0xA000];
	_ =	sdelay $0x4  }
0x26: {  	v1 =	vadd.f32 v1, v2;
	_ =	sdelay $0x1  }
0x27: {  	v5 =	vmax.f32 v1, $1.000000000e+00  }
0x28: {  	vm0 =	vge.f32 v5, $2.000000000e+00  }
0x29: {  	v1 =	vsel vm0, $0x3F000000, v0  }
0x2a: {  	v2 =	vmul.f32 v1, v5;
	_ =	sdelay $0x1  }
0x2b: {  	s28 =	simm.s32 $0x10;
	v2 =	vmul.f32 v2, v1  }
0x2c: {  	v4 =	vld [tilespmem:s28+$0xA280];
	v3 =	vmul.f32 $5.000000000e-01, v1  }
0x2d: {  	vm0 =	vge.f32 v2, $2.000000000e+00;
	v2 =	vld [tilespmem:s28+$0xA000]  }
0x2e: {  	v1 =	vsel vm0, v3, v1  }
0x2f: {  	v3 =	vmul.f32 v1, v5;
	_ =	sdelay $0x1  }
0x30: {  	v3 =	vmul.f32 v3, v1  }
0x31: {  	v6 =	vmul.f32 $5.000000000e-01, v1;
	v2 =	vadd.f32 v4, v2  }
0x32: {  	vm0 =	vge.f32 v3, $2.000000000e+00  }
0x33: {  	v1 =	vsel vm0, v6, v1;
	v7 =	vmax.f32 v2, $1.000000000e+00  }
0x34: {  	v2 =	vmul.f32 v1, v5;
	vm0 =	vge.f32 v7, $2.000000000e+00  }
0x35: {  	s29 =	simm.s32 $0x20;
	v3 =	vsel vm0, $0x3F000000, v0  }
0x36: {  	v9 =	vld [tilespmem:s29+$0xA000];
	v4 =	vmul.f32 v3, v7;
	v2 =	vmul.f32 v2, v1  }
0x37: {  	v6 =	vld [tilespmem:s29+$0xA280];
	v8 =	vmul.f32 $5.000000000e-01, v1  }
0x38: {  	v4 =	vmul.f32 v4, v3;
	vm0 =	vge.f32 v2, $2.000000000e+00  }
0x39: {  	v2 =	vmul.f32 $5.000000000e-01, v3;
	v1 =	vsel vm0, v8, v1  }
0x3a: {  	vm0 =	vge.f32 v4, $2.000000000e+00;
	v4 =	vmul.f32 v1, v5  }
0x3b: {  	v2 =	vsel vm0, v2, v3  }
0x3c: {  	v6 =	vadd.f32 v6, v9;
	v3 =	vmul.f32 v2, v7;
	v4 =	vmul.f32 v4, v1  }
0x3d: {  	v8 =	vmul.f32 $5.000000000e-01, v1  }
0x3e: {  	v13 =	vmax.f32 v6, $1.000000000e+00;
	v3 =	vmul.f32 v3, v2;
	vm0 =	vge.f32 v4, $2.000000000e+00  }
0x3f: {  	v4 =	vmul.f32 $5.000000000e-01, v2;
	v1 =	vsel vm0, v8, v1;
	vm0 =	vge.f32 v13, $2.000000000e+00  }
0x40: {  	vm1 =	vge.f32 v3, $2.000000000e+00;
	v3 =	vmul.f32 v1, v5;
	v6 =	vsel vm0, $0x3F000000, v0  }
0x41: {  	v2 =	vsel vm1, v4, v2;
	v4 =	vmul.f32 v6, v13  }
0x42: {  	v10 =	vmul.f32 $5.000000000e-01, v1;
	v3 =	vmul.f32 v3, v1  }
0x43: {  	s30 =	simm.s32 $0x30;
	v9 =	vmul.f32 v2, v7;
	v4 =	vmul.f32 v4, v6  }
0x44: {  	v12 =	vld [tilespmem:s30+$0xA000];
	v8 =	vmul.f32 $5.000000000e-01, v5;
	vm0 =	vge.f32 v3, $2.000000000e+00;
	v3 =	vmul.f32 $5.000000000e-01, v6  }
0x45: {  	v1 =	vsel vm0, v10, v1;
	vm0 =	vge.f32 v4, $2.000000000e+00;
	v4 =	vmul.f32 v9, v2;
	v9 =	vld [tilespmem:s30+$0xA280]  }
0x46: {  	v11 =	vmul.f32 $5.000000000e-01, v2;
	v10 =	vmul.f32 v1, v5;
	v3 =	vsel vm0, v3, v6  }
0x47: {  	v6 =	vmul.f32 $5.000000000e-01, v7;
	v14 =	vmul.f32 v3, v13;
	vm0 =	vge.f32 v4, $2.000000000e+00  }
0x48: {  	v15 =	vmul.f32 $5.000000000e-01, v1;
	v2 =	vsel vm0, v11, v2;
	v10 =	vmul.f32 v10, v1  }
0x49: {  	v11 =	vmul.f32 v14, v3;
	v14 =	vmul.f32 v2, v7  }
0x4a: {  	v16 =	vmul.f32 $5.000000000e-01, v3;
	vm0 =	vge.f32 v10, $2.000000000e+00;
	v9 =	vadd.f32 v9, v12  }
0x4b: {  	vm1 =	vge.f32 v11, $2.000000000e+00;
	v10 =	vmul.f32 v14, v2;
	v11 =	vsel vm0, v15, v1  }
0x4c: {  	v1 =	vmul.f32 $5.000000000e-01, v2;
	v3 =	vsel vm1, v16, v3;
	v14 =	vmul.f32 v11, v5  }
0x4d: {  	v12 =	vmax.f32 v9, $1.000000000e+00;
	vm0 =	vge.f32 v10, $2.000000000e+00;
	v9 =	vmul.f32 v3, v13  }
0x4e: {  	v1 =	vsel vm0, v1, v2;
	vm0 =	vge.f32 v12, $2.000000000e+00;
	v2 =	vmul.f32 v14, v11  }
0x4f: {  	s31 =	simm.s32 $0x40;
	v10 =	vmul.f32 v1, v7;
	v14 =	vsel vm0, $0x3F000000, v0;
	v9 =	vmul.f32 v9, v3  }
0x50: {  	v18 =	vld [tilespmem:s31+$0xA000];
	v17 =	vmul.f32 $5.000000000e-01, v3;
	v15 =	vmul.f32 v14, v12  }
0x51: {  	v4 =	vmul.f32 $5.000000000e-01, v13;
	v16 =	vld [tilespmem:s31+$0xA280];
	v10 =	vmul.f32 v10, v1;
	vm0 =	vge.f32 v9, $2.000000000e+00  }
0x52: {  	v19 =	vmul.f32 $5.000000000e-01, v1;
	v15 =	vmul.f32 v15, v14;
	v3 =	vsel vm0, v17, v3  }
0x53: {  	v9 =	vmul.f32 $5.000000000e-01, v14;
	vm1 =	vge.f32 v10, $2.000000000e+00;
	v10 =	vmul.f32 v3, v13  }
0x54: {  	v17 =	vsel vm1, v19, v1;
	vm0 =	vge.f32 v15, $2.000000000e+00;
	v1 =	vmul.f32 $5.000000000e-01, v12  }
0x55: {  	v15 =	vmul.f32 v17, v7;
	v9 =	vsel vm0, v9, v14;
	v10 =	vmul.f32 v10, v3  }
0x56: {  	v16 =	vadd.f32 v16, v18;
	v18 =	vmul.f32 $5.000000000e-01, v17;
	v14 =	vmul.f32 v9, v12  }
0x57: {  	vm0 =	vge.f32 v2, $2.000000000e+00;
	v2 =	vmul.f32 v15, v17;
	v15 =	vmul.f32 $5.000000000e-01, v3  }
0x58: {  	vm1 =	vge.f32 v10, $2.000000000e+00;
	v10 =	vmax.f32 v16, $1.000000000e+00;
	v14 =	vmul.f32 v14, v9  }
0x59: {  	v16 =	vmul.f32 $5.000000000e-01, v9;
	v3 =	vsel vm1, v15, v3;
	vm1 =	vge.f32 v10, $2.000000000e+00  }
0x5a: {  	vm2 =	vge.f32 v14, $2.000000000e+00;
	v14 =	vmul.f32 v3, v13;
	v15 =	vsel vm1, $0x3F000000, v0  }
0x5b: {  	vm1 =	vge.f32 v2, $2.000000000e+00;
	v9 =	vsel vm2, v16, v9;
	v16 =	vmul.f32 v15, v10  }
0x5c: {  	v17 =	vsel vm1, v18, v17;
	v18 =	vmul.f32 $5.000000000e-01, v3;
	v14 =	vmul.f32 v14, v3  }
0x5d: {  	v2 =	vmul.f32 v9, v12;
	v16 =	vmul.f32 v16, v15  }
0x5e: {  	s0 =	simm.s32 $0x50;
	v19 =	vmul.f32 v17, v7;
	vm1 =	vge.f32 v14, $2.000000000e+00;
	v14 =	vmul.f32 $5.000000000e-01, v15  }
0x5f: {  	v20 =	vld [tilespmem:s0+$0xA280];
	v2 =	vmul.f32 v2, v9;
	v3 =	vsel vm1, v18, v3;
	vm1 =	vge.f32 v16, $2.000000000e+00  }
0x60: {  	v19 =	vmul.f32 v19, v17;
	v16 =	vld [tilespmem:s0+$0xA000];
	v18 =	vmul.f32 v3, v13;
	v14 =	vsel vm1, v14, v15  }
0x61: {  	vm0 =	vmmov vm0;
	v15 =	vmul.f32 $5.000000000e-01, v9;
	v21 =	vmul.f32 v14, v10  }
0x62: {  	vm1 =	vge.f32 v2, $2.000000000e+00;
	v2 =	vmul.f32 $5.000000000e-01, v10;
	v22 =	vmul.f32 $5.000000000e-01, v3  }
0x63: {  	v15 =	vsel vm1, v15, v9;
	v9 =	vmul.f32 v18, v3;
	v18 =	vmul.f32 v21, v14  }
0x64: {  	vm0 =	vmmov vm0;
	v23 =	vmul.f32 $5.000000000e-01, v14;
	v21 =	vmul.f32 v15, v12  }
0x65: {  	v16 =	vadd.f32 v20, v16;
	vm1 =	vge.f32 v9, $2.000000000e+00;
	vm2 =	vge.f32 v18, $2.000000000e+00  }
0x66: {  	v18 =	vmul.f32 v21, v15;
	v20 =	vsel vm1, v22, v3;
	v3 =	vmul.f32 $5.000000000e-01, v15  }
0x67: {  	v9 =	vmax.f32 v16, $1.000000000e+00;
	v16 =	vmul.f32 v20, v13;
	v14 =	vsel vm2, v23, v14  }
0x68: {  	vm1 =	vge.f32 v18, $2.000000000e+00;
	vm3 =	vge.f32 v9, $2.000000000e+00;
	v18 =	vmul.f32 $5.000000000e-01, v11  }
0x69: {  	v23 =	vmul.f32 v14, v10;
	v26 =	vmul.f32 $5.000000000e-01, v14;
	v21 =	vsel vm3, $0x3F000000, v0  }
0x6a: {  	v15 =	vsel vm1, v3, v15;
	v16 =	vmul.f32 v16, v20;
	v22 =	vmul.f32 v21, v9  }
0x6b: {  	v3 =	vmul.f32 v15, v12;
	v11 =	vsel vm0, v18, v11;
	v24 =	vmul.f32 $5.000000000e-01, v15  }
0x6c: {  	vm0 =	vge.f32 v19, $2.000000000e+00;
	v19 =	vmul.f32 v11, v5;
	v18 =	vmul.f32 v22, v21  }
0x6d: {  	v3 =	vmul.f32 v3, v15;
	v22 =	vmul.f32 $5.000000000e-01, v21  }
0x6e: {  	vm0 =	vmmov vm0;
	v19 =	vmul.f32 v19, v11;
	vm2 =	vge.f32 v18, $2.000000000e+00  }
0x6f: {  	vm1 =	vge.f32 v3, $2.000000000e+00;
	v18 =	vmul.f32 $5.000000000e-01, v11;
	v21 =	vsel vm2, v22, v21  }
0x70: {  	s22 =	simm.s32 $0x60;
	v15 =	vsel vm1, v24, v15;
	v22 =	vmul.f32 v23, v14;
	v23 =	vmul.f32 v21, v9  }
0x71: {  	v27 =	vld [tilespmem:s22+$0xA000];
	vm0 =	vmmov vm0;
	vm2 =	vge.f32 v19, $2.000000000e+00;
	v25 =	vmul.f32 v15, v12  }
0x72: {  	v24 =	vld [tilespmem:s22+$0xA280];
	v18 =	vsel vm2, v18, v11;
	vm1 =	vge.f32 v22, $2.000000000e+00;
	v22 =	vmul.f32 v23, v21  }
0x73: {  	v14 =	vsel vm1, v26, v14;
	v23 =	vmul.f32 v25, v15;
	v25 =	vmul.f32 $5.000000000e-01, v21  }
0x74: {  	v26 =	vmul.f32 $5.000000000e-01, v15;
	vm1 =	vge.f32 v22, $2.000000000e+00;
	v22 =	vmul.f32 v14, v10  }
0x75: {  	v3 =	vmul.f32 $5.000000000e-01, v9;
	v5 =	vmul.f32 v18, v5;
	vm3 =	vge.f32 v23, $2.000000000e+00  }
0x76: {  	v19 =	vsel vm1, v25, v21;
	v15 =	vsel vm3, v26, v15;
	v21 =	vmul.f32 v22, v14  }
0x77: {  	v26 =	vmul.f32 v5, v18;
	v22 =	vadd.f32 v24, v27;
	v24 =	vmul.f32 $5.000000000e-01, v14  }
0x78: {  	v23 =	vmul.f32 v19, v9;
	v25 =	vmul.f32 v15, v12;
	vm1 =	vge.f32 v21, $2.000000000e+00  }
0x79: {  	v11 =	vmax.f32 v22, $1.000000000e+00;
	v21 =	vmul.f32 $5.000000000e-01, v17;
	v14 =	vsel vm1, v24, v14  }
0x7a: {  	v23 =	vmul.f32 v23, v19;
	vm1 =	vge.f32 v11, $2.000000000e+00;
	v22 =	vmul.f32 v14, v10  }
0x7b: {  	v24 =	vsel vm1, $0x3F000000, v0;
	vm1 =	vge.f32 v16, $2.000000000e+00;
	v16 =	vmul.f32 v25, v15  }
0x7c: {  	v21 =	vsel vm0, v21, v17;
	v17 =	vmul.f32 $5.000000000e-01, v14;
	v25 =	vmul.f32 v24, v11  }
0x7d: {  	vm2 =	vge.f32 v23, $2.000000000e+00;
	v23 =	vmul.f32 $5.000000000e-01, v18;
	v5 =	vmul.f32 v22, v14  }
0x7e: {  	v27 =	vmul.f32 $5.000000000e-01, v24;
	v22 =	vmul.f32 v25, v24  }
0x7f: {  	v28 =	vmul.f32 $5.000000000e-01, v21;
	v25 =	vmul.f32 v21, v7;
	vm0 =	vge.f32 v5, $2.000000000e+00  }
0x80: {  	v5 =	vmul.f32 $5.000000000e-01, v11;
	v14 =	vsel vm0, v17, v14;
	vm0 =	vge.f32 v22, $2.000000000e+00  }
0x81: {  	s3 =	simm.s32 $0x70;
	v25 =	vmul.f32 v25, v21;
	v17 =	vmul.f32 v14, v10;
	v22 =	vsel vm0, v27, v24  }
0x82: {  	v29 =	vld [tilespmem:s3+$0xA000];
	vm0 =	vmmov vm1;
	vm1 =	vge.f32 v26, $2.000000000e+00;
	v24 =	vmul.f32 v22, v11  }
0x83: {  	v26 =	vmul.f32 $5.000000000e-01, v19;
	v18 =	vsel vm1, v23, v18;
	v23 =	vld [tilespmem:s3+$0xA280];
	v17 =	vmul.f32 v17, v14  }
0x84: {  	v27 =	vmul.f32 $5.000000000e-01, v14;
	vm0 =	vmmov vm0;
	v24 =	vmul.f32 v24, v22  }
0x85: {  	v19 =	vsel vm2, v26, v19;
	v26 =	vmul.f32 $5.000000000e-01, v22;
	vm2 =	vge.f32 v17, $2.000000000e+00  }
0x86: {  	vm1 =	vge.f32 v24, $2.000000000e+00;
	v24 =	vmul.f32 v19, v9;
	v17 =	vsel vm2, v27, v14  }
0x87: {  	v27 =	vmul.f32 $5.000000000e-01, v19;
	v22 =	vsel vm1, v26, v22;
	v26 =	vmul.f32 v18, v8  }
0x88: {  	vm1 =	vge.f32 v25, $2.000000000e+00;
	v23 =	vadd.f32 v23, v29;
	v14 =	vmul.f32 v24, v19  }
0x89: {  	v25 =	vmul.f32 v22, v11;
	v21 =	vsel vm1, v28, v21;
	v24 =	vmul.f32 v26, v18  }
0x8a: {  	v28 =	vmul.f32 $5.000000000e-01, v20;
	v26 =	vmul.f32 v17, v10;
	vm1 =	vge.f32 v14, $2.000000000e+00  }
0x8b: {  	v7 =	vmul.f32 v21, v7;
	v14 =	vsub.f32 $1.500000000e+00, v24;
	v19 =	vsel vm1, v27, v19  }
0x8c: {  	v20 =	vsel vm0, v28, v20;
	v24 =	vmul.f32 v26, v17;
	v26 =	vmul.f32 v19, v9  }
0x8d: {  	v25 =	vmul.f32 v25, v22;
	v18 =	vmul.f32 v14, v18;
	v14 =	vmax.f32 v23, $1.000000000e+00  }
0x8e: {  	v27 =	vmul.f32 v7, v21;
	v23 =	vmul.f32 v26, v19;
	vm0 =	vge.f32 v14, $2.000000000e+00  }
0x8f: {  	v29 =	vmul.f32 v20, v13;
	v26 =	vmul.f32 v18, v8;
	v28 =	vsel vm0, $0x3F000000, v0  }
0x90: {  	v7 =	vmul.f32 $5.000000000e-01, v19;
	vm0 =	vge.f32 v23, $2.000000000e+00;
	v23 =	vmul.f32 v28, v14  }
0x91: {  	v30 =	vmul.f32 $5.000000000e-01, v20;
	v26 =	vmul.f32 v26, v18  }
0x92: {  	v31 =	vmul.f32 $5.000000000e-01, v28;
	v19 =	vsel vm0, v7, v19;
	v23 =	vmul.f32 v23, v28  }
0x93: {  	vm0 =	vge.f32 v16, $2.000000000e+00;
	v16 =	vmul.f32 v19, v9;
	v26 =	vsub.f32 $1.500000000e+00, v26  }
0x94: {  	v7 =	vmul.f32 $5.000000000e-01, v14;
	v32 =	vmul.f32 $5.000000000e-01, v19;
	vm1 =	vge.f32 v23, $2.000000000e+00  }
0x95: {  	v16 =	vmul.f32 v16, v19;
	v18 =	vmul.f32 v26, v18;
	v26 =	vsel vm1, v31, v28  }
0x96: {  	vm1 =	vmmov vm0;
	vm0 =	vge.f32 v27, $2.000000000e+00;
	v27 =	vmul.f32 $5.000000000e-01, v22  }
0x97: {  	vm2 =	vge.f32 v25, $2.000000000e+00;
	v23 =	vmul.f32 v29, v20;
	v28 =	vmul.f32 v26, v14  }
0x98: {  	v29 =	vmul.f32 v18, v8;
	v22 =	vsel vm2, v27, v22;
	vm2 =	vge.f32 v16, $2.000000000e+00  }
0x99: {  	v27 =	vmul.f32 $5.000000000e-01, v21;
	v25 =	vmul.f32 v28, v26;
	v16 =	vsel vm2, v32, v19  }
0x9a: {  	vm2 =	vge.f32 v23, $2.000000000e+00;
	v28 =	vmul.f32 v29, v18;
	v29 =	vmul.f32 $5.000000000e-01, v26  }
0x9b: {  	v21 =	vsel vm0, v27, v21;
	v27 =	vmul.f32 v22, v11;
	vm0 =	vge.f32 v24, $2.000000000e+00  }
0x9c: {  	s19 =	simm.s32 $0x80;
	v24 =	vmul.f32 v16, v9;
	vm3 =	vge.f32 v25, $2.000000000e+00;
	v25 =	vsub.f32 $1.500000000e+00, v28  }
0x9d: {  	v20 =	vsel vm2, v30, v20;
	v30 =	vmul.f32 $5.000000000e-01, v22;
	v26 =	vsel vm3, v29, v26;
	v29 =	vld [tilespmem:s19+$0xA000]  }
0x9e: {  	v28 =	vmul.f32 v21, v6;
	v18 =	vmul.f32 v25, v18;
	v25 =	vld [tilespmem:s19+$0xA280]  }
0x9f: {  	v13 =	vmul.f32 v20, v13;
	v23 =	vmul.f32 v27, v22  }
0xa0: {  	vm1 =	vmmov vm1;
	v61 =	vmul.f32 $5.000000000e-01, v20;
	v28 =	vmul.f32 v28, v21  }
0xa1: {  	v27 =	vmul.f32 $5.000000000e-01, v15;
	v19 =	vmul.f32 v26, v14;
	vm2 =	vge.f32 v23, $2.000000000e+00  }
0xa2: {  	v23 =	vmul.f32 v24, v16;
	v22 =	vsel vm2, v30, v22;
	v24 =	vsub.f32 $1.500000000e+00, v28  }
0xa3: {  	v27 =	vsel vm1, v27, v15;
	v28 =	vmul.f32 v22, v11;
	v25 =	vadd.f32 v25, v29  }
0xa4: {  	v31 =	vmul.f32 $5.000000000e-01, v27;
	v21 =	vmul.f32 v24, v21  }
0xa5: {  	v29 =	vmul.f32 v13, v20;
	v13 =	vmul.f32 v28, v22;
	v15 =	vmax.f32 v25, $1.000000000e+00  }
0xa6: {  	v28 =	vmul.f32 v21, v6;
	v25 =	vmul.f32 $5.000000000e-01, v22;
	vm1 =	vge.f32 v15, $2.000000000e+00  }
0xa7: {  	v19 =	vmul.f32 v19, v26;
	vm2 =	vge.f32 v13, $2.000000000e+00;
	v60 =	vsel vm1, $0x3F000000, v0  }
0xa8: {  	v28 =	vmul.f32 v28, v21;
	v22 =	vsel vm2, v25, v22;
	v25 =	vmul.f32 v60, v15  }
0xa9: {  	v30 =	vmul.f32 v18, v8;
	v24 =	vmul.f32 v27, v12;
	vm1 =	vmmov vm0  }
0xaa: {  	vm0 =	vge.f32 v23, $2.000000000e+00;
	v23 =	vmul.f32 v25, v60;
	v25 =	vsub.f32 $1.500000000e+00, v28  }
0xab: {  	v13 =	vmul.f32 $5.000000000e-01, v15;
	vm2 =	vge.f32 v29, $2.000000000e+00;
	v29 =	vmul.f32 $5.000000000e-01, v60  }
0xac: {  	v33 =	vmul.f32 v22, v11;
	vm3 =	vge.f32 v23, $2.000000000e+00;
	v25 =	vmul.f32 v25, v21  }
0xad: {  	v21 =	vmul.f32 v24, v27;
	v23 =	vmul.f32 $5.000000000e-01, v26;
	v29 =	vsel vm3, v29, v60  }
0xae: {  	vm3 =	vge.f32 v19, $2.000000000e+00;
	v24 =	vmul.f32 v29, v15;
	v19 =	vmul.f32 v25, v6  }
0xaf: {  	v28 =	vmul.f32 $5.000000000e-01, v22;
	v23 =	vsel vm3, v23, v26;
	v26 =	vmul.f32 v33, v22  }
0xb0: {  	vm3 =	vge.f32 v21, $2.000000000e+00;
	v62 =	vmul.f32 v24, v29;
	v19 =	vmul.f32 v19, v25  }
0xb1: {  	v21 =	vmul.f32 $5.000000000e-01, v29;
	vm4 =	vge.f32 v26, $2.000000000e+00;
	v24 =	vsel vm2, v61, v20  }
0xb2: {  	v26 =	vmul.f32 v23, v14;
	vm2 =	vge.f32 v62, $2.000000000e+00;
	v63 =	vsub.f32 $1.500000000e+00, v19  }
0xb3: {  	v19 =	vsel vm4, v28, v22;
	v21 =	vsel vm2, v21, v29;
	v29 =	vmul.f32 v30, v18  }
0xb4: {  	v20 =	vsel vm3, v31, v27;
	v28 =	vmul.f32 v24, v4;
	v27 =	vmul.f32 v19, v11  }
0xb5: {  	s21 =	simm.s32 $0x240;
	v22 =	vmul.f32 v21, v15;
	v25 =	vmul.f32 v63, v25;
	v29 =	vsub.f32 $1.500000000e+00, v29  }
.LBB2_2:
0xb6: {  	s4 =	sshra.s32 s21, $0x2;
	p2 =	sne.s32 s21, $0x9C0;
	s21 =	sadd.s32 $0x40, s21;
	v26 =	vmul.f32 v26, v23;
	v30 =	vmul.f32 $5.000000000e-01, v17;
	vm2 =	vmmov vm1  }
0xb7: {  	v32 =	vmul.f32 $5.000000000e-01, v23;
	vm1 =	vmmov vm0;
	v31 =	vld [tilespmem:s4+$0xA280];
	v29 =	vmul.f32 v29, v18;
	v18 =	vmovc v25  }
0xb8: {  	v25 =	vld [tilespmem:s4+$0xA000];
	vm0 =	vge.f32 v26, $2.000000000e+00;
	v26 =	vmul.f32 v27, v19;
	v27 =	vmul.f32 v28, v24  }
0xb9: {  	v28 =	vmul.f32 v20, v12;
	v12 =	vmovc v10;
	v23 =	vsel vm0, v32, v23;
	v32 =	vmul.f32 v29, v8  }
0xba: {  	v34 =	vmul.f32 v18, v6;
	v10 =	vmovc v9;
	v9 =	vmovc v11;
	v11 =	vmov v14;
	v33 =	vmul.f32 v23, v14  }
0xbb: {  	v30 =	vsel vm2, v30, v17;
	v28 =	vmul.f32 v28, v20;
	v14 =	vmovc v15;
	v32 =	vmul.f32 v32, v29  }
0xbc: {  	v17 =	vmovc v16;
	v16 =	vmovc v19;
	v27 =	vsub.f32 $1.500000000e+00, v27;
	v15 =	vmul.f32 v33, v23;
	v33 =	vmul.f32 v30, v12  }
0xbd: {  	v19 =	vadd.f32 v31, v25;
	v25 =	vmul.f32 $5.000000000e-01, v23;
	v31 =	vsub.f32 $1.500000000e+00, v32  }
0xbe: {  	v24 =	vmul.f32 v27, v24;
	v32 =	vmul.f32 $5.000000000e-01, v30;
	vm0 =	vge.f32 v15, $2.000000000e+00  }
0xbf: {  	v15 =	vmax.f32 v19, $1.000000000e+00;
	v19 =	vsel vm0, v25, v23;
	v23 =	vmul.f32 v31, v29  }
0xc0: {  	v27 =	vmul.f32 v24, v4;
	vm0 =	vge.f32 v15, $2.000000000e+00;
	v25 =	vmul.f32 $5.000000000e-01, v15  }
0xc1: {  	v31 =	vmul.f32 v19, v11;
	v29 =	vsel vm0, $0x3F000000, v0;
	v35 =	vmul.f32 v23, v8;
	v8 =	vmovc v6;
	v6 =	vmovc v4  }
0xc2: {  	vm0 =	vge.f32 v26, $2.000000000e+00;
	v26 =	vmul.f32 v27, v24;
	v4 =	vmovc v1;
	v1 =	vmovc v2;
	v36 =	vmul.f32 v29, v15  }
0xc3: {  	v27 =	vmul.f32 $5.000000000e-01, v19;
	v2 =	vmovc v3;
	v3 =	vmovc v5;
	v5 =	vmov v7;
	v35 =	vmul.f32 v35, v23  }
0xc4: {  	vm2 =	vge.f32 v28, $2.000000000e+00;
	v7 =	vmovc v13;
	v13 =	vmovc v25;
	v26 =	vsub.f32 $1.500000000e+00, v26;
	v36 =	vmul.f32 v36, v29  }
0xc5: {  	v28 =	vmul.f32 v33, v30;
	v25 =	vmul.f32 $5.000000000e-01, v29;
	v33 =	vsub.f32 $1.500000000e+00, v35  }
0xc6: {  	v22 =	vmul.f32 v22, v21;
	v35 =	vmul.f32 v26, v24;
	vm3 =	vge.f32 v36, $2.000000000e+00  }
0xc7: {  	v24 =	vmul.f32 $5.000000000e-01, v21;
	v25 =	vsel vm3, v25, v29;
	v26 =	vmul.f32 v33, v23  }
0xc8: {  	vm3 =	vge.f32 v22, $2.000000000e+00;
	v22 =	vmul.f32 v35, v6;
	v29 =	vmul.f32 v25, v15  }
0xc9: {  	v23 =	vsel vm3, v24, v21;
	v21 =	vmul.f32 v31, v19;
	v24 =	vmul.f32 $5.000000000e-01, v20;
	[tilespmem:s26+$0xA500] =	vst v26;
	s26 =	smov.u32 s28;
	s28 =	smov.u32 s29;
	s29 =	smov.u32 s30  }
0xca: {  	vm3 =	vge.f32 v28, $2.000000000e+00;
	v22 =	vmul.f32 v22, v35;
	s30 =	smov.u32 s31;
	s31 =	smov.u32 s0;
	s0 =	smov.u32 s22;
	v26 =	vmul.f32 v29, v25  }
.Ltmp0:
0xcb: {  	v28 =	vmul.f32 $5.000000000e-01, v25;
	s22 =	smov.u32 s3;
	s3 =	smov.u32 s19;
	vm4 =	vge.f32 v21, $2.000000000e+00;
	v24 =	vsel vm2, v24, v20;
	(pc) =	sbr.rel @p2 .LBB2_2-.Ltmp0, $4  }
0xcc: {  	s19 =	smov.u32 s4;
	v29 =	vsub.f32 $1.500000000e+00, v22;
	vm2 =	vge.f32 v26, $2.000000000e+00;
	v26 =	vmul.f32 v23, v14  }
0xcd: {  	v31 =	vmul.f32 v34, v18;
	v19 =	vsel vm4, v27, v19;
	v21 =	vsel vm2, v28, v25  }
0xce: {  	v20 =	vsel vm3, v32, v30;
	v25 =	vmul.f32 v29, v35;
	v22 =	vmul.f32 v21, v15  }
0xcf: {  	v27 =	vmul.f32 v19, v11;
	v28 =	vmul.f32 v24, v4;
	v29 =	vsub.f32 $1.500000000e+00, v31  }
0xd0: {  	_ = 	snop  }
0xd1: {  	v28 =	vmul.f32 v28, v24  }
0xd2: {  	v18 =	vmul.f32 v29, v18  }
0xd3: {  	v26 =	vmul.f32 v26, v23;
	v30 =	vmul.f32 $5.000000000e-01, v23;
	v28 =	vsub.f32 $1.500000000e+00, v28  }
0xd4: {  	v12 =	vmul.f32 v20, v12;
	v29 =	vmul.f32 v18, v8  }
0xd5: {  	vm1 =	vmmov vm1;
	v31 =	vmul.f32 v25, v6;
	v24 =	vmul.f32 v28, v24  }
0xd6: {  	v22 =	vmul.f32 v22, v21;
	vm2 =	vge.f32 v26, $2.000000000e+00;
	v26 =	vmul.f32 v29, v18  }
0xd7: {  	vm0 =	vmmov vm0;
	v23 =	vsel vm2, v30, v23;
	v29 =	vmul.f32 v24, v4  }
0xd8: {  	v30 =	vmul.f32 v23, v14;
	v28 =	vmul.f32 $5.000000000e-01, v17;
	v26 =	vsub.f32 $1.500000000e+00, v26  }
0xd9: {  	v33 =	vmul.f32 $5.000000000e-01, v21;
	vm0 =	vmmov vm0;
	v29 =	vmul.f32 v29, v24  }
0xda: {  	v17 =	vsel vm1, v28, v17;
	v28 =	vmul.f32 v30, v23;
	v18 =	vmul.f32 v26, v18  }
0xdb: {  	v12 =	vmul.f32 v12, v20;
	v26 =	vmul.f32 $5.000000000e-01, v23;
	v29 =	vsub.f32 $1.500000000e+00, v29  }
0xdc: {  	v30 =	vmul.f32 v17, v10;
	vm1 =	vge.f32 v28, $2.000000000e+00;
	v8 =	vmul.f32 v18, v8  }
0xdd: {  	v28 =	vmul.f32 $5.000000000e-01, v17;
	v23 =	vsel vm1, v26, v23;
	v24 =	vmul.f32 v29, v24  }
0xde: {  	vm1 =	vge.f32 v12, $2.000000000e+00;
	v12 =	vmul.f32 v31, v25;
	v8 =	vmul.f32 v8, v18  }
0xdf: {  	vm2 =	vge.f32 v22, $2.000000000e+00;
	v26 =	vmul.f32 v23, v14;
	v32 =	vmul.f32 v24, v4  }
0xe0: {  	v30 =	vmul.f32 v30, v17;
	v29 =	vmul.f32 $5.000000000e-01, v23;
	v8 =	vsub.f32 $1.500000000e+00, v8  }
0xe1: {  	v12 =	vsub.f32 $1.500000000e+00, v12;
	v26 =	vmul.f32 v26, v23;
	v32 =	vmul.f32 v32, v24  }
0xe2: {  	v21 =	vsel vm2, v33, v21;
	v8 =	vmul.f32 v8, v18;
	v18 =	vmul.f32 $5.000000000e-01, v20  }
0xe3: {  	v12 =	vmul.f32 v12, v25;
	v25 =	vmul.f32 $5.000000000e-01, v21;
	v22 =	vsub.f32 $1.500000000e+00, v32  }
0xe4: {  	vm2 =	vge.f32 v26, $2.000000000e+00;
	v18 =	vsel vm1, v18, v20;
	v20 =	vmul.f32 v21, v15  }
0xe5: {  	v23 =	vsel vm2, v29, v23;
	v22 =	vmul.f32 v22, v24;
	v24 =	vmul.f32 v18, v1  }
0xe6: {  	v26 =	vmul.f32 v12, v6;
	vm1 =	vge.f32 v30, $2.000000000e+00;
	v20 =	vmul.f32 v20, v21  }
0xe7: {  	v29 =	vmul.f32 v23, v14;
	v17 =	vsel vm1, v28, v17;
	v24 =	vmul.f32 v24, v18  }
0xe8: {  	v30 =	vmul.f32 $5.000000000e-01, v16;
	v10 =	vmul.f32 v17, v10;
	vm2 =	vge.f32 v20, $2.000000000e+00  }
0xe9: {  	v20 =	vsel vm2, v25, v21;
	v21 =	vmul.f32 v26, v12;
	v24 =	vsub.f32 $1.500000000e+00, v24  }
0xea: {  	v27 =	vmul.f32 v27, v19;
	v16 =	vsel vm0, v30, v16;
	v10 =	vmul.f32 v10, v17  }
0xeb: {  	v25 =	vmul.f32 v29, v23;
	v21 =	vsub.f32 $1.500000000e+00, v21;
	v18 =	vmul.f32 v24, v18  }
0xec: {  	v29 =	vmul.f32 $5.000000000e-01, v16;
	v26 =	vmul.f32 v20, v15  }
0xed: {  	v12 =	vmul.f32 v21, v12;
	v21 =	vmul.f32 v18, v1  }
0xee: {  	v28 =	vmul.f32 $5.000000000e-01, v20;
	v26 =	vmul.f32 v26, v20  }
0xef: {  	v24 =	vmul.f32 v22, v4;
	v21 =	vmul.f32 v21, v18  }
0xf0: {  	vm0 =	vge.f32 v26, $2.000000000e+00;
	v26 =	vmul.f32 v16, v9;
	v6 =	vmul.f32 v12, v6  }
0xf1: {  	v24 =	vmul.f32 v24, v22;
	v20 =	vsel vm0, v28, v20;
	v21 =	vsub.f32 $1.500000000e+00, v21  }
0xf2: {  	v28 =	vmul.f32 v20, v15;
	v6 =	vmul.f32 v6, v12  }
0xf3: {  	v24 =	vsub.f32 $1.500000000e+00, v24;
	v18 =	vmul.f32 v21, v18;
	v21 =	vmul.f32 $5.000000000e-01, v17  }
0xf4: {  	vm0 =	vge.f32 v10, $2.000000000e+00;
	v30 =	vmul.f32 $5.000000000e-01, v20;
	v10 =	vmul.f32 v26, v16  }
0xf5: {  	v22 =	vmul.f32 v24, v22;
	v6 =	vsub.f32 $1.500000000e+00, v6;
	v17 =	vsel vm0, v21, v17  }
0xf6: {  	v24 =	vmul.f32 v28, v20;
	vm1 =	vge.f32 v10, $2.000000000e+00;
	v21 =	vmul.f32 v17, v2  }
0xf7: {  	v16 =	vsel vm1, v29, v16;
	v6 =	vmul.f32 v6, v12;
	v12 =	vmul.f32 v18, v1  }
0xf8: {  	vm1 =	vge.f32 v25, $2.000000000e+00;
	v26 =	vmul.f32 v22, v4;
	v21 =	vmul.f32 v21, v17  }
0xf9: {  	vm2 =	vge.f32 v24, $2.000000000e+00;
	v24 =	vmul.f32 $5.000000000e-01, v19;
	v12 =	vmul.f32 v12, v18  }
0xfa: {  	v9 =	vmul.f32 v16, v9;
	vm0 =	vge.f32 v27, $2.000000000e+00;
	v21 =	vsub.f32 $1.500000000e+00, v21  }
0xfb: {  	vm1 =	vmmov vm1;
	vm0 =	vmmov vm0;
	v10 =	vsub.f32 $1.500000000e+00, v12  }
0xfc: {  	v12 =	vsel vm2, v30, v20;
	v20 =	vmul.f32 v26, v22;
	v17 =	vmul.f32 v21, v17  }
0xfd: {  	vm0 =	vmmov vm0;
	v10 =	vmul.f32 v10, v18;
	v18 =	vmul.f32 v12, v15  }
0xfe: {  	v9 =	vmul.f32 v9, v16;
	v19 =	vsel vm0, v24, v19;
	v21 =	vmul.f32 v17, v2  }
0xff: {  	v24 =	vmul.f32 v19, v11;
	v20 =	vsub.f32 $1.500000000e+00, v20;
	v18 =	vmul.f32 v18, v12  }
0x100: {  	vm1 =	vmmov vm1;
	v25 =	vmul.f32 $5.000000000e-01, v19;
	v21 =	vmul.f32 v21, v17  }
0x101: {  	v26 =	vmul.f32 $5.000000000e-01, v12;
	v20 =	vmul.f32 v20, v22;
	vm0 =	vge.f32 v18, $2.000000000e+00  }
0x102: {  	vm0 =	vmmov vm0;
	v18 =	vsub.f32 $1.500000000e+00, v21;
	v21 =	vmul.f32 $5.000000000e-01, v23  }
0x103: {  	v24 =	vmul.f32 v24, v19;
	v22 =	vmul.f32 v10, v1;
	vm0 =	vmmov vm0  }
0x104: {  	v4 =	vmul.f32 v20, v4;
	v12 =	vsel vm0, v26, v12;
	v21 =	vsel vm1, v21, v23  }
0x105: {  	vm0 =	vge.f32 v9, $2.000000000e+00;
	v23 =	vmul.f32 $5.000000000e-01, v16;
	v27 =	vmul.f32 v21, v14  }
0x106: {  	v9 =	vmul.f32 v18, v17;
	v17 =	vmul.f32 v12, v15;
	vm1 =	vge.f32 v24, $2.000000000e+00  }
0x107: {  	v4 =	vmul.f32 v4, v20;
	v19 =	vsel vm1, v25, v19;
	v18 =	vmul.f32 v27, v21  }
0x108: {  	v16 =	vsel vm0, v23, v16;
	v23 =	vmul.f32 $5.000000000e-01, v21;
	v17 =	vmul.f32 v17, v12  }
0x109: {  	v11 =	vmul.f32 v19, v11;
	vm0 =	vge.f32 v18, $2.000000000e+00;
	v18 =	vmul.f32 $5.000000000e-01, v12  }
0x10a: {  	v24 =	vmul.f32 v16, v3;
	v21 =	vsel vm0, v23, v21;
	vm0 =	vge.f32 v17, $2.000000000e+00  }
0x10b: {  	v11 =	vmul.f32 v11, v19;
	v14 =	vmul.f32 v21, v14;
	v12 =	vsel vm0, v18, v12  }
0x10c: {  	v17 =	vmul.f32 v24, v16;
	v15 =	vmul.f32 v12, v15  }
0x10d: {  	v18 =	vmul.f32 $5.000000000e-01, v19;
	vm0 =	vge.f32 v11, $2.000000000e+00;
	v14 =	vmul.f32 v14, v21  }
0x10e: {  	v11 =	vmul.f32 $5.000000000e-01, v21;
	v17 =	vsub.f32 $1.500000000e+00, v17;
	v15 =	vmul.f32 v15, v12  }
0x10f: {  	v18 =	vsel vm0, v18, v19;
	vm0 =	vge.f32 v14, $2.000000000e+00;
	v14 =	vmul.f32 $5.000000000e-01, v12  }
0x110: {  	v19 =	vmul.f32 v18, v5;
	v11 =	vsel vm0, v11, v21;
	vm0 =	vge.f32 v15, $2.000000000e+00  }
0x111: {  	v15 =	vmul.f32 v17, v16;
	v16 =	vmul.f32 v11, v7;
	v12 =	vsel vm0, v14, v12  }
0x112: {  	v14 =	vmul.f32 v19, v18;
	v17 =	vmul.f32 v12, v13  }
0x113: {  	v4 =	vsub.f32 $1.500000000e+00, v4;
	v19 =	vmul.f32 v15, v3;
	v16 =	vmul.f32 v16, v11  }
0x114: {  	v21 =	vmul.f32 v9, v2;
	v14 =	vsub.f32 $1.500000000e+00, v14;
	v17 =	vmul.f32 v17, v12  }
0x115: {  	v4 =	vmul.f32 v4, v20;
	v19 =	vmul.f32 v19, v15;
	v16 =	vsub.f32 $1.500000000e+00, v16  }
0x116: {  	v20 =	vmul.f32 v21, v9;
	v14 =	vmul.f32 v14, v18;
	v17 =	vsub.f32 $1.500000000e+00, v17  }
0x117: {  	v18 =	vmul.f32 v22, v10;
	v19 =	vsub.f32 $1.500000000e+00, v19;
	v11 =	vmul.f32 v16, v11  }
0x118: {  	v16 =	vmul.f32 v14, v5;
	v12 =	vmul.f32 v17, v12  }
0x119: {  	v17 =	vsub.f32 $1.500000000e+00, v20;
	v15 =	vmul.f32 v19, v15;
	v19 =	vmul.f32 v11, v7  }
0x11a: {  	v16 =	vmul.f32 v16, v14;
	v20 =	vmul.f32 v12, v13  }
0x11b: {  	v9 =	vmul.f32 v17, v9;
	v17 =	vsub.f32 $1.500000000e+00, v18;
	v18 =	vmul.f32 v19, v11  }
0x11c: {  	v19 =	vmul.f32 v15, v3;
	v16 =	vsub.f32 $1.500000000e+00, v16;
	v20 =	vmul.f32 v20, v12  }
0x11d: {  	v10 =	vmul.f32 v17, v10;
	v17 =	vmul.f32 v9, v2;
	v18 =	vsub.f32 $1.500000000e+00, v18  }
0x11e: {  	v19 =	vmul.f32 v19, v15;
	v14 =	vmul.f32 v16, v14;
	v16 =	vsub.f32 $1.500000000e+00, v20  }
0x11f: {  	v17 =	vmul.f32 v17, v9;
	v11 =	vmul.f32 v18, v11  }
0x120: {  	v18 =	vmul.f32 v14, v5;
	v12 =	vmul.f32 v16, v12  }
0x121: {  	v16 =	vmul.f32 v10, v1;
	v17 =	vsub.f32 $1.500000000e+00, v17;
	v20 =	vmul.f32 v11, v7  }
0x122: {  	v19 =	vsub.f32 $1.500000000e+00, v19;
	v18 =	vmul.f32 v18, v14;
	v21 =	vmul.f32 v12, v13  }
0x123: {  	v9 =	vmul.f32 v17, v9;
	v17 =	vmul.f32 v20, v11  }
0x124: {  	v15 =	vmul.f32 v19, v15;
	v18 =	vsub.f32 $1.500000000e+00, v18;
	v19 =	vmul.f32 v21, v12  }
0x125: {  	v16 =	vmul.f32 v16, v10;
	v20 =	vmul.f32 v9, v2;
	v17 =	vsub.f32 $1.500000000e+00, v17  }
0x126: {  	v21 =	vmul.f32 v15, v3;
	v14 =	vmul.f32 v18, v14;
	v18 =	vsub.f32 $1.500000000e+00, v19  }
0x127: {  	v19 =	vmul.f32 v20, v9;
	v11 =	vmul.f32 v17, v11  }
0x128: {  	v17 =	vmul.f32 v14, v5;
	v12 =	vmul.f32 v18, v12  }
0x129: {  	v18 =	vmul.f32 v21, v15;
	v20 =	vmul.f32 v11, v7  }
0x12a: {  	v17 =	vmul.f32 v17, v14;
	v21 =	vmul.f32 v12, v13  }
0x12b: {  	v16 =	vsub.f32 $1.500000000e+00, v16;
	v18 =	vsub.f32 $1.500000000e+00, v18;
	v20 =	vmul.f32 v20, v11  }
0x12c: {  	v19 =	vsub.f32 $1.500000000e+00, v19;
	v17 =	vsub.f32 $1.500000000e+00, v17;
	v21 =	vmul.f32 v21, v12  }
0x12d: {  	v10 =	vmul.f32 v16, v10;
	v15 =	vmul.f32 v18, v15;
	v16 =	vsub.f32 $1.500000000e+00, v20  }
0x12e: {  	v9 =	vmul.f32 v19, v9;
	v14 =	vmul.f32 v17, v14;
	v17 =	vsub.f32 $1.500000000e+00, v21  }
0x12f: {  	v18 =	vmul.f32 v15, v3;
	v11 =	vmul.f32 v16, v11  }
0x130: {  	v16 =	vmul.f32 v14, v5;
	v12 =	vmul.f32 v17, v12  }
0x131: {  	v17 =	vmul.f32 v18, v15;
	v18 =	vmul.f32 v11, v7  }
0x132: {  	v16 =	vmul.f32 v16, v14;
	v19 =	vmul.f32 v12, v13  }
0x133: {  	v1 =	vmul.f32 v10, v1;
	v17 =	vsub.f32 $1.500000000e+00, v17;
	v18 =	vmul.f32 v18, v11  }
0x134: {  	v2 =	vmul.f32 v9, v2;
	v16 =	vsub.f32 $1.500000000e+00, v16;
	v19 =	vmul.f32 v19, v12  }
0x135: {  	v1 =	vmul.f32 v1, v10;
	v15 =	vmul.f32 v17, v15;
	v17 =	vsub.f32 $1.500000000e+00, v18  }
0x136: {  	v2 =	vmul.f32 v2, v9;
	v14 =	vmul.f32 v16, v14;
	v16 =	vsub.f32 $1.500000000e+00, v19  }
0x137: {  	v3 =	vmul.f32 v15, v3;
	v11 =	vmul.f32 v17, v11  }
0x138: {  	v5 =	vmul.f32 v14, v5;
	v12 =	vmul.f32 v16, v12  }
0x139: {  	v1 =	vsub.f32 $1.500000000e+00, v1;
	v3 =	vmul.f32 v3, v15;
	v7 =	vmul.f32 v11, v7  }
0x13a: {  	[tilespmem:s26+$0xA500] =	vst v8;
	v2 =	vsub.f32 $1.500000000e+00, v2;
	v5 =	vmul.f32 v5, v14;
	v8 =	vmul.f32 v12, v13  }
0x13b: {  	[tilespmem:s28+$0xA500] =	vst v6;
	v1 =	vmul.f32 v1, v10;
	v3 =	vsub.f32 $1.500000000e+00, v3;
	v6 =	vmul.f32 v7, v11  }
0x13c: {  	[tilespmem:s29+$0xA500] =	vst v4;
	v2 =	vmul.f32 v2, v9;
	v4 =	vsub.f32 $1.500000000e+00, v5;
	v5 =	vmul.f32 v8, v12  }
0x13d: {  	[tilespmem:s30+$0xA500] =	vst v1;
	v1 =	vmul.f32 v3, v15;
	v3 =	vsub.f32 $1.500000000e+00, v6  }
0x13e: {  	[tilespmem:s31+$0xA500] =	vst v2;
	v2 =	vmul.f32 v4, v14;
	v4 =	vsub.f32 $1.500000000e+00, v5  }
0x13f: {  	[tilespmem:s0+$0xA500] =	vst v1;
	v1 =	vmul.f32 v3, v11  }
0x140: {  	[tilespmem:s22+$0xA500] =	vst v2;
	v2 =	vmul.f32 v4, v12  }
0x141: {  	[tilespmem:s3+$0xA500] =	vst v1  }
0x142: {  	s22 =	simm.s32 $0xA000;
	[tilespmem:s19+$0xA500] =	vst v2  }
0x143: {  	[tilespmem:s22], [sflag:$0x3] =	stream.strided.gather [hbm4b:s8+s17], $0x280, s18, s17, $0x38;
	[tilespmem:$0xAF00] =	vst v63  }
0x144: {  	_ =	swait.ge [sflag:s20], $0x280  }
0x145: {  	[sflag:s20] =	ssyncset.done $0x0  }
0x146: {  	s26 =	simm.s32 $0xA280;
	[sflag:s20] =	ssyncadd.s32 $0xFFFFFD80  }
0x147: {  	[tilespmem:s26], [sflag:$0x3] =	stream.strided.gather [hbm4b:s9+s17], $0x280, s18, s17, $0x38;
	[tilespmem:$0xAF00] =	vst v63  }
0x148: {  	_ =	swait.ge [sflag:s20], $0x280  }
0x149: {  	[sflag:s20] =	ssyncset.done $0x0  }
0x14a: {  	s26 =	simm.s32 $0x0;
	[sflag:s20] =	ssyncadd.s32 $0xFFFFFD80  }
0x14b: {  	v1 =	vld [tilespmem:s26+$0xA280]  }
0x14c: {  	v2 =	vld [tilespmem:s26+$0xA000];
	_ =	sdelay $0x4  }
0x14d: {  	v1 =	vadd.f32 v1, v2;
	_ =	sdelay $0x1  }
0x14e: {  	v5 =	vmax.f32 v1, $1.000000000e+00  }
0x14f: {  	vm0 =	vge.f32 v5, $2.000000000e+00  }
0x150: {  	v1 =	vsel vm0, $0x3F000000, v0  }
0x151: {  	v2 =	vmul.f32 v1, v5;
	_ =	sdelay $0x1  }
0x152: {  	s28 =	simm.s32 $0x10;
	v2 =	vmul.f32 v2, v1  }
0x153: {  	v4 =	vld [tilespmem:s28+$0xA280];
	v3 =	vmul.f32 $5.000000000e-01, v1  }
0x154: {  	vm0 =	vge.f32 v2, $2.000000000e+00;
	v2 =	vld [tilespmem:s28+$0xA000]  }
0x155: {  	v1 =	vsel vm0, v3, v1  }
0x156: {  	v3 =	vmul.f32 v1, v5;
	_ =	sdelay $0x1  }
0x157: {  	v3 =	vmul.f32 v3, v1  }
0x158: {  	v6 =	vmul.f32 $5.000000000e-01, v1;
	v2 =	vadd.f32 v4, v2  }
0x159: {  	vm0 =	vge.f32 v3, $2.000000000e+00  }
0x15a: {  	v1 =	vsel vm0, v6, v1;
	v7 =	vmax.f32 v2, $1.000000000e+00  }
0x15b: {  	v2 =	vmul.f32 v1, v5;
	vm0 =	vge.f32 v7, $2.000000000e+00  }
0x15c: {  	s29 =	simm.s32 $0x20;
	v3 =	vsel vm0, $0x3F000000, v0  }
0x15d: {  	v9 =	vld [tilespmem:s29+$0xA000];
	v4 =	vmul.f32 v3, v7;
	v2 =	vmul.f32 v2, v1  }
0x15e: {  	v6 =	vld [tilespmem:s29+$0xA280];
	v8 =	vmul.f32 $5.000000000e-01, v1  }
0x15f: {  	v4 =	vmul.f32 v4, v3;
	vm0 =	vge.f32 v2, $2.000000000e+00  }
0x160: {  	v2 =	vmul.f32 $5.000000000e-01, v3;
	v1 =	vsel vm0, v8, v1  }
0x161: {  	vm0 =	vge.f32 v4, $2.000000000e+00;
	v4 =	vmul.f32 v1, v5  }
0x162: {  	v2 =	vsel vm0, v2, v3  }
0x163: {  	v6 =	vadd.f32 v6, v9;
	v3 =	vmul.f32 v2, v7;
	v4 =	vmul.f32 v4, v1  }
0x164: {  	v8 =	vmul.f32 $5.000000000e-01, v1  }
0x165: {  	v13 =	vmax.f32 v6, $1.000000000e+00;
	v3 =	vmul.f32 v3, v2;
	vm0 =	vge.f32 v4, $2.000000000e+00  }
0x166: {  	v4 =	vmul.f32 $5.000000000e-01, v2;
	v1 =	vsel vm0, v8, v1;
	vm0 =	vge.f32 v13, $2.000000000e+00  }
0x167: {  	vm1 =	vge.f32 v3, $2.000000000e+00;
	v3 =	vmul.f32 v1, v5;
	v6 =	vsel vm0, $0x3F000000, v0  }
0x168: {  	v2 =	vsel vm1, v4, v2;
	v4 =	vmul.f32 v6, v13  }
0x169: {  	v10 =	vmul.f32 $5.000000000e-01, v1;
	v3 =	vmul.f32 v3, v1  }
0x16a: {  	s30 =	simm.s32 $0x30;
	v9 =	vmul.f32 v2, v7;
	v4 =	vmul.f32 v4, v6  }
0x16b: {  	v12 =	vld [tilespmem:s30+$0xA000];
	v8 =	vmul.f32 $5.000000000e-01, v5;
	vm0 =	vge.f32 v3, $2.000000000e+00;
	v3 =	vmul.f32 $5.000000000e-01, v6  }
0x16c: {  	v1 =	vsel vm0, v10, v1;
	vm0 =	vge.f32 v4, $2.000000000e+00;
	v4 =	vmul.f32 v9, v2;
	v9 =	vld [tilespmem:s30+$0xA280]  }
0x16d: {  	v11 =	vmul.f32 $5.000000000e-01, v2;
	v10 =	vmul.f32 v1, v5;
	v3 =	vsel vm0, v3, v6  }
0x16e: {  	v6 =	vmul.f32 $5.000000000e-01, v7;
	v14 =	vmul.f32 v3, v13;
	vm0 =	vge.f32 v4, $2.000000000e+00  }
0x16f: {  	v15 =	vmul.f32 $5.000000000e-01, v1;
	v2 =	vsel vm0, v11, v2;
	v10 =	vmul.f32 v10, v1  }
0x170: {  	v11 =	vmul.f32 v14, v3;
	v14 =	vmul.f32 v2, v7  }
0x171: {  	v16 =	vmul.f32 $5.000000000e-01, v3;
	vm0 =	vge.f32 v10, $2.000000000e+00;
	v9 =	vadd.f32 v9, v12  }
0x172: {  	vm1 =	vge.f32 v11, $2.000000000e+00;
	v10 =	vmul.f32 v14, v2;
	v11 =	vsel vm0, v15, v1  }
0x173: {  	v1 =	vmul.f32 $5.000000000e-01, v2;
	v3 =	vsel vm1, v16, v3;
	v14 =	vmul.f32 v11, v5  }
0x174: {  	v12 =	vmax.f32 v9, $1.000000000e+00;
	vm0 =	vge.f32 v10, $2.000000000e+00;
	v9 =	vmul.f32 v3, v13  }
0x175: {  	v1 =	vsel vm0, v1, v2;
	vm0 =	vge.f32 v12, $2.000000000e+00;
	v2 =	vmul.f32 v14, v11  }
0x176: {  	s31 =	simm.s32 $0x40;
	v10 =	vmul.f32 v1, v7;
	v14 =	vsel vm0, $0x3F000000, v0;
	v9 =	vmul.f32 v9, v3  }
0x177: {  	v18 =	vld [tilespmem:s31+$0xA000];
	v17 =	vmul.f32 $5.000000000e-01, v3;
	v15 =	vmul.f32 v14, v12  }
0x178: {  	v4 =	vmul.f32 $5.000000000e-01, v13;
	v16 =	vld [tilespmem:s31+$0xA280];
	v10 =	vmul.f32 v10, v1;
	vm0 =	vge.f32 v9, $2.000000000e+00  }
0x179: {  	v19 =	vmul.f32 $5.000000000e-01, v1;
	v15 =	vmul.f32 v15, v14;
	v3 =	vsel vm0, v17, v3  }
0x17a: {  	v9 =	vmul.f32 $5.000000000e-01, v14;
	vm1 =	vge.f32 v10, $2.000000000e+00;
	v10 =	vmul.f32 v3, v13  }
0x17b: {  	v17 =	vsel vm1, v19, v1;
	vm0 =	vge.f32 v15, $2.000000000e+00;
	v1 =	vmul.f32 $5.000000000e-01, v12  }
0x17c: {  	v15 =	vmul.f32 v17, v7;
	v9 =	vsel vm0, v9, v14;
	v10 =	vmul.f32 v10, v3  }
0x17d: {  	v16 =	vadd.f32 v16, v18;
	v18 =	vmul.f32 $5.000000000e-01, v17;
	v14 =	vmul.f32 v9, v12  }
0x17e: {  	vm0 =	vge.f32 v2, $2.000000000e+00;
	v2 =	vmul.f32 v15, v17;
	v15 =	vmul.f32 $5.000000000e-01, v3  }
0x17f: {  	vm1 =	vge.f32 v10, $2.000000000e+00;
	v10 =	vmax.f32 v16, $1.000000000e+00;
	v14 =	vmul.f32 v14, v9  }
0x180: {  	v16 =	vmul.f32 $5.000000000e-01, v9;
	v3 =	vsel vm1, v15, v3;
	vm1 =	vge.f32 v10, $2.000000000e+00  }
0x181: {  	vm2 =	vge.f32 v14, $2.000000000e+00;
	v14 =	vmul.f32 v3, v13;
	v15 =	vsel vm1, $0x3F000000, v0  }
0x182: {  	vm1 =	vge.f32 v2, $2.000000000e+00;
	v9 =	vsel vm2, v16, v9;
	v16 =	vmul.f32 v15, v10  }
0x183: {  	v17 =	vsel vm1, v18, v17;
	v18 =	vmul.f32 $5.000000000e-01, v3;
	v14 =	vmul.f32 v14, v3  }
0x184: {  	v2 =	vmul.f32 v9, v12;
	v16 =	vmul.f32 v16, v15  }
0x185: {  	s0 =	simm.s32 $0x50;
	v19 =	vmul.f32 v17, v7;
	vm1 =	vge.f32 v14, $2.000000000e+00;
	v14 =	vmul.f32 $5.000000000e-01, v15  }
0x186: {  	v20 =	vld [tilespmem:s0+$0xA280];
	v2 =	vmul.f32 v2, v9;
	v3 =	vsel vm1, v18, v3;
	vm1 =	vge.f32 v16, $2.000000000e+00  }
0x187: {  	v19 =	vmul.f32 v19, v17;
	v16 =	vld [tilespmem:s0+$0xA000];
	v18 =	vmul.f32 v3, v13;
	v14 =	vsel vm1, v14, v15  }
0x188: {  	vm0 =	vmmov vm0;
	v15 =	vmul.f32 $5.000000000e-01, v9;
	v21 =	vmul.f32 v14, v10  }
0x189: {  	vm1 =	vge.f32 v2, $2.000000000e+00;
	v2 =	vmul.f32 $5.000000000e-01, v10;
	v22 =	vmul.f32 $5.000000000e-01, v3  }
0x18a: {  	v15 =	vsel vm1, v15, v9;
	v9 =	vmul.f32 v18, v3;
	v18 =	vmul.f32 v21, v14  }
0x18b: {  	vm0 =	vmmov vm0;
	v23 =	vmul.f32 $5.000000000e-01, v14;
	v21 =	vmul.f32 v15, v12  }
0x18c: {  	v16 =	vadd.f32 v20, v16;
	vm1 =	vge.f32 v9, $2.000000000e+00;
	vm2 =	vge.f32 v18, $2.000000000e+00  }
0x18d: {  	v18 =	vmul.f32 v21, v15;
	v20 =	vsel vm1, v22, v3;
	v3 =	vmul.f32 $5.000000000e-01, v15  }
0x18e: {  	v9 =	vmax.f32 v16, $1.000000000e+00;
	v16 =	vmul.f32 v20, v13;
	v14 =	vsel vm2, v23, v14  }
0x18f: {  	vm1 =	vge.f32 v18, $2.000000000e+00;
	vm3 =	vge.f32 v9, $2.000000000e+00;
	v18 =	vmul.f32 $5.000000000e-01, v11  }
0x190: {  	v23 =	vmul.f32 v14, v10;
	v26 =	vmul.f32 $5.000000000e-01, v14;
	v21 =	vsel vm3, $0x3F000000, v0  }
0x191: {  	v15 =	vsel vm1, v3, v15;
	v16 =	vmul.f32 v16, v20;
	v22 =	vmul.f32 v21, v9  }
0x192: {  	v3 =	vmul.f32 v15, v12;
	v11 =	vsel vm0, v18, v11;
	v24 =	vmul.f32 $5.000000000e-01, v15  }
0x193: {  	vm0 =	vge.f32 v19, $2.000000000e+00;
	v19 =	vmul.f32 v11, v5;
	v18 =	vmul.f32 v22, v21  }
0x194: {  	v3 =	vmul.f32 v3, v15;
	v22 =	vmul.f32 $5.000000000e-01, v21  }
0x195: {  	vm0 =	vmmov vm0;
	v19 =	vmul.f32 v19, v11;
	vm2 =	vge.f32 v18, $2.000000000e+00  }
0x196: {  	vm1 =	vge.f32 v3, $2.000000000e+00;
	v18 =	vmul.f32 $5.000000000e-01, v11;
	v21 =	vsel vm2, v22, v21  }
0x197: {  	s22 =	simm.s32 $0x60;
	v15 =	vsel vm1, v24, v15;
	v22 =	vmul.f32 v23, v14;
	v23 =	vmul.f32 v21, v9  }
0x198: {  	v27 =	vld [tilespmem:s22+$0xA000];
	vm0 =	vmmov vm0;
	vm2 =	vge.f32 v19, $2.000000000e+00;
	v25 =	vmul.f32 v15, v12  }
0x199: {  	v24 =	vld [tilespmem:s22+$0xA280];
	v18 =	vsel vm2, v18, v11;
	vm1 =	vge.f32 v22, $2.000000000e+00;
	v22 =	vmul.f32 v23, v21  }
0x19a: {  	v14 =	vsel vm1, v26, v14;
	v23 =	vmul.f32 v25, v15;
	v25 =	vmul.f32 $5.000000000e-01, v21  }
0x19b: {  	v26 =	vmul.f32 $5.000000000e-01, v15;
	vm1 =	vge.f32 v22, $2.000000000e+00;
	v22 =	vmul.f32 v14, v10  }
0x19c: {  	v3 =	vmul.f32 $5.000000000e-01, v9;
	v5 =	vmul.f32 v18, v5;
	vm3 =	vge.f32 v23, $2.000000000e+00  }
0x19d: {  	v19 =	vsel vm1, v25, v21;
	v15 =	vsel vm3, v26, v15;
	v21 =	vmul.f32 v22, v14  }
0x19e: {  	v26 =	vmul.f32 v5, v18;
	v22 =	vadd.f32 v24, v27;
	v24 =	vmul.f32 $5.000000000e-01, v14  }
0x19f: {  	v23 =	vmul.f32 v19, v9;
	v25 =	vmul.f32 v15, v12;
	vm1 =	vge.f32 v21, $2.000000000e+00  }
0x1a0: {  	v11 =	vmax.f32 v22, $1.000000000e+00;
	v21 =	vmul.f32 $5.000000000e-01, v17;
	v14 =	vsel vm1, v24, v14  }
0x1a1: {  	v23 =	vmul.f32 v23, v19;
	vm1 =	vge.f32 v11, $2.000000000e+00;
	v22 =	vmul.f32 v14, v10  }
0x1a2: {  	v24 =	vsel vm1, $0x3F000000, v0;
	vm1 =	vge.f32 v16, $2.000000000e+00;
	v16 =	vmul.f32 v25, v15  }
0x1a3: {  	v21 =	vsel vm0, v21, v17;
	v17 =	vmul.f32 $5.000000000e-01, v14;
	v25 =	vmul.f32 v24, v11  }
0x1a4: {  	vm2 =	vge.f32 v23, $2.000000000e+00;
	v23 =	vmul.f32 $5.000000000e-01, v18;
	v5 =	vmul.f32 v22, v14  }
0x1a5: {  	v27 =	vmul.f32 $5.000000000e-01, v24;
	v22 =	vmul.f32 v25, v24  }
0x1a6: {  	v28 =	vmul.f32 $5.000000000e-01, v21;
	v25 =	vmul.f32 v21, v7;
	vm0 =	vge.f32 v5, $2.000000000e+00  }
0x1a7: {  	v5 =	vmul.f32 $5.000000000e-01, v11;
	v14 =	vsel vm0, v17, v14;
	vm0 =	vge.f32 v22, $2.000000000e+00  }
0x1a8: {  	s3 =	simm.s32 $0x70;
	v25 =	vmul.f32 v25, v21;
	v17 =	vmul.f32 v14, v10;
	v22 =	vsel vm0, v27, v24  }
0x1a9: {  	v29 =	vld [tilespmem:s3+$0xA000];
	vm0 =	vmmov vm1;
	vm1 =	vge.f32 v26, $2.000000000e+00;
	v24 =	vmul.f32 v22, v11  }
0x1aa: {  	v26 =	vmul.f32 $5.000000000e-01, v19;
	v18 =	vsel vm1, v23, v18;
	v23 =	vld [tilespmem:s3+$0xA280];
	v17 =	vmul.f32 v17, v14  }
0x1ab: {  	v27 =	vmul.f32 $5.000000000e-01, v14;
	vm0 =	vmmov vm0;
	v24 =	vmul.f32 v24, v22  }
0x1ac: {  	v19 =	vsel vm2, v26, v19;
	v26 =	vmul.f32 $5.000000000e-01, v22;
	vm2 =	vge.f32 v17, $2.000000000e+00  }
0x1ad: {  	vm1 =	vge.f32 v24, $2.000000000e+00;
	v24 =	vmul.f32 v19, v9;
	v17 =	vsel vm2, v27, v14  }
0x1ae: {  	v27 =	vmul.f32 $5.000000000e-01, v19;
	v22 =	vsel vm1, v26, v22;
	v26 =	vmul.f32 v18, v8  }
0x1af: {  	vm1 =	vge.f32 v25, $2.000000000e+00;
	v23 =	vadd.f32 v23, v29;
	v14 =	vmul.f32 v24, v19  }
0x1b0: {  	v25 =	vmul.f32 v22, v11;
	v21 =	vsel vm1, v28, v21;
	v24 =	vmul.f32 v26, v18  }
0x1b1: {  	v28 =	vmul.f32 $5.000000000e-01, v20;
	v26 =	vmul.f32 v17, v10;
	vm1 =	vge.f32 v14, $2.000000000e+00  }
0x1b2: {  	v7 =	vmul.f32 v21, v7;
	v14 =	vsub.f32 $1.500000000e+00, v24;
	v19 =	vsel vm1, v27, v19  }
0x1b3: {  	v20 =	vsel vm0, v28, v20;
	v24 =	vmul.f32 v26, v17;
	v26 =	vmul.f32 v19, v9  }
0x1b4: {  	v25 =	vmul.f32 v25, v22;
	v18 =	vmul.f32 v14, v18;
	v14 =	vmax.f32 v23, $1.000000000e+00  }
0x1b5: {  	v27 =	vmul.f32 v7, v21;
	v23 =	vmul.f32 v26, v19;
	vm0 =	vge.f32 v14, $2.000000000e+00  }
0x1b6: {  	v29 =	vmul.f32 v20, v13;
	v26 =	vmul.f32 v18, v8;
	v28 =	vsel vm0, $0x3F000000, v0  }
0x1b7: {  	v7 =	vmul.f32 $5.000000000e-01, v19;
	vm0 =	vge.f32 v23, $2.000000000e+00;
	v23 =	vmul.f32 v28, v14  }
0x1b8: {  	v30 =	vmul.f32 $5.000000000e-01, v20;
	v26 =	vmul.f32 v26, v18  }
0x1b9: {  	v31 =	vmul.f32 $5.000000000e-01, v28;
	v19 =	vsel vm0, v7, v19;
	v23 =	vmul.f32 v23, v28  }
0x1ba: {  	vm0 =	vge.f32 v16, $2.000000000e+00;
	v16 =	vmul.f32 v19, v9;
	v26 =	vsub.f32 $1.500000000e+00, v26  }
0x1bb: {  	v7 =	vmul.f32 $5.000000000e-01, v14;
	v58 =	vmul.f32 $5.000000000e-01, v19;
	vm1 =	vge.f32 v23, $2.000000000e+00  }
0x1bc: {  	v16 =	vmul.f32 v16, v19;
	v18 =	vmul.f32 v26, v18;
	v26 =	vsel vm1, v31, v28  }
0x1bd: {  	vm1 =	vmmov vm0;
	vm0 =	vge.f32 v27, $2.000000000e+00;
	v27 =	vmul.f32 $5.000000000e-01, v22  }
0x1be: {  	vm2 =	vge.f32 v25, $2.000000000e+00;
	v23 =	vmul.f32 v29, v20;
	v28 =	vmul.f32 v26, v14  }
0x1bf: {  	v29 =	vmul.f32 v18, v8;
	v22 =	vsel vm2, v27, v22;
	vm2 =	vge.f32 v16, $2.000000000e+00  }
0x1c0: {  	v27 =	vmul.f32 $5.000000000e-01, v21;
	v25 =	vmul.f32 v28, v26;
	v16 =	vsel vm2, v58, v19  }
0x1c1: {  	vm2 =	vge.f32 v23, $2.000000000e+00;
	v28 =	vmul.f32 v29, v18;
	v29 =	vmul.f32 $5.000000000e-01, v26  }
0x1c2: {  	v21 =	vsel vm0, v27, v21;
	v27 =	vmul.f32 v22, v11;
	vm0 =	vge.f32 v24, $2.000000000e+00  }
0x1c3: {  	s19 =	simm.s32 $0x80;
	v24 =	vmul.f32 v16, v9;
	vm3 =	vge.f32 v25, $2.000000000e+00;
	v25 =	vsub.f32 $1.500000000e+00, v28  }
0x1c4: {  	v20 =	vsel vm2, v30, v20;
	v30 =	vmul.f32 $5.000000000e-01, v22;
	v26 =	vsel vm3, v29, v26;
	v29 =	vld [tilespmem:s19+$0xA000]  }
0x1c5: {  	v28 =	vmul.f32 v21, v6;
	v18 =	vmul.f32 v25, v18;
	v25 =	vld [tilespmem:s19+$0xA280]  }
0x1c6: {  	v13 =	vmul.f32 v20, v13;
	v23 =	vmul.f32 v27, v22  }
0x1c7: {  	vm1 =	vmmov vm1;
	v61 =	vmul.f32 $5.000000000e-01, v20;
	v28 =	vmul.f32 v28, v21  }
0x1c8: {  	v27 =	vmul.f32 $5.000000000e-01, v15;
	v19 =	vmul.f32 v26, v14;
	vm2 =	vge.f32 v23, $2.000000000e+00  }
0x1c9: {  	v23 =	vmul.f32 v24, v16;
	v22 =	vsel vm2, v30, v22;
	v24 =	vsub.f32 $1.500000000e+00, v28  }
0x1ca: {  	v27 =	vsel vm1, v27, v15;
	v28 =	vmul.f32 v22, v11;
	v25 =	vadd.f32 v25, v29  }
0x1cb: {  	v31 =	vmul.f32 $5.000000000e-01, v27;
	v21 =	vmul.f32 v24, v21  }
0x1cc: {  	v29 =	vmul.f32 v13, v20;
	v13 =	vmul.f32 v28, v22;
	v15 =	vmax.f32 v25, $1.000000000e+00  }
0x1cd: {  	v28 =	vmul.f32 v21, v6;
	v25 =	vmul.f32 $5.000000000e-01, v22;
	vm1 =	vge.f32 v15, $2.000000000e+00  }
0x1ce: {  	v19 =	vmul.f32 v19, v26;
	vm2 =	vge.f32 v13, $2.000000000e+00;
	v59 =	vsel vm1, $0x3F000000, v0  }
0x1cf: {  	v28 =	vmul.f32 v28, v21;
	v22 =	vsel vm2, v25, v22;
	v25 =	vmul.f32 v59, v15  }
0x1d0: {  	v30 =	vmul.f32 v18, v8;
	v24 =	vmul.f32 v27, v12;
	vm1 =	vmmov vm0  }
0x1d1: {  	vm0 =	vge.f32 v23, $2.000000000e+00;
	v23 =	vmul.f32 v25, v59;
	v25 =	vsub.f32 $1.500000000e+00, v28  }
0x1d2: {  	v13 =	vmul.f32 $5.000000000e-01, v15;
	vm2 =	vge.f32 v29, $2.000000000e+00;
	v29 =	vmul.f32 $5.000000000e-01, v59  }
0x1d3: {  	v60 =	vmul.f32 v22, v11;
	vm3 =	vge.f32 v23, $2.000000000e+00;
	v25 =	vmul.f32 v25, v21  }
0x1d4: {  	v21 =	vmul.f32 v24, v27;
	v23 =	vmul.f32 $5.000000000e-01, v26;
	v29 =	vsel vm3, v29, v59  }
0x1d5: {  	vm3 =	vge.f32 v19, $2.000000000e+00;
	v24 =	vmul.f32 v29, v15;
	v19 =	vmul.f32 v25, v6  }
0x1d6: {  	v28 =	vmul.f32 $5.000000000e-01, v22;
	v23 =	vsel vm3, v23, v26;
	v26 =	vmul.f32 v60, v22  }
0x1d7: {  	vm3 =	vge.f32 v21, $2.000000000e+00;
	v62 =	vmul.f32 v24, v29;
	v19 =	vmul.f32 v19, v25  }
0x1d8: {  	v21 =	vmul.f32 $5.000000000e-01, v29;
	vm4 =	vge.f32 v26, $2.000000000e+00;
	v24 =	vsel vm2, v61, v20  }
0x1d9: {  	v26 =	vmul.f32 v23, v14;
	vm2 =	vge.f32 v62, $2.000000000e+00;
	v63 =	vsub.f32 $1.500000000e+00, v19  }
0x1da: {  	v19 =	vsel vm4, v28, v22;
	v21 =	vsel vm2, v21, v29;
	v29 =	vmul.f32 v30, v18  }
0x1db: {  	v20 =	vsel vm3, v31, v27;
	v28 =	vmul.f32 v24, v4;
	v27 =	vmul.f32 v19, v11  }
0x1dc: {  	s21 =	simm.s32 $0x240;
	v22 =	vmul.f32 v21, v15;
	v25 =	vmul.f32 v63, v25;
	v29 =	vsub.f32 $1.500000000e+00, v29  }
.LBB2_4:
0x1dd: {  	s4 =	sshra.s32 s21, $0x2;
	p2 =	sne.s32 s21, $0x9C0;
	s21 =	sadd.s32 $0x40, s21;
	v26 =	vmul.f32 v26, v23;
	v30 =	vmul.f32 $5.000000000e-01, v17;
	vm2 =	vmmov vm1  }
0x1de: {  	v32 =	vmul.f32 $5.000000000e-01, v23;
	vm1 =	vmmov vm0;
	v31 =	vld [tilespmem:s4+$0xA280];
	v29 =	vmul.f32 v29, v18;
	v18 =	vmovc v25  }
0x1df: {  	v25 =	vld [tilespmem:s4+$0xA000];
	vm0 =	vge.f32 v26, $2.000000000e+00;
	v26 =	vmul.f32 v27, v19;
	v27 =	vmul.f32 v28, v24  }
0x1e0: {  	v28 =	vmul.f32 v20, v12;
	v12 =	vmovc v10;
	v23 =	vsel vm0, v32, v23;
	v32 =	vmul.f32 v29, v8  }
0x1e1: {  	v34 =	vmul.f32 v18, v6;
	v10 =	vmovc v9;
	v9 =	vmovc v11;
	v11 =	vmov v14;
	v33 =	vmul.f32 v23, v14  }
0x1e2: {  	v30 =	vsel vm2, v30, v17;
	v28 =	vmul.f32 v28, v20;
	v14 =	vmovc v15;
	v32 =	vmul.f32 v32, v29  }
0x1e3: {  	v17 =	vmovc v16;
	v16 =	vmovc v19;
	v27 =	vsub.f32 $1.500000000e+00, v27;
	v15 =	vmul.f32 v33, v23;
	v33 =	vmul.f32 v30, v12  }
0x1e4: {  	v19 =	vadd.f32 v31, v25;
	v25 =	vmul.f32 $5.000000000e-01, v23;
	v31 =	vsub.f32 $1.500000000e+00, v32  }
0x1e5: {  	v24 =	vmul.f32 v27, v24;
	v32 =	vmul.f32 $5.000000000e-01, v30;
	vm0 =	vge.f32 v15, $2.000000000e+00  }
0x1e6: {  	v15 =	vmax.f32 v19, $1.000000000e+00;
	v19 =	vsel vm0, v25, v23;
	v23 =	vmul.f32 v31, v29  }
0x1e7: {  	v27 =	vmul.f32 v24, v4;
	vm0 =	vge.f32 v15, $2.000000000e+00;
	v25 =	vmul.f32 $5.000000000e-01, v15  }
0x1e8: {  	v31 =	vmul.f32 v19, v11;
	v29 =	vsel vm0, $0x3F000000, v0;
	v35 =	vmul.f32 v23, v8;
	v8 =	vmovc v6;
	v6 =	vmovc v4  }
0x1e9: {  	vm0 =	vge.f32 v26, $2.000000000e+00;
	v26 =	vmul.f32 v27, v24;
	v4 =	vmovc v1;
	v1 =	vmovc v2;
	v36 =	vmul.f32 v29, v15  }
0x1ea: {  	v27 =	vmul.f32 $5.000000000e-01, v19;
	v2 =	vmovc v3;
	v3 =	vmovc v5;
	v5 =	vmov v7;
	v35 =	vmul.f32 v35, v23  }
0x1eb: {  	vm2 =	vge.f32 v28, $2.000000000e+00;
	v7 =	vmovc v13;
	v13 =	vmovc v25;
	v26 =	vsub.f32 $1.500000000e+00, v26;
	v36 =	vmul.f32 v36, v29  }
0x1ec: {  	v28 =	vmul.f32 v33, v30;
	v25 =	vmul.f32 $5.000000000e-01, v29;
	v33 =	vsub.f32 $1.500000000e+00, v35  }
0x1ed: {  	v22 =	vmul.f32 v22, v21;
	v35 =	vmul.f32 v26, v24;
	vm3 =	vge.f32 v36, $2.000000000e+00  }
0x1ee: {  	v24 =	vmul.f32 $5.000000000e-01, v21;
	v25 =	vsel vm3, v25, v29;
	v26 =	vmul.f32 v33, v23  }
0x1ef: {  	vm3 =	vge.f32 v22, $2.000000000e+00;
	v22 =	vmul.f32 v35, v6;
	v29 =	vmul.f32 v25, v15  }
0x1f0: {  	v23 =	vsel vm3, v24, v21;
	v21 =	vmul.f32 v31, v19;
	v24 =	vmul.f32 $5.000000000e-01, v20;
	[tilespmem:s26+$0xA780] =	vst v26;
	s26 =	smov.u32 s28;
	s28 =	smov.u32 s29;
	s29 =	smov.u32 s30  }
0x1f1: {  	vm3 =	vge.f32 v28, $2.000000000e+00;
	v22 =	vmul.f32 v22, v35;
	s30 =	smov.u32 s31;
	s31 =	smov.u32 s0;
	s0 =	smov.u32 s22;
	v26 =	vmul.f32 v29, v25  }
.Ltmp1:
0x1f2: {  	v28 =	vmul.f32 $5.000000000e-01, v25;
	s22 =	smov.u32 s3;
	s3 =	smov.u32 s19;
	vm4 =	vge.f32 v21, $2.000000000e+00;
	v24 =	vsel vm2, v24, v20;
	(pc) =	sbr.rel @p2 .LBB2_4-.Ltmp1, $4  }
0x1f3: {  	s19 =	smov.u32 s4;
	v29 =	vsub.f32 $1.500000000e+00, v22;
	vm2 =	vge.f32 v26, $2.000000000e+00;
	v26 =	vmul.f32 v23, v14  }
0x1f4: {  	v31 =	vmul.f32 v34, v18;
	v19 =	vsel vm4, v27, v19;
	v21 =	vsel vm2, v28, v25  }
0x1f5: {  	v20 =	vsel vm3, v32, v30;
	v25 =	vmul.f32 v29, v35;
	v22 =	vmul.f32 v21, v15  }
0x1f6: {  	v27 =	vmul.f32 v19, v11;
	v28 =	vmul.f32 v24, v4;
	v29 =	vsub.f32 $1.500000000e+00, v31  }
0x1f7: {  	v26 =	vmul.f32 v26, v23;
	v30 =	vmul.f32 $5.000000000e-01, v23  }
0x1f8: {  	v63 =	vmul.f32 $5.000000000e-01, v17;
	v12 =	vmul.f32 v20, v12  }
0x1f9: {  	v31 =	vmul.f32 v25, v6;
	v22 =	vmul.f32 v22, v21  }
0x1fa: {  	vm1 =	vmmov vm1;
	v42 =	vmul.f32 $5.000000000e-01, v20;
	v48 =	vmul.f32 $5.000000000e-01, v16  }
0x1fb: {  	vm0 =	vmmov vm0;
	v28 =	vmul.f32 v28, v24;
	v18 =	vmul.f32 v29, v18  }
0x1fc: {  	v27 =	vmul.f32 v27, v19;
	vm0 =	vmmov vm0;
	vm2 =	vge.f32 v26, $2.000000000e+00  }
0x1fd: {  	v17 =	vsel vm1, v63, v17;
	v12 =	vmul.f32 v12, v20;
	v41 =	vmul.f32 v31, v25  }
0x1fe: {  	vm10 =	vge.f32 v22, $2.000000000e+00;
	v16 =	vsel vm0, v48, v16;
	v29 =	vmul.f32 v18, v8  }
0x1ff: {  	v28 =	vsub.f32 $1.500000000e+00, v28;
	v37 =	vmul.f32 v17, v10;
	v39 =	vmul.f32 $5.000000000e-01, v17  }
0x200: {  	v23 =	vsel vm2, v30, v23;
	v57 =	vmul.f32 v16, v9;
	v58 =	vmul.f32 $5.000000000e-01, v16  }
0x201: {  	vm4 =	vge.f32 v27, $2.000000000e+00;
	v30 =	vmul.f32 v23, v14;
	v62 =	vmul.f32 v28, v24  }
0x202: {  	v36 =	vmul.f32 $5.000000000e-01, v23;
	vm9 =	vge.f32 v12, $2.000000000e+00;
	v33 =	vmul.f32 v29, v18  }
0x203: {  	v12 =	vsub.f32 $1.500000000e+00, v41;
	v61 =	vmul.f32 v57, v16;
	v34 =	vmul.f32 v62, v4  }
0x204: {  	v35 =	vmul.f32 v30, v23;
	v30 =	vmul.f32 v37, v17;
	v26 =	vsub.f32 $1.500000000e+00, v33  }
0x205: {  	vm0 =	vmmov vm4;
	v12 =	vmul.f32 v12, v25;
	v29 =	vmul.f32 v34, v62  }
0x206: {  	vm0 =	vmmov vm0;
	v33 =	vmul.f32 $5.000000000e-01, v21;
	v18 =	vmul.f32 v26, v18  }
0x207: {  	vm5 =	vge.f32 v61, $2.000000000e+00;
	vm8 =	vge.f32 v35, $2.000000000e+00;
	v29 =	vsub.f32 $1.500000000e+00, v29  }
0x208: {  	vm11 =	vge.f32 v30, $2.000000000e+00;
	v47 =	vmul.f32 v12, v6;
	v38 =	vmul.f32 v18, v8  }
0x209: {  	v16 =	vsel vm5, v58, v16;
	v35 =	vmul.f32 $5.000000000e-01, v19;
	v24 =	vmul.f32 v29, v62  }
0x20a: {  	v23 =	vsel vm8, v36, v23;
	v36 =	vmul.f32 v16, v9;
	v8 =	vmul.f32 v38, v18  }
0x20b: {  	v21 =	vsel vm10, v33, v21;
	v26 =	vmul.f32 v23, v14;
	v32 =	vmul.f32 v24, v4  }
0x20c: {  	v40 =	vmul.f32 $5.000000000e-01, v23;
	v44 =	vmul.f32 v21, v15;
	v8 =	vsub.f32 $1.500000000e+00, v8  }
0x20d: {  	v17 =	vsel vm11, v39, v17;
	v46 =	vmul.f32 $5.000000000e-01, v21;
	v32 =	vmul.f32 v32, v24  }
0x20e: {  	v49 =	vmul.f32 v47, v12;
	v8 =	vmul.f32 v8, v18;
	v18 =	vsel vm9, v42, v20  }
0x20f: {  	v26 =	vmul.f32 v26, v23;
	v45 =	vmul.f32 v18, v1;
	v43 =	vsub.f32 $1.500000000e+00, v32  }
0x210: {  	v52 =	vmul.f32 v17, v10;
	v60 =	vmul.f32 $5.000000000e-01, v17;
	v19 =	vsel vm0, v35, v19  }
0x211: {  	vm12 =	vge.f32 v26, $2.000000000e+00;
	v22 =	vmul.f32 v43, v24;
	v24 =	vmul.f32 v45, v18  }
0x212: {  	v9 =	vmul.f32 v36, v16;
	v23 =	vsel vm12, v40, v23;
	v20 =	vmul.f32 v44, v21  }
0x213: {  	v39 =	vmul.f32 $5.000000000e-01, v19;
	v29 =	vmul.f32 v23, v14;
	v24 =	vsub.f32 $1.500000000e+00, v24  }
0x214: {  	v10 =	vmul.f32 v52, v17;
	v41 =	vmul.f32 $5.000000000e-01, v23;
	vm13 =	vge.f32 v20, $2.000000000e+00  }
0x215: {  	v50 =	vmul.f32 v29, v23;
	v20 =	vsel vm13, v46, v21;
	v18 =	vmul.f32 v24, v18  }
0x216: {  	v21 =	vsub.f32 $1.500000000e+00, v49;
	v51 =	vmul.f32 v20, v15;
	v55 =	vmul.f32 $5.000000000e-01, v20  }
0x217: {  	vm15 =	vge.f32 v10, $2.000000000e+00;
	v43 =	vmul.f32 $5.000000000e-01, v16;
	v54 =	vmul.f32 v18, v1  }
0x218: {  	vm9 =	vge.f32 v9, $2.000000000e+00;
	v12 =	vmul.f32 v21, v12;
	v53 =	vmul.f32 v22, v4  }
0x219: {  	v26 =	vmul.f32 v51, v20;
	v16 =	vsel vm9, v43, v16;
	v21 =	vmul.f32 v54, v18  }
0x21a: {  	v17 =	vsel vm15, v60, v17;
	v56 =	vmul.f32 v12, v6;
	v49 =	vmul.f32 v16, v3  }
0x21b: {  	vm14 =	vge.f32 v26, $2.000000000e+00;
	v24 =	vmul.f32 v53, v22;
	v21 =	vsub.f32 $1.500000000e+00, v21  }
0x21c: {  	v20 =	vsel vm14, v55, v20;
	v6 =	vmul.f32 v56, v12;
	v52 =	vmul.f32 v49, v16  }
0x21d: {  	v28 =	vmul.f32 v20, v15;
	v24 =	vsub.f32 $1.500000000e+00, v24;
	v18 =	vmul.f32 v21, v18  }
0x21e: {  	v59 =	vmul.f32 $5.000000000e-01, v20;
	v21 =	vmul.f32 v17, v2  }
0x21f: {  	v6 =	vsub.f32 $1.500000000e+00, v6;
	v22 =	vmul.f32 v24, v22;
	v62 =	vmul.f32 v18, v1  }
0x220: {  	v63 =	vmul.f32 v28, v20;
	v21 =	vmul.f32 v21, v17  }
0x221: {  	v6 =	vmul.f32 v6, v12;
	v12 =	vmul.f32 v62, v18  }
0x222: {  	v24 =	vmul.f32 v19, v11;
	vm6 =	vge.f32 v63, $2.000000000e+00;
	v21 =	vsub.f32 $1.500000000e+00, v21  }
0x223: {  	v28 =	vmul.f32 v22, v4;
	v32 =	vsel vm6, v59, v20;
	v31 =	vsub.f32 $1.500000000e+00, v12  }
0x224: {  	v34 =	vmul.f32 v32, v15;
	v17 =	vmul.f32 v21, v17  }
0x225: {  	vm7 =	vge.f32 v50, $2.000000000e+00;
	v24 =	vmul.f32 v24, v19;
	v10 =	vmul.f32 v31, v18  }
0x226: {  	vm1 =	vmmov vm7;
	v18 =	vmul.f32 v34, v32;
	v21 =	vmul.f32 v17, v2  }
0x227: {  	vm1 =	vmmov vm1;
	v33 =	vmul.f32 v28, v22;
	v42 =	vmul.f32 $5.000000000e-01, v32  }
0x228: {  	vm10 =	vge.f32 v24, $2.000000000e+00;
	v21 =	vmul.f32 v21, v17;
	vm8 =	vge.f32 v18, $2.000000000e+00  }
0x229: {  	v19 =	vsel vm10, v39, v19;
	v20 =	vsub.f32 $1.500000000e+00, v33;
	vm0 =	vmmov vm8  }
0x22a: {  	v40 =	vsub.f32 $1.500000000e+00, v21;
	v21 =	vsel vm1, v41, v23;
	vm0 =	vmmov vm0  }
0x22b: {  	v51 =	vmul.f32 v19, v11;
	v44 =	vmul.f32 v21, v14;
	v12 =	vsel vm0, v42, v32  }
0x22c: {  	v20 =	vmul.f32 v20, v22;
	v46 =	vmul.f32 v12, v15  }
0x22d: {  	v48 =	vmul.f32 $5.000000000e-01, v21;
	v47 =	vmul.f32 v44, v21  }
0x22e: {  	v45 =	vmul.f32 v40, v17;
	v17 =	vmul.f32 v46, v12  }
0x22f: {  	v55 =	vmul.f32 $5.000000000e-01, v19;
	v50 =	vmul.f32 $5.000000000e-01, v12;
	vm11 =	vge.f32 v47, $2.000000000e+00  }
0x230: {  	v38 =	vmul.f32 v20, v4;
	v21 =	vsel vm11, v48, v21;
	vm12 =	vge.f32 v17, $2.000000000e+00  }
0x231: {  	v11 =	vmul.f32 v51, v19;
	v53 =	vmul.f32 v21, v14;
	v12 =	vsel vm12, v50, v12  }
0x232: {  	v4 =	vmul.f32 v38, v20;
	v54 =	vmul.f32 v12, v15  }
0x233: {  	vm13 =	vge.f32 v11, $2.000000000e+00;
	v37 =	vmul.f32 v10, v1;
	v14 =	vmul.f32 v53, v21  }
0x234: {  	v18 =	vsel vm13, v55, v19;
	v56 =	vmul.f32 $5.000000000e-01, v21;
	v15 =	vmul.f32 v54, v12  }
0x235: {  	v17 =	vsub.f32 $1.500000000e+00, v52;
	v57 =	vmul.f32 $5.000000000e-01, v12;
	vm14 =	vge.f32 v14, $2.000000000e+00  }
0x236: {  	v19 =	vmul.f32 v18, v5;
	v11 =	vsel vm14, v56, v21;
	vm15 =	vge.f32 v15, $2.000000000e+00  }
0x237: {  	v58 =	vmul.f32 v17, v16;
	v59 =	vmul.f32 v11, v7;
	v12 =	vsel vm15, v57, v12  }
0x238: {  	v4 =	vsub.f32 $1.500000000e+00, v4;
	v60 =	vmul.f32 v19, v18;
	v61 =	vmul.f32 v12, v13  }
0x239: {  	v62 =	vmul.f32 v58, v3;
	v16 =	vmul.f32 v59, v11  }
0x23a: {  	v4 =	vmul.f32 v4, v20;
	v14 =	vsub.f32 $1.500000000e+00, v60;
	v17 =	vmul.f32 v61, v12  }
0x23b: {  	v63 =	vmul.f32 v45, v2;
	v19 =	vmul.f32 v62, v58;
	v16 =	vsub.f32 $1.500000000e+00, v16  }
0x23c: {  	v25 =	vmul.f32 v37, v10;
	v14 =	vmul.f32 v14, v18;
	v17 =	vsub.f32 $1.500000000e+00, v17  }
0x23d: {  	v24 =	vmul.f32 v63, v45;
	v19 =	vsub.f32 $1.500000000e+00, v19;
	v11 =	vmul.f32 v16, v11  }
0x23e: {  	v26 =	vmul.f32 v14, v5;
	v12 =	vmul.f32 v17, v12  }
0x23f: {  	v27 =	vsub.f32 $1.500000000e+00, v24;
	v15 =	vmul.f32 v19, v58;
	v28 =	vmul.f32 v11, v7  }
0x240: {  	v16 =	vmul.f32 v26, v14;
	v29 =	vmul.f32 v12, v13  }
0x241: {  	v30 =	vsub.f32 $1.500000000e+00, v25;
	v9 =	vmul.f32 v27, v45;
	v31 =	vmul.f32 v28, v11  }
0x242: {  	v32 =	vmul.f32 v15, v3;
	v16 =	vsub.f32 $1.500000000e+00, v16;
	v20 =	vmul.f32 v29, v12  }
0x243: {  	v10 =	vmul.f32 v30, v10;
	v33 =	vmul.f32 v9, v2;
	v18 =	vsub.f32 $1.500000000e+00, v31  }
0x244: {  	v19 =	vmul.f32 v32, v15;
	v14 =	vmul.f32 v16, v14;
	v34 =	vsub.f32 $1.500000000e+00, v20  }
0x245: {  	v17 =	vmul.f32 v33, v9;
	v11 =	vmul.f32 v18, v11  }
0x246: {  	v35 =	vmul.f32 v14, v5;
	v12 =	vmul.f32 v34, v12  }
0x247: {  	v36 =	vmul.f32 v10, v1;
	v17 =	vsub.f32 $1.500000000e+00, v17;
	v37 =	vmul.f32 v11, v7  }
0x248: {  	v19 =	vsub.f32 $1.500000000e+00, v19;
	v18 =	vmul.f32 v35, v14;
	v38 =	vmul.f32 v12, v13  }
0x249: {  	v9 =	vmul.f32 v17, v9;
	v39 =	vmul.f32 v37, v11  }
0x24a: {  	v15 =	vmul.f32 v19, v15;
	v18 =	vsub.f32 $1.500000000e+00, v18;
	v40 =	vmul.f32 v38, v12  }
0x24b: {  	v16 =	vmul.f32 v36, v10;
	v41 =	vmul.f32 v9, v2;
	v17 =	vsub.f32 $1.500000000e+00, v39  }
0x24c: {  	v42 =	vmul.f32 v15, v3;
	v14 =	vmul.f32 v18, v14;
	v43 =	vsub.f32 $1.500000000e+00, v40  }
0x24d: {  	v44 =	vmul.f32 v41, v9;
	v11 =	vmul.f32 v17, v11  }
0x24e: {  	v45 =	vmul.f32 v14, v5;
	v12 =	vmul.f32 v43, v12  }
0x24f: {  	v46 =	vmul.f32 v42, v15;
	v47 =	vmul.f32 v11, v7  }
0x250: {  	v17 =	vmul.f32 v45, v14;
	v48 =	vmul.f32 v12, v13  }
0x251: {  	v16 =	vsub.f32 $1.500000000e+00, v16;
	v18 =	vsub.f32 $1.500000000e+00, v46;
	v20 =	vmul.f32 v47, v11  }
0x252: {  	v19 =	vsub.f32 $1.500000000e+00, v44;
	v17 =	vsub.f32 $1.500000000e+00, v17;
	v21 =	vmul.f32 v48, v12  }
0x253: {  	v10 =	vmul.f32 v16, v10;
	v15 =	vmul.f32 v18, v15;
	v49 =	vsub.f32 $1.500000000e+00, v20  }
0x254: {  	v9 =	vmul.f32 v19, v9;
	v14 =	vmul.f32 v17, v14;
	v50 =	vsub.f32 $1.500000000e+00, v21  }
0x255: {  	v18 =	vmul.f32 v15, v3;
	v11 =	vmul.f32 v49, v11  }
0x256: {  	v51 =	vmul.f32 v14, v5;
	v12 =	vmul.f32 v50, v12  }
0x257: {  	v52 =	vmul.f32 v18, v15;
	v53 =	vmul.f32 v11, v7  }
0x258: {  	v16 =	vmul.f32 v51, v14;
	v54 =	vmul.f32 v12, v13  }
0x259: {  	v1 =	vmul.f32 v10, v1;
	v17 =	vsub.f32 $1.500000000e+00, v52;
	v18 =	vmul.f32 v53, v11  }
0x25a: {  	v2 =	vmul.f32 v9, v2;
	v16 =	vsub.f32 $1.500000000e+00, v16;
	v19 =	vmul.f32 v54, v12  }
0x25b: {  	v1 =	vmul.f32 v1, v10;
	v15 =	vmul.f32 v17, v15;
	v55 =	vsub.f32 $1.500000000e+00, v18  }
0x25c: {  	v2 =	vmul.f32 v2, v9;
	v14 =	vmul.f32 v16, v14;
	v56 =	vsub.f32 $1.500000000e+00, v19  }
0x25d: {  	v3 =	vmul.f32 v15, v3;
	v11 =	vmul.f32 v55, v11  }
0x25e: {  	v57 =	vmul.f32 v14, v5;
	v12 =	vmul.f32 v56, v12  }
0x25f: {  	v1 =	vsub.f32 $1.500000000e+00, v1;
	v3 =	vmul.f32 v3, v15;
	v58 =	vmul.f32 v11, v7  }
0x260: {  	[tilespmem:s26+$0xA780] =	vst v8;
	v2 =	vsub.f32 $1.500000000e+00, v2;
	v5 =	vmul.f32 v57, v14;
	v59 =	vmul.f32 v12, v13  }
0x261: {  	[tilespmem:s28+$0xA780] =	vst v6;
	v1 =	vmul.f32 v1, v10;
	v3 =	vsub.f32 $1.500000000e+00, v3;
	v60 =	vmul.f32 v58, v11  }
0x262: {  	[tilespmem:s29+$0xA780] =	vst v4;
	v2 =	vmul.f32 v2, v9;
	v61 =	vsub.f32 $1.500000000e+00, v5;
	v62 =	vmul.f32 v59, v12  }
0x263: {  	[tilespmem:s30+$0xA780] =	vst v1;
	v1 =	vmul.f32 v3, v15;
	v3 =	vsub.f32 $1.500000000e+00, v60  }
0x264: {  	[tilespmem:s31+$0xA780] =	vst v2;
	v2 =	vmul.f32 v61, v14;
	v63 =	vsub.f32 $1.500000000e+00, v62  }
0x265: {  	[tilespmem:s0+$0xA780] =	vst v1;
	v1 =	vmul.f32 v3, v11  }
0x266: {  	[tilespmem:s22+$0xA780] =	vst v2;
	v2 =	vmul.f32 v63, v12  }
0x267: {  	[tilespmem:s3+$0xA780] =	vst v1  }
0x268: {  	s30 =	simm.s32 $0xA780;
	[tilespmem:s19+$0xA780] =	vst v2  }
0x269: {  	[spmem:s10] =	stream.linear.scatter [tilespmem:s30], [sflag:$0x3], $0x280, $0x38;
	[tilespmem:$0xAF00] =	vst v63  }
0x26a: {  	_ =	swait.ge [sflag:s20], $0x280  }
0x26b: {  	[sflag:s20] =	ssyncset.done $0x0  }
0x26c: {  	s0 =	simm.s32 @!p1 $0x0;
	s3 =	simm.s32 @!p1 $0xA500;
	[sflag:s20] =	ssyncadd.s32 $0xFFFFFD80  }
0x26d: {  	[hbm4b:s11+s0] =	stream.linear.scatter @!p1 [tilespmem:s3], [sflag:$0x3], $0x280, $0x38;
	[tilespmem:$0xAF00] =	vst v63  }
0x26e: {  	s3 =	simm.s32 @!p1 $0x3  }
0x26f: {  	_ =	swait.ge @!p1 [sflag:s3], $0x280  }
0x270: {  	[sflag:s3] =	ssyncset.done @!p1 $0x0  }
0x271: {  	s4 =	simm.s32 @!p1 $0xA780;
	[sflag:s3] =	ssyncadd.s32 @!p1 $0xFFFFFD80  }
0x272: {  	[hbm4b:s12+s0] =	stream.linear.scatter @!p1 [tilespmem:s4], [sflag:$0x3], $0x280, $0x38;
	[tilespmem:$0xAF00] =	vst v63  }
0x273: {  	_ =	swait.ge @!p1 [sflag:s3], $0x280  }
0x274: {  	[sflag:s3] =	ssyncset.done @!p1 $0x0  }
0x275: {  	[sflag:s3] =	ssyncadd.s32 @!p1 $0xFFFFFD80  }
0x276: {  	s31 =	simm.s32 $0x0;
	[bflag:$0x0] =	sbarrier.arrive $0xFFFF  }
0x277: {  	[tilespmem:s31], [sflag:$0x3] =	stream.linear.gather [hbm4b:s13+s31], $0x2800, $0x38;
	[tilespmem:$0xAF00] =	vst v63  }
0x278: {  	_ =	swait.ge [sflag:s20], $0x2800  }
0x279: {  	[sflag:s20] =	ssyncset.done $0x0  }
0x27a: {  	p2 =	sne.s32 s5, $0x1;
	s0 =	simm.s32 $0x2800;
	[sflag:s20] =	ssyncadd.s32 $0xFFFFD800  }
0x27b: {  	[tilespmem:s0], [sflag:$0x3] =	stream.linear.gather [hbm4b:s14+s31], $0x2800, $0x38;
	[tilespmem:$0xAF00] =	vst v63  }
.Ltmp2:
0x27c: {  	_ = 	snop;
	(pc) =	sbr.rel @!p2 .LBB2_7-.Ltmp2, $4  }
0x27d: {  	_ =	swait.ge [sflag:s20], $0x2800  }
0x27e: {  	[sflag:s20] =	ssyncset.done $0x0  }
0x27f: {  	s4 =	sadd.s32 $0xFFFFFFFF, s5;
	s3 =	simm.s32 $0x5000;
	[sflag:s20] =	ssyncadd.s32 $0xFFFFD800  }
0x280: {  	[tilespmem:s3], [sflag:$0x1] =	stream.indirect.gather [spmem:s2], $0x1, s0, s17, $0xb8;
	[tilespmem:$0xAF00] =	vst v63  }
.LBB2_6:
0x281: {  	p3 =	sne.s32 s4, $0x1  }
.Ltmp3:
0x282: {  	_ = 	snop;
	(pc) =	sbr.rel @p3 .LBB2_6-.Ltmp3, $4  }
0x283: {  	_ = 	snop  }
0x284: {  	s3 =	sadd.s32 $0x80, s3;
	s0 =	sadd.s32 $0x80, s0  }
0x285: {  	s4 =	sadd.s32 $0xFFFFFFFF, s4  }
0x286: {  	[tilespmem:s3], [sflag:$0x1] =	stream.indirect.gather [spmem:s2], $0x1, s0, s17, $0xb8;
	[tilespmem:$0xAF00] =	vst v63  }
.LBB2_7:
0x287: {  	s0 =	smov.u32 s5  }
.LBB2_8:
0x288: {  	p3 =	sne.s32 s0, $0x1  }
.Ltmp4:
0x289: {  	_ = 	snop;
	(pc) =	sbr.rel @p3 .LBB2_8-.Ltmp4, $4  }
0x28a: {  	_ = 	snop  }
0x28b: {  	_ =	swait.ge [sflag:s23], $0x80  }
0x28c: {  	[sflag:s23] =	ssyncset.done $0x0  }
0x28d: {  	s0 =	sadd.s32 $0xFFFFFFFF, s0;
	[sflag:s23] =	ssyncadd.s32 $0xFFFFFF80  }
.Ltmp5:
0x28e: {  	(pc) =	sbr.rel @!p2 .LBB2_11-.Ltmp5, $3  }
0x28f: {  	_ =	sdelay $0x1  }
0x290: {  	s0 =	simm.s32 $0x5000;
	s3 =	simm.s32 $0x0;
	s4 =	sadd.s32 $0xFFFFFFFF, s5  }
0x291: {  	[spmem:s1] =	stream.indirect.scatter.add.f32 [tilespmem:s0], [sflag:$0x2], $0x1, s3, s17, $0xb8;
	[tilespmem:$0xAF00] =	vst v63  }
.LBB2_10:
0x292: {  	p3 =	sne.s32 s4, $0x1  }
.Ltmp6:
0x293: {  	_ = 	snop;
	(pc) =	sbr.rel @p3 .LBB2_10-.Ltmp6, $4  }
0x294: {  	_ = 	snop  }
0x295: {  	s0 =	sadd.s32 $0x80, s0;
	s3 =	sadd.s32 $0x80, s3  }
0x296: {  	s4 =	sadd.s32 $0xFFFFFFFF, s4  }
0x297: {  	[spmem:s1] =	stream.indirect.scatter.add.f32 [tilespmem:s0], [sflag:$0x2], $0x1, s3, s17, $0xb8;
	[tilespmem:$0xAF00] =	vst v63  }
.LBB2_11:
.Ltmp7:
0x298: {  	(pc) =	sbr.rel @!p2 .LBB2_13-.Ltmp7, $3  }
0x299: {  	_ =	sdelay $0x1  }
0x29a: {  	_ =	swait.ge [sflag:s24], $0x80  }
0x29b: {  	s0 =	sadd.s32 $0xFFFFFFFF, s5;
	[sflag:s24] =	ssyncset.done $0x0  }
.LBB2_12:
0x29c: {  	p2 =	sne.s32 s0, $0x1;
	s0 =	sadd.s32 $0xFFFFFFFF, s0;
	[sflag:s24] =	ssyncadd.s32 $0xFFFFFF80  }
.Ltmp8:
0x29d: {  	(pc) =	sbr.rel @p2 .LBB2_12-.Ltmp8, $3  }
0x29e: {  	_ =	sdelay $0x1  }
0x29f: {  	_ =	swait.ge [sflag:s24], $0x80  }
0x2a0: {  	[sflag:s24] =	ssyncset.done $0x0  }
.LBB2_13:
0x2a1: {  	[sflag:s24] =	ssyncadd.s32 $0xFFFFFF80  }
0x2a2: {  	s0 =	simm.s32 @!p0 $0x7800;
	s3 =	simm.s32 @!p0 $0x3;
	[bflag:$0x0] =	sbarrier.arrive $0xFFFF  }
0x2a3: {  	[tilespmem:s0], [sflag:$0x3] =	stream.linear.gather @!p0 [spmem:s1], $0x2800, $0x38;
	[tilespmem:$0xAF00] =	vst v63  }
0x2a4: {  	s25 =	sadd.s32 $0x1, s25;
	_ =	swait.ge @!p0 [sflag:s3], $0x2800  }
0x2a5: {  	s4 =	simm.s32 @!p0 $0x80;
	p2 =	sne.s32 s25, s16;
	[sflag:s3] =	ssyncset.done @!p0 $0x0  }
.Ltmp9:
0x2a6: {  	s19 =	simm.s32 @!p0 $0x100;
	[sflag:s3] =	ssyncadd.s32 @!p0 $0xFFFFD800;
	(pc) =	sbr.rel @p2 .LBB2_1-.Ltmp9, $4  }
0x2a7: {  	[hbm4b:s15+s4] =	stream.strided.scatter @!p0 [tilespmem:s0], [sflag:$0x3], $0x2800, s19, s4, $0x38;
	[tilespmem:$0xAF00] =	vst v63  }
0x2a8: {  	_ =	swait.ge @!p0 [sflag:s3], $0x2800  }
0x2a9: {  	[sflag:s3] =	ssyncset.done @!p0 $0x0  }
0x2aa: {  	[sflag:s3] =	ssyncadd.s32 @!p0 $0xFFFFD800  }
0x2ab: {  	_ =	sfence.sel $0x180000  }
0x2ac: {  	[bflag:$0x0] =	sbarrier.arrive $0xFFFF  }
0x2ad: {  	_ =	strace $0x9000004A  }
0x2ae: {  	[bflag:$0x2] =	sbarrier.arrive $0xFFFF  }
0x2af: {  	s0 =	rddreg [dreg:$0x3]  }
0x2b0: {  	s0 =	sadd.s32 @!p0 $0x100000, s0  }
0x2b1: {  	[sflag:s0] =	ssyncadd.tile.s32 @!p0 $0x1;
	_ =	shalt  }
.Lfunc_end2:
_tile_overlayer_lowered:
.L_overlay_start_2:
0x2b2: {  	(tag) =	ssettag $0x2  }
0x2b3: {  	s0 =	rddreg [dreg:$0x0];
	s2 =	stileid.u32  }
0x2b4: {  	s1 =	rddreg [dreg:$0x1];
	p0 =	sne.s32 s2, $0x0  }
0x2b5: {  	s3 =	rddreg [dreg:$0x2];
	[bflag:$0x3] =	sbarrier.arrive $0xFFFF;
	s2 =	simm.s32 @!p0 $0x1C03  }
0x2b6: {  	[timem:s3], [sflag:s2] =	dma.local @!p0 [hbm:s0], s1  }
0x2b7: {  	s0 =	simm.s32 @!p0 $0x3  }
0x2b8: {  	_ =	swait.ge @!p0 [sflag:s0], s1  }
0x2b9: {  	s1 =	ssub.s32 @!p0 $0x0, s1;
	[sflag:s0] =	ssyncset.done @!p0 $0x0  }
0x2ba: {  	[sflag:s0] =	ssyncadd.s32 @!p0 s1  }
0x2bb: {  	[bflag:$0x3] =	sbarrier.arrive $0xFFFF  }
0x2bc: {  	_ =	shalt  }

</sc_bundles>
